<compile_context>
chip_gen: v7x
topology: tpu7x:2x2x1
jax: 0.10.2.dev20260603
libtpu: 0.0.44.dev20260713+nightly
codegen_flags: <defaults>
</compile_context>

<pallas_src>
import jax
import jax.numpy as jnp
from jax import lax
from jax.experimental import pallas as pl
from jax.experimental.pallas import tpu as pltpu
from jax.experimental.pallas import tpu_sc as plsc

N = 10000
E = 320000
H = 128
G = 8
NP = 10240
NTILE = 16
RPT = NP // NTILE
EPT = E // NTILE
K = 160
F32 = jnp.float32
HIGH = lax.Precision.HIGHEST

_mesh = plsc.VectorSubcoreMesh(core_axis_name="c", subcore_axis_name="s")


ZR = 80


def _fill_1d(ref, length, val):

    @pl.loop(0, length, step=16)
    def _(i):
        ref[pl.ds(i, 16)] = jnp.full((16,), val, F32)


def _zero_rows(ref, nrows):

    @pl.loop(0, nrows)
    def _(i):
        for j in range(H // 16):
            ref[i, pl.ds(16 * j, 16)] = jnp.zeros((16,), F32)


def _pipeline_chunks(nchunks, load_idx, gather, scatter, wait_gather,
                     wait_scatter):
    def turn(q, b, first):
        if not first:
            wait_scatter(b)
        load_idx(q, b)
        gather(b)
        if not (first and b == 0):
            wait_gather(1 - b)
            scatter(1 - b)

    turn(0, 0, True)
    turn(1, 1, True)
    npeel = 2 + ((nchunks - 2) % 2)
    for q in range(2, npeel):
        turn(q, q % 2, False)

    @pl.loop(0, nchunks - npeel, step=2)
    def _(ii):
        for k in range(2):
            turn(npeel + ii + k, (npeel + k) % 2, False)

    b_last = (nchunks - 1) % 2
    wait_gather(b_last)
    scatter(b_last)
    wait_scatter(1 - b_last)
    wait_scatter(b_last)


def _make_agg(with_deg, offs_mult):
    outs = [jax.ShapeDtypeStruct((2, NP, H), F32)]
    if with_deg:
        outs.append(jax.ShapeDtypeStruct((2 * NP,), F32))
    scratch = [
        [pltpu.VMEM((2 * K,), jnp.int32) for _ in range(2)],
        [pltpu.VMEM((K,), jnp.int32) for _ in range(2)],
        [pltpu.VMEM((K,), jnp.int32) for _ in range(2)],
        [pltpu.VMEM((K, H), F32) for _ in range(2)],
        pltpu.VMEM((K,), F32),
        pltpu.VMEM((RPT,), F32),
        pltpu.VMEM_SHARED((NP, H), F32),
        pltpu.VMEM_SHARED((NP,), F32),
        [pltpu.SemaphoreType.DMA for _ in range(2)],
        [pltpu.SemaphoreType.DMA for _ in range(2)],
    ]

    def body(tab, edges, *rest):
        if with_deg:
            (sums, deg, comb, srcv, dstv, rows, onesv, zv,
             acc_sh, deg_sh, sg, ss) = rest
        else:
            (sums, comb, srcv, dstv, rows, onesv, zv,
             acc_sh, deg_sh, sg, ss) = rest
        c = lax.axis_index("c")
        s = lax.axis_index("s")
        _zero_rows(rows[0], ZR)
        for r in range(RPT // ZR):
            pltpu.sync_copy(rows[0].at[pl.ds(0, ZR)],
                            acc_sh.at[pl.ds(s * RPT + ZR * r, ZR)])
        if with_deg:
            _fill_1d(zv, RPT, 0.0)
            pltpu.sync_copy(zv, deg_sh.at[pl.ds(s * RPT, RPT)])
            _fill_1d(onesv, K, 1.0)
        plsc.subcore_barrier()
        base = (c * NTILE + s) * (2 * EPT)
        shift = c * offs_mult

        def load_idx(q, b):
            off = base + q * (2 * K)
            pltpu.sync_copy(edges.at[pl.ds(off, 2 * K)], comb[b])

            @pl.loop(0, K, step=16)
            def _(j):
                if offs_mult:
                    srcv[b][pl.ds(j, 16)] = comb[b][pl.ds(j, 16)] + shift
                else:
                    srcv[b][pl.ds(j, 16)] = comb[b][pl.ds(j, 16)]
                dstv[b][pl.ds(j, 16)] = comb[b][pl.ds(K + j, 16)]

        def gather(b):
            pltpu.async_copy(tab.at[srcv[b]], rows[b], sg[b])

        def wait_gather(b):
            pltpu.make_async_copy(tab.at[srcv[b]], rows[b], sg[b]).wait()

        def scatter(b):
            pltpu.async_copy(rows[b], acc_sh.at[dstv[b]], ss[b], add=True)
            if with_deg:
                pltpu.async_copy(onesv, deg_sh.at[dstv[b]], ss[b], add=True)

        def wait_scatter(b):
            pltpu.make_async_copy(rows[b], acc_sh.at[dstv[b]], ss[b]).wait()
            if with_deg:
                pltpu.make_async_copy(onesv, deg_sh.at[dstv[b]],
                                      ss[b]).wait()

        _pipeline_chunks(EPT // K, load_idx, gather, scatter,
                         wait_gather, wait_scatter)

        plsc.subcore_barrier()
        pltpu.sync_copy(acc_sh.at[pl.ds(s * RPT, RPT)],
                        sums.at[c, pl.ds(s * RPT, RPT)])
        if with_deg:
            pltpu.sync_copy(deg_sh.at[pl.ds(s * RPT, RPT)],
                            deg.at[pl.ds(c * NP + s * RPT, RPT)])

    return pl.kernel(body, out_type=tuple(outs) if with_deg else outs[0],
                     mesh=_mesh, scratch_types=scratch)


KS = 2000


def _make_sagg():
    scratch = [
        [pltpu.VMEM((KS,), jnp.int32) for _ in range(2)],
        [pltpu.VMEM((KS,), jnp.int32) for _ in range(2)],
        [pltpu.VMEM((KS,), F32) for _ in range(2)],
        pltpu.VMEM((RPT,), F32),
        pltpu.VMEM_SHARED((NP,), F32),
        [pltpu.SemaphoreType.DMA for _ in range(2)],
        [pltpu.SemaphoreType.DMA for _ in range(2)],
    ]

    def body(ztab, edges, t_out, srcv, dstv, vals, zv,
             t_sh, sg, ss):
        c = lax.axis_index("c")
        s = lax.axis_index("s")
        _fill_1d(zv, RPT, 0.0)
        pltpu.sync_copy(zv, t_sh.at[pl.ds(s * RPT, RPT)])
        plsc.subcore_barrier()
        src_base = (2 * c) * E + s * EPT
        dst_base = (2 * c + 1) * E + s * EPT
        shift = c * NP

        def load_idx(q, b):
            off = q * KS
            pltpu.sync_copy(edges.at[pl.ds(src_base + off, KS)], srcv[b])
            pltpu.sync_copy(edges.at[pl.ds(dst_base + off, KS)], dstv[b])

            @pl.loop(0, KS, step=16)
            def _(j):
                srcv[b][pl.ds(j, 16)] = srcv[b][pl.ds(j, 16)] + shift

        def gather(b):
            pltpu.async_copy(ztab.at[srcv[b]], vals[b], sg[b])

        def wait_gather(b):
            pltpu.make_async_copy(ztab.at[srcv[b]], vals[b], sg[b]).wait()

        def scatter(b):
            pltpu.async_copy(vals[b], t_sh.at[dstv[b]], ss[b], add=True)

        def wait_scatter(b):
            pltpu.make_async_copy(vals[b], t_sh.at[dstv[b]], ss[b]).wait()

        _pipeline_chunks(EPT // KS, load_idx, gather, scatter,
                         wait_gather, wait_scatter)

        plsc.subcore_barrier()
        pltpu.sync_copy(t_sh.at[pl.ds(s * RPT, RPT)],
                        t_out.at[pl.ds(c * NP + s * RPT, RPT)])

    return pl.kernel(body, out_type=jax.ShapeDtypeStruct((2 * NP,), F32),
                     mesh=_mesh, scratch_types=scratch)


_agg1 = _make_agg(with_deg=True, offs_mult=0)
_agg2 = _make_agg(with_deg=False, offs_mult=NP)
_sagg = _make_sagg()


RB = 1024
NRB = NP // RB


def _rowmask(j):
    base = j * RB
    ri = lax.broadcasted_iota(jnp.int32, (RB, 1), 0) + base
    return jnp.where(ri < N, 1.0, 0.0)


def _lin_body(sums, deg, h, Wl, bl, Wr, g, beta, y_out, stats_out):
    j = pl.program_id(1)
    inv = 1.0 / jnp.maximum(deg[0], 1.0)
    y = lax.dot_general(sums[0], Wl[...], (((1,), (1,)), ((), ())),
                        precision=HIGH) * inv
    y = y + bl[...] + lax.dot_general(h[0], Wr[...], (((1,), (1,)), ((), ())),
                                      precision=HIGH)
    y_out[0] = y
    ym = y * _rowmask(j)

    @pl.when(j == 0)
    def _():
        stats_out[...] = jnp.zeros_like(stats_out)

    stats_out[0, 0, :] += jnp.sum(ym, axis=0)
    stats_out[0, 1, :] += jnp.sum(ym * ym, axis=0)


def _bn_body(y, stats, g, beta, out):
    j = pl.program_id(1)
    m = stats[0, 0, :] * (1.0 / N)
    v = stats[0, 1, :] * (1.0 / N) - m * m
    h = jnp.maximum((y[0] - m) * lax.rsqrt(v + 1e-5) * g[...] + beta[...], 0.0)
    out[0] = h * _rowmask(j)


def _bnproj_body(y, stats, g, beta, Wl3, Wr3, Wout, z_out, w_out):
    j = pl.program_id(1)
    m = stats[0, 0, :] * (1.0 / N)
    v = stats[0, 1, :] * (1.0 / N) - m * m
    h = jnp.maximum((y[0] - m) * lax.rsqrt(v + 1e-5) * g[...] + beta[...], 0.0)
    h = h * _rowmask(j)
    u3 = lax.dot_general(Wl3[...], Wout[...], (((0,), (1,)), ((), ())),
                         precision=HIGH)
    v3 = lax.dot_general(Wr3[...], Wout[...], (((0,), (1,)), ((), ())),
                         precision=HIGH)
    z_out[0] = lax.dot_general(h, u3, (((1,), (0,)), ((), ())), precision=HIGH)
    w_out[0] = lax.dot_general(h, v3, (((1,), (0,)), ((), ())), precision=HIGH)


def _wspec():
    return pl.BlockSpec((H, H), lambda t, j: (0, 0))


def _vspec():
    return pl.BlockSpec((H,), lambda t, j: (0,))


def _blkspec(w):
    return pl.BlockSpec((1, RB, w), lambda t, j: (t, j, 0))


def _statspec():
    return pl.BlockSpec((1, 2, H), lambda t, j: (t, 0, 0))


def _lin_call(h_spec):
    return pl.pallas_call(
        _lin_body,
        grid=(2, NRB),
        in_specs=[_blkspec(H), _blkspec(1), h_spec,
                  _wspec(), _vspec(), _wspec(), _vspec(), _vspec()],
        out_specs=[_blkspec(H), _statspec()],
        out_shape=[jax.ShapeDtypeStruct((2, NP, H), F32),
                   jax.ShapeDtypeStruct((2, 2, H), F32)],
    )


def _final_body(t, deg, w, batch, bl3, Wout, bout, out):
    c3 = jnp.sum(bl3[...] * Wout[0, :])
    node = 0.5 * (t[0] / jnp.maximum(deg[0], 1.0)
                  + t[1] / jnp.maximum(deg[1], 1.0)
                  + w[0] + w[1]) + c3
    b = batch[...]
    gi = lax.broadcasted_iota(jnp.int32, (G, 1), 0)
    acc = jnp.zeros((G, 1), F32)
    for g in range(G):
        mask = b == g
        sg = jnp.sum(jnp.where(mask, node, 0.0))
        cg = jnp.sum(jnp.where(mask, 1.0, 0.0))
        acc = acc + jnp.where(gi == g, sg / jnp.maximum(cg, 1.0), 0.0)
    out[...] = acc + bout[...]


def kernel(x, edge_index_sc, edge_index_fc, batch,
           Wl1, bl1, Wr1, g1, beta1,
           Wl2, bl2, Wr2, g2, beta2,
           Wl3, bl3, Wr3, Wout, bout):
    es = jnp.stack([edge_index_sc, edge_index_fc])
    edges_agg = (es.reshape(2, 2, NTILE, EPT // K, K)
                 .transpose(0, 2, 3, 1, 4).reshape(4 * E))
    edges = es.reshape(4 * E)
    x2 = jnp.pad(x, ((0, NP - N), (0, 0)))[None]

    sums1, deg = _agg1(x2.reshape(NP, H), edges_agg)
    deg3 = deg.reshape(2, NP, 1)

    y1, st1 = _lin_call(pl.BlockSpec((1, RB, H), lambda t, j: (0, j, 0)))(
        sums1, deg3, x2, Wl1, bl1, Wr1, g1, beta1)
    bn1 = pl.pallas_call(
        _bn_body,
        grid=(2, NRB),
        in_specs=[_blkspec(H), _statspec(), _vspec(), _vspec()],
        out_specs=_blkspec(H),
        out_shape=jax.ShapeDtypeStruct((2, NP, H), F32),
    )
    h1 = bn1(y1, st1, g1, beta1)

    sums2 = _agg2(h1.reshape(2 * NP, H), edges_agg)

    y2, st2 = _lin_call(_blkspec(H))(
        sums2, deg3, h1, Wl2, bl2, Wr2, g2, beta2)
    bnproj = pl.pallas_call(
        _bnproj_body,
        grid=(2, NRB),
        in_specs=[_blkspec(H), _statspec(), _vspec(), _vspec(),
                  _wspec(), _wspec(),
                  pl.BlockSpec((1, H), lambda t, j: (0, 0))],
        out_specs=[_blkspec(1), _blkspec(1)],
        out_shape=[jax.ShapeDtypeStruct((2, NP, 1), F32),
                   jax.ShapeDtypeStruct((2, NP, 1), F32)],
    )
    z, w = bnproj(y2, st2, g2, beta2, Wl3, Wr3, Wout)

    t = _sagg(z.reshape(2 * NP), edges)

    batch_p = jnp.pad(batch, (0, NP - N), constant_values=G)
    final = pl.pallas_call(
        _final_body,
        out_shape=jax.ShapeDtypeStruct((G, 1), F32),
    )
    return final(t.reshape(2, NP // H, H), deg.reshape(2, NP // H, H),
                 w.reshape(2, NP // H, H), batch_p.reshape(NP // H, H),
                 bl3, Wout, bout.reshape(1, 1))

# --- scband reference (transcript-rebuilt; emitter-appended) ---
"""Pipeline reference for scband-vanilla-fuse-45638322487543 (READ-ONLY COPY).

The authoritative reference and input builder live on the scoring server;
editing this copy changes nothing except your own understanding.
"""

import jax, jax.numpy as jnp
import numpy as np

N = 10000
E = 320000
D = 128
H = 128
G = 8


def setup_inputs(seed: int = 0) -> dict:
    key = jax.random.key(seed)
    ks = jax.random.split(key, 24)
    x = jax.random.normal(ks[0], (N, D), dtype=jnp.float32)
    edge_index_sc = jax.random.randint(ks[1], (2, E), 0, N, dtype=jnp.int32)
    edge_index_fc = jax.random.randint(ks[2], (2, E), 0, N, dtype=jnp.int32)
    batch = jnp.sort(jax.random.randint(ks[3], (N,), 0, G, dtype=jnp.int32))
    def w(k, shape):
        return jax.random.normal(k, shape, dtype=jnp.float32) * 0.05
    inp = {
        'x': x,
        'edge_index_sc': edge_index_sc,
        'edge_index_fc': edge_index_fc,
        'batch': batch,
        'Wl1': w(ks[4], (H, D)), 'bl1': jnp.zeros((H,), jnp.float32), 'Wr1': w(ks[5], (H, D)),
        'g1': jnp.ones((H,), jnp.float32), 'beta1': jnp.zeros((H,), jnp.float32),
        'Wl2': w(ks[6], (H, H)), 'bl2': jnp.zeros((H,), jnp.float32), 'Wr2': w(ks[7], (H, H)),
        'g2': jnp.ones((H,), jnp.float32), 'beta2': jnp.zeros((H,), jnp.float32),
        'Wl3': w(ks[8], (H, H)), 'bl3': jnp.zeros((H,), jnp.float32), 'Wr3': w(ks[9], (H, H)),
        'Wout': w(ks[10], (1, H)), 'bout': jnp.zeros((1,), jnp.float32),
    }
    return inp


def _sage(h, ei, Wl, bl, Wr):
    src = ei[0]
    dst = ei[1]
    n = h.shape[0]
    msg = jnp.take(h, src, axis=0)
    s = jax.ops.segment_sum(msg, dst, num_segments=n)
    c = jax.ops.segment_sum(jnp.ones((ei.shape[1],), h.dtype), dst, num_segments=n)
    agg = s / jnp.clip(c, 1.0)[:, None]
    return agg @ Wl.T + bl + h @ Wr.T


def _bn_train(h, g, b):
    m = h.mean(axis=0)
    v = h.var(axis=0)
    return (h - m) / jnp.sqrt(v + 1e-5) * g + b


def reference(x, edge_index_sc, edge_index_fc, batch,
              Wl1, bl1, Wr1, g1, beta1,
              Wl2, bl2, Wr2, g2, beta2,
              Wl3, bl3, Wr3, Wout, bout):
    def trunk(h, ei):
        h = _sage(h, ei, Wl1, bl1, Wr1)
        h = jax.nn.relu(_bn_train(h, g1, beta1))
        h = _sage(h, ei, Wl2, bl2, Wr2)
        h = jax.nn.relu(_bn_train(h, g2, beta2))
        h = _sage(h, ei, Wl3, bl3, Wr3)
        return h
    x0 = trunk(x, edge_index_sc)
    x1 = trunk(x, edge_index_fc)
    xm = (x0 + x1) / 2.0
    out = xm @ Wout.T + bout
    s = jax.ops.segment_sum(out, batch, num_segments=G)
    cnt = jax.ops.segment_sum(jnp.ones((out.shape[0],), out.dtype), batch, num_segments=G)
    return s / jnp.clip(cnt, 1.0)[:, None]

if __name__ == "__main__":
    import jax
    _d = setup_inputs()
    print(jax.jit(kernel)(*tuple(_d.values())))

</pallas_src>

<mosaic_0001>
#map = affine_map<(d0, d1) -> (0)>
module attributes {stable_mosaic.version = 14 : i64} {
  func.func @body(%arg0: i32, %arg1: i32, %arg2: memref<20480xf32, #tpu.memory_space<hbm>>, %arg3: memref<1280000xi32, #tpu.memory_space<hbm>>, %arg4: memref<20480xf32, #tpu.memory_space<hbm>>, %arg5: memref<2000xi32, #tpu.memory_space<vmem>>, %arg6: memref<2000xi32, #tpu.memory_space<vmem>>, %arg7: memref<2000xi32, #tpu.memory_space<vmem>>, %arg8: memref<2000xi32, #tpu.memory_space<vmem>>, %arg9: memref<2000xf32, #tpu.memory_space<vmem>>, %arg10: memref<2000xf32, #tpu.memory_space<vmem>>, %arg11: memref<640xf32, #tpu.memory_space<vmem>>, %arg12: memref<10240xf32, #tpu.memory_space<vmem_shared>>, %arg13: memref<!tpu.dma_semaphore, #tpu.memory_space<semaphore_mem>>, %arg14: memref<!tpu.dma_semaphore, #tpu.memory_space<semaphore_mem>>, %arg15: memref<!tpu.dma_semaphore, #tpu.memory_space<semaphore_mem>>, %arg16: memref<!tpu.dma_semaphore, #tpu.memory_space<semaphore_mem>>) attributes {dimension_semantics = [#tpu.dimension_semantics<core_parallel>, #tpu.dimension_semantics<subcore_parallel>], iteration_bounds = array<i64: 2, 16>, scalar_prefetch = 0 : i64, scratch_operands = 12 : i64, tpu.core_type = #tpu.core_type<sc_vector_subcore>, window_params = [{transform_indices = #map}, {transform_indices = #map}, {transform_indices = #map}]} {
    %scan3A = arith.constant 0 : i32
    %scan3A_0 = arith.constant 40 : i32
    %scan3A_1 = arith.addi %scan3A, %scan3A_0 : i32
    %scan3A_2 = arith.constant 1 : i32
    scf.for %scan3A_67 = %scan3A to %scan3A_1 step %scan3A_2  : i32 {
      %mul3A_68 = arith.constant 16 : i32
      %mul3A_69 = arith.muli %scan3A_67, %mul3A_68 : i32
      %add3A_70 = arith.constant 0 : i32
      %add3A_71 = arith.addi %add3A_70, %mul3A_69 : i32
      %broadcast_in_dim3A = arith.constant 0.000000e+00 : f32
      %broadcast_in_dim3A_72 = vector.broadcast %broadcast_in_dim3A : f32 to vector<16xf32>
      %swap3A = arith.index_cast %add3A_71 : i32 to index
      %swap3A_73 = tpu.vector_load %arg11[%swap3A] {strides = array<i32>} : memref<640xf32, #tpu.memory_space<vmem>>, vector<16xf32>,
      %swap3A_74 = vector.shape_cast %swap3A_73 : vector<16xf32> to vector<16xf32>
      %swap3A_75 = vector.shape_cast %broadcast_in_dim3A_72 : vector<16xf32> to vector<16xf32>
      tpu.vector_store %arg11[%swap3A], %swap3A_75 {strides = array<i32>} : memref<640xf32, #tpu.memory_space<vmem>>, vector<16xf32>,
    }
    %scan3A_3 = arith.constant 40 : i32
    %mul3A = arith.constant 640 : i32
    %mul3A_4 = arith.muli %arg1, %mul3A : i32
    "tpu.region"() ({
      %run_scoped3A = tpu.sem_alloc : memref<!tpu.dma_semaphore, #tpu.memory_space<semaphore_mem>>
      %dma_start3A_67 = tpu.memref_slice %arg12[%mul3A_4] : memref<10240xf32, #tpu.memory_space<vmem_shared>> -> memref<640xf32, #tpu.memory_space<vmem_shared>>
      %dma_start3A_68 = tpu.memref_slice %arg12[%mul3A_4] : memref<10240xf32, #tpu.memory_space<vmem_shared>> -> memref<640xf32, #tpu.memory_space<vmem_shared>>
      tpu.enqueue_dma source(%arg11 : memref<640xf32, #tpu.memory_space<vmem>>) target(%dma_start3A_68 : memref<640xf32, #tpu.memory_space<vmem_shared>>) target_semaphore(%run_scoped3A : memref<!tpu.dma_semaphore, #tpu.memory_space<semaphore_mem>>)
      %dma_wait3A_69 = tpu.memref_slice %arg12[%mul3A_4] : memref<10240xf32, #tpu.memory_space<vmem_shared>> -> memref<640xf32, #tpu.memory_space<vmem_shared>>
      %dma_wait3A_70 = tpu.memref_slice %arg12[%mul3A_4] : memref<10240xf32, #tpu.memory_space<vmem_shared>> -> memref<640xf32, #tpu.memory_space<vmem_shared>>
      tpu.wait_dma2 semaphore(%run_scoped3A : memref<!tpu.dma_semaphore, #tpu.memory_space<semaphore_mem>>) src(%arg11 : memref<640xf32, #tpu.memory_space<vmem>>) dst(%dma_wait3A_70 : memref<640xf32, #tpu.memory_space<vmem_shared>>)
      tpu.yield
    }) : () -> ()
    %barrier3A = arith.constant 0 : index
    tpu.barrier barrier_id(%barrier3A)
    %mul3A_5 = arith.constant 2 : i32
    %mul3A_6 = arith.muli %mul3A_5, %arg0 : i32
    %mul3A_7 = arith.constant 320000 : i32
    %mul3A_8 = arith.muli %mul3A_6, %mul3A_7 : i32
    %mul3A_9 = arith.constant 20000 : i32
    %mul3A_10 = arith.muli %arg1, %mul3A_9 : i32
    %add3A = arith.addi %mul3A_8, %mul3A_10 : i32
    %mul3A_11 = arith.constant 2 : i32
    %mul3A_12 = arith.muli %mul3A_11, %arg0 : i32
    %add3A_13 = arith.constant 1 : i32
    %add3A_14 = arith.addi %mul3A_12, %add3A_13 : i32
    %mul3A_15 = arith.constant 320000 : i32
    %mul3A_16 = arith.muli %add3A_14, %mul3A_15 : i32
    %mul3A_17 = arith.constant 20000 : i32
    %mul3A_18 = arith.muli %arg1, %mul3A_17 : i32
    %add3A_19 = arith.addi %mul3A_16, %mul3A_18 : i32
    %mul3A_20 = arith.constant 10240 : i32
    %mul3A_21 = arith.muli %arg0, %mul3A_20 : i32
    %add3A_22 = arith.constant 0 : i32
    %add3A_23 = arith.addi %add3A, %add3A_22 : i32
    "tpu.region"() ({
      %run_scoped3A = tpu.sem_alloc : memref<!tpu.dma_semaphore, #tpu.memory_space<semaphore_mem>>
      %dma_start3A_67 = tpu.memref_slice %arg3[%add3A_23] : memref<1280000xi32, #tpu.memory_space<hbm>> -> memref<2000xi32, #tpu.memory_space<hbm>>
      %dma_start3A_68 = tpu.memref_slice %arg3[%add3A_23] : memref<1280000xi32, #tpu.memory_space<hbm>> -> memref<2000xi32, #tpu.memory_space<hbm>>
      tpu.enqueue_dma source(%dma_start3A_68 : memref<2000xi32, #tpu.memory_space<hbm>>) target(%arg5 : memref<2000xi32, #tpu.memory_space<vmem>>) target_semaphore(%run_scoped3A : memref<!tpu.dma_semaphore, #tpu.memory_space<semaphore_mem>>)
      %dma_wait3A_69 = tpu.memref_slice %arg3[%add3A_23] : memref<1280000xi32, #tpu.memory_space<hbm>> -> memref<2000xi32, #tpu.memory_space<hbm>>
      %dma_wait3A_70 = tpu.memref_slice %arg3[%add3A_23] : memref<1280000xi32, #tpu.memory_space<hbm>> -> memref<2000xi32, #tpu.memory_space<hbm>>
      tpu.wait_dma2 semaphore(%run_scoped3A : memref<!tpu.dma_semaphore, #tpu.memory_space<semaphore_mem>>) src(%dma_wait3A_70 : memref<2000xi32, #tpu.memory_space<hbm>>) dst(%arg5 : memref<2000xi32, #tpu.memory_space<vmem>>)
      tpu.yield
    }) : () -> ()
    %add3A_24 = arith.constant 0 : i32
    %add3A_25 = arith.addi %add3A_19, %add3A_24 : i32
    "tpu.region"() ({
      %run_scoped3A = tpu.sem_alloc : memref<!tpu.dma_semaphore, #tpu.memory_space<semaphore_mem>>
      %dma_start3A_67 = tpu.memref_slice %arg3[%add3A_25] : memref<1280000xi32, #tpu.memory_space<hbm>> -> memref<2000xi32, #tpu.memory_space<hbm>>
      %dma_start3A_68 = tpu.memref_slice %arg3[%add3A_25] : memref<1280000xi32, #tpu.memory_space<hbm>> -> memref<2000xi32, #tpu.memory_space<hbm>>
      tpu.enqueue_dma source(%dma_start3A_68 : memref<2000xi32, #tpu.memory_space<hbm>>) target(%arg7 : memref<2000xi32, #tpu.memory_space<vmem>>) target_semaphore(%run_scoped3A : memref<!tpu.dma_semaphore, #tpu.memory_space<semaphore_mem>>)
      %dma_wait3A_69 = tpu.memref_slice %arg3[%add3A_25] : memref<1280000xi32, #tpu.memory_space<hbm>> -> memref<2000xi32, #tpu.memory_space<hbm>>
      %dma_wait3A_70 = tpu.memref_slice %arg3[%add3A_25] : memref<1280000xi32, #tpu.memory_space<hbm>> -> memref<2000xi32, #tpu.memory_space<hbm>>
      tpu.wait_dma2 semaphore(%run_scoped3A : memref<!tpu.dma_semaphore, #tpu.memory_space<semaphore_mem>>) src(%dma_wait3A_70 : memref<2000xi32, #tpu.memory_space<hbm>>) dst(%arg7 : memref<2000xi32, #tpu.memory_space<vmem>>)
      tpu.yield
    }) : () -> ()
    %scan3A_26 = arith.constant 0 : i32
    %scan3A_27 = arith.constant 125 : i32
    %scan3A_28 = arith.addi %scan3A_26, %scan3A_27 : i32
    %scan3A_29 = arith.constant 1 : i32
    scf.for %scan3A_67 = %scan3A_26 to %scan3A_28 step %scan3A_29  : i32 {
      %mul3A_68 = arith.constant 16 : i32
      %mul3A_69 = arith.muli %scan3A_67, %mul3A_68 : i32
      %add3A_70 = arith.constant 0 : i32
      %add3A_71 = arith.addi %add3A_70, %mul3A_69 : i32
      %get3A = arith.index_cast %add3A_71 : i32 to index
      %get3A_72 = tpu.vector_load %arg5[%get3A] {strides = array<i32>} : memref<2000xi32, #tpu.memory_space<vmem>>, vector<16xi32>,
      %get3A_73 = vector.shape_cast %get3A_72 : vector<16xi32> to vector<16xi32>
      %add3A_74 = vector.broadcast %mul3A_21 : i32 to vector<16xi32>
      %add3A_75 = arith.addi %get3A_73, %add3A_74 : vector<16xi32>
      %swap3A = arith.index_cast %add3A_71 : i32 to index
      %swap3A_76 = tpu.vector_load %arg5[%swap3A] {strides = array<i32>} : memref<2000xi32, #tpu.memory_space<vmem>>, vector<16xi32>,
      %swap3A_77 = vector.shape_cast %swap3A_76 : vector<16xi32> to vector<16xi32>
      %swap3A_78 = vector.shape_cast %add3A_75 : vector<16xi32> to vector<16xi32>
      tpu.vector_store %arg5[%swap3A], %swap3A_78 {strides = array<i32>} : memref<2000xi32, #tpu.memory_space<vmem>>, vector<16xi32>,
    }
    %scan3A_30 = arith.constant 125 : i32
    %dma_start3A = arith.constant 0 : i32
    %dma_start3A_31 = tpu.memref_slice %arg2[%dma_start3A] : memref<20480xf32, #tpu.memory_space<hbm>> -> memref<20480xf32, #tpu.memory_space<hbm>>
    tpu.enqueue_indirect_dma source(%dma_start3A_31 : memref<20480xf32, #tpu.memory_space<hbm>>) target(%arg9 : memref<2000xf32, #tpu.memory_space<vmem>>) offsets(%arg5 : memref<2000xi32, #tpu.memory_space<vmem>>) semaphore(%arg13 : memref<!tpu.dma_semaphore, #tpu.memory_space<semaphore_mem>>)
    %add3A_32 = arith.constant 2000 : i32
    %add3A_33 = arith.addi %add3A, %add3A_32 : i32
    "tpu.region"() ({
      %run_scoped3A = tpu.sem_alloc : memref<!tpu.dma_semaphore, #tpu.memory_space<semaphore_mem>>
      %dma_start3A_67 = tpu.memref_slice %arg3[%add3A_33] : memref<1280000xi32, #tpu.memory_space<hbm>> -> memref<2000xi32, #tpu.memory_space<hbm>>
      %dma_start3A_68 = tpu.memref_slice %arg3[%add3A_33] : memref<1280000xi32, #tpu.memory_space<hbm>> -> memref<2000xi32, #tpu.memory_space<hbm>>
      tpu.enqueue_dma source(%dma_start3A_68 : memref<2000xi32, #tpu.memory_space<hbm>>) target(%arg6 : memref<2000xi32, #tpu.memory_space<vmem>>) target_semaphore(%run_scoped3A : memref<!tpu.dma_semaphore, #tpu.memory_space<semaphore_mem>>)
      %dma_wait3A_69 = tpu.memref_slice %arg3[%add3A_33] : memref<1280000xi32, #tpu.memory_space<hbm>> -> memref<2000xi32, #tpu.memory_space<hbm>>
      %dma_wait3A_70 = tpu.memref_slice %arg3[%add3A_33] : memref<1280000xi32, #tpu.memory_space<hbm>> -> memref<2000xi32, #tpu.memory_space<hbm>>
      tpu.wait_dma2 semaphore(%run_scoped3A : memref<!tpu.dma_semaphore, #tpu.memory_space<semaphore_mem>>) src(%dma_wait3A_70 : memref<2000xi32, #tpu.memory_space<hbm>>) dst(%arg6 : memref<2000xi32, #tpu.memory_space<vmem>>)
      tpu.yield
    }) : () -> ()
    %add3A_34 = arith.constant 2000 : i32
    %add3A_35 = arith.addi %add3A_19, %add3A_34 : i32
    "tpu.region"() ({
      %run_scoped3A = tpu.sem_alloc : memref<!tpu.dma_semaphore, #tpu.memory_space<semaphore_mem>>
      %dma_start3A_67 = tpu.memref_slice %arg3[%add3A_35] : memref<1280000xi32, #tpu.memory_space<hbm>> -> memref<2000xi32, #tpu.memory_space<hbm>>
      %dma_start3A_68 = tpu.memref_slice %arg3[%add3A_35] : memref<1280000xi32, #tpu.memory_space<hbm>> -> memref<2000xi32, #tpu.memory_space<hbm>>
      tpu.enqueue_dma source(%dma_start3A_68 : memref<2000xi32, #tpu.memory_space<hbm>>) target(%arg8 : memref<2000xi32, #tpu.memory_space<vmem>>) target_semaphore(%run_scoped3A : memref<!tpu.dma_semaphore, #tpu.memory_space<semaphore_mem>>)
      %dma_wait3A_69 = tpu.memref_slice %arg3[%add3A_35] : memref<1280000xi32, #tpu.memory_space<hbm>> -> memref<2000xi32, #tpu.memory_space<hbm>>
      %dma_wait3A_70 = tpu.memref_slice %arg3[%add3A_35] : memref<1280000xi32, #tpu.memory_space<hbm>> -> memref<2000xi32, #tpu.memory_space<hbm>>
      tpu.wait_dma2 semaphore(%run_scoped3A : memref<!tpu.dma_semaphore, #tpu.memory_space<semaphore_mem>>) src(%dma_wait3A_70 : memref<2000xi32, #tpu.memory_space<hbm>>) dst(%arg8 : memref<2000xi32, #tpu.memory_space<vmem>>)
      tpu.yield
    }) : () -> ()
    %scan3A_36 = arith.constant 0 : i32
    %scan3A_37 = arith.constant 125 : i32
    %scan3A_38 = arith.addi %scan3A_36, %scan3A_37 : i32
    %scan3A_39 = arith.constant 1 : i32
    scf.for %scan3A_67 = %scan3A_36 to %scan3A_38 step %scan3A_39  : i32 {
      %mul3A_68 = arith.constant 16 : i32
      %mul3A_69 = arith.muli %scan3A_67, %mul3A_68 : i32
      %add3A_70 = arith.constant 0 : i32
      %add3A_71 = arith.addi %add3A_70, %mul3A_69 : i32
      %get3A = arith.index_cast %add3A_71 : i32 to index
      %get3A_72 = tpu.vector_load %arg6[%get3A] {strides = array<i32>} : memref<2000xi32, #tpu.memory_space<vmem>>, vector<16xi32>,
      %get3A_73 = vector.shape_cast %get3A_72 : vector<16xi32> to vector<16xi32>
      %add3A_74 = vector.broadcast %mul3A_21 : i32 to vector<16xi32>
      %add3A_75 = arith.addi %get3A_73, %add3A_74 : vector<16xi32>
      %swap3A = arith.index_cast %add3A_71 : i32 to index
      %swap3A_76 = tpu.vector_load %arg6[%swap3A] {strides = array<i32>} : memref<2000xi32, #tpu.memory_space<vmem>>, vector<16xi32>,
      %swap3A_77 = vector.shape_cast %swap3A_76 : vector<16xi32> to vector<16xi32>
      %swap3A_78 = vector.shape_cast %add3A_75 : vector<16xi32> to vector<16xi32>
      tpu.vector_store %arg6[%swap3A], %swap3A_78 {strides = array<i32>} : memref<2000xi32, #tpu.memory_space<vmem>>, vector<16xi32>,
    }
    %scan3A_40 = arith.constant 125 : i32
    %dma_start3A_41 = arith.constant 0 : i32
    %dma_start3A_42 = tpu.memref_slice %arg2[%dma_start3A_41] : memref<20480xf32, #tpu.memory_space<hbm>> -> memref<20480xf32, #tpu.memory_space<hbm>>
    tpu.enqueue_indirect_dma source(%dma_start3A_42 : memref<20480xf32, #tpu.memory_space<hbm>>) target(%arg10 : memref<2000xf32, #tpu.memory_space<vmem>>) offsets(%arg6 : memref<2000xi32, #tpu.memory_space<vmem>>) semaphore(%arg14 : memref<!tpu.dma_semaphore, #tpu.memory_space<semaphore_mem>>)
    %dma_wait3A = arith.constant 0 : i32
    %dma_wait3A_43 = tpu.memref_slice %arg2[%dma_wait3A] : memref<20480xf32, #tpu.memory_space<hbm>> -> memref<20480xf32, #tpu.memory_space<hbm>>
    tpu.wait_indirect_dma semaphore(%arg13 : memref<!tpu.dma_semaphore, #tpu.memory_space<semaphore_mem>>) src(%dma_wait3A_43 : memref<20480xf32, #tpu.memory_space<hbm>>) dst(%arg9 : memref<2000xf32, #tpu.memory_space<vmem>>)
    %dma_start3A_44 = arith.constant 0 : i32
    %dma_start3A_45 = tpu.memref_slice %arg12[%dma_start3A_44] : memref<10240xf32, #tpu.memory_space<vmem_shared>> -> memref<10240xf32, #tpu.memory_space<vmem_shared>>
    tpu.enqueue_indirect_dma source(%arg9 : memref<2000xf32, #tpu.memory_space<vmem>>) target(%dma_start3A_45 : memref<10240xf32, #tpu.memory_space<vmem_shared>>) offsets(%arg7 : memref<2000xi32, #tpu.memory_space<vmem>>) semaphore(%arg15 : memref<!tpu.dma_semaphore, #tpu.memory_space<semaphore_mem>>) {add = true}
    %scan3A_46 = arith.constant 0 : i32
    %scan3A_47 = arith.constant 4 : i32
    %scan3A_48 = arith.addi %scan3A_46, %scan3A_47 : i32
    %scan3A_49 = arith.constant 1 : i32
    scf.for %scan3A_67 = %scan3A_46 to %scan3A_48 step %scan3A_49  : i32 {
      %mul3A_68 = arith.constant 2 : i32
      %mul3A_69 = arith.muli %scan3A_67, %mul3A_68 : i32
      %add3A_70 = arith.constant 0 : i32
      %add3A_71 = arith.addi %add3A_70, %mul3A_69 : i32
      %add3A_72 = arith.constant 2 : i32
      %add3A_73 = arith.addi %add3A_72, %add3A_71 : i32
      %add3A_74 = arith.constant 0 : i32
      %add3A_75 = arith.addi %add3A_73, %add3A_74 : i32
      %dma_wait3A_76 = arith.constant 0 : i32
      %dma_wait3A_77 = tpu.memref_slice %arg12[%dma_wait3A_76] : memref<10240xf32, #tpu.memory_space<vmem_shared>> -> memref<10240xf32, #tpu.memory_space<vmem_shared>>
      tpu.wait_indirect_dma semaphore(%arg15 : memref<!tpu.dma_semaphore, #tpu.memory_space<semaphore_mem>>) src(%arg9 : memref<2000xf32, #tpu.memory_space<vmem>>) dst(%dma_wait3A_77 : memref<10240xf32, #tpu.memory_space<vmem_shared>>)
      %mul3A_78 = arith.constant 2000 : i32
      %mul3A_79 = arith.muli %add3A_75, %mul3A_78 : i32
      %add3A_80 = arith.addi %add3A, %mul3A_79 : i32
      "tpu.region"() ({
        %run_scoped3A = tpu.sem_alloc : memref<!tpu.dma_semaphore, #tpu.memory_space<semaphore_mem>>
        %dma_start3A_114 = tpu.memref_slice %arg3[%add3A_80] : memref<1280000xi32, #tpu.memory_space<hbm>> -> memref<2000xi32, #tpu.memory_space<hbm>>
        %dma_start3A_115 = tpu.memref_slice %arg3[%add3A_80] : memref<1280000xi32, #tpu.memory_space<hbm>> -> memref<2000xi32, #tpu.memory_space<hbm>>
        tpu.enqueue_dma source(%dma_start3A_115 : memref<2000xi32, #tpu.memory_space<hbm>>) target(%arg5 : memref<2000xi32, #tpu.memory_space<vmem>>) target_semaphore(%run_scoped3A : memref<!tpu.dma_semaphore, #tpu.memory_space<semaphore_mem>>)
        %dma_wait3A_116 = tpu.memref_slice %arg3[%add3A_80] : memref<1280000xi32, #tpu.memory_space<hbm>> -> memref<2000xi32, #tpu.memory_space<hbm>>
        %dma_wait3A_117 = tpu.memref_slice %arg3[%add3A_80] : memref<1280000xi32, #tpu.memory_space<hbm>> -> memref<2000xi32, #tpu.memory_space<hbm>>
        tpu.wait_dma2 semaphore(%run_scoped3A : memref<!tpu.dma_semaphore, #tpu.memory_space<semaphore_mem>>) src(%dma_wait3A_117 : memref<2000xi32, #tpu.memory_space<hbm>>) dst(%arg5 : memref<2000xi32, #tpu.memory_space<vmem>>)
        tpu.yield
      }) : () -> ()
      %add3A_81 = arith.addi %add3A_19, %mul3A_79 : i32
      "tpu.region"() ({
        %run_scoped3A = tpu.sem_alloc : memref<!tpu.dma_semaphore, #tpu.memory_space<semaphore_mem>>
        %dma_start3A_114 = tpu.memref_slice %arg3[%add3A_81] : memref<1280000xi32, #tpu.memory_space<hbm>> -> memref<2000xi32, #tpu.memory_space<hbm>>
        %dma_start3A_115 = tpu.memref_slice %arg3[%add3A_81] : memref<1280000xi32, #tpu.memory_space<hbm>> -> memref<2000xi32, #tpu.memory_space<hbm>>
        tpu.enqueue_dma source(%dma_start3A_115 : memref<2000xi32, #tpu.memory_space<hbm>>) target(%arg7 : memref<2000xi32, #tpu.memory_space<vmem>>) target_semaphore(%run_scoped3A : memref<!tpu.dma_semaphore, #tpu.memory_space<semaphore_mem>>)
        %dma_wait3A_116 = tpu.memref_slice %arg3[%add3A_81] : memref<1280000xi32, #tpu.memory_space<hbm>> -> memref<2000xi32, #tpu.memory_space<hbm>>
        %dma_wait3A_117 = tpu.memref_slice %arg3[%add3A_81] : memref<1280000xi32, #tpu.memory_space<hbm>> -> memref<2000xi32, #tpu.memory_space<hbm>>
        tpu.wait_dma2 semaphore(%run_scoped3A : memref<!tpu.dma_semaphore, #tpu.memory_space<semaphore_mem>>) src(%dma_wait3A_117 : memref<2000xi32, #tpu.memory_space<hbm>>) dst(%arg7 : memref<2000xi32, #tpu.memory_space<vmem>>)
        tpu.yield
      }) : () -> ()
      %scan3A_82 = arith.constant 0 : i32
      %scan3A_83 = arith.constant 125 : i32
      %scan3A_84 = arith.addi %scan3A_82, %scan3A_83 : i32
      %scan3A_85 = arith.constant 1 : i32
      scf.for %scan3A_114 = %scan3A_82 to %scan3A_84 step %scan3A_85  : i32 {
        %mul3A_115 = arith.constant 16 : i32
        %mul3A_116 = arith.muli %scan3A_114, %mul3A_115 : i32
        %add3A_117 = arith.constant 0 : i32
        %add3A_118 = arith.addi %add3A_117, %mul3A_116 : i32
        %get3A = arith.index_cast %add3A_118 : i32 to index
        %get3A_119 = tpu.vector_load %arg5[%get3A] {strides = array<i32>} : memref<2000xi32, #tpu.memory_space<vmem>>, vector<16xi32>,
        %get3A_120 = vector.shape_cast %get3A_119 : vector<16xi32> to vector<16xi32>
        %add3A_121 = vector.broadcast %mul3A_21 : i32 to vector<16xi32>
        %add3A_122 = arith.addi %get3A_120, %add3A_121 : vector<16xi32>
        %swap3A = arith.index_cast %add3A_118 : i32 to index
        %swap3A_123 = tpu.vector_load %arg5[%swap3A] {strides = array<i32>} : memref<2000xi32, #tpu.memory_space<vmem>>, vector<16xi32>,
        %swap3A_124 = vector.shape_cast %swap3A_123 : vector<16xi32> to vector<16xi32>
        %swap3A_125 = vector.shape_cast %add3A_122 : vector<16xi32> to vector<16xi32>
        tpu.vector_store %arg5[%swap3A], %swap3A_125 {strides = array<i32>} : memref<2000xi32, #tpu.memory_space<vmem>>, vector<16xi32>,
      }
      %scan3A_86 = arith.constant 125 : i32
      %dma_start3A_87 = arith.constant 0 : i32
      %dma_start3A_88 = tpu.memref_slice %arg2[%dma_start3A_87] : memref<20480xf32, #tpu.memory_space<hbm>> -> memref<20480xf32, #tpu.memory_space<hbm>>
      tpu.enqueue_indirect_dma source(%dma_start3A_88 : memref<20480xf32, #tpu.memory_space<hbm>>) target(%arg9 : memref<2000xf32, #tpu.memory_space<vmem>>) offsets(%arg5 : memref<2000xi32, #tpu.memory_space<vmem>>) semaphore(%arg13 : memref<!tpu.dma_semaphore, #tpu.memory_space<semaphore_mem>>)
      %dma_wait3A_89 = arith.constant 0 : i32
      %dma_wait3A_90 = tpu.memref_slice %arg2[%dma_wait3A_89] : memref<20480xf32, #tpu.memory_space<hbm>> -> memref<20480xf32, #tpu.memory_space<hbm>>
      tpu.wait_indirect_dma semaphore(%arg14 : memref<!tpu.dma_semaphore, #tpu.memory_space<semaphore_mem>>) src(%dma_wait3A_90 : memref<20480xf32, #tpu.memory_space<hbm>>) dst(%arg10 : memref<2000xf32, #tpu.memory_space<vmem>>)
      %dma_start3A_91 = arith.constant 0 : i32
      %dma_start3A_92 = tpu.memref_slice %arg12[%dma_start3A_91] : memref<10240xf32, #tpu.memory_space<vmem_shared>> -> memref<10240xf32, #tpu.memory_space<vmem_shared>>
      tpu.enqueue_indirect_dma source(%arg10 : memref<2000xf32, #tpu.memory_space<vmem>>) target(%dma_start3A_92 : memref<10240xf32, #tpu.memory_space<vmem_shared>>) offsets(%arg8 : memref<2000xi32, #tpu.memory_space<vmem>>) semaphore(%arg16 : memref<!tpu.dma_semaphore, #tpu.memory_space<semaphore_mem>>) {add = true}
      %add3A_93 = arith.constant 2 : i32
      %add3A_94 = arith.addi %add3A_93, %add3A_71 : i32
      %add3A_95 = arith.constant 1 : i32
      %add3A_96 = arith.addi %add3A_94, %add3A_95 : i32
      %dma_wait3A_97 = arith.constant 0 : i32
      %dma_wait3A_98 = tpu.memref_slice %arg12[%dma_wait3A_97] : memref<10240xf32, #tpu.memory_space<vmem_shared>> -> memref<10240xf32, #tpu.memory_space<vmem_shared>>
      tpu.wait_indirect_dma semaphore(%arg16 : memref<!tpu.dma_semaphore, #tpu.memory_space<semaphore_mem>>) src(%arg10 : memref<2000xf32, #tpu.memory_space<vmem>>) dst(%dma_wait3A_98 : memref<10240xf32, #tpu.memory_space<vmem_shared>>)
      %mul3A_99 = arith.constant 2000 : i32
      %mul3A_100 = arith.muli %add3A_96, %mul3A_99 : i32
      %add3A_101 = arith.addi %add3A, %mul3A_100 : i32
      "tpu.region"() ({
        %run_scoped3A = tpu.sem_alloc : memref<!tpu.dma_semaphore, #tpu.memory_space<semaphore_mem>>
        %dma_start3A_114 = tpu.memref_slice %arg3[%add3A_101] : memref<1280000xi32, #tpu.memory_space<hbm>> -> memref<2000xi32, #tpu.memory_space<hbm>>
        %dma_start3A_115 = tpu.memref_slice %arg3[%add3A_101] : memref<1280000xi32, #tpu.memory_space<hbm>> -> memref<2000xi32, #tpu.memory_space<hbm>>
        tpu.enqueue_dma source(%dma_start3A_115 : memref<2000xi32, #tpu.memory_space<hbm>>) target(%arg6 : memref<2000xi32, #tpu.memory_space<vmem>>) target_semaphore(%run_scoped3A : memref<!tpu.dma_semaphore, #tpu.memory_space<semaphore_mem>>)
        %dma_wait3A_116 = tpu.memref_slice %arg3[%add3A_101] : memref<1280000xi32, #tpu.memory_space<hbm>> -> memref<2000xi32, #tpu.memory_space<hbm>>
        %dma_wait3A_117 = tpu.memref_slice %arg3[%add3A_101] : memref<1280000xi32, #tpu.memory_space<hbm>> -> memref<2000xi32, #tpu.memory_space<hbm>>
        tpu.wait_dma2 semaphore(%run_scoped3A : memref<!tpu.dma_semaphore, #tpu.memory_space<semaphore_mem>>) src(%dma_wait3A_117 : memref<2000xi32, #tpu.memory_space<hbm>>) dst(%arg6 : memref<2000xi32, #tpu.memory_space<vmem>>)
        tpu.yield
      }) : () -> ()
      %add3A_102 = arith.addi %add3A_19, %mul3A_100 : i32
      "tpu.region"() ({
        %run_scoped3A = tpu.sem_alloc : memref<!tpu.dma_semaphore, #tpu.memory_space<semaphore_mem>>
        %dma_start3A_114 = tpu.memref_slice %arg3[%add3A_102] : memref<1280000xi32, #tpu.memory_space<hbm>> -> memref<2000xi32, #tpu.memory_space<hbm>>
        %dma_start3A_115 = tpu.memref_slice %arg3[%add3A_102] : memref<1280000xi32, #tpu.memory_space<hbm>> -> memref<2000xi32, #tpu.memory_space<hbm>>
        tpu.enqueue_dma source(%dma_start3A_115 : memref<2000xi32, #tpu.memory_space<hbm>>) target(%arg8 : memref<2000xi32, #tpu.memory_space<vmem>>) target_semaphore(%run_scoped3A : memref<!tpu.dma_semaphore, #tpu.memory_space<semaphore_mem>>)
        %dma_wait3A_116 = tpu.memref_slice %arg3[%add3A_102] : memref<1280000xi32, #tpu.memory_space<hbm>> -> memref<2000xi32, #tpu.memory_space<hbm>>
        %dma_wait3A_117 = tpu.memref_slice %arg3[%add3A_102] : memref<1280000xi32, #tpu.memory_space<hbm>> -> memref<2000xi32, #tpu.memory_space<hbm>>
        tpu.wait_dma2 semaphore(%run_scoped3A : memref<!tpu.dma_semaphore, #tpu.memory_space<semaphore_mem>>) src(%dma_wait3A_117 : memref<2000xi32, #tpu.memory_space<hbm>>) dst(%arg8 : memref<2000xi32, #tpu.memory_space<vmem>>)
        tpu.yield
      }) : () -> ()
      %scan3A_103 = arith.constant 0 : i32
      %scan3A_104 = arith.constant 125 : i32
      %scan3A_105 = arith.addi %scan3A_103, %scan3A_104 : i32
      %scan3A_106 = arith.constant 1 : i32
      scf.for %scan3A_114 = %scan3A_103 to %scan3A_105 step %scan3A_106  : i32 {
        %mul3A_115 = arith.constant 16 : i32
        %mul3A_116 = arith.muli %scan3A_114, %mul3A_115 : i32
        %add3A_117 = arith.constant 0 : i32
        %add3A_118 = arith.addi %add3A_117, %mul3A_116 : i32
        %get3A = arith.index_cast %add3A_118 : i32 to index
        %get3A_119 = tpu.vector_load %arg6[%get3A] {strides = array<i32>} : memref<2000xi32, #tpu.memory_space<vmem>>, vector<16xi32>,
        %get3A_120 = vector.shape_cast %get3A_119 : vector<16xi32> to vector<16xi32>
        %add3A_121 = vector.broadcast %mul3A_21 : i32 to vector<16xi32>
        %add3A_122 = arith.addi %get3A_120, %add3A_121 : vector<16xi32>
        %swap3A = arith.index_cast %add3A_118 : i32 to index
        %swap3A_123 = tpu.vector_load %arg6[%swap3A] {strides = array<i32>} : memref<2000xi32, #tpu.memory_space<vmem>>, vector<16xi32>,
        %swap3A_124 = vector.shape_cast %swap3A_123 : vector<16xi32> to vector<16xi32>
        %swap3A_125 = vector.shape_cast %add3A_122 : vector<16xi32> to vector<16xi32>
        tpu.vector_store %arg6[%swap3A], %swap3A_125 {strides = array<i32>} : memref<2000xi32, #tpu.memory_space<vmem>>, vector<16xi32>,
      }
      %scan3A_107 = arith.constant 125 : i32
      %dma_start3A_108 = arith.constant 0 : i32
      %dma_start3A_109 = tpu.memref_slice %arg2[%dma_start3A_108] : memref<20480xf32, #tpu.memory_space<hbm>> -> memref<20480xf32, #tpu.memory_space<hbm>>
      tpu.enqueue_indirect_dma source(%dma_start3A_109 : memref<20480xf32, #tpu.memory_space<hbm>>) target(%arg10 : memref<2000xf32, #tpu.memory_space<vmem>>) offsets(%arg6 : memref<2000xi32, #tpu.memory_space<vmem>>) semaphore(%arg14 : memref<!tpu.dma_semaphore, #tpu.memory_space<semaphore_mem>>)
      %dma_wait3A_110 = arith.constant 0 : i32
      %dma_wait3A_111 = tpu.memref_slice %arg2[%dma_wait3A_110] : memref<20480xf32, #tpu.memory_space<hbm>> -> memref<20480xf32, #tpu.memory_space<hbm>>
      tpu.wait_indirect_dma semaphore(%arg13 : memref<!tpu.dma_semaphore, #tpu.memory_space<semaphore_mem>>) src(%dma_wait3A_111 : memref<20480xf32, #tpu.memory_space<hbm>>) dst(%arg9 : memref<2000xf32, #tpu.memory_space<vmem>>)
      %dma_start3A_112 = arith.constant 0 : i32
      %dma_start3A_113 = tpu.memref_slice %arg12[%dma_start3A_112] : memref<10240xf32, #tpu.memory_space<vmem_shared>> -> memref<10240xf32, #tpu.memory_space<vmem_shared>>
      tpu.enqueue_indirect_dma source(%arg9 : memref<2000xf32, #tpu.memory_space<vmem>>) target(%dma_start3A_113 : memref<10240xf32, #tpu.memory_space<vmem_shared>>) offsets(%arg7 : memref<2000xi32, #tpu.memory_space<vmem>>) semaphore(%arg15 : memref<!tpu.dma_semaphore, #tpu.memory_space<semaphore_mem>>) {add = true}
    }
    %scan3A_50 = arith.constant 4 : i32
    %dma_wait3A_51 = arith.constant 0 : i32
    %dma_wait3A_52 = tpu.memref_slice %arg2[%dma_wait3A_51] : memref<20480xf32, #tpu.memory_space<hbm>> -> memref<20480xf32, #tpu.memory_space<hbm>>
    tpu.wait_indirect_dma semaphore(%arg14 : memref<!tpu.dma_semaphore, #tpu.memory_space<semaphore_mem>>) src(%dma_wait3A_52 : memref<20480xf32, #tpu.memory_space<hbm>>) dst(%arg10 : memref<2000xf32, #tpu.memory_space<vmem>>)
    %dma_start3A_53 = arith.constant 0 : i32
    %dma_start3A_54 = tpu.memref_slice %arg12[%dma_start3A_53] : memref<10240xf32, #tpu.memory_space<vmem_shared>> -> memref<10240xf32, #tpu.memory_space<vmem_shared>>
    tpu.enqueue_indirect_dma source(%arg10 : memref<2000xf32, #tpu.memory_space<vmem>>) target(%dma_start3A_54 : memref<10240xf32, #tpu.memory_space<vmem_shared>>) offsets(%arg8 : memref<2000xi32, #tpu.memory_space<vmem>>) semaphore(%arg16 : memref<!tpu.dma_semaphore, #tpu.memory_space<semaphore_mem>>) {add = true}
    %dma_wait3A_55 = arith.constant 0 : i32
    %dma_wait3A_56 = tpu.memref_slice %arg12[%dma_wait3A_55] : memref<10240xf32, #tpu.memory_space<vmem_shared>> -> memref<10240xf32, #tpu.memory_space<vmem_shared>>
    tpu.wait_indirect_dma semaphore(%arg15 : memref<!tpu.dma_semaphore, #tpu.memory_space<semaphore_mem>>) src(%arg9 : memref<2000xf32, #tpu.memory_space<vmem>>) dst(%dma_wait3A_56 : memref<10240xf32, #tpu.memory_space<vmem_shared>>)
    %dma_wait3A_57 = arith.constant 0 : i32
    %dma_wait3A_58 = tpu.memref_slice %arg12[%dma_wait3A_57] : memref<10240xf32, #tpu.memory_space<vmem_shared>> -> memref<10240xf32, #tpu.memory_space<vmem_shared>>
    tpu.wait_indirect_dma semaphore(%arg16 : memref<!tpu.dma_semaphore, #tpu.memory_space<semaphore_mem>>) src(%arg10 : memref<2000xf32, #tpu.memory_space<vmem>>) dst(%dma_wait3A_58 : memref<10240xf32, #tpu.memory_space<vmem_shared>>)
    %barrier3A_59 = arith.constant 0 : index
    tpu.barrier barrier_id(%barrier3A_59)
    %mul3A_60 = arith.constant 640 : i32
    %mul3A_61 = arith.muli %arg1, %mul3A_60 : i32
    %mul3A_62 = arith.constant 10240 : i32
    %mul3A_63 = arith.muli %arg0, %mul3A_62 : i32
    %mul3A_64 = arith.constant 640 : i32
    %mul3A_65 = arith.muli %arg1, %mul3A_64 : i32
    %add3A_66 = arith.addi %mul3A_63, %mul3A_65 : i32
    "tpu.region"() ({
      %run_scoped3A = tpu.sem_alloc : memref<!tpu.dma_semaphore, #tpu.memory_space<semaphore_mem>>
      %dma_start3A_67 = tpu.memref_slice %arg4[%add3A_66] : memref<20480xf32, #tpu.memory_space<hbm>> -> memref<640xf32, #tpu.memory_space<hbm>>
      %dma_start3A_68 = tpu.memref_slice %arg12[%mul3A_61] : memref<10240xf32, #tpu.memory_space<vmem_shared>> -> memref<640xf32, #tpu.memory_space<vmem_shared>>
      tpu.enqueue_dma source(%dma_start3A_68 : memref<640xf32, #tpu.memory_space<vmem_shared>>) target(%dma_start3A_67 : memref<640xf32, #tpu.memory_space<hbm>>) target_semaphore(%run_scoped3A : memref<!tpu.dma_semaphore, #tpu.memory_space<semaphore_mem>>)
      %dma_wait3A_69 = tpu.memref_slice %arg4[%add3A_66] : memref<20480xf32, #tpu.memory_space<hbm>> -> memref<640xf32, #tpu.memory_space<hbm>>
      %dma_wait3A_70 = tpu.memref_slice %arg12[%mul3A_61] : memref<10240xf32, #tpu.memory_space<vmem_shared>> -> memref<640xf32, #tpu.memory_space<vmem_shared>>
      tpu.wait_dma2 semaphore(%run_scoped3A : memref<!tpu.dma_semaphore, #tpu.memory_space<semaphore_mem>>) src(%dma_wait3A_70 : memref<640xf32, #tpu.memory_space<vmem_shared>>) dst(%dma_wait3A_69 : memref<640xf32, #tpu.memory_space<hbm>>)
      tpu.yield
    }) : () -> ()
    return
  }
}

#map = affine_map<(d0, d1) -> (0, 0)>
#map1 = affine_map<(d0, d1) -> (0)>
#map2 = affine_map<(d0, d1) -> (0, 0, 0)>
module attributes {stable_mosaic.version = 14 : i64} {
  func.func @body(%arg0: i32, %arg1: i32, %arg2: memref<20480x128xf32, #tpu.memory_space<hbm>>, %arg3: memref<1280000xi32, #tpu.memory_space<hbm>>, %arg4: memref<2x10240x128xf32, #tpu.memory_space<hbm>>, %arg5: memref<320xi32, #tpu.memory_space<vmem>>, %arg6: memref<320xi32, #tpu.memory_space<vmem>>, %arg7: memref<160xi32, #tpu.memory_space<vmem>>, %arg8: memref<160xi32, #tpu.memory_space<vmem>>, %arg9: memref<160xi32, #tpu.memory_space<vmem>>, %arg10: memref<160xi32, #tpu.memory_space<vmem>>, %arg11: memref<160x128xf32, #tpu.memory_space<vmem>>, %arg12: memref<160x128xf32, #tpu.memory_space<vmem>>, %arg13: memref<160xf32, #tpu.memory_space<vmem>>, %arg14: memref<640xf32, #tpu.memory_space<vmem>>, %arg15: memref<10240x128xf32, #tpu.memory_space<vmem_shared>>, %arg16: memref<10240xf32, #tpu.memory_space<vmem_shared>>, %arg17: memref<!tpu.dma_semaphore, #tpu.memory_space<semaphore_mem>>, %arg18: memref<!tpu.dma_semaphore, #tpu.memory_space<semaphore_mem>>, %arg19: memref<!tpu.dma_semaphore, #tpu.memory_space<semaphore_mem>>, %arg20: memref<!tpu.dma_semaphore, #tpu.memory_space<semaphore_mem>>) attributes {dimension_semantics = [#tpu.dimension_semantics<core_parallel>, #tpu.dimension_semantics<subcore_parallel>], iteration_bounds = array<i64: 2, 16>, scalar_prefetch = 0 : i64, scratch_operands = 16 : i64, tpu.core_type = #tpu.core_type<sc_vector_subcore>, window_params = [{transform_indices = #map}, {transform_indices = #map1}, {transform_indices = #map2}]} {
    %scan3A = arith.constant 0 : i32
    %scan3A_0 = arith.constant 80 : i32
    %scan3A_1 = arith.addi %scan3A, %scan3A_0 : i32
    %scan3A_2 = arith.constant 1 : i32
    scf.for %scan3A_106 = %scan3A to %scan3A_1 step %scan3A_2  : i32 {
      %mul3A_107 = arith.constant 1 : i32
      %mul3A_108 = arith.muli %scan3A_106, %mul3A_107 : i32
      %add3A_109 = arith.constant 0 : i32
      %add3A_110 = arith.addi %add3A_109, %mul3A_108 : i32
      %broadcast_in_dim3A = arith.constant 0.000000e+00 : f32
      %broadcast_in_dim3A_111 = vector.broadcast %broadcast_in_dim3A : f32 to vector<16xf32>
      %swap3A = arith.index_cast %add3A_110 : i32 to index
      %swap3A_112 = arith.constant 0 : index
      %swap3A_113 = tpu.vector_load %arg11[%swap3A, %swap3A_112] {strides = array<i32>} : memref<160x128xf32, #tpu.memory_space<vmem>>, vector<1x16xf32>,
      %swap3A_114 = vector.shape_cast %swap3A_113 : vector<1x16xf32> to vector<16xf32>
      %swap3A_115 = vector.shape_cast %broadcast_in_dim3A_111 : vector<16xf32> to vector<1x16xf32>
      tpu.vector_store %arg11[%swap3A, %swap3A_112], %swap3A_115 {strides = array<i32>} : memref<160x128xf32, #tpu.memory_space<vmem>>, vector<1x16xf32>,
      %broadcast_in_dim3A_116 = arith.constant 0.000000e+00 : f32
      %broadcast_in_dim3A_117 = vector.broadcast %broadcast_in_dim3A_116 : f32 to vector<16xf32>
      %swap3A_118 = arith.index_cast %add3A_110 : i32 to index
      %swap3A_119 = arith.constant 16 : index
      %swap3A_120 = tpu.vector_load %arg11[%swap3A_118, %swap3A_119] {strides = array<i32>} : memref<160x128xf32, #tpu.memory_space<vmem>>, vector<1x16xf32>,
      %swap3A_121 = vector.shape_cast %swap3A_120 : vector<1x16xf32> to vector<16xf32>
      %swap3A_122 = vector.shape_cast %broadcast_in_dim3A_117 : vector<16xf32> to vector<1x16xf32>
      tpu.vector_store %arg11[%swap3A_118, %swap3A_119], %swap3A_122 {strides = array<i32>} : memref<160x128xf32, #tpu.memory_space<vmem>>, vector<1x16xf32>,
      %broadcast_in_dim3A_123 = arith.constant 0.000000e+00 : f32
      %broadcast_in_dim3A_124 = vector.broadcast %broadcast_in_dim3A_123 : f32 to vector<16xf32>
      %swap3A_125 = arith.index_cast %add3A_110 : i32 to index
      %swap3A_126 = arith.constant 32 : index
      %swap3A_127 = tpu.vector_load %arg11[%swap3A_125, %swap3A_126] {strides = array<i32>} : memref<160x128xf32, #tpu.memory_space<vmem>>, vector<1x16xf32>,
      %swap3A_128 = vector.shape_cast %swap3A_127 : vector<1x16xf32> to vector<16xf32>
      %swap3A_129 = vector.shape_cast %broadcast_in_dim3A_124 : vector<16xf32> to vector<1x16xf32>
      tpu.vector_store %arg11[%swap3A_125, %swap3A_126], %swap3A_129 {strides = array<i32>} : memref<160x128xf32, #tpu.memory_space<vmem>>, vector<1x16xf32>,
      %broadcast_in_dim3A_130 = arith.constant 0.000000e+00 : f32
      %broadcast_in_dim3A_131 = vector.broadcast %broadcast_in_dim3A_130 : f32 to vector<16xf32>
      %swap3A_132 = arith.index_cast %add3A_110 : i32 to index
      %swap3A_133 = arith.constant 48 : index
      %swap3A_134 = tpu.vector_load %arg11[%swap3A_132, %swap3A_133] {strides = array<i32>} : memref<160x128xf32, #tpu.memory_space<vmem>>, vector<1x16xf32>,
      %swap3A_135 = vector.shape_cast %swap3A_134 : vector<1x16xf32> to vector<16xf32>
      %swap3A_136 = vector.shape_cast %broadcast_in_dim3A_131 : vector<16xf32> to vector<1x16xf32>
      tpu.vector_store %arg11[%swap3A_132, %swap3A_133], %swap3A_136 {strides = array<i32>} : memref<160x128xf32, #tpu.memory_space<vmem>>, vector<1x16xf32>,
      %broadcast_in_dim3A_137 = arith.constant 0.000000e+00 : f32
      %broadcast_in_dim3A_138 = vector.broadcast %broadcast_in_dim3A_137 : f32 to vector<16xf32>
      %swap3A_139 = arith.index_cast %add3A_110 : i32 to index
      %swap3A_140 = arith.constant 64 : index
      %swap3A_141 = tpu.vector_load %arg11[%swap3A_139, %swap3A_140] {strides = array<i32>} : memref<160x128xf32, #tpu.memory_space<vmem>>, vector<1x16xf32>,
      %swap3A_142 = vector.shape_cast %swap3A_141 : vector<1x16xf32> to vector<16xf32>
      %swap3A_143 = vector.shape_cast %broadcast_in_dim3A_138 : vector<16xf32> to vector<1x16xf32>
      tpu.vector_store %arg11[%swap3A_139, %swap3A_140], %swap3A_143 {strides = array<i32>} : memref<160x128xf32, #tpu.memory_space<vmem>>, vector<1x16xf32>,
      %broadcast_in_dim3A_144 = arith.constant 0.000000e+00 : f32
      %broadcast_in_dim3A_145 = vector.broadcast %broadcast_in_dim3A_144 : f32 to vector<16xf32>
      %swap3A_146 = arith.index_cast %add3A_110 : i32 to index
      %swap3A_147 = arith.constant 80 : index
      %swap3A_148 = tpu.vector_load %arg11[%swap3A_146, %swap3A_147] {strides = array<i32>} : memref<160x128xf32, #tpu.memory_space<vmem>>, vector<1x16xf32>,
      %swap3A_149 = vector.shape_cast %swap3A_148 : vector<1x16xf32> to vector<16xf32>
      %swap3A_150 = vector.shape_cast %broadcast_in_dim3A_145 : vector<16xf32> to vector<1x16xf32>
      tpu.vector_store %arg11[%swap3A_146, %swap3A_147], %swap3A_150 {strides = array<i32>} : memref<160x128xf32, #tpu.memory_space<vmem>>, vector<1x16xf32>,
      %broadcast_in_dim3A_151 = arith.constant 0.000000e+00 : f32
      %broadcast_in_dim3A_152 = vector.broadcast %broadcast_in_dim3A_151 : f32 to vector<16xf32>
      %swap3A_153 = arith.index_cast %add3A_110 : i32 to index
      %swap3A_154 = arith.constant 96 : index
      %swap3A_155 = tpu.vector_load %arg11[%swap3A_153, %swap3A_154] {strides = array<i32>} : memref<160x128xf32, #tpu.memory_space<vmem>>, vector<1x16xf32>,
      %swap3A_156 = vector.shape_cast %swap3A_155 : vector<1x16xf32> to vector<16xf32>
      %swap3A_157 = vector.shape_cast %broadcast_in_dim3A_152 : vector<16xf32> to vector<1x16xf32>
      tpu.vector_store %arg11[%swap3A_153, %swap3A_154], %swap3A_157 {strides = array<i32>} : memref<160x128xf32, #tpu.memory_space<vmem>>, vector<1x16xf32>,
      %broadcast_in_dim3A_158 = arith.constant 0.000000e+00 : f32
      %broadcast_in_dim3A_159 = vector.broadcast %broadcast_in_dim3A_158 : f32 to vector<16xf32>
      %swap3A_160 = arith.index_cast %add3A_110 : i32 to index
      %swap3A_161 = arith.constant 112 : index
      %swap3A_162 = tpu.vector_load %arg11[%swap3A_160, %swap3A_161] {strides = array<i32>} : memref<160x128xf32, #tpu.memory_space<vmem>>, vector<1x16xf32>,
      %swap3A_163 = vector.shape_cast %swap3A_162 : vector<1x16xf32> to vector<16xf32>
      %swap3A_164 = vector.shape_cast %broadcast_in_dim3A_159 : vector<16xf32> to vector<1x16xf32>
      tpu.vector_store %arg11[%swap3A_160, %swap3A_161], %swap3A_164 {strides = array<i32>} : memref<160x128xf32, #tpu.memory_space<vmem>>, vector<1x16xf32>,
    }
    %scan3A_3 = arith.constant 80 : i32
    %mul3A = arith.constant 640 : i32
    %mul3A_4 = arith.muli %arg1, %mul3A : i32
    %add3A = arith.constant 0 : i32
    %add3A_5 = arith.addi %mul3A_4, %add3A : i32
    "tpu.region"() ({
      %run_scoped3A = tpu.sem_alloc : memref<!tpu.dma_semaphore, #tpu.memory_space<semaphore_mem>>
      %dma_start3A_106 = arith.constant 0 : i32
      %dma_start3A_107 = arith.constant 0 : i32
      %dma_start3A_108 = tpu.memref_slice %arg11[%dma_start3A_106, %dma_start3A_107] : memref<160x128xf32, #tpu.memory_space<vmem>> -> memref<80x128xf32, #tpu.memory_space<vmem>>
      %dma_start3A_109 = arith.constant 0 : i32
      %dma_start3A_110 = tpu.memref_slice %arg15[%add3A_5, %dma_start3A_109] : memref<10240x128xf32, #tpu.memory_space<vmem_shared>> -> memref<80x128xf32, #tpu.memory_space<vmem_shared>>
      %dma_start3A_111 = arith.constant 0 : i32
      %dma_start3A_112 = tpu.memref_slice %arg15[%add3A_5, %dma_start3A_111] : memref<10240x128xf32, #tpu.memory_space<vmem_shared>> -> memref<80x128xf32, #tpu.memory_space<vmem_shared>>
      %dma_start3A_113 = arith.constant 0 : i32
      %dma_start3A_114 = arith.constant 0 : i32
      %dma_start3A_115 = tpu.memref_slice %arg11[%dma_start3A_113, %dma_start3A_114] : memref<160x128xf32, #tpu.memory_space<vmem>> -> memref<80x128xf32, #tpu.memory_space<vmem>>
      tpu.enqueue_dma source(%dma_start3A_115 : memref<80x128xf32, #tpu.memory_space<vmem>>) target(%dma_start3A_112 : memref<80x128xf32, #tpu.memory_space<vmem_shared>>) target_semaphore(%run_scoped3A : memref<!tpu.dma_semaphore, #tpu.memory_space<semaphore_mem>>)
      %dma_wait3A_116 = arith.constant 0 : i32
      %dma_wait3A_117 = arith.constant 0 : i32
      %dma_wait3A_118 = tpu.memref_slice %arg11[%dma_wait3A_116, %dma_wait3A_117] : memref<160x128xf32, #tpu.memory_space<vmem>> -> memref<80x128xf32, #tpu.memory_space<vmem>>
      %dma_wait3A_119 = arith.constant 0 : i32
      %dma_wait3A_120 = tpu.memref_slice %arg15[%add3A_5, %dma_wait3A_119] : memref<10240x128xf32, #tpu.memory_space<vmem_shared>> -> memref<80x128xf32, #tpu.memory_space<vmem_shared>>
      %dma_wait3A_121 = arith.constant 0 : i32
      %dma_wait3A_122 = tpu.memref_slice %arg15[%add3A_5, %dma_wait3A_121] : memref<10240x128xf32, #tpu.memory_space<vmem_shared>> -> memref<80x128xf32, #tpu.memory_space<vmem_shared>>
      %dma_wait3A_123 = arith.constant 0 : i32
      %dma_wait3A_124 = arith.constant 0 : i32
      %dma_wait3A_125 = tpu.memref_slice %arg11[%dma_wait3A_123, %dma_wait3A_124] : memref<160x128xf32, #tpu.memory_space<vmem>> -> memref<80x128xf32, #tpu.memory_space<vmem>>
      tpu.wait_dma2 semaphore(%run_scoped3A : memref<!tpu.dma_semaphore, #tpu.memory_space<semaphore_mem>>) src(%dma_wait3A_125 : memref<80x128xf32, #tpu.memory_space<vmem>>) dst(%dma_wait3A_122 : memref<80x128xf32, #tpu.memory_space<vmem_shared>>)
      tpu.yield
    }) : () -> ()
    %mul3A_6 = arith.constant 640 : i32
    %mul3A_7 = arith.muli %arg1, %mul3A_6 : i32
    %add3A_8 = arith.constant 80 : i32
    %add3A_9 = arith.addi %mul3A_7, %add3A_8 : i32
    "tpu.region"() ({
      %run_scoped3A = tpu.sem_alloc : memref<!tpu.dma_semaphore, #tpu.memory_space<semaphore_mem>>
      %dma_start3A_106 = arith.constant 0 : i32
      %dma_start3A_107 = arith.constant 0 : i32
      %dma_start3A_108 = tpu.memref_slice %arg11[%dma_start3A_106, %dma_start3A_107] : memref<160x128xf32, #tpu.memory_space<vmem>> -> memref<80x128xf32, #tpu.memory_space<vmem>>
      %dma_start3A_109 = arith.constant 0 : i32
      %dma_start3A_110 = tpu.memref_slice %arg15[%add3A_9, %dma_start3A_109] : memref<10240x128xf32, #tpu.memory_space<vmem_shared>> -> memref<80x128xf32, #tpu.memory_space<vmem_shared>>
      %dma_start3A_111 = arith.constant 0 : i32
      %dma_start3A_112 = tpu.memref_slice %arg15[%add3A_9, %dma_start3A_111] : memref<10240x128xf32, #tpu.memory_space<vmem_shared>> -> memref<80x128xf32, #tpu.memory_space<vmem_shared>>
      %dma_start3A_113 = arith.constant 0 : i32
      %dma_start3A_114 = arith.constant 0 : i32
      %dma_start3A_115 = tpu.memref_slice %arg11[%dma_start3A_113, %dma_start3A_114] : memref<160x128xf32, #tpu.memory_space<vmem>> -> memref<80x128xf32, #tpu.memory_space<vmem>>
      tpu.enqueue_dma source(%dma_start3A_115 : memref<80x128xf32, #tpu.memory_space<vmem>>) target(%dma_start3A_112 : memref<80x128xf32, #tpu.memory_space<vmem_shared>>) target_semaphore(%run_scoped3A : memref<!tpu.dma_semaphore, #tpu.memory_space<semaphore_mem>>)
      %dma_wait3A_116 = arith.constant 0 : i32
      %dma_wait3A_117 = arith.constant 0 : i32
      %dma_wait3A_118 = tpu.memref_slice %arg11[%dma_wait3A_116, %dma_wait3A_117] : memref<160x128xf32, #tpu.memory_space<vmem>> -> memref<80x128xf32, #tpu.memory_space<vmem>>
      %dma_wait3A_119 = arith.constant 0 : i32
      %dma_wait3A_120 = tpu.memref_slice %arg15[%add3A_9, %dma_wait3A_119] : memref<10240x128xf32, #tpu.memory_space<vmem_shared>> -> memref<80x128xf32, #tpu.memory_space<vmem_shared>>
      %dma_wait3A_121 = arith.constant 0 : i32
      %dma_wait3A_122 = tpu.memref_slice %arg15[%add3A_9, %dma_wait3A_121] : memref<10240x128xf32, #tpu.memory_space<vmem_shared>> -> memref<80x128xf32, #tpu.memory_space<vmem_shared>>
      %dma_wait3A_123 = arith.constant 0 : i32
      %dma_wait3A_124 = arith.constant 0 : i32
      %dma_wait3A_125 = tpu.memref_slice %arg11[%dma_wait3A_123, %dma_wait3A_124] : memref<160x128xf32, #tpu.memory_space<vmem>> -> memref<80x128xf32, #tpu.memory_space<vmem>>
      tpu.wait_dma2 semaphore(%run_scoped3A : memref<!tpu.dma_semaphore, #tpu.memory_space<semaphore_mem>>) src(%dma_wait3A_125 : memref<80x128xf32, #tpu.memory_space<vmem>>) dst(%dma_wait3A_122 : memref<80x128xf32, #tpu.memory_space<vmem_shared>>)
      tpu.yield
    }) : () -> ()
    %mul3A_10 = arith.constant 640 : i32
    %mul3A_11 = arith.muli %arg1, %mul3A_10 : i32
    %add3A_12 = arith.constant 160 : i32
    %add3A_13 = arith.addi %mul3A_11, %add3A_12 : i32
    "tpu.region"() ({
      %run_scoped3A = tpu.sem_alloc : memref<!tpu.dma_semaphore, #tpu.memory_space<semaphore_mem>>
      %dma_start3A_106 = arith.constant 0 : i32
      %dma_start3A_107 = arith.constant 0 : i32
      %dma_start3A_108 = tpu.memref_slice %arg11[%dma_start3A_106, %dma_start3A_107] : memref<160x128xf32, #tpu.memory_space<vmem>> -> memref<80x128xf32, #tpu.memory_space<vmem>>
      %dma_start3A_109 = arith.constant 0 : i32
      %dma_start3A_110 = tpu.memref_slice %arg15[%add3A_13, %dma_start3A_109] : memref<10240x128xf32, #tpu.memory_space<vmem_shared>> -> memref<80x128xf32, #tpu.memory_space<vmem_shared>>
      %dma_start3A_111 = arith.constant 0 : i32
      %dma_start3A_112 = tpu.memref_slice %arg15[%add3A_13, %dma_start3A_111] : memref<10240x128xf32, #tpu.memory_space<vmem_shared>> -> memref<80x128xf32, #tpu.memory_space<vmem_shared>>
      %dma_start3A_113 = arith.constant 0 : i32
      %dma_start3A_114 = arith.constant 0 : i32
      %dma_start3A_115 = tpu.memref_slice %arg11[%dma_start3A_113, %dma_start3A_114] : memref<160x128xf32, #tpu.memory_space<vmem>> -> memref<80x128xf32, #tpu.memory_space<vmem>>
      tpu.enqueue_dma source(%dma_start3A_115 : memref<80x128xf32, #tpu.memory_space<vmem>>) target(%dma_start3A_112 : memref<80x128xf32, #tpu.memory_space<vmem_shared>>) target_semaphore(%run_scoped3A : memref<!tpu.dma_semaphore, #tpu.memory_space<semaphore_mem>>)
      %dma_wait3A_116 = arith.constant 0 : i32
      %dma_wait3A_117 = arith.constant 0 : i32
      %dma_wait3A_118 = tpu.memref_slice %arg11[%dma_wait3A_116, %dma_wait3A_117] : memref<160x128xf32, #tpu.memory_space<vmem>> -> memref<80x128xf32, #tpu.memory_space<vmem>>
      %dma_wait3A_119 = arith.constant 0 : i32
      %dma_wait3A_120 = tpu.memref_slice %arg15[%add3A_13, %dma_wait3A_119] : memref<10240x128xf32, #tpu.memory_space<vmem_shared>> -> memref<80x128xf32, #tpu.memory_space<vmem_shared>>
      %dma_wait3A_121 = arith.constant 0 : i32
      %dma_wait3A_122 = tpu.memref_slice %arg15[%add3A_13, %dma_wait3A_121] : memref<10240x128xf32, #tpu.memory_space<vmem_shared>> -> memref<80x128xf32, #tpu.memory_space<vmem_shared>>
      %dma_wait3A_123 = arith.constant 0 : i32
      %dma_wait3A_124 = arith.constant 0 : i32
      %dma_wait3A_125 = tpu.memref_slice %arg11[%dma_wait3A_123, %dma_wait3A_124] : memref<160x128xf32, #tpu.memory_space<vmem>> -> memref<80x128xf32, #tpu.memory_space<vmem>>
      tpu.wait_dma2 semaphore(%run_scoped3A : memref<!tpu.dma_semaphore, #tpu.memory_space<semaphore_mem>>) src(%dma_wait3A_125 : memref<80x128xf32, #tpu.memory_space<vmem>>) dst(%dma_wait3A_122 : memref<80x128xf32, #tpu.memory_space<vmem_shared>>)
      tpu.yield
    }) : () -> ()
    %mul3A_14 = arith.constant 640 : i32
    %mul3A_15 = arith.muli %arg1, %mul3A_14 : i32
    %add3A_16 = arith.constant 240 : i32
    %add3A_17 = arith.addi %mul3A_15, %add3A_16 : i32
    "tpu.region"() ({
      %run_scoped3A = tpu.sem_alloc : memref<!tpu.dma_semaphore, #tpu.memory_space<semaphore_mem>>
      %dma_start3A_106 = arith.constant 0 : i32
      %dma_start3A_107 = arith.constant 0 : i32
      %dma_start3A_108 = tpu.memref_slice %arg11[%dma_start3A_106, %dma_start3A_107] : memref<160x128xf32, #tpu.memory_space<vmem>> -> memref<80x128xf32, #tpu.memory_space<vmem>>
      %dma_start3A_109 = arith.constant 0 : i32
      %dma_start3A_110 = tpu.memref_slice %arg15[%add3A_17, %dma_start3A_109] : memref<10240x128xf32, #tpu.memory_space<vmem_shared>> -> memref<80x128xf32, #tpu.memory_space<vmem_shared>>
      %dma_start3A_111 = arith.constant 0 : i32
      %dma_start3A_112 = tpu.memref_slice %arg15[%add3A_17, %dma_start3A_111] : memref<10240x128xf32, #tpu.memory_space<vmem_shared>> -> memref<80x128xf32, #tpu.memory_space<vmem_shared>>
      %dma_start3A_113 = arith.constant 0 : i32
      %dma_start3A_114 = arith.constant 0 : i32
      %dma_start3A_115 = tpu.memref_slice %arg11[%dma_start3A_113, %dma_start3A_114] : memref<160x128xf32, #tpu.memory_space<vmem>> -> memref<80x128xf32, #tpu.memory_space<vmem>>
      tpu.enqueue_dma source(%dma_start3A_115 : memref<80x128xf32, #tpu.memory_space<vmem>>) target(%dma_start3A_112 : memref<80x128xf32, #tpu.memory_space<vmem_shared>>) target_semaphore(%run_scoped3A : memref<!tpu.dma_semaphore, #tpu.memory_space<semaphore_mem>>)
      %dma_wait3A_116 = arith.constant 0 : i32
      %dma_wait3A_117 = arith.constant 0 : i32
      %dma_wait3A_118 = tpu.memref_slice %arg11[%dma_wait3A_116, %dma_wait3A_117] : memref<160x128xf32, #tpu.memory_space<vmem>> -> memref<80x128xf32, #tpu.memory_space<vmem>>
      %dma_wait3A_119 = arith.constant 0 : i32
      %dma_wait3A_120 = tpu.memref_slice %arg15[%add3A_17, %dma_wait3A_119] : memref<10240x128xf32, #tpu.memory_space<vmem_shared>> -> memref<80x128xf32, #tpu.memory_space<vmem_shared>>
      %dma_wait3A_121 = arith.constant 0 : i32
      %dma_wait3A_122 = tpu.memref_slice %arg15[%add3A_17, %dma_wait3A_121] : memref<10240x128xf32, #tpu.memory_space<vmem_shared>> -> memref<80x128xf32, #tpu.memory_space<vmem_shared>>
      %dma_wait3A_123 = arith.constant 0 : i32
      %dma_wait3A_124 = arith.constant 0 : i32
      %dma_wait3A_125 = tpu.memref_slice %arg11[%dma_wait3A_123, %dma_wait3A_124] : memref<160x128xf32, #tpu.memory_space<vmem>> -> memref<80x128xf32, #tpu.memory_space<vmem>>
      tpu.wait_dma2 semaphore(%run_scoped3A : memref<!tpu.dma_semaphore, #tpu.memory_space<semaphore_mem>>) src(%dma_wait3A_125 : memref<80x128xf32, #tpu.memory_space<vmem>>) dst(%dma_wait3A_122 : memref<80x128xf32, #tpu.memory_space<vmem_shared>>)
      tpu.yield
    }) : () -> ()
    %mul3A_18 = arith.constant 640 : i32
    %mul3A_19 = arith.muli %arg1, %mul3A_18 : i32
    %add3A_20 = arith.constant 320 : i32
    %add3A_21 = arith.addi %mul3A_19, %add3A_20 : i32
    "tpu.region"() ({
      %run_scoped3A = tpu.sem_alloc : memref<!tpu.dma_semaphore, #tpu.memory_space<semaphore_mem>>
      %dma_start3A_106 = arith.constant 0 : i32
      %dma_start3A_107 = arith.constant 0 : i32
      %dma_start3A_108 = tpu.memref_slice %arg11[%dma_start3A_106, %dma_start3A_107] : memref<160x128xf32, #tpu.memory_space<vmem>> -> memref<80x128xf32, #tpu.memory_space<vmem>>
      %dma_start3A_109 = arith.constant 0 : i32
      %dma_start3A_110 = tpu.memref_slice %arg15[%add3A_21, %dma_start3A_109] : memref<10240x128xf32, #tpu.memory_space<vmem_shared>> -> memref<80x128xf32, #tpu.memory_space<vmem_shared>>
      %dma_start3A_111 = arith.constant 0 : i32
      %dma_start3A_112 = tpu.memref_slice %arg15[%add3A_21, %dma_start3A_111] : memref<10240x128xf32, #tpu.memory_space<vmem_shared>> -> memref<80x128xf32, #tpu.memory_space<vmem_shared>>
      %dma_start3A_113 = arith.constant 0 : i32
      %dma_start3A_114 = arith.constant 0 : i32
      %dma_start3A_115 = tpu.memref_slice %arg11[%dma_start3A_113, %dma_start3A_114] : memref<160x128xf32, #tpu.memory_space<vmem>> -> memref<80x128xf32, #tpu.memory_space<vmem>>
      tpu.enqueue_dma source(%dma_start3A_115 : memref<80x128xf32, #tpu.memory_space<vmem>>) target(%dma_start3A_112 : memref<80x128xf32, #tpu.memory_space<vmem_shared>>) target_semaphore(%run_scoped3A : memref<!tpu.dma_semaphore, #tpu.memory_space<semaphore_mem>>)
      %dma_wait3A_116 = arith.constant 0 : i32
      %dma_wait3A_117 = arith.constant 0 : i32
      %dma_wait3A_118 = tpu.memref_slice %arg11[%dma_wait3A_116, %dma_wait3A_117] : memref<160x128xf32, #tpu.memory_space<vmem>> -> memref<80x128xf32, #tpu.memory_space<vmem>>
      %dma_wait3A_119 = arith.constant 0 : i32
      %dma_wait3A_120 = tpu.memref_slice %arg15[%add3A_21, %dma_wait3A_119] : memref<10240x128xf32, #tpu.memory_space<vmem_shared>> -> memref<80x128xf32, #tpu.memory_space<vmem_shared>>
      %dma_wait3A_121 = arith.constant 0 : i32
      %dma_wait3A_122 = tpu.memref_slice %arg15[%add3A_21, %dma_wait3A_121] : memref<10240x128xf32, #tpu.memory_space<vmem_shared>> -> memref<80x128xf32, #tpu.memory_space<vmem_shared>>
      %dma_wait3A_123 = arith.constant 0 : i32
      %dma_wait3A_124 = arith.constant 0 : i32
      %dma_wait3A_125 = tpu.memref_slice %arg11[%dma_wait3A_123, %dma_wait3A_124] : memref<160x128xf32, #tpu.memory_space<vmem>> -> memref<80x128xf32, #tpu.memory_space<vmem>>
      tpu.wait_dma2 semaphore(%run_scoped3A : memref<!tpu.dma_semaphore, #tpu.memory_space<semaphore_mem>>) src(%dma_wait3A_125 : memref<80x128xf32, #tpu.memory_space<vmem>>) dst(%dma_wait3A_122 : memref<80x128xf32, #tpu.memory_space<vmem_shared>>)
      tpu.yield
    }) : () -> ()
    %mul3A_22 = arith.constant 640 : i32
    %mul3A_23 = arith.muli %arg1, %mul3A_22 : i32
    %add3A_24 = arith.constant 400 : i32
    %add3A_25 = arith.addi %mul3A_23, %add3A_24 : i32
    "tpu.region"() ({
      %run_scoped3A = tpu.sem_alloc : memref<!tpu.dma_semaphore, #tpu.memory_space<semaphore_mem>>
      %dma_start3A_106 = arith.constant 0 : i32
      %dma_start3A_107 = arith.constant 0 : i32
      %dma_start3A_108 = tpu.memref_slice %arg11[%dma_start3A_106, %dma_start3A_107] : memref<160x128xf32, #tpu.memory_space<vmem>> -> memref<80x128xf32, #tpu.memory_space<vmem>>
      %dma_start3A_109 = arith.constant 0 : i32
      %dma_start3A_110 = tpu.memref_slice %arg15[%add3A_25, %dma_start3A_109] : memref<10240x128xf32, #tpu.memory_space<vmem_shared>> -> memref<80x128xf32, #tpu.memory_space<vmem_shared>>
      %dma_start3A_111 = arith.constant 0 : i32
      %dma_start3A_112 = tpu.memref_slice %arg15[%add3A_25, %dma_start3A_111] : memref<10240x128xf32, #tpu.memory_space<vmem_shared>> -> memref<80x128xf32, #tpu.memory_space<vmem_shared>>
      %dma_start3A_113 = arith.constant 0 : i32
      %dma_start3A_114 = arith.constant 0 : i32
      %dma_start3A_115 = tpu.memref_slice %arg11[%dma_start3A_113, %dma_start3A_114] : memref<160x128xf32, #tpu.memory_space<vmem>> -> memref<80x128xf32, #tpu.memory_space<vmem>>
      tpu.enqueue_dma source(%dma_start3A_115 : memref<80x128xf32, #tpu.memory_space<vmem>>) target(%dma_start3A_112 : memref<80x128xf32, #tpu.memory_space<vmem_shared>>) target_semaphore(%run_scoped3A : memref<!tpu.dma_semaphore, #tpu.memory_space<semaphore_mem>>)
      %dma_wait3A_116 = arith.constant 0 : i32
      %dma_wait3A_117 = arith.constant 0 : i32
      %dma_wait3A_118 = tpu.memref_slice %arg11[%dma_wait3A_116, %dma_wait3A_117] : memref<160x128xf32, #tpu.memory_space<vmem>> -> memref<80x128xf32, #tpu.memory_space<vmem>>
      %dma_wait3A_119 = arith.constant 0 : i32
      %dma_wait3A_120 = tpu.memref_slice %arg15[%add3A_25, %dma_wait3A_119] : memref<10240x128xf32, #tpu.memory_space<vmem_shared>> -> memref<80x128xf32, #tpu.memory_space<vmem_shared>>
      %dma_wait3A_121 = arith.constant 0 : i32
      %dma_wait3A_122 = tpu.memref_slice %arg15[%add3A_25, %dma_wait3A_121] : memref<10240x128xf32, #tpu.memory_space<vmem_shared>> -> memref<80x128xf32, #tpu.memory_space<vmem_shared>>
      %dma_wait3A_123 = arith.constant 0 : i32
      %dma_wait3A_124 = arith.constant 0 : i32
      %dma_wait3A_125 = tpu.memref_slice %arg11[%dma_wait3A_123, %dma_wait3A_124] : memref<160x128xf32, #tpu.memory_space<vmem>> -> memref<80x128xf32, #tpu.memory_space<vmem>>
      tpu.wait_dma2 semaphore(%run_scoped3A : memref<!tpu.dma_semaphore, #tpu.memory_space<semaphore_mem>>) src(%dma_wait3A_125 : memref<80x128xf32, #tpu.memory_space<vmem>>) dst(%dma_wait3A_122 : memref<80x128xf32, #tpu.memory_space<vmem_shared>>)
      tpu.yield
    }) : () -> ()
    %mul3A_26 = arith.constant 640 : i32
    %mul3A_27 = arith.muli %arg1, %mul3A_26 : i32
    %add3A_28 = arith.constant 480 : i32
    %add3A_29 = arith.addi %mul3A_27, %add3A_28 : i32
    "tpu.region"() ({
      %run_scoped3A = tpu.sem_alloc : memref<!tpu.dma_semaphore, #tpu.memory_space<semaphore_mem>>
      %dma_start3A_106 = arith.constant 0 : i32
      %dma_start3A_107 = arith.constant 0 : i32
      %dma_start3A_108 = tpu.memref_slice %arg11[%dma_start3A_106, %dma_start3A_107] : memref<160x128xf32, #tpu.memory_space<vmem>> -> memref<80x128xf32, #tpu.memory_space<vmem>>
      %dma_start3A_109 = arith.constant 0 : i32
      %dma_start3A_110 = tpu.memref_slice %arg15[%add3A_29, %dma_start3A_109] : memref<10240x128xf32, #tpu.memory_space<vmem_shared>> -> memref<80x128xf32, #tpu.memory_space<vmem_shared>>
      %dma_start3A_111 = arith.constant 0 : i32
      %dma_start3A_112 = tpu.memref_slice %arg15[%add3A_29, %dma_start3A_111] : memref<10240x128xf32, #tpu.memory_space<vmem_shared>> -> memref<80x128xf32, #tpu.memory_space<vmem_shared>>
      %dma_start3A_113 = arith.constant 0 : i32
      %dma_start3A_114 = arith.constant 0 : i32
      %dma_start3A_115 = tpu.memref_slice %arg11[%dma_start3A_113, %dma_start3A_114] : memref<160x128xf32, #tpu.memory_space<vmem>> -> memref<80x128xf32, #tpu.memory_space<vmem>>
      tpu.enqueue_dma source(%dma_start3A_115 : memref<80x128xf32, #tpu.memory_space<vmem>>) target(%dma_start3A_112 : memref<80x128xf32, #tpu.memory_space<vmem_shared>>) target_semaphore(%run_scoped3A : memref<!tpu.dma_semaphore, #tpu.memory_space<semaphore_mem>>)
      %dma_wait3A_116 = arith.constant 0 : i32
      %dma_wait3A_117 = arith.constant 0 : i32
      %dma_wait3A_118 = tpu.memref_slice %arg11[%dma_wait3A_116, %dma_wait3A_117] : memref<160x128xf32, #tpu.memory_space<vmem>> -> memref<80x128xf32, #tpu.memory_space<vmem>>
      %dma_wait3A_119 = arith.constant 0 : i32
      %dma_wait3A_120 = tpu.memref_slice %arg15[%add3A_29, %dma_wait3A_119] : memref<10240x128xf32, #tpu.memory_space<vmem_shared>> -> memref<80x128xf32, #tpu.memory_space<vmem_shared>>
      %dma_wait3A_121 = arith.constant 0 : i32
      %dma_wait3A_122 = tpu.memref_slice %arg15[%add3A_29, %dma_wait3A_121] : memref<10240x128xf32, #tpu.memory_space<vmem_shared>> -> memref<80x128xf32, #tpu.memory_space<vmem_shared>>
      %dma_wait3A_123 = arith.constant 0 : i32
      %dma_wait3A_124 = arith.constant 0 : i32
      %dma_wait3A_125 = tpu.memref_slice %arg11[%dma_wait3A_123, %dma_wait3A_124] : memref<160x128xf32, #tpu.memory_space<vmem>> -> memref<80x128xf32, #tpu.memory_space<vmem>>
      tpu.wait_dma2 semaphore(%run_scoped3A : memref<!tpu.dma_semaphore, #tpu.memory_space<semaphore_mem>>) src(%dma_wait3A_125 : memref<80x128xf32, #tpu.memory_space<vmem>>) dst(%dma_wait3A_122 : memref<80x128xf32, #tpu.memory_space<vmem_shared>>)
      tpu.yield
    }) : () -> ()
    %mul3A_30 = arith.constant 640 : i32
    %mul3A_31 = arith.muli %arg1, %mul3A_30 : i32
    %add3A_32 = arith.constant 560 : i32
    %add3A_33 = arith.addi %mul3A_31, %add3A_32 : i32
    "tpu.region"() ({
      %run_scoped3A = tpu.sem_alloc : memref<!tpu.dma_semaphore, #tpu.memory_space<semaphore_mem>>
      %dma_start3A_106 = arith.constant 0 : i32
      %dma_start3A_107 = arith.constant 0 : i32
      %dma_start3A_108 = tpu.memref_slice %arg11[%dma_start3A_106, %dma_start3A_107] : memref<160x128xf32, #tpu.memory_space<vmem>> -> memref<80x128xf32, #tpu.memory_space<vmem>>
      %dma_start3A_109 = arith.constant 0 : i32
      %dma_start3A_110 = tpu.memref_slice %arg15[%add3A_33, %dma_start3A_109] : memref<10240x128xf32, #tpu.memory_space<vmem_shared>> -> memref<80x128xf32, #tpu.memory_space<vmem_shared>>
      %dma_start3A_111 = arith.constant 0 : i32
      %dma_start3A_112 = tpu.memref_slice %arg15[%add3A_33, %dma_start3A_111] : memref<10240x128xf32, #tpu.memory_space<vmem_shared>> -> memref<80x128xf32, #tpu.memory_space<vmem_shared>>
      %dma_start3A_113 = arith.constant 0 : i32
      %dma_start3A_114 = arith.constant 0 : i32
      %dma_start3A_115 = tpu.memref_slice %arg11[%dma_start3A_113, %dma_start3A_114] : memref<160x128xf32, #tpu.memory_space<vmem>> -> memref<80x128xf32, #tpu.memory_space<vmem>>
      tpu.enqueue_dma source(%dma_start3A_115 : memref<80x128xf32, #tpu.memory_space<vmem>>) target(%dma_start3A_112 : memref<80x128xf32, #tpu.memory_space<vmem_shared>>) target_semaphore(%run_scoped3A : memref<!tpu.dma_semaphore, #tpu.memory_space<semaphore_mem>>)
      %dma_wait3A_116 = arith.constant 0 : i32
      %dma_wait3A_117 = arith.constant 0 : i32
      %dma_wait3A_118 = tpu.memref_slice %arg11[%dma_wait3A_116, %dma_wait3A_117] : memref<160x128xf32, #tpu.memory_space<vmem>> -> memref<80x128xf32, #tpu.memory_space<vmem>>
      %dma_wait3A_119 = arith.constant 0 : i32
      %dma_wait3A_120 = tpu.memref_slice %arg15[%add3A_33, %dma_wait3A_119] : memref<10240x128xf32, #tpu.memory_space<vmem_shared>> -> memref<80x128xf32, #tpu.memory_space<vmem_shared>>
      %dma_wait3A_121 = arith.constant 0 : i32
      %dma_wait3A_122 = tpu.memref_slice %arg15[%add3A_33, %dma_wait3A_121] : memref<10240x128xf32, #tpu.memory_space<vmem_shared>> -> memref<80x128xf32, #tpu.memory_space<vmem_shared>>
      %dma_wait3A_123 = arith.constant 0 : i32
      %dma_wait3A_124 = arith.constant 0 : i32
      %dma_wait3A_125 = tpu.memref_slice %arg11[%dma_wait3A_123, %dma_wait3A_124] : memref<160x128xf32, #tpu.memory_space<vmem>> -> memref<80x128xf32, #tpu.memory_space<vmem>>
      tpu.wait_dma2 semaphore(%run_scoped3A : memref<!tpu.dma_semaphore, #tpu.memory_space<semaphore_mem>>) src(%dma_wait3A_125 : memref<80x128xf32, #tpu.memory_space<vmem>>) dst(%dma_wait3A_122 : memref<80x128xf32, #tpu.memory_space<vmem_shared>>)
      tpu.yield
    }) : () -> ()
    %barrier3A = arith.constant 0 : index
    tpu.barrier barrier_id(%barrier3A)
    %mul3A_34 = arith.constant 16 : i32
    %mul3A_35 = arith.muli %arg0, %mul3A_34 : i32
    %add3A_36 = arith.addi %mul3A_35, %arg1 : i32
    %mul3A_37 = arith.constant 40000 : i32
    %mul3A_38 = arith.muli %add3A_36, %mul3A_37 : i32
    %mul3A_39 = arith.constant 10240 : i32
    %mul3A_40 = arith.muli %arg0, %mul3A_39 : i32
    %add3A_41 = arith.constant 0 : i32
    %add3A_42 = arith.addi %mul3A_38, %add3A_41 : i32
    "tpu.region"() ({
      %run_scoped3A = tpu.sem_alloc : memref<!tpu.dma_semaphore, #tpu.memory_space<semaphore_mem>>
      %dma_start3A_106 = tpu.memref_slice %arg3[%add3A_42] : memref<1280000xi32, #tpu.memory_space<hbm>> -> memref<320xi32, #tpu.memory_space<hbm>>
      %dma_start3A_107 = tpu.memref_slice %arg3[%add3A_42] : memref<1280000xi32, #tpu.memory_space<hbm>> -> memref<320xi32, #tpu.memory_space<hbm>>
      tpu.enqueue_dma source(%dma_start3A_107 : memref<320xi32, #tpu.memory_space<hbm>>) target(%arg5 : memref<320xi32, #tpu.memory_space<vmem>>) target_semaphore(%run_scoped3A : memref<!tpu.dma_semaphore, #tpu.memory_space<semaphore_mem>>)
      %dma_wait3A_108 = tpu.memref_slice %arg3[%add3A_42] : memref<1280000xi32, #tpu.memory_space<hbm>> -> memref<320xi32, #tpu.memory_space<hbm>>
      %dma_wait3A_109 = tpu.memref_slice %arg3[%add3A_42] : memref<1280000xi32, #tpu.memory_space<hbm>> -> memref<320xi32, #tpu.memory_space<hbm>>
      tpu.wait_dma2 semaphore(%run_scoped3A : memref<!tpu.dma_semaphore, #tpu.memory_space<semaphore_mem>>) src(%dma_wait3A_109 : memref<320xi32, #tpu.memory_space<hbm>>) dst(%arg5 : memref<320xi32, #tpu.memory_space<vmem>>)
      tpu.yield
    }) : () -> ()
    %scan3A_43 = arith.constant 0 : i32
    %scan3A_44 = arith.constant 10 : i32
    %scan3A_45 = arith.addi %scan3A_43, %scan3A_44 : i32
    %scan3A_46 = arith.constant 1 : i32
    scf.for %scan3A_106 = %scan3A_43 to %scan3A_45 step %scan3A_46  : i32 {
      %mul3A_107 = arith.constant 16 : i32
      %mul3A_108 = arith.muli %scan3A_106, %mul3A_107 : i32
      %add3A_109 = arith.constant 0 : i32
      %add3A_110 = arith.addi %add3A_109, %mul3A_108 : i32
      %get3A = arith.index_cast %add3A_110 : i32 to index
      %get3A_111 = tpu.vector_load %arg5[%get3A] {strides = array<i32>} : memref<320xi32, #tpu.memory_space<vmem>>, vector<16xi32>,
      %get3A_112 = vector.shape_cast %get3A_111 : vector<16xi32> to vector<16xi32>
      %add3A_113 = vector.broadcast %mul3A_40 : i32 to vector<16xi32>
      %add3A_114 = arith.addi %get3A_112, %add3A_113 : vector<16xi32>
      %swap3A = arith.index_cast %add3A_110 : i32 to index
      %swap3A_115 = tpu.vector_load %arg7[%swap3A] {strides = array<i32>} : memref<160xi32, #tpu.memory_space<vmem>>, vector<16xi32>,
      %swap3A_116 = vector.shape_cast %swap3A_115 : vector<16xi32> to vector<16xi32>
      %swap3A_117 = vector.shape_cast %add3A_114 : vector<16xi32> to vector<16xi32>
      tpu.vector_store %arg7[%swap3A], %swap3A_117 {strides = array<i32>} : memref<160xi32, #tpu.memory_space<vmem>>, vector<16xi32>,
      %add3A_118 = arith.constant 160 : i32
      %add3A_119 = arith.addi %add3A_118, %add3A_110 : i32
      %get3A_120 = arith.index_cast %add3A_119 : i32 to index
      %get3A_121 = tpu.vector_load %arg5[%get3A_120] {strides = array<i32>} : memref<320xi32, #tpu.memory_space<vmem>>, vector<16xi32>,
      %get3A_122 = vector.shape_cast %get3A_121 : vector<16xi32> to vector<16xi32>
      %swap3A_123 = arith.index_cast %add3A_110 : i32 to index
      %swap3A_124 = tpu.vector_load %arg9[%swap3A_123] {strides = array<i32>} : memref<160xi32, #tpu.memory_space<vmem>>, vector<16xi32>,
      %swap3A_125 = vector.shape_cast %swap3A_124 : vector<16xi32> to vector<16xi32>
      %swap3A_126 = vector.shape_cast %get3A_122 : vector<16xi32> to vector<16xi32>
      tpu.vector_store %arg9[%swap3A_123], %swap3A_126 {strides = array<i32>} : memref<160xi32, #tpu.memory_space<vmem>>, vector<16xi32>,
    }
    %scan3A_47 = arith.constant 10 : i32
    %dma_start3A = arith.constant 0 : i32
    %dma_start3A_48 = arith.constant 0 : i32
    %dma_start3A_49 = tpu.memref_slice %arg2[%dma_start3A, %dma_start3A_48] : memref<20480x128xf32, #tpu.memory_space<hbm>> -> memref<20480x128xf32, #tpu.memory_space<hbm>>
    tpu.enqueue_indirect_dma source(%dma_start3A_49 : memref<20480x128xf32, #tpu.memory_space<hbm>>) target(%arg11 : memref<160x128xf32, #tpu.memory_space<vmem>>) offsets(%arg7 : memref<160xi32, #tpu.memory_space<vmem>>) semaphore(%arg17 : memref<!tpu.dma_semaphore, #tpu.memory_space<semaphore_mem>>)
    %add3A_50 = arith.constant 320 : i32
    %add3A_51 = arith.addi %mul3A_38, %add3A_50 : i32
    "tpu.region"() ({
      %run_scoped3A = tpu.sem_alloc : memref<!tpu.dma_semaphore, #tpu.memory_space<semaphore_mem>>
      %dma_start3A_106 = tpu.memref_slice %arg3[%add3A_51] : memref<1280000xi32, #tpu.memory_space<hbm>> -> memref<320xi32, #tpu.memory_space<hbm>>
      %dma_start3A_107 = tpu.memref_slice %arg3[%add3A_51] : memref<1280000xi32, #tpu.memory_space<hbm>> -> memref<320xi32, #tpu.memory_space<hbm>>
      tpu.enqueue_dma source(%dma_start3A_107 : memref<320xi32, #tpu.memory_space<hbm>>) target(%arg6 : memref<320xi32, #tpu.memory_space<vmem>>) target_semaphore(%run_scoped3A : memref<!tpu.dma_semaphore, #tpu.memory_space<semaphore_mem>>)
      %dma_wait3A_108 = tpu.memref_slice %arg3[%add3A_51] : memref<1280000xi32, #tpu.memory_space<hbm>> -> memref<320xi32, #tpu.memory_space<hbm>>
      %dma_wait3A_109 = tpu.memref_slice %arg3[%add3A_51] : memref<1280000xi32, #tpu.memory_space<hbm>> -> memref<320xi32, #tpu.memory_space<hbm>>
      tpu.wait_dma2 semaphore(%run_scoped3A : memref<!tpu.dma_semaphore, #tpu.memory_space<semaphore_mem>>) src(%dma_wait3A_109 : memref<320xi32, #tpu.memory_space<hbm>>) dst(%arg6 : memref<320xi32, #tpu.memory_space<vmem>>)
      tpu.yield
    }) : () -> ()
    %scan3A_52 = arith.constant 0 : i32
    %scan3A_53 = arith.constant 10 : i32
    %scan3A_54 = arith.addi %scan3A_52, %scan3A_53 : i32
    %scan3A_55 = arith.constant 1 : i32
    scf.for %scan3A_106 = %scan3A_52 to %scan3A_54 step %scan3A_55  : i32 {
      %mul3A_107 = arith.constant 16 : i32
      %mul3A_108 = arith.muli %scan3A_106, %mul3A_107 : i32
      %add3A_109 = arith.constant 0 : i32
      %add3A_110 = arith.addi %add3A_109, %mul3A_108 : i32
      %get3A = arith.index_cast %add3A_110 : i32 to index
      %get3A_111 = tpu.vector_load %arg6[%get3A] {strides = array<i32>} : memref<320xi32, #tpu.memory_space<vmem>>, vector<16xi32>,
      %get3A_112 = vector.shape_cast %get3A_111 : vector<16xi32> to vector<16xi32>
      %add3A_113 = vector.broadcast %mul3A_40 : i32 to vector<16xi32>
      %add3A_114 = arith.addi %get3A_112, %add3A_113 : vector<16xi32>
      %swap3A = arith.index_cast %add3A_110 : i32 to index
      %swap3A_115 = tpu.vector_load %arg8[%swap3A] {strides = array<i32>} : memref<160xi32, #tpu.memory_space<vmem>>, vector<16xi32>,
      %swap3A_116 = vector.shape_cast %swap3A_115 : vector<16xi32> to vector<16xi32>
      %swap3A_117 = vector.shape_cast %add3A_114 : vector<16xi32> to vector<16xi32>
      tpu.vector_store %arg8[%swap3A], %swap3A_117 {strides = array<i32>} : memref<160xi32, #tpu.memory_space<vmem>>, vector<16xi32>,
      %add3A_118 = arith.constant 160 : i32
      %add3A_119 = arith.addi %add3A_118, %add3A_110 : i32
      %get3A_120 = arith.index_cast %add3A_119 : i32 to index
      %get3A_121 = tpu.vector_load %arg6[%get3A_120] {strides = array<i32>} : memref<320xi32, #tpu.memory_space<vmem>>, vector<16xi32>,
      %get3A_122 = vector.shape_cast %get3A_121 : vector<16xi32> to vector<16xi32>
      %swap3A_123 = arith.index_cast %add3A_110 : i32 to index
      %swap3A_124 = tpu.vector_load %arg10[%swap3A_123] {strides = array<i32>} : memref<160xi32, #tpu.memory_space<vmem>>, vector<16xi32>,
      %swap3A_125 = vector.shape_cast %swap3A_124 : vector<16xi32> to vector<16xi32>
      %swap3A_126 = vector.shape_cast %get3A_122 : vector<16xi32> to vector<16xi32>
      tpu.vector_store %arg10[%swap3A_123], %swap3A_126 {strides = array<i32>} : memref<160xi32, #tpu.memory_space<vmem>>, vector<16xi32>,
    }
    %scan3A_56 = arith.constant 10 : i32
    %dma_start3A_57 = arith.constant 0 : i32
    %dma_start3A_58 = arith.constant 0 : i32
    %dma_start3A_59 = tpu.memref_slice %arg2[%dma_start3A_57, %dma_start3A_58] : memref<20480x128xf32, #tpu.memory_space<hbm>> -> memref<20480x128xf32, #tpu.memory_space<hbm>>
    tpu.enqueue_indirect_dma source(%dma_start3A_59 : memref<20480x128xf32, #tpu.memory_space<hbm>>) target(%arg12 : memref<160x128xf32, #tpu.memory_space<vmem>>) offsets(%arg8 : memref<160xi32, #tpu.memory_space<vmem>>) semaphore(%arg18 : memref<!tpu.dma_semaphore, #tpu.memory_space<semaphore_mem>>)
    %dma_wait3A = arith.constant 0 : i32
    %dma_wait3A_60 = arith.constant 0 : i32
    %dma_wait3A_61 = tpu.memref_slice %arg2[%dma_wait3A, %dma_wait3A_60] : memref<20480x128xf32, #tpu.memory_space<hbm>> -> memref<20480x128xf32, #tpu.memory_space<hbm>>
    tpu.wait_indirect_dma semaphore(%arg17 : memref<!tpu.dma_semaphore, #tpu.memory_space<semaphore_mem>>) src(%dma_wait3A_61 : memref<20480x128xf32, #tpu.memory_space<hbm>>) dst(%arg11 : memref<160x128xf32, #tpu.memory_space<vmem>>)
    %dma_start3A_62 = arith.constant 0 : i32
    %dma_start3A_63 = arith.constant 0 : i32
    %dma_start3A_64 = tpu.memref_slice %arg15[%dma_start3A_62, %dma_start3A_63] : memref<10240x128xf32, #tpu.memory_space<vmem_shared>> -> memref<10240x128xf32, #tpu.memory_space<vmem_shared>>
    tpu.enqueue_indirect_dma source(%arg11 : memref<160x128xf32, #tpu.memory_space<vmem>>) target(%dma_start3A_64 : memref<10240x128xf32, #tpu.memory_space<vmem_shared>>) offsets(%arg9 : memref<160xi32, #tpu.memory_space<vmem>>) semaphore(%arg19 : memref<!tpu.dma_semaphore, #tpu.memory_space<semaphore_mem>>) {add = true}
    %dma_wait3A_65 = arith.constant 0 : i32
    %dma_wait3A_66 = arith.constant 0 : i32
    %dma_wait3A_67 = tpu.memref_slice %arg15[%dma_wait3A_65, %dma_wait3A_66] : memref<10240x128xf32, #tpu.memory_space<vmem_shared>> -> memref<10240x128xf32, #tpu.memory_space<vmem_shared>>
    tpu.wait_indirect_dma semaphore(%arg19 : memref<!tpu.dma_semaphore, #tpu.memory_space<semaphore_mem>>) src(%arg11 : memref<160x128xf32, #tpu.memory_space<vmem>>) dst(%dma_wait3A_67 : memref<10240x128xf32, #tpu.memory_space<vmem_shared>>)
    %add3A_68 = arith.constant 640 : i32
    %add3A_69 = arith.addi %mul3A_38, %add3A_68 : i32
    "tpu.region"() ({
      %run_scoped3A = tpu.sem_alloc : memref<!tpu.dma_semaphore, #tpu.memory_space<semaphore_mem>>
      %dma_start3A_106 = tpu.memref_slice %arg3[%add3A_69] : memref<1280000xi32, #tpu.memory_space<hbm>> -> memref<320xi32, #tpu.memory_space<hbm>>
      %dma_start3A_107 = tpu.memref_slice %arg3[%add3A_69] : memref<1280000xi32, #tpu.memory_space<hbm>> -> memref<320xi32, #tpu.memory_space<hbm>>
      tpu.enqueue_dma source(%dma_start3A_107 : memref<320xi32, #tpu.memory_space<hbm>>) target(%arg5 : memref<320xi32, #tpu.memory_space<vmem>>) target_semaphore(%run_scoped3A : memref<!tpu.dma_semaphore, #tpu.memory_space<semaphore_mem>>)
      %dma_wait3A_108 = tpu.memref_slice %arg3[%add3A_69] : memref<1280000xi32, #tpu.memory_space<hbm>> -> memref<320xi32, #tpu.memory_space<hbm>>
      %dma_wait3A_109 = tpu.memref_slice %arg3[%add3A_69] : memref<1280000xi32, #tpu.memory_space<hbm>> -> memref<320xi32, #tpu.memory_space<hbm>>
      tpu.wait_dma2 semaphore(%run_scoped3A : memref<!tpu.dma_semaphore, #tpu.memory_space<semaphore_mem>>) src(%dma_wait3A_109 : memref<320xi32, #tpu.memory_space<hbm>>) dst(%arg5 : memref<320xi32, #tpu.memory_space<vmem>>)
      tpu.yield
    }) : () -> ()
    %scan3A_70 = arith.constant 0 : i32
    %scan3A_71 = arith.constant 10 : i32
    %scan3A_72 = arith.addi %scan3A_70, %scan3A_71 : i32
    %scan3A_73 = arith.constant 1 : i32
    scf.for %scan3A_106 = %scan3A_70 to %scan3A_72 step %scan3A_73  : i32 {
      %mul3A_107 = arith.constant 16 : i32
      %mul3A_108 = arith.muli %scan3A_106, %mul3A_107 : i32
      %add3A_109 = arith.constant 0 : i32
      %add3A_110 = arith.addi %add3A_109, %mul3A_108 : i32
      %get3A = arith.index_cast %add3A_110 : i32 to index
      %get3A_111 = tpu.vector_load %arg5[%get3A] {strides = array<i32>} : memref<320xi32, #tpu.memory_space<vmem>>, vector<16xi32>,
      %get3A_112 = vector.shape_cast %get3A_111 : vector<16xi32> to vector<16xi32>
      %add3A_113 = vector.broadcast %mul3A_40 : i32 to vector<16xi32>
      %add3A_114 = arith.addi %get3A_112, %add3A_113 : vector<16xi32>
      %swap3A = arith.index_cast %add3A_110 : i32 to index
      %swap3A_115 = tpu.vector_load %arg7[%swap3A] {strides = array<i32>} : memref<160xi32, #tpu.memory_space<vmem>>, vector<16xi32>,
      %swap3A_116 = vector.shape_cast %swap3A_115 : vector<16xi32> to vector<16xi32>
      %swap3A_117 = vector.shape_cast %add3A_114 : vector<16xi32> to vector<16xi32>
      tpu.vector_store %arg7[%swap3A], %swap3A_117 {strides = array<i32>} : memref<160xi32, #tpu.memory_space<vmem>>, vector<16xi32>,
      %add3A_118 = arith.constant 160 : i32
      %add3A_119 = arith.addi %add3A_118, %add3A_110 : i32
      %get3A_120 = arith.index_cast %add3A_119 : i32 to index
      %get3A_121 = tpu.vector_load %arg5[%get3A_120] {strides = array<i32>} : memref<320xi32, #tpu.memory_space<vmem>>, vector<16xi32>,
      %get3A_122 = vector.shape_cast %get3A_121 : vector<16xi32> to vector<16xi32>
      %swap3A_123 = arith.index_cast %add3A_110 : i32 to index
      %swap3A_124 = tpu.vector_load %arg9[%swap3A_123] {strides = array<i32>} : memref<160xi32, #tpu.memory_space<vmem>>, vector<16xi32>,
      %swap3A_125 = vector.shape_cast %swap3A_124 : vector<16xi32> to vector<16xi32>
      %swap3A_126 = vector.shape_cast %get3A_122 : vector<16xi32> to vector<16xi32>
      tpu.vector_store %arg9[%swap3A_123], %swap3A_126 {strides = array<i32>} : memref<160xi32, #tpu.memory_space<vmem>>, vector<16xi32>,
    }
    %scan3A_74 = arith.constant 10 : i32
    %dma_start3A_75 = arith.constant 0 : i32
    %dma_start3A_76 = arith.constant 0 : i32
    %dma_start3A_77 = tpu.memref_slice %arg2[%dma_start3A_75, %dma_start3A_76] : memref<20480x128xf32, #tpu.memory_space<hbm>> -> memref<20480x128xf32, #tpu.memory_space<hbm>>
    tpu.enqueue_indirect_dma source(%dma_start3A_77 : memref<20480x128xf32, #tpu.memory_space<hbm>>) target(%arg11 : memref<160x128xf32, #tpu.memory_space<vmem>>) offsets(%arg7 : memref<160xi32, #tpu.memory_space<vmem>>) semaphore(%arg17 : memref<!tpu.dma_semaphore, #tpu.memory_space<semaphore_mem>>)
    %dma_wait3A_78 = arith.constant 0 : i32
    %dma_wait3A_79 = arith.constant 0 : i32
    %dma_wait3A_80 = tpu.memref_slice %arg2[%dma_wait3A_78, %dma_wait3A_79] : memref<20480x128xf32, #tpu.memory_space<hbm>> -> memref<20480x128xf32, #tpu.memory_space<hbm>>
    tpu.wait_indirect_dma semaphore(%arg18 : memref<!tpu.dma_semaphore, #tpu.memory_space<semaphore_mem>>) src(%dma_wait3A_80 : memref<20480x128xf32, #tpu.memory_space<hbm>>) dst(%arg12 : memref<160x128xf32, #tpu.memory_space<vmem>>)
    %dma_start3A_81 = arith.constant 0 : i32
    %dma_start3A_82 = arith.constant 0 : i32
    %dma_start3A_83 = tpu.memref_slice %arg15[%dma_start3A_81, %dma_start3A_82] : memref<10240x128xf32, #tpu.memory_space<vmem_shared>> -> memref<10240x128xf32, #tpu.memory_space<vmem_shared>>
    tpu.enqueue_indirect_dma source(%arg12 : memref<160x128xf32, #tpu.memory_space<vmem>>) target(%dma_start3A_83 : memref<10240x128xf32, #tpu.memory_space<vmem_shared>>) offsets(%arg10 : memref<160xi32, #tpu.memory_space<vmem>>) semaphore(%arg20 : memref<!tpu.dma_semaphore, #tpu.memory_space<semaphore_mem>>) {add = true}
    %scan3A_84 = arith.constant 0 : i32
    %scan3A_85 = arith.constant 61 : i32
    %scan3A_86 = arith.addi %scan3A_84, %scan3A_85 : i32
    %scan3A_87 = arith.constant 1 : i32
    scf.for %scan3A_106 = %scan3A_84 to %scan3A_86 step %scan3A_87  : i32 {
      %mul3A_107 = arith.constant 2 : i32
      %mul3A_108 = arith.muli %scan3A_106, %mul3A_107 : i32
      %add3A_109 = arith.constant 0 : i32
      %add3A_110 = arith.addi %add3A_109, %mul3A_108 : i32
      %add3A_111 = arith.constant 3 : i32
      %add3A_112 = arith.addi %add3A_111, %add3A_110 : i32
      %add3A_113 = arith.constant 0 : i32
      %add3A_114 = arith.addi %add3A_112, %add3A_113 : i32
      %dma_wait3A_115 = arith.constant 0 : i32
      %dma_wait3A_116 = arith.constant 0 : i32
      %dma_wait3A_117 = tpu.memref_slice %arg15[%dma_wait3A_115, %dma_wait3A_116] : memref<10240x128xf32, #tpu.memory_space<vmem_shared>> -> memref<10240x128xf32, #tpu.memory_space<vmem_shared>>
      tpu.wait_indirect_dma semaphore(%arg20 : memref<!tpu.dma_semaphore, #tpu.memory_space<semaphore_mem>>) src(%arg12 : memref<160x128xf32, #tpu.memory_space<vmem>>) dst(%dma_wait3A_117 : memref<10240x128xf32, #tpu.memory_space<vmem_shared>>)
      %mul3A_118 = arith.constant 320 : i32
      %mul3A_119 = arith.muli %add3A_114, %mul3A_118 : i32
      %add3A_120 = arith.addi %mul3A_38, %mul3A_119 : i32
      "tpu.region"() ({
        %run_scoped3A = tpu.sem_alloc : memref<!tpu.dma_semaphore, #tpu.memory_space<semaphore_mem>>
        %dma_start3A_159 = tpu.memref_slice %arg3[%add3A_120] : memref<1280000xi32, #tpu.memory_space<hbm>> -> memref<320xi32, #tpu.memory_space<hbm>>
        %dma_start3A_160 = tpu.memref_slice %arg3[%add3A_120] : memref<1280000xi32, #tpu.memory_space<hbm>> -> memref<320xi32, #tpu.memory_space<hbm>>
        tpu.enqueue_dma source(%dma_start3A_160 : memref<320xi32, #tpu.memory_space<hbm>>) target(%arg6 : memref<320xi32, #tpu.memory_space<vmem>>) target_semaphore(%run_scoped3A : memref<!tpu.dma_semaphore, #tpu.memory_space<semaphore_mem>>)
        %dma_wait3A_161 = tpu.memref_slice %arg3[%add3A_120] : memref<1280000xi32, #tpu.memory_space<hbm>> -> memref<320xi32, #tpu.memory_space<hbm>>
        %dma_wait3A_162 = tpu.memref_slice %arg3[%add3A_120] : memref<1280000xi32, #tpu.memory_space<hbm>> -> memref<320xi32, #tpu.memory_space<hbm>>
        tpu.wait_dma2 semaphore(%run_scoped3A : memref<!tpu.dma_semaphore, #tpu.memory_space<semaphore_mem>>) src(%dma_wait3A_162 : memref<320xi32, #tpu.memory_space<hbm>>) dst(%arg6 : memref<320xi32, #tpu.memory_space<vmem>>)
        tpu.yield
      }) : () -> ()
      %scan3A_121 = arith.constant 0 : i32
      %scan3A_122 = arith.constant 10 : i32
      %scan3A_123 = arith.addi %scan3A_121, %scan3A_122 : i32
      %scan3A_124 = arith.constant 1 : i32
      scf.for %scan3A_159 = %scan3A_121 to %scan3A_123 step %scan3A_124  : i32 {
        %mul3A_160 = arith.constant 16 : i32
        %mul3A_161 = arith.muli %scan3A_159, %mul3A_160 : i32
        %add3A_162 = arith.constant 0 : i32
        %add3A_163 = arith.addi %add3A_162, %mul3A_161 : i32
        %get3A = arith.index_cast %add3A_163 : i32 to index
        %get3A_164 = tpu.vector_load %arg6[%get3A] {strides = array<i32>} : memref<320xi32, #tpu.memory_space<vmem>>, vector<16xi32>,
        %get3A_165 = vector.shape_cast %get3A_164 : vector<16xi32> to vector<16xi32>
        %add3A_166 = vector.broadcast %mul3A_40 : i32 to vector<16xi32>
        %add3A_167 = arith.addi %get3A_165, %add3A_166 : vector<16xi32>
        %swap3A = arith.index_cast %add3A_163 : i32 to index
        %swap3A_168 = tpu.vector_load %arg8[%swap3A] {strides = array<i32>} : memref<160xi32, #tpu.memory_space<vmem>>, vector<16xi32>,
        %swap3A_169 = vector.shape_cast %swap3A_168 : vector<16xi32> to vector<16xi32>
        %swap3A_170 = vector.shape_cast %add3A_167 : vector<16xi32> to vector<16xi32>
        tpu.vector_store %arg8[%swap3A], %swap3A_170 {strides = array<i32>} : memref<160xi32, #tpu.memory_space<vmem>>, vector<16xi32>,
        %add3A_171 = arith.constant 160 : i32
        %add3A_172 = arith.addi %add3A_171, %add3A_163 : i32
        %get3A_173 = arith.index_cast %add3A_172 : i32 to index
        %get3A_174 = tpu.vector_load %arg6[%get3A_173] {strides = array<i32>} : memref<320xi32, #tpu.memory_space<vmem>>, vector<16xi32>,
        %get3A_175 = vector.shape_cast %get3A_174 : vector<16xi32> to vector<16xi32>
        %swap3A_176 = arith.index_cast %add3A_163 : i32 to index
        %swap3A_177 = tpu.vector_load %arg10[%swap3A_176] {strides = array<i32>} : memref<160xi32, #tpu.memory_space<vmem>>, vector<16xi32>,
        %swap3A_178 = vector.shape_cast %swap3A_177 : vector<16xi32> to vector<16xi32>
        %swap3A_179 = vector.shape_cast %get3A_175 : vector<16xi32> to vector<16xi32>
        tpu.vector_store %arg10[%swap3A_176], %swap3A_179 {strides = array<i32>} : memref<160xi32, #tpu.memory_space<vmem>>, vector<16xi32>,
      }
      %scan3A_125 = arith.constant 10 : i32
      %dma_start3A_126 = arith.constant 0 : i32
      %dma_start3A_127 = arith.constant 0 : i32
      %dma_start3A_128 = tpu.memref_slice %arg2[%dma_start3A_126, %dma_start3A_127] : memref<20480x128xf32, #tpu.memory_space<hbm>> -> memref<20480x128xf32, #tpu.memory_space<hbm>>
      tpu.enqueue_indirect_dma source(%dma_start3A_128 : memref<20480x128xf32, #tpu.memory_space<hbm>>) target(%arg12 : memref<160x128xf32, #tpu.memory_space<vmem>>) offsets(%arg8 : memref<160xi32, #tpu.memory_space<vmem>>) semaphore(%arg18 : memref<!tpu.dma_semaphore, #tpu.memory_space<semaphore_mem>>)
      %dma_wait3A_129 = arith.constant 0 : i32
      %dma_wait3A_130 = arith.constant 0 : i32
      %dma_wait3A_131 = tpu.memref_slice %arg2[%dma_wait3A_129, %dma_wait3A_130] : memref<20480x128xf32, #tpu.memory_space<hbm>> -> memref<20480x128xf32, #tpu.memory_space<hbm>>
      tpu.wait_indirect_dma semaphore(%arg17 : memref<!tpu.dma_semaphore, #tpu.memory_space<semaphore_mem>>) src(%dma_wait3A_131 : memref<20480x128xf32, #tpu.memory_space<hbm>>) dst(%arg11 : memref<160x128xf32, #tpu.memory_space<vmem>>)
      %dma_start3A_132 = arith.constant 0 : i32
      %dma_start3A_133 = arith.constant 0 : i32
      %dma_start3A_134 = tpu.memref_slice %arg15[%dma_start3A_132, %dma_start3A_133] : memref<10240x128xf32, #tpu.memory_space<vmem_shared>> -> memref<10240x128xf32, #tpu.memory_space<vmem_shared>>
      tpu.enqueue_indirect_dma source(%arg11 : memref<160x128xf32, #tpu.memory_space<vmem>>) target(%dma_start3A_134 : memref<10240x128xf32, #tpu.memory_space<vmem_shared>>) offsets(%arg9 : memref<160xi32, #tpu.memory_space<vmem>>) semaphore(%arg19 : memref<!tpu.dma_semaphore, #tpu.memory_space<semaphore_mem>>) {add = true}
      %add3A_135 = arith.constant 3 : i32
      %add3A_136 = arith.addi %add3A_135, %add3A_110 : i32
      %add3A_137 = arith.constant 1 : i32
      %add3A_138 = arith.addi %add3A_136, %add3A_137 : i32
      %dma_wait3A_139 = arith.constant 0 : i32
      %dma_wait3A_140 = arith.constant 0 : i32
      %dma_wait3A_141 = tpu.memref_slice %arg15[%dma_wait3A_139, %dma_wait3A_140] : memref<10240x128xf32, #tpu.memory_space<vmem_shared>> -> memref<10240x128xf32, #tpu.memory_space<vmem_shared>>
      tpu.wait_indirect_dma semaphore(%arg19 : memref<!tpu.dma_semaphore, #tpu.memory_space<semaphore_mem>>) src(%arg11 : memref<160x128xf32, #tpu.memory_space<vmem>>) dst(%dma_wait3A_141 : memref<10240x128xf32, #tpu.memory_space<vmem_shared>>)
      %mul3A_142 = arith.constant 320 : i32
      %mul3A_143 = arith.muli %add3A_138, %mul3A_142 : i32
      %add3A_144 = arith.addi %mul3A_38, %mul3A_143 : i32
      "tpu.region"() ({
        %run_scoped3A = tpu.sem_alloc : memref<!tpu.dma_semaphore, #tpu.memory_space<semaphore_mem>>
        %dma_start3A_159 = tpu.memref_slice %arg3[%add3A_144] : memref<1280000xi32, #tpu.memory_space<hbm>> -> memref<320xi32, #tpu.memory_space<hbm>>
        %dma_start3A_160 = tpu.memref_slice %arg3[%add3A_144] : memref<1280000xi32, #tpu.memory_space<hbm>> -> memref<320xi32, #tpu.memory_space<hbm>>
        tpu.enqueue_dma source(%dma_start3A_160 : memref<320xi32, #tpu.memory_space<hbm>>) target(%arg5 : memref<320xi32, #tpu.memory_space<vmem>>) target_semaphore(%run_scoped3A : memref<!tpu.dma_semaphore, #tpu.memory_space<semaphore_mem>>)
        %dma_wait3A_161 = tpu.memref_slice %arg3[%add3A_144] : memref<1280000xi32, #tpu.memory_space<hbm>> -> memref<320xi32, #tpu.memory_space<hbm>>
        %dma_wait3A_162 = tpu.memref_slice %arg3[%add3A_144] : memref<1280000xi32, #tpu.memory_space<hbm>> -> memref<320xi32, #tpu.memory_space<hbm>>
        tpu.wait_dma2 semaphore(%run_scoped3A : memref<!tpu.dma_semaphore, #tpu.memory_space<semaphore_mem>>) src(%dma_wait3A_162 : memref<320xi32, #tpu.memory_space<hbm>>) dst(%arg5 : memref<320xi32, #tpu.memory_space<vmem>>)
        tpu.yield
      }) : () -> ()
      %scan3A_145 = arith.constant 0 : i32
      %scan3A_146 = arith.constant 10 : i32
      %scan3A_147 = arith.addi %scan3A_145, %scan3A_146 : i32
      %scan3A_148 = arith.constant 1 : i32
      scf.for %scan3A_159 = %scan3A_145 to %scan3A_147 step %scan3A_148  : i32 {
        %mul3A_160 = arith.constant 16 : i32
        %mul3A_161 = arith.muli %scan3A_159, %mul3A_160 : i32
        %add3A_162 = arith.constant 0 : i32
        %add3A_163 = arith.addi %add3A_162, %mul3A_161 : i32
        %get3A = arith.index_cast %add3A_163 : i32 to index
        %get3A_164 = tpu.vector_load %arg5[%get3A] {strides = array<i32>} : memref<320xi32, #tpu.memory_space<vmem>>, vector<16xi32>,
        %get3A_165 = vector.shape_cast %get3A_164 : vector<16xi32> to vector<16xi32>
        %add3A_166 = vector.broadcast %mul3A_40 : i32 to vector<16xi32>
        %add3A_167 = arith.addi %get3A_165, %add3A_166 : vector<16xi32>
        %swap3A = arith.index_cast %add3A_163 : i32 to index
        %swap3A_168 = tpu.vector_load %arg7[%swap3A] {strides = array<i32>} : memref<160xi32, #tpu.memory_space<vmem>>, vector<16xi32>,
        %swap3A_169 = vector.shape_cast %swap3A_168 : vector<16xi32> to vector<16xi32>
        %swap3A_170 = vector.shape_cast %add3A_167 : vector<16xi32> to vector<16xi32>
        tpu.vector_store %arg7[%swap3A], %swap3A_170 {strides = array<i32>} : memref<160xi32, #tpu.memory_space<vmem>>, vector<16xi32>,
        %add3A_171 = arith.constant 160 : i32
        %add3A_172 = arith.addi %add3A_171, %add3A_163 : i32
        %get3A_173 = arith.index_cast %add3A_172 : i32 to index
        %get3A_174 = tpu.vector_load %arg5[%get3A_173] {strides = array<i32>} : memref<320xi32, #tpu.memory_space<vmem>>, vector<16xi32>,
        %get3A_175 = vector.shape_cast %get3A_174 : vector<16xi32> to vector<16xi32>
        %swap3A_176 = arith.index_cast %add3A_163 : i32 to index
        %swap3A_177 = tpu.vector_load %arg9[%swap3A_176] {strides = array<i32>} : memref<160xi32, #tpu.memory_space<vmem>>, vector<16xi32>,
        %swap3A_178 = vector.shape_cast %swap3A_177 : vector<16xi32> to vector<16xi32>
        %swap3A_179 = vector.shape_cast %get3A_175 : vector<16xi32> to vector<16xi32>
        tpu.vector_store %arg9[%swap3A_176], %swap3A_179 {strides = array<i32>} : memref<160xi32, #tpu.memory_space<vmem>>, vector<16xi32>,
      }
      %scan3A_149 = arith.constant 10 : i32
      %dma_start3A_150 = arith.constant 0 : i32
      %dma_start3A_151 = arith.constant 0 : i32
      %dma_start3A_152 = tpu.memref_slice %arg2[%dma_start3A_150, %dma_start3A_151] : memref<20480x128xf32, #tpu.memory_space<hbm>> -> memref<20480x128xf32, #tpu.memory_space<hbm>>
      tpu.enqueue_indirect_dma source(%dma_start3A_152 : memref<20480x128xf32, #tpu.memory_space<hbm>>) target(%arg11 : memref<160x128xf32, #tpu.memory_space<vmem>>) offsets(%arg7 : memref<160xi32, #tpu.memory_space<vmem>>) semaphore(%arg17 : memref<!tpu.dma_semaphore, #tpu.memory_space<semaphore_mem>>)
      %dma_wait3A_153 = arith.constant 0 : i32
      %dma_wait3A_154 = arith.constant 0 : i32
      %dma_wait3A_155 = tpu.memref_slice %arg2[%dma_wait3A_153, %dma_wait3A_154] : memref<20480x128xf32, #tpu.memory_space<hbm>> -> memref<20480x128xf32, #tpu.memory_space<hbm>>
      tpu.wait_indirect_dma semaphore(%arg18 : memref<!tpu.dma_semaphore, #tpu.memory_space<semaphore_mem>>) src(%dma_wait3A_155 : memref<20480x128xf32, #tpu.memory_space<hbm>>) dst(%arg12 : memref<160x128xf32, #tpu.memory_space<vmem>>)
      %dma_start3A_156 = arith.constant 0 : i32
      %dma_start3A_157 = arith.constant 0 : i32
      %dma_start3A_158 = tpu.memref_slice %arg15[%dma_start3A_156, %dma_start3A_157] : memref<10240x128xf32, #tpu.memory_space<vmem_shared>> -> memref<10240x128xf32, #tpu.memory_space<vmem_shared>>
      tpu.enqueue_indirect_dma source(%arg12 : memref<160x128xf32, #tpu.memory_space<vmem>>) target(%dma_start3A_158 : memref<10240x128xf32, #tpu.memory_space<vmem_shared>>) offsets(%arg10 : memref<160xi32, #tpu.memory_space<vmem>>) semaphore(%arg20 : memref<!tpu.dma_semaphore, #tpu.memory_space<semaphore_mem>>) {add = true}
    }
    %scan3A_88 = arith.constant 61 : i32
    %dma_wait3A_89 = arith.constant 0 : i32
    %dma_wait3A_90 = arith.constant 0 : i32
    %dma_wait3A_91 = tpu.memref_slice %arg2[%dma_wait3A_89, %dma_wait3A_90] : memref<20480x128xf32, #tpu.memory_space<hbm>> -> memref<20480x128xf32, #tpu.memory_space<hbm>>
    tpu.wait_indirect_dma semaphore(%arg17 : memref<!tpu.dma_semaphore, #tpu.memory_space<semaphore_mem>>) src(%dma_wait3A_91 : memref<20480x128xf32, #tpu.memory_space<hbm>>) dst(%arg11 : memref<160x128xf32, #tpu.memory_space<vmem>>)
    %dma_start3A_92 = arith.constant 0 : i32
    %dma_start3A_93 = arith.constant 0 : i32
    %dma_start3A_94 = tpu.memref_slice %arg15[%dma_start3A_92, %dma_start3A_93] : memref<10240x128xf32, #tpu.memory_space<vmem_shared>> -> memref<10240x128xf32, #tpu.memory_space<vmem_shared>>
    tpu.enqueue_indirect_dma source(%arg11 : memref<160x128xf32, #tpu.memory_space<vmem>>) target(%dma_start3A_94 : memref<10240x128xf32, #tpu.memory_space<vmem_shared>>) offsets(%arg9 : memref<160xi32, #tpu.memory_space<vmem>>) semaphore(%arg19 : memref<!tpu.dma_semaphore, #tpu.memory_space<semaphore_mem>>) {add = true}
    %dma_wait3A_95 = arith.constant 0 : i32
    %dma_wait3A_96 = arith.constant 0 : i32
    %dma_wait3A_97 = tpu.memref_slice %arg15[%dma_wait3A_95, %dma_wait3A_96] : memref<10240x128xf32, #tpu.memory_space<vmem_shared>> -> memref<10240x128xf32, #tpu.memory_space<vmem_shared>>
    tpu.wait_indirect_dma semaphore(%arg20 : memref<!tpu.dma_semaphore, #tpu.memory_space<semaphore_mem>>) src(%arg12 : memref<160x128xf32, #tpu.memory_space<vmem>>) dst(%dma_wait3A_97 : memref<10240x128xf32, #tpu.memory_space<vmem_shared>>)
    %dma_wait3A_98 = arith.constant 0 : i32
    %dma_wait3A_99 = arith.constant 0 : i32
    %dma_wait3A_100 = tpu.memref_slice %arg15[%dma_wait3A_98, %dma_wait3A_99] : memref<10240x128xf32, #tpu.memory_space<vmem_shared>> -> memref<10240x128xf32, #tpu.memory_space<vmem_shared>>
    tpu.wait_indirect_dma semaphore(%arg19 : memref<!tpu.dma_semaphore, #tpu.memory_space<semaphore_mem>>) src(%arg11 : memref<160x128xf32, #tpu.memory_space<vmem>>) dst(%dma_wait3A_100 : memref<10240x128xf32, #tpu.memory_space<vmem_shared>>)
    %barrier3A_101 = arith.constant 0 : index
    tpu.barrier barrier_id(%barrier3A_101)
    %mul3A_102 = arith.constant 640 : i32
    %mul3A_103 = arith.muli %arg1, %mul3A_102 : i32
    %mul3A_104 = arith.constant 640 : i32
    %mul3A_105 = arith.muli %arg1, %mul3A_104 : i32
    "tpu.region"() ({
      %run_scoped3A = tpu.sem_alloc : memref<!tpu.dma_semaphore, #tpu.memory_space<semaphore_mem>>
      %dma_start3A_106 = arith.constant 0 : i32
      %dma_start3A_107 = tpu.memref_slice %arg4[%arg0, %mul3A_105, %dma_start3A_106] : memref<2x10240x128xf32, #tpu.memory_space<hbm>> -> memref<1x640x128xf32, #tpu.memory_space<hbm>>
      %dma_start3A_108 = tpu.memref_squeeze %dma_start3A_107 : memref<1x640x128xf32, #tpu.memory_space<hbm>> -> memref<640x128xf32, #tpu.memory_space<hbm>>
      %dma_start3A_109 = arith.constant 0 : i32
      %dma_start3A_110 = tpu.memref_slice %arg15[%mul3A_103, %dma_start3A_109] : memref<10240x128xf32, #tpu.memory_space<vmem_shared>> -> memref<640x128xf32, #tpu.memory_space<vmem_shared>>
      tpu.enqueue_dma source(%dma_start3A_110 : memref<640x128xf32, #tpu.memory_space<vmem_shared>>) target(%dma_start3A_108 : memref<640x128xf32, #tpu.memory_space<hbm>>) target_semaphore(%run_scoped3A : memref<!tpu.dma_semaphore, #tpu.memory_space<semaphore_mem>>)
      %dma_wait3A_111 = arith.constant 0 : i32
      %dma_wait3A_112 = tpu.memref_slice %arg4[%arg0, %mul3A_105, %dma_wait3A_111] : memref<2x10240x128xf32, #tpu.memory_space<hbm>> -> memref<1x640x128xf32, #tpu.memory_space<hbm>>
      %dma_wait3A_113 = tpu.memref_squeeze %dma_wait3A_112 : memref<1x640x128xf32, #tpu.memory_space<hbm>> -> memref<640x128xf32, #tpu.memory_space<hbm>>
      %dma_wait3A_114 = arith.constant 0 : i32
      %dma_wait3A_115 = tpu.memref_slice %arg15[%mul3A_103, %dma_wait3A_114] : memref<10240x128xf32, #tpu.memory_space<vmem_shared>> -> memref<640x128xf32, #tpu.memory_space<vmem_shared>>
      tpu.wait_dma2 semaphore(%run_scoped3A : memref<!tpu.dma_semaphore, #tpu.memory_space<semaphore_mem>>) src(%dma_wait3A_115 : memref<640x128xf32, #tpu.memory_space<vmem_shared>>) dst(%dma_wait3A_113 : memref<640x128xf32, #tpu.memory_space<hbm>>)
      tpu.yield
    }) : () -> ()
    return
  }
}

#map = affine_map<(d0, d1) -> (0, 0)>
#map1 = affine_map<(d0, d1) -> (0)>
#map2 = affine_map<(d0, d1) -> (0, 0, 0)>
module attributes {stable_mosaic.version = 14 : i64} {
  func.func @body(%arg0: i32, %arg1: i32, %arg2: memref<10240x128xf32, #tpu.memory_space<hbm>>, %arg3: memref<1280000xi32, #tpu.memory_space<hbm>>, %arg4: memref<2x10240x128xf32, #tpu.memory_space<hbm>>, %arg5: memref<20480xf32, #tpu.memory_space<hbm>>, %arg6: memref<320xi32, #tpu.memory_space<vmem>>, %arg7: memref<320xi32, #tpu.memory_space<vmem>>, %arg8: memref<160xi32, #tpu.memory_space<vmem>>, %arg9: memref<160xi32, #tpu.memory_space<vmem>>, %arg10: memref<160xi32, #tpu.memory_space<vmem>>, %arg11: memref<160xi32, #tpu.memory_space<vmem>>, %arg12: memref<160x128xf32, #tpu.memory_space<vmem>>, %arg13: memref<160x128xf32, #tpu.memory_space<vmem>>, %arg14: memref<160xf32, #tpu.memory_space<vmem>>, %arg15: memref<640xf32, #tpu.memory_space<vmem>>, %arg16: memref<10240x128xf32, #tpu.memory_space<vmem_shared>>, %arg17: memref<10240xf32, #tpu.memory_space<vmem_shared>>, %arg18: memref<!tpu.dma_semaphore, #tpu.memory_space<semaphore_mem>>, %arg19: memref<!tpu.dma_semaphore, #tpu.memory_space<semaphore_mem>>, %arg20: memref<!tpu.dma_semaphore, #tpu.memory_space<semaphore_mem>>, %arg21: memref<!tpu.dma_semaphore, #tpu.memory_space<semaphore_mem>>) attributes {dimension_semantics = [#tpu.dimension_semantics<core_parallel>, #tpu.dimension_semantics<subcore_parallel>], iteration_bounds = array<i64: 2, 16>, scalar_prefetch = 0 : i64, scratch_operands = 16 : i64, tpu.core_type = #tpu.core_type<sc_vector_subcore>, window_params = [{transform_indices = #map}, {transform_indices = #map1}, {transform_indices = #map2}, {transform_indices = #map1}]} {
    %scan3A = arith.constant 0 : i32
    %scan3A_0 = arith.constant 80 : i32
    %scan3A_1 = arith.addi %scan3A, %scan3A_0 : i32
    %scan3A_2 = arith.constant 1 : i32
    scf.for %scan3A_137 = %scan3A to %scan3A_1 step %scan3A_2  : i32 {
      %mul3A_138 = arith.constant 1 : i32
      %mul3A_139 = arith.muli %scan3A_137, %mul3A_138 : i32
      %add3A_140 = arith.constant 0 : i32
      %add3A_141 = arith.addi %add3A_140, %mul3A_139 : i32
      %broadcast_in_dim3A = arith.constant 0.000000e+00 : f32
      %broadcast_in_dim3A_142 = vector.broadcast %broadcast_in_dim3A : f32 to vector<16xf32>
      %swap3A = arith.index_cast %add3A_141 : i32 to index
      %swap3A_143 = arith.constant 0 : index
      %swap3A_144 = tpu.vector_load %arg12[%swap3A, %swap3A_143] {strides = array<i32>} : memref<160x128xf32, #tpu.memory_space<vmem>>, vector<1x16xf32>,
      %swap3A_145 = vector.shape_cast %swap3A_144 : vector<1x16xf32> to vector<16xf32>
      %swap3A_146 = vector.shape_cast %broadcast_in_dim3A_142 : vector<16xf32> to vector<1x16xf32>
      tpu.vector_store %arg12[%swap3A, %swap3A_143], %swap3A_146 {strides = array<i32>} : memref<160x128xf32, #tpu.memory_space<vmem>>, vector<1x16xf32>,
      %broadcast_in_dim3A_147 = arith.constant 0.000000e+00 : f32
      %broadcast_in_dim3A_148 = vector.broadcast %broadcast_in_dim3A_147 : f32 to vector<16xf32>
      %swap3A_149 = arith.index_cast %add3A_141 : i32 to index
      %swap3A_150 = arith.constant 16 : index
      %swap3A_151 = tpu.vector_load %arg12[%swap3A_149, %swap3A_150] {strides = array<i32>} : memref<160x128xf32, #tpu.memory_space<vmem>>, vector<1x16xf32>,
      %swap3A_152 = vector.shape_cast %swap3A_151 : vector<1x16xf32> to vector<16xf32>
      %swap3A_153 = vector.shape_cast %broadcast_in_dim3A_148 : vector<16xf32> to vector<1x16xf32>
      tpu.vector_store %arg12[%swap3A_149, %swap3A_150], %swap3A_153 {strides = array<i32>} : memref<160x128xf32, #tpu.memory_space<vmem>>, vector<1x16xf32>,
      %broadcast_in_dim3A_154 = arith.constant 0.000000e+00 : f32
      %broadcast_in_dim3A_155 = vector.broadcast %broadcast_in_dim3A_154 : f32 to vector<16xf32>
      %swap3A_156 = arith.index_cast %add3A_141 : i32 to index
      %swap3A_157 = arith.constant 32 : index
      %swap3A_158 = tpu.vector_load %arg12[%swap3A_156, %swap3A_157] {strides = array<i32>} : memref<160x128xf32, #tpu.memory_space<vmem>>, vector<1x16xf32>,
      %swap3A_159 = vector.shape_cast %swap3A_158 : vector<1x16xf32> to vector<16xf32>
      %swap3A_160 = vector.shape_cast %broadcast_in_dim3A_155 : vector<16xf32> to vector<1x16xf32>
      tpu.vector_store %arg12[%swap3A_156, %swap3A_157], %swap3A_160 {strides = array<i32>} : memref<160x128xf32, #tpu.memory_space<vmem>>, vector<1x16xf32>,
      %broadcast_in_dim3A_161 = arith.constant 0.000000e+00 : f32
      %broadcast_in_dim3A_162 = vector.broadcast %broadcast_in_dim3A_161 : f32 to vector<16xf32>
      %swap3A_163 = arith.index_cast %add3A_141 : i32 to index
      %swap3A_164 = arith.constant 48 : index
      %swap3A_165 = tpu.vector_load %arg12[%swap3A_163, %swap3A_164] {strides = array<i32>} : memref<160x128xf32, #tpu.memory_space<vmem>>, vector<1x16xf32>,
      %swap3A_166 = vector.shape_cast %swap3A_165 : vector<1x16xf32> to vector<16xf32>
      %swap3A_167 = vector.shape_cast %broadcast_in_dim3A_162 : vector<16xf32> to vector<1x16xf32>
      tpu.vector_store %arg12[%swap3A_163, %swap3A_164], %swap3A_167 {strides = array<i32>} : memref<160x128xf32, #tpu.memory_space<vmem>>, vector<1x16xf32>,
      %broadcast_in_dim3A_168 = arith.constant 0.000000e+00 : f32
      %broadcast_in_dim3A_169 = vector.broadcast %broadcast_in_dim3A_168 : f32 to vector<16xf32>
      %swap3A_170 = arith.index_cast %add3A_141 : i32 to index
      %swap3A_171 = arith.constant 64 : index
      %swap3A_172 = tpu.vector_load %arg12[%swap3A_170, %swap3A_171] {strides = array<i32>} : memref<160x128xf32, #tpu.memory_space<vmem>>, vector<1x16xf32>,
      %swap3A_173 = vector.shape_cast %swap3A_172 : vector<1x16xf32> to vector<16xf32>
      %swap3A_174 = vector.shape_cast %broadcast_in_dim3A_169 : vector<16xf32> to vector<1x16xf32>
      tpu.vector_store %arg12[%swap3A_170, %swap3A_171], %swap3A_174 {strides = array<i32>} : memref<160x128xf32, #tpu.memory_space<vmem>>, vector<1x16xf32>,
      %broadcast_in_dim3A_175 = arith.constant 0.000000e+00 : f32
      %broadcast_in_dim3A_176 = vector.broadcast %broadcast_in_dim3A_175 : f32 to vector<16xf32>
      %swap3A_177 = arith.index_cast %add3A_141 : i32 to index
      %swap3A_178 = arith.constant 80 : index
      %swap3A_179 = tpu.vector_load %arg12[%swap3A_177, %swap3A_178] {strides = array<i32>} : memref<160x128xf32, #tpu.memory_space<vmem>>, vector<1x16xf32>,
      %swap3A_180 = vector.shape_cast %swap3A_179 : vector<1x16xf32> to vector<16xf32>
      %swap3A_181 = vector.shape_cast %broadcast_in_dim3A_176 : vector<16xf32> to vector<1x16xf32>
      tpu.vector_store %arg12[%swap3A_177, %swap3A_178], %swap3A_181 {strides = array<i32>} : memref<160x128xf32, #tpu.memory_space<vmem>>, vector<1x16xf32>,
      %broadcast_in_dim3A_182 = arith.constant 0.000000e+00 : f32
      %broadcast_in_dim3A_183 = vector.broadcast %broadcast_in_dim3A_182 : f32 to vector<16xf32>
      %swap3A_184 = arith.index_cast %add3A_141 : i32 to index
      %swap3A_185 = arith.constant 96 : index
      %swap3A_186 = tpu.vector_load %arg12[%swap3A_184, %swap3A_185] {strides = array<i32>} : memref<160x128xf32, #tpu.memory_space<vmem>>, vector<1x16xf32>,
      %swap3A_187 = vector.shape_cast %swap3A_186 : vector<1x16xf32> to vector<16xf32>
      %swap3A_188 = vector.shape_cast %broadcast_in_dim3A_183 : vector<16xf32> to vector<1x16xf32>
      tpu.vector_store %arg12[%swap3A_184, %swap3A_185], %swap3A_188 {strides = array<i32>} : memref<160x128xf32, #tpu.memory_space<vmem>>, vector<1x16xf32>,
      %broadcast_in_dim3A_189 = arith.constant 0.000000e+00 : f32
      %broadcast_in_dim3A_190 = vector.broadcast %broadcast_in_dim3A_189 : f32 to vector<16xf32>
      %swap3A_191 = arith.index_cast %add3A_141 : i32 to index
      %swap3A_192 = arith.constant 112 : index
      %swap3A_193 = tpu.vector_load %arg12[%swap3A_191, %swap3A_192] {strides = array<i32>} : memref<160x128xf32, #tpu.memory_space<vmem>>, vector<1x16xf32>,
      %swap3A_194 = vector.shape_cast %swap3A_193 : vector<1x16xf32> to vector<16xf32>
      %swap3A_195 = vector.shape_cast %broadcast_in_dim3A_190 : vector<16xf32> to vector<1x16xf32>
      tpu.vector_store %arg12[%swap3A_191, %swap3A_192], %swap3A_195 {strides = array<i32>} : memref<160x128xf32, #tpu.memory_space<vmem>>, vector<1x16xf32>,
    }
    %scan3A_3 = arith.constant 80 : i32
    %mul3A = arith.constant 640 : i32
    %mul3A_4 = arith.muli %arg1, %mul3A : i32
    %add3A = arith.constant 0 : i32
    %add3A_5 = arith.addi %mul3A_4, %add3A : i32
    "tpu.region"() ({
      %run_scoped3A = tpu.sem_alloc : memref<!tpu.dma_semaphore, #tpu.memory_space<semaphore_mem>>
      %dma_start3A_137 = arith.constant 0 : i32
      %dma_start3A_138 = arith.constant 0 : i32
      %dma_start3A_139 = tpu.memref_slice %arg12[%dma_start3A_137, %dma_start3A_138] : memref<160x128xf32, #tpu.memory_space<vmem>> -> memref<80x128xf32, #tpu.memory_space<vmem>>
      %dma_start3A_140 = arith.constant 0 : i32
      %dma_start3A_141 = tpu.memref_slice %arg16[%add3A_5, %dma_start3A_140] : memref<10240x128xf32, #tpu.memory_space<vmem_shared>> -> memref<80x128xf32, #tpu.memory_space<vmem_shared>>
      %dma_start3A_142 = arith.constant 0 : i32
      %dma_start3A_143 = tpu.memref_slice %arg16[%add3A_5, %dma_start3A_142] : memref<10240x128xf32, #tpu.memory_space<vmem_shared>> -> memref<80x128xf32, #tpu.memory_space<vmem_shared>>
      %dma_start3A_144 = arith.constant 0 : i32
      %dma_start3A_145 = arith.constant 0 : i32
      %dma_start3A_146 = tpu.memref_slice %arg12[%dma_start3A_144, %dma_start3A_145] : memref<160x128xf32, #tpu.memory_space<vmem>> -> memref<80x128xf32, #tpu.memory_space<vmem>>
      tpu.enqueue_dma source(%dma_start3A_146 : memref<80x128xf32, #tpu.memory_space<vmem>>) target(%dma_start3A_143 : memref<80x128xf32, #tpu.memory_space<vmem_shared>>) target_semaphore(%run_scoped3A : memref<!tpu.dma_semaphore, #tpu.memory_space<semaphore_mem>>)
      %dma_wait3A_147 = arith.constant 0 : i32
      %dma_wait3A_148 = arith.constant 0 : i32
      %dma_wait3A_149 = tpu.memref_slice %arg12[%dma_wait3A_147, %dma_wait3A_148] : memref<160x128xf32, #tpu.memory_space<vmem>> -> memref<80x128xf32, #tpu.memory_space<vmem>>
      %dma_wait3A_150 = arith.constant 0 : i32
      %dma_wait3A_151 = tpu.memref_slice %arg16[%add3A_5, %dma_wait3A_150] : memref<10240x128xf32, #tpu.memory_space<vmem_shared>> -> memref<80x128xf32, #tpu.memory_space<vmem_shared>>
      %dma_wait3A_152 = arith.constant 0 : i32
      %dma_wait3A_153 = tpu.memref_slice %arg16[%add3A_5, %dma_wait3A_152] : memref<10240x128xf32, #tpu.memory_space<vmem_shared>> -> memref<80x128xf32, #tpu.memory_space<vmem_shared>>
      %dma_wait3A_154 = arith.constant 0 : i32
      %dma_wait3A_155 = arith.constant 0 : i32
      %dma_wait3A_156 = tpu.memref_slice %arg12[%dma_wait3A_154, %dma_wait3A_155] : memref<160x128xf32, #tpu.memory_space<vmem>> -> memref<80x128xf32, #tpu.memory_space<vmem>>
      tpu.wait_dma2 semaphore(%run_scoped3A : memref<!tpu.dma_semaphore, #tpu.memory_space<semaphore_mem>>) src(%dma_wait3A_156 : memref<80x128xf32, #tpu.memory_space<vmem>>) dst(%dma_wait3A_153 : memref<80x128xf32, #tpu.memory_space<vmem_shared>>)
      tpu.yield
    }) : () -> ()
    %mul3A_6 = arith.constant 640 : i32
    %mul3A_7 = arith.muli %arg1, %mul3A_6 : i32
    %add3A_8 = arith.constant 80 : i32
    %add3A_9 = arith.addi %mul3A_7, %add3A_8 : i32
    "tpu.region"() ({
      %run_scoped3A = tpu.sem_alloc : memref<!tpu.dma_semaphore, #tpu.memory_space<semaphore_mem>>
      %dma_start3A_137 = arith.constant 0 : i32
      %dma_start3A_138 = arith.constant 0 : i32
      %dma_start3A_139 = tpu.memref_slice %arg12[%dma_start3A_137, %dma_start3A_138] : memref<160x128xf32, #tpu.memory_space<vmem>> -> memref<80x128xf32, #tpu.memory_space<vmem>>
      %dma_start3A_140 = arith.constant 0 : i32
      %dma_start3A_141 = tpu.memref_slice %arg16[%add3A_9, %dma_start3A_140] : memref<10240x128xf32, #tpu.memory_space<vmem_shared>> -> memref<80x128xf32, #tpu.memory_space<vmem_shared>>
      %dma_start3A_142 = arith.constant 0 : i32
      %dma_start3A_143 = tpu.memref_slice %arg16[%add3A_9, %dma_start3A_142] : memref<10240x128xf32, #tpu.memory_space<vmem_shared>> -> memref<80x128xf32, #tpu.memory_space<vmem_shared>>
      %dma_start3A_144 = arith.constant 0 : i32
      %dma_start3A_145 = arith.constant 0 : i32
      %dma_start3A_146 = tpu.memref_slice %arg12[%dma_start3A_144, %dma_start3A_145] : memref<160x128xf32, #tpu.memory_space<vmem>> -> memref<80x128xf32, #tpu.memory_space<vmem>>
      tpu.enqueue_dma source(%dma_start3A_146 : memref<80x128xf32, #tpu.memory_space<vmem>>) target(%dma_start3A_143 : memref<80x128xf32, #tpu.memory_space<vmem_shared>>) target_semaphore(%run_scoped3A : memref<!tpu.dma_semaphore, #tpu.memory_space<semaphore_mem>>)
      %dma_wait3A_147 = arith.constant 0 : i32
      %dma_wait3A_148 = arith.constant 0 : i32
      %dma_wait3A_149 = tpu.memref_slice %arg12[%dma_wait3A_147, %dma_wait3A_148] : memref<160x128xf32, #tpu.memory_space<vmem>> -> memref<80x128xf32, #tpu.memory_space<vmem>>
      %dma_wait3A_150 = arith.constant 0 : i32
      %dma_wait3A_151 = tpu.memref_slice %arg16[%add3A_9, %dma_wait3A_150] : memref<10240x128xf32, #tpu.memory_space<vmem_shared>> -> memref<80x128xf32, #tpu.memory_space<vmem_shared>>
      %dma_wait3A_152 = arith.constant 0 : i32
      %dma_wait3A_153 = tpu.memref_slice %arg16[%add3A_9, %dma_wait3A_152] : memref<10240x128xf32, #tpu.memory_space<vmem_shared>> -> memref<80x128xf32, #tpu.memory_space<vmem_shared>>
      %dma_wait3A_154 = arith.constant 0 : i32
      %dma_wait3A_155 = arith.constant 0 : i32
      %dma_wait3A_156 = tpu.memref_slice %arg12[%dma_wait3A_154, %dma_wait3A_155] : memref<160x128xf32, #tpu.memory_space<vmem>> -> memref<80x128xf32, #tpu.memory_space<vmem>>
      tpu.wait_dma2 semaphore(%run_scoped3A : memref<!tpu.dma_semaphore, #tpu.memory_space<semaphore_mem>>) src(%dma_wait3A_156 : memref<80x128xf32, #tpu.memory_space<vmem>>) dst(%dma_wait3A_153 : memref<80x128xf32, #tpu.memory_space<vmem_shared>>)
      tpu.yield
    }) : () -> ()
    %mul3A_10 = arith.constant 640 : i32
    %mul3A_11 = arith.muli %arg1, %mul3A_10 : i32
    %add3A_12 = arith.constant 160 : i32
    %add3A_13 = arith.addi %mul3A_11, %add3A_12 : i32
    "tpu.region"() ({
      %run_scoped3A = tpu.sem_alloc : memref<!tpu.dma_semaphore, #tpu.memory_space<semaphore_mem>>
      %dma_start3A_137 = arith.constant 0 : i32
      %dma_start3A_138 = arith.constant 0 : i32
      %dma_start3A_139 = tpu.memref_slice %arg12[%dma_start3A_137, %dma_start3A_138] : memref<160x128xf32, #tpu.memory_space<vmem>> -> memref<80x128xf32, #tpu.memory_space<vmem>>
      %dma_start3A_140 = arith.constant 0 : i32
      %dma_start3A_141 = tpu.memref_slice %arg16[%add3A_13, %dma_start3A_140] : memref<10240x128xf32, #tpu.memory_space<vmem_shared>> -> memref<80x128xf32, #tpu.memory_space<vmem_shared>>
      %dma_start3A_142 = arith.constant 0 : i32
      %dma_start3A_143 = tpu.memref_slice %arg16[%add3A_13, %dma_start3A_142] : memref<10240x128xf32, #tpu.memory_space<vmem_shared>> -> memref<80x128xf32, #tpu.memory_space<vmem_shared>>
      %dma_start3A_144 = arith.constant 0 : i32
      %dma_start3A_145 = arith.constant 0 : i32
      %dma_start3A_146 = tpu.memref_slice %arg12[%dma_start3A_144, %dma_start3A_145] : memref<160x128xf32, #tpu.memory_space<vmem>> -> memref<80x128xf32, #tpu.memory_space<vmem>>
      tpu.enqueue_dma source(%dma_start3A_146 : memref<80x128xf32, #tpu.memory_space<vmem>>) target(%dma_start3A_143 : memref<80x128xf32, #tpu.memory_space<vmem_shared>>) target_semaphore(%run_scoped3A : memref<!tpu.dma_semaphore, #tpu.memory_space<semaphore_mem>>)
      %dma_wait3A_147 = arith.constant 0 : i32
      %dma_wait3A_148 = arith.constant 0 : i32
      %dma_wait3A_149 = tpu.memref_slice %arg12[%dma_wait3A_147, %dma_wait3A_148] : memref<160x128xf32, #tpu.memory_space<vmem>> -> memref<80x128xf32, #tpu.memory_space<vmem>>
      %dma_wait3A_150 = arith.constant 0 : i32
      %dma_wait3A_151 = tpu.memref_slice %arg16[%add3A_13, %dma_wait3A_150] : memref<10240x128xf32, #tpu.memory_space<vmem_shared>> -> memref<80x128xf32, #tpu.memory_space<vmem_shared>>
      %dma_wait3A_152 = arith.constant 0 : i32
      %dma_wait3A_153 = tpu.memref_slice %arg16[%add3A_13, %dma_wait3A_152] : memref<10240x128xf32, #tpu.memory_space<vmem_shared>> -> memref<80x128xf32, #tpu.memory_space<vmem_shared>>
      %dma_wait3A_154 = arith.constant 0 : i32
      %dma_wait3A_155 = arith.constant 0 : i32
      %dma_wait3A_156 = tpu.memref_slice %arg12[%dma_wait3A_154, %dma_wait3A_155] : memref<160x128xf32, #tpu.memory_space<vmem>> -> memref<80x128xf32, #tpu.memory_space<vmem>>
      tpu.wait_dma2 semaphore(%run_scoped3A : memref<!tpu.dma_semaphore, #tpu.memory_space<semaphore_mem>>) src(%dma_wait3A_156 : memref<80x128xf32, #tpu.memory_space<vmem>>) dst(%dma_wait3A_153 : memref<80x128xf32, #tpu.memory_space<vmem_shared>>)
      tpu.yield
    }) : () -> ()
    %mul3A_14 = arith.constant 640 : i32
    %mul3A_15 = arith.muli %arg1, %mul3A_14 : i32
    %add3A_16 = arith.constant 240 : i32
    %add3A_17 = arith.addi %mul3A_15, %add3A_16 : i32
    "tpu.region"() ({
      %run_scoped3A = tpu.sem_alloc : memref<!tpu.dma_semaphore, #tpu.memory_space<semaphore_mem>>
      %dma_start3A_137 = arith.constant 0 : i32
      %dma_start3A_138 = arith.constant 0 : i32
      %dma_start3A_139 = tpu.memref_slice %arg12[%dma_start3A_137, %dma_start3A_138] : memref<160x128xf32, #tpu.memory_space<vmem>> -> memref<80x128xf32, #tpu.memory_space<vmem>>
      %dma_start3A_140 = arith.constant 0 : i32
      %dma_start3A_141 = tpu.memref_slice %arg16[%add3A_17, %dma_start3A_140] : memref<10240x128xf32, #tpu.memory_space<vmem_shared>> -> memref<80x128xf32, #tpu.memory_space<vmem_shared>>
      %dma_start3A_142 = arith.constant 0 : i32
      %dma_start3A_143 = tpu.memref_slice %arg16[%add3A_17, %dma_start3A_142] : memref<10240x128xf32, #tpu.memory_space<vmem_shared>> -> memref<80x128xf32, #tpu.memory_space<vmem_shared>>
      %dma_start3A_144 = arith.constant 0 : i32
      %dma_start3A_145 = arith.constant 0 : i32
      %dma_start3A_146 = tpu.memref_slice %arg12[%dma_start3A_144, %dma_start3A_145] : memref<160x128xf32, #tpu.memory_space<vmem>> -> memref<80x128xf32, #tpu.memory_space<vmem>>
      tpu.enqueue_dma source(%dma_start3A_146 : memref<80x128xf32, #tpu.memory_space<vmem>>) target(%dma_start3A_143 : memref<80x128xf32, #tpu.memory_space<vmem_shared>>) target_semaphore(%run_scoped3A : memref<!tpu.dma_semaphore, #tpu.memory_space<semaphore_mem>>)
      %dma_wait3A_147 = arith.constant 0 : i32
      %dma_wait3A_148 = arith.constant 0 : i32
      %dma_wait3A_149 = tpu.memref_slice %arg12[%dma_wait3A_147, %dma_wait3A_148] : memref<160x128xf32, #tpu.memory_space<vmem>> -> memref<80x128xf32, #tpu.memory_space<vmem>>
      %dma_wait3A_150 = arith.constant 0 : i32
      %dma_wait3A_151 = tpu.memref_slice %arg16[%add3A_17, %dma_wait3A_150] : memref<10240x128xf32, #tpu.memory_space<vmem_shared>> -> memref<80x128xf32, #tpu.memory_space<vmem_shared>>
      %dma_wait3A_152 = arith.constant 0 : i32
      %dma_wait3A_153 = tpu.memref_slice %arg16[%add3A_17, %dma_wait3A_152] : memref<10240x128xf32, #tpu.memory_space<vmem_shared>> -> memref<80x128xf32, #tpu.memory_space<vmem_shared>>
      %dma_wait3A_154 = arith.constant 0 : i32
      %dma_wait3A_155 = arith.constant 0 : i32
      %dma_wait3A_156 = tpu.memref_slice %arg12[%dma_wait3A_154, %dma_wait3A_155] : memref<160x128xf32, #tpu.memory_space<vmem>> -> memref<80x128xf32, #tpu.memory_space<vmem>>
      tpu.wait_dma2 semaphore(%run_scoped3A : memref<!tpu.dma_semaphore, #tpu.memory_space<semaphore_mem>>) src(%dma_wait3A_156 : memref<80x128xf32, #tpu.memory_space<vmem>>) dst(%dma_wait3A_153 : memref<80x128xf32, #tpu.memory_space<vmem_shared>>)
      tpu.yield
    }) : () -> ()
    %mul3A_18 = arith.constant 640 : i32
    %mul3A_19 = arith.muli %arg1, %mul3A_18 : i32
    %add3A_20 = arith.constant 320 : i32
    %add3A_21 = arith.addi %mul3A_19, %add3A_20 : i32
    "tpu.region"() ({
      %run_scoped3A = tpu.sem_alloc : memref<!tpu.dma_semaphore, #tpu.memory_space<semaphore_mem>>
      %dma_start3A_137 = arith.constant 0 : i32
      %dma_start3A_138 = arith.constant 0 : i32
      %dma_start3A_139 = tpu.memref_slice %arg12[%dma_start3A_137, %dma_start3A_138] : memref<160x128xf32, #tpu.memory_space<vmem>> -> memref<80x128xf32, #tpu.memory_space<vmem>>
      %dma_start3A_140 = arith.constant 0 : i32
      %dma_start3A_141 = tpu.memref_slice %arg16[%add3A_21, %dma_start3A_140] : memref<10240x128xf32, #tpu.memory_space<vmem_shared>> -> memref<80x128xf32, #tpu.memory_space<vmem_shared>>
      %dma_start3A_142 = arith.constant 0 : i32
      %dma_start3A_143 = tpu.memref_slice %arg16[%add3A_21, %dma_start3A_142] : memref<10240x128xf32, #tpu.memory_space<vmem_shared>> -> memref<80x128xf32, #tpu.memory_space<vmem_shared>>
      %dma_start3A_144 = arith.constant 0 : i32
      %dma_start3A_145 = arith.constant 0 : i32
      %dma_start3A_146 = tpu.memref_slice %arg12[%dma_start3A_144, %dma_start3A_145] : memref<160x128xf32, #tpu.memory_space<vmem>> -> memref<80x128xf32, #tpu.memory_space<vmem>>
      tpu.enqueue_dma source(%dma_start3A_146 : memref<80x128xf32, #tpu.memory_space<vmem>>) target(%dma_start3A_143 : memref<80x128xf32, #tpu.memory_space<vmem_shared>>) target_semaphore(%run_scoped3A : memref<!tpu.dma_semaphore, #tpu.memory_space<semaphore_mem>>)
      %dma_wait3A_147 = arith.constant 0 : i32
      %dma_wait3A_148 = arith.constant 0 : i32
      %dma_wait3A_149 = tpu.memref_slice %arg12[%dma_wait3A_147, %dma_wait3A_148] : memref<160x128xf32, #tpu.memory_space<vmem>> -> memref<80x128xf32, #tpu.memory_space<vmem>>
      %dma_wait3A_150 = arith.constant 0 : i32
      %dma_wait3A_151 = tpu.memref_slice %arg16[%add3A_21, %dma_wait3A_150] : memref<10240x128xf32, #tpu.memory_space<vmem_shared>> -> memref<80x128xf32, #tpu.memory_space<vmem_shared>>
      %dma_wait3A_152 = arith.constant 0 : i32
      %dma_wait3A_153 = tpu.memref_slice %arg16[%add3A_21, %dma_wait3A_152] : memref<10240x128xf32, #tpu.memory_space<vmem_shared>> -> memref<80x128xf32, #tpu.memory_space<vmem_shared>>
      %dma_wait3A_154 = arith.constant 0 : i32
      %dma_wait3A_155 = arith.constant 0 : i32
      %dma_wait3A_156 = tpu.memref_slice %arg12[%dma_wait3A_154, %dma_wait3A_155] : memref<160x128xf32, #tpu.memory_space<vmem>> -> memref<80x128xf32, #tpu.memory_space<vmem>>
      tpu.wait_dma2 semaphore(%run_scoped3A : memref<!tpu.dma_semaphore, #tpu.memory_space<semaphore_mem>>) src(%dma_wait3A_156 : memref<80x128xf32, #tpu.memory_space<vmem>>) dst(%dma_wait3A_153 : memref<80x128xf32, #tpu.memory_space<vmem_shared>>)
      tpu.yield
    }) : () -> ()
    %mul3A_22 = arith.constant 640 : i32
    %mul3A_23 = arith.muli %arg1, %mul3A_22 : i32
    %add3A_24 = arith.constant 400 : i32
    %add3A_25 = arith.addi %mul3A_23, %add3A_24 : i32
    "tpu.region"() ({
      %run_scoped3A = tpu.sem_alloc : memref<!tpu.dma_semaphore, #tpu.memory_space<semaphore_mem>>
      %dma_start3A_137 = arith.constant 0 : i32
      %dma_start3A_138 = arith.constant 0 : i32
      %dma_start3A_139 = tpu.memref_slice %arg12[%dma_start3A_137, %dma_start3A_138] : memref<160x128xf32, #tpu.memory_space<vmem>> -> memref<80x128xf32, #tpu.memory_space<vmem>>
      %dma_start3A_140 = arith.constant 0 : i32
      %dma_start3A_141 = tpu.memref_slice %arg16[%add3A_25, %dma_start3A_140] : memref<10240x128xf32, #tpu.memory_space<vmem_shared>> -> memref<80x128xf32, #tpu.memory_space<vmem_shared>>
      %dma_start3A_142 = arith.constant 0 : i32
      %dma_start3A_143 = tpu.memref_slice %arg16[%add3A_25, %dma_start3A_142] : memref<10240x128xf32, #tpu.memory_space<vmem_shared>> -> memref<80x128xf32, #tpu.memory_space<vmem_shared>>
      %dma_start3A_144 = arith.constant 0 : i32
      %dma_start3A_145 = arith.constant 0 : i32
      %dma_start3A_146 = tpu.memref_slice %arg12[%dma_start3A_144, %dma_start3A_145] : memref<160x128xf32, #tpu.memory_space<vmem>> -> memref<80x128xf32, #tpu.memory_space<vmem>>
      tpu.enqueue_dma source(%dma_start3A_146 : memref<80x128xf32, #tpu.memory_space<vmem>>) target(%dma_start3A_143 : memref<80x128xf32, #tpu.memory_space<vmem_shared>>) target_semaphore(%run_scoped3A : memref<!tpu.dma_semaphore, #tpu.memory_space<semaphore_mem>>)
      %dma_wait3A_147 = arith.constant 0 : i32
      %dma_wait3A_148 = arith.constant 0 : i32
      %dma_wait3A_149 = tpu.memref_slice %arg12[%dma_wait3A_147, %dma_wait3A_148] : memref<160x128xf32, #tpu.memory_space<vmem>> -> memref<80x128xf32, #tpu.memory_space<vmem>>
      %dma_wait3A_150 = arith.constant 0 : i32
      %dma_wait3A_151 = tpu.memref_slice %arg16[%add3A_25, %dma_wait3A_150] : memref<10240x128xf32, #tpu.memory_space<vmem_shared>> -> memref<80x128xf32, #tpu.memory_space<vmem_shared>>
      %dma_wait3A_152 = arith.constant 0 : i32
      %dma_wait3A_153 = tpu.memref_slice %arg16[%add3A_25, %dma_wait3A_152] : memref<10240x128xf32, #tpu.memory_space<vmem_shared>> -> memref<80x128xf32, #tpu.memory_space<vmem_shared>>
      %dma_wait3A_154 = arith.constant 0 : i32
      %dma_wait3A_155 = arith.constant 0 : i32
      %dma_wait3A_156 = tpu.memref_slice %arg12[%dma_wait3A_154, %dma_wait3A_155] : memref<160x128xf32, #tpu.memory_space<vmem>> -> memref<80x128xf32, #tpu.memory_space<vmem>>
      tpu.wait_dma2 semaphore(%run_scoped3A : memref<!tpu.dma_semaphore, #tpu.memory_space<semaphore_mem>>) src(%dma_wait3A_156 : memref<80x128xf32, #tpu.memory_space<vmem>>) dst(%dma_wait3A_153 : memref<80x128xf32, #tpu.memory_space<vmem_shared>>)
      tpu.yield
    }) : () -> ()
    %mul3A_26 = arith.constant 640 : i32
    %mul3A_27 = arith.muli %arg1, %mul3A_26 : i32
    %add3A_28 = arith.constant 480 : i32
    %add3A_29 = arith.addi %mul3A_27, %add3A_28 : i32
    "tpu.region"() ({
      %run_scoped3A = tpu.sem_alloc : memref<!tpu.dma_semaphore, #tpu.memory_space<semaphore_mem>>
      %dma_start3A_137 = arith.constant 0 : i32
      %dma_start3A_138 = arith.constant 0 : i32
      %dma_start3A_139 = tpu.memref_slice %arg12[%dma_start3A_137, %dma_start3A_138] : memref<160x128xf32, #tpu.memory_space<vmem>> -> memref<80x128xf32, #tpu.memory_space<vmem>>
      %dma_start3A_140 = arith.constant 0 : i32
      %dma_start3A_141 = tpu.memref_slice %arg16[%add3A_29, %dma_start3A_140] : memref<10240x128xf32, #tpu.memory_space<vmem_shared>> -> memref<80x128xf32, #tpu.memory_space<vmem_shared>>
      %dma_start3A_142 = arith.constant 0 : i32
      %dma_start3A_143 = tpu.memref_slice %arg16[%add3A_29, %dma_start3A_142] : memref<10240x128xf32, #tpu.memory_space<vmem_shared>> -> memref<80x128xf32, #tpu.memory_space<vmem_shared>>
      %dma_start3A_144 = arith.constant 0 : i32
      %dma_start3A_145 = arith.constant 0 : i32
      %dma_start3A_146 = tpu.memref_slice %arg12[%dma_start3A_144, %dma_start3A_145] : memref<160x128xf32, #tpu.memory_space<vmem>> -> memref<80x128xf32, #tpu.memory_space<vmem>>
      tpu.enqueue_dma source(%dma_start3A_146 : memref<80x128xf32, #tpu.memory_space<vmem>>) target(%dma_start3A_143 : memref<80x128xf32, #tpu.memory_space<vmem_shared>>) target_semaphore(%run_scoped3A : memref<!tpu.dma_semaphore, #tpu.memory_space<semaphore_mem>>)
      %dma_wait3A_147 = arith.constant 0 : i32
      %dma_wait3A_148 = arith.constant 0 : i32
      %dma_wait3A_149 = tpu.memref_slice %arg12[%dma_wait3A_147, %dma_wait3A_148] : memref<160x128xf32, #tpu.memory_space<vmem>> -> memref<80x128xf32, #tpu.memory_space<vmem>>
      %dma_wait3A_150 = arith.constant 0 : i32
      %dma_wait3A_151 = tpu.memref_slice %arg16[%add3A_29, %dma_wait3A_150] : memref<10240x128xf32, #tpu.memory_space<vmem_shared>> -> memref<80x128xf32, #tpu.memory_space<vmem_shared>>
      %dma_wait3A_152 = arith.constant 0 : i32
      %dma_wait3A_153 = tpu.memref_slice %arg16[%add3A_29, %dma_wait3A_152] : memref<10240x128xf32, #tpu.memory_space<vmem_shared>> -> memref<80x128xf32, #tpu.memory_space<vmem_shared>>
      %dma_wait3A_154 = arith.constant 0 : i32
      %dma_wait3A_155 = arith.constant 0 : i32
      %dma_wait3A_156 = tpu.memref_slice %arg12[%dma_wait3A_154, %dma_wait3A_155] : memref<160x128xf32, #tpu.memory_space<vmem>> -> memref<80x128xf32, #tpu.memory_space<vmem>>
      tpu.wait_dma2 semaphore(%run_scoped3A : memref<!tpu.dma_semaphore, #tpu.memory_space<semaphore_mem>>) src(%dma_wait3A_156 : memref<80x128xf32, #tpu.memory_space<vmem>>) dst(%dma_wait3A_153 : memref<80x128xf32, #tpu.memory_space<vmem_shared>>)
      tpu.yield
    }) : () -> ()
    %mul3A_30 = arith.constant 640 : i32
    %mul3A_31 = arith.muli %arg1, %mul3A_30 : i32
    %add3A_32 = arith.constant 560 : i32
    %add3A_33 = arith.addi %mul3A_31, %add3A_32 : i32
    "tpu.region"() ({
      %run_scoped3A = tpu.sem_alloc : memref<!tpu.dma_semaphore, #tpu.memory_space<semaphore_mem>>
      %dma_start3A_137 = arith.constant 0 : i32
      %dma_start3A_138 = arith.constant 0 : i32
      %dma_start3A_139 = tpu.memref_slice %arg12[%dma_start3A_137, %dma_start3A_138] : memref<160x128xf32, #tpu.memory_space<vmem>> -> memref<80x128xf32, #tpu.memory_space<vmem>>
      %dma_start3A_140 = arith.constant 0 : i32
      %dma_start3A_141 = tpu.memref_slice %arg16[%add3A_33, %dma_start3A_140] : memref<10240x128xf32, #tpu.memory_space<vmem_shared>> -> memref<80x128xf32, #tpu.memory_space<vmem_shared>>
      %dma_start3A_142 = arith.constant 0 : i32
      %dma_start3A_143 = tpu.memref_slice %arg16[%add3A_33, %dma_start3A_142] : memref<10240x128xf32, #tpu.memory_space<vmem_shared>> -> memref<80x128xf32, #tpu.memory_space<vmem_shared>>
      %dma_start3A_144 = arith.constant 0 : i32
      %dma_start3A_145 = arith.constant 0 : i32
      %dma_start3A_146 = tpu.memref_slice %arg12[%dma_start3A_144, %dma_start3A_145] : memref<160x128xf32, #tpu.memory_space<vmem>> -> memref<80x128xf32, #tpu.memory_space<vmem>>
      tpu.enqueue_dma source(%dma_start3A_146 : memref<80x128xf32, #tpu.memory_space<vmem>>) target(%dma_start3A_143 : memref<80x128xf32, #tpu.memory_space<vmem_shared>>) target_semaphore(%run_scoped3A : memref<!tpu.dma_semaphore, #tpu.memory_space<semaphore_mem>>)
      %dma_wait3A_147 = arith.constant 0 : i32
      %dma_wait3A_148 = arith.constant 0 : i32
      %dma_wait3A_149 = tpu.memref_slice %arg12[%dma_wait3A_147, %dma_wait3A_148] : memref<160x128xf32, #tpu.memory_space<vmem>> -> memref<80x128xf32, #tpu.memory_space<vmem>>
      %dma_wait3A_150 = arith.constant 0 : i32
      %dma_wait3A_151 = tpu.memref_slice %arg16[%add3A_33, %dma_wait3A_150] : memref<10240x128xf32, #tpu.memory_space<vmem_shared>> -> memref<80x128xf32, #tpu.memory_space<vmem_shared>>
      %dma_wait3A_152 = arith.constant 0 : i32
      %dma_wait3A_153 = tpu.memref_slice %arg16[%add3A_33, %dma_wait3A_152] : memref<10240x128xf32, #tpu.memory_space<vmem_shared>> -> memref<80x128xf32, #tpu.memory_space<vmem_shared>>
      %dma_wait3A_154 = arith.constant 0 : i32
      %dma_wait3A_155 = arith.constant 0 : i32
      %dma_wait3A_156 = tpu.memref_slice %arg12[%dma_wait3A_154, %dma_wait3A_155] : memref<160x128xf32, #tpu.memory_space<vmem>> -> memref<80x128xf32, #tpu.memory_space<vmem>>
      tpu.wait_dma2 semaphore(%run_scoped3A : memref<!tpu.dma_semaphore, #tpu.memory_space<semaphore_mem>>) src(%dma_wait3A_156 : memref<80x128xf32, #tpu.memory_space<vmem>>) dst(%dma_wait3A_153 : memref<80x128xf32, #tpu.memory_space<vmem_shared>>)
      tpu.yield
    }) : () -> ()
    %scan3A_34 = arith.constant 0 : i32
    %scan3A_35 = arith.constant 40 : i32
    %scan3A_36 = arith.addi %scan3A_34, %scan3A_35 : i32
    %scan3A_37 = arith.constant 1 : i32
    scf.for %scan3A_137 = %scan3A_34 to %scan3A_36 step %scan3A_37  : i32 {
      %mul3A_138 = arith.constant 16 : i32
      %mul3A_139 = arith.muli %scan3A_137, %mul3A_138 : i32
      %add3A_140 = arith.constant 0 : i32
      %add3A_141 = arith.addi %add3A_140, %mul3A_139 : i32
      %broadcast_in_dim3A = arith.constant 0.000000e+00 : f32
      %broadcast_in_dim3A_142 = vector.broadcast %broadcast_in_dim3A : f32 to vector<16xf32>
      %swap3A = arith.index_cast %add3A_141 : i32 to index
      %swap3A_143 = tpu.vector_load %arg15[%swap3A] {strides = array<i32>} : memref<640xf32, #tpu.memory_space<vmem>>, vector<16xf32>,
      %swap3A_144 = vector.shape_cast %swap3A_143 : vector<16xf32> to vector<16xf32>
      %swap3A_145 = vector.shape_cast %broadcast_in_dim3A_142 : vector<16xf32> to vector<16xf32>
      tpu.vector_store %arg15[%swap3A], %swap3A_145 {strides = array<i32>} : memref<640xf32, #tpu.memory_space<vmem>>, vector<16xf32>,
    }
    %scan3A_38 = arith.constant 40 : i32
    %mul3A_39 = arith.constant 640 : i32
    %mul3A_40 = arith.muli %arg1, %mul3A_39 : i32
    "tpu.region"() ({
      %run_scoped3A = tpu.sem_alloc : memref<!tpu.dma_semaphore, #tpu.memory_space<semaphore_mem>>
      %dma_start3A_137 = tpu.memref_slice %arg17[%mul3A_40] : memref<10240xf32, #tpu.memory_space<vmem_shared>> -> memref<640xf32, #tpu.memory_space<vmem_shared>>
      %dma_start3A_138 = tpu.memref_slice %arg17[%mul3A_40] : memref<10240xf32, #tpu.memory_space<vmem_shared>> -> memref<640xf32, #tpu.memory_space<vmem_shared>>
      tpu.enqueue_dma source(%arg15 : memref<640xf32, #tpu.memory_space<vmem>>) target(%dma_start3A_138 : memref<640xf32, #tpu.memory_space<vmem_shared>>) target_semaphore(%run_scoped3A : memref<!tpu.dma_semaphore, #tpu.memory_space<semaphore_mem>>)
      %dma_wait3A_139 = tpu.memref_slice %arg17[%mul3A_40] : memref<10240xf32, #tpu.memory_space<vmem_shared>> -> memref<640xf32, #tpu.memory_space<vmem_shared>>
      %dma_wait3A_140 = tpu.memref_slice %arg17[%mul3A_40] : memref<10240xf32, #tpu.memory_space<vmem_shared>> -> memref<640xf32, #tpu.memory_space<vmem_shared>>
      tpu.wait_dma2 semaphore(%run_scoped3A : memref<!tpu.dma_semaphore, #tpu.memory_space<semaphore_mem>>) src(%arg15 : memref<640xf32, #tpu.memory_space<vmem>>) dst(%dma_wait3A_140 : memref<640xf32, #tpu.memory_space<vmem_shared>>)
      tpu.yield
    }) : () -> ()
    %scan3A_41 = arith.constant 0 : i32
    %scan3A_42 = arith.constant 10 : i32
    %scan3A_43 = arith.addi %scan3A_41, %scan3A_42 : i32
    %scan3A_44 = arith.constant 1 : i32
    scf.for %scan3A_137 = %scan3A_41 to %scan3A_43 step %scan3A_44  : i32 {
      %mul3A_138 = arith.constant 16 : i32
      %mul3A_139 = arith.muli %scan3A_137, %mul3A_138 : i32
      %add3A_140 = arith.constant 0 : i32
      %add3A_141 = arith.addi %add3A_140, %mul3A_139 : i32
      %broadcast_in_dim3A = arith.constant 1.000000e+00 : f32
      %broadcast_in_dim3A_142 = vector.broadcast %broadcast_in_dim3A : f32 to vector<16xf32>
      %swap3A = arith.index_cast %add3A_141 : i32 to index
      %swap3A_143 = tpu.vector_load %arg14[%swap3A] {strides = array<i32>} : memref<160xf32, #tpu.memory_space<vmem>>, vector<16xf32>,
      %swap3A_144 = vector.shape_cast %swap3A_143 : vector<16xf32> to vector<16xf32>
      %swap3A_145 = vector.shape_cast %broadcast_in_dim3A_142 : vector<16xf32> to vector<16xf32>
      tpu.vector_store %arg14[%swap3A], %swap3A_145 {strides = array<i32>} : memref<160xf32, #tpu.memory_space<vmem>>, vector<16xf32>,
    }
    %scan3A_45 = arith.constant 10 : i32
    %barrier3A = arith.constant 0 : index
    tpu.barrier barrier_id(%barrier3A)
    %mul3A_46 = arith.constant 16 : i32
    %mul3A_47 = arith.muli %arg0, %mul3A_46 : i32
    %add3A_48 = arith.addi %mul3A_47, %arg1 : i32
    %mul3A_49 = arith.constant 40000 : i32
    %mul3A_50 = arith.muli %add3A_48, %mul3A_49 : i32
    %mul3A_51 = arith.constant 0 : i32
    %mul3A_52 = arith.muli %arg0, %mul3A_51 : i32
    %add3A_53 = arith.constant 0 : i32
    %add3A_54 = arith.addi %mul3A_50, %add3A_53 : i32
    "tpu.region"() ({
      %run_scoped3A = tpu.sem_alloc : memref<!tpu.dma_semaphore, #tpu.memory_space<semaphore_mem>>
      %dma_start3A_137 = tpu.memref_slice %arg3[%add3A_54] : memref<1280000xi32, #tpu.memory_space<hbm>> -> memref<320xi32, #tpu.memory_space<hbm>>
      %dma_start3A_138 = tpu.memref_slice %arg3[%add3A_54] : memref<1280000xi32, #tpu.memory_space<hbm>> -> memref<320xi32, #tpu.memory_space<hbm>>
      tpu.enqueue_dma source(%dma_start3A_138 : memref<320xi32, #tpu.memory_space<hbm>>) target(%arg6 : memref<320xi32, #tpu.memory_space<vmem>>) target_semaphore(%run_scoped3A : memref<!tpu.dma_semaphore, #tpu.memory_space<semaphore_mem>>)
      %dma_wait3A_139 = tpu.memref_slice %arg3[%add3A_54] : memref<1280000xi32, #tpu.memory_space<hbm>> -> memref<320xi32, #tpu.memory_space<hbm>>
      %dma_wait3A_140 = tpu.memref_slice %arg3[%add3A_54] : memref<1280000xi32, #tpu.memory_space<hbm>> -> memref<320xi32, #tpu.memory_space<hbm>>
      tpu.wait_dma2 semaphore(%run_scoped3A : memref<!tpu.dma_semaphore, #tpu.memory_space<semaphore_mem>>) src(%dma_wait3A_140 : memref<320xi32, #tpu.memory_space<hbm>>) dst(%arg6 : memref<320xi32, #tpu.memory_space<vmem>>)
      tpu.yield
    }) : () -> ()
    %scan3A_55 = arith.constant 0 : i32
    %scan3A_56 = arith.constant 10 : i32
    %scan3A_57 = arith.addi %scan3A_55, %scan3A_56 : i32
    %scan3A_58 = arith.constant 1 : i32
    scf.for %scan3A_137 = %scan3A_55 to %scan3A_57 step %scan3A_58  : i32 {
      %mul3A_138 = arith.constant 16 : i32
      %mul3A_139 = arith.muli %scan3A_137, %mul3A_138 : i32
      %add3A_140 = arith.constant 0 : i32
      %add3A_141 = arith.addi %add3A_140, %mul3A_139 : i32
      %get3A = arith.index_cast %add3A_141 : i32 to index
      %get3A_142 = tpu.vector_load %arg6[%get3A] {strides = array<i32>} : memref<320xi32, #tpu.memory_space<vmem>>, vector<16xi32>,
      %get3A_143 = vector.shape_cast %get3A_142 : vector<16xi32> to vector<16xi32>
      %swap3A = arith.index_cast %add3A_141 : i32 to index
      %swap3A_144 = tpu.vector_load %arg8[%swap3A] {strides = array<i32>} : memref<160xi32, #tpu.memory_space<vmem>>, vector<16xi32>,
      %swap3A_145 = vector.shape_cast %swap3A_144 : vector<16xi32> to vector<16xi32>
      %swap3A_146 = vector.shape_cast %get3A_143 : vector<16xi32> to vector<16xi32>
      tpu.vector_store %arg8[%swap3A], %swap3A_146 {strides = array<i32>} : memref<160xi32, #tpu.memory_space<vmem>>, vector<16xi32>,
      %add3A_147 = arith.constant 160 : i32
      %add3A_148 = arith.addi %add3A_147, %add3A_141 : i32
      %get3A_149 = arith.index_cast %add3A_148 : i32 to index
      %get3A_150 = tpu.vector_load %arg6[%get3A_149] {strides = array<i32>} : memref<320xi32, #tpu.memory_space<vmem>>, vector<16xi32>,
      %get3A_151 = vector.shape_cast %get3A_150 : vector<16xi32> to vector<16xi32>
      %swap3A_152 = arith.index_cast %add3A_141 : i32 to index
      %swap3A_153 = tpu.vector_load %arg10[%swap3A_152] {strides = array<i32>} : memref<160xi32, #tpu.memory_space<vmem>>, vector<16xi32>,
      %swap3A_154 = vector.shape_cast %swap3A_153 : vector<16xi32> to vector<16xi32>
      %swap3A_155 = vector.shape_cast %get3A_151 : vector<16xi32> to vector<16xi32>
      tpu.vector_store %arg10[%swap3A_152], %swap3A_155 {strides = array<i32>} : memref<160xi32, #tpu.memory_space<vmem>>, vector<16xi32>,
    }
    %scan3A_59 = arith.constant 10 : i32
    %dma_start3A = arith.constant 0 : i32
    %dma_start3A_60 = arith.constant 0 : i32
    %dma_start3A_61 = tpu.memref_slice %arg2[%dma_start3A, %dma_start3A_60] : memref<10240x128xf32, #tpu.memory_space<hbm>> -> memref<10240x128xf32, #tpu.memory_space<hbm>>
    tpu.enqueue_indirect_dma source(%dma_start3A_61 : memref<10240x128xf32, #tpu.memory_space<hbm>>) target(%arg12 : memref<160x128xf32, #tpu.memory_space<vmem>>) offsets(%arg8 : memref<160xi32, #tpu.memory_space<vmem>>) semaphore(%arg18 : memref<!tpu.dma_semaphore, #tpu.memory_space<semaphore_mem>>)
    %add3A_62 = arith.constant 320 : i32
    %add3A_63 = arith.addi %mul3A_50, %add3A_62 : i32
    "tpu.region"() ({
      %run_scoped3A = tpu.sem_alloc : memref<!tpu.dma_semaphore, #tpu.memory_space<semaphore_mem>>
      %dma_start3A_137 = tpu.memref_slice %arg3[%add3A_63] : memref<1280000xi32, #tpu.memory_space<hbm>> -> memref<320xi32, #tpu.memory_space<hbm>>
      %dma_start3A_138 = tpu.memref_slice %arg3[%add3A_63] : memref<1280000xi32, #tpu.memory_space<hbm>> -> memref<320xi32, #tpu.memory_space<hbm>>
      tpu.enqueue_dma source(%dma_start3A_138 : memref<320xi32, #tpu.memory_space<hbm>>) target(%arg7 : memref<320xi32, #tpu.memory_space<vmem>>) target_semaphore(%run_scoped3A : memref<!tpu.dma_semaphore, #tpu.memory_space<semaphore_mem>>)
      %dma_wait3A_139 = tpu.memref_slice %arg3[%add3A_63] : memref<1280000xi32, #tpu.memory_space<hbm>> -> memref<320xi32, #tpu.memory_space<hbm>>
      %dma_wait3A_140 = tpu.memref_slice %arg3[%add3A_63] : memref<1280000xi32, #tpu.memory_space<hbm>> -> memref<320xi32, #tpu.memory_space<hbm>>
      tpu.wait_dma2 semaphore(%run_scoped3A : memref<!tpu.dma_semaphore, #tpu.memory_space<semaphore_mem>>) src(%dma_wait3A_140 : memref<320xi32, #tpu.memory_space<hbm>>) dst(%arg7 : memref<320xi32, #tpu.memory_space<vmem>>)
      tpu.yield
    }) : () -> ()
    %scan3A_64 = arith.constant 0 : i32
    %scan3A_65 = arith.constant 10 : i32
    %scan3A_66 = arith.addi %scan3A_64, %scan3A_65 : i32
    %scan3A_67 = arith.constant 1 : i32
    scf.for %scan3A_137 = %scan3A_64 to %scan3A_66 step %scan3A_67  : i32 {
      %mul3A_138 = arith.constant 16 : i32
      %mul3A_139 = arith.muli %scan3A_137, %mul3A_138 : i32
      %add3A_140 = arith.constant 0 : i32
      %add3A_141 = arith.addi %add3A_140, %mul3A_139 : i32
      %get3A = arith.index_cast %add3A_141 : i32 to index
      %get3A_142 = tpu.vector_load %arg7[%get3A] {strides = array<i32>} : memref<320xi32, #tpu.memory_space<vmem>>, vector<16xi32>,
      %get3A_143 = vector.shape_cast %get3A_142 : vector<16xi32> to vector<16xi32>
      %swap3A = arith.index_cast %add3A_141 : i32 to index
      %swap3A_144 = tpu.vector_load %arg9[%swap3A] {strides = array<i32>} : memref<160xi32, #tpu.memory_space<vmem>>, vector<16xi32>,
      %swap3A_145 = vector.shape_cast %swap3A_144 : vector<16xi32> to vector<16xi32>
      %swap3A_146 = vector.shape_cast %get3A_143 : vector<16xi32> to vector<16xi32>
      tpu.vector_store %arg9[%swap3A], %swap3A_146 {strides = array<i32>} : memref<160xi32, #tpu.memory_space<vmem>>, vector<16xi32>,
      %add3A_147 = arith.constant 160 : i32
      %add3A_148 = arith.addi %add3A_147, %add3A_141 : i32
      %get3A_149 = arith.index_cast %add3A_148 : i32 to index
      %get3A_150 = tpu.vector_load %arg7[%get3A_149] {strides = array<i32>} : memref<320xi32, #tpu.memory_space<vmem>>, vector<16xi32>,
      %get3A_151 = vector.shape_cast %get3A_150 : vector<16xi32> to vector<16xi32>
      %swap3A_152 = arith.index_cast %add3A_141 : i32 to index
      %swap3A_153 = tpu.vector_load %arg11[%swap3A_152] {strides = array<i32>} : memref<160xi32, #tpu.memory_space<vmem>>, vector<16xi32>,
      %swap3A_154 = vector.shape_cast %swap3A_153 : vector<16xi32> to vector<16xi32>
      %swap3A_155 = vector.shape_cast %get3A_151 : vector<16xi32> to vector<16xi32>
      tpu.vector_store %arg11[%swap3A_152], %swap3A_155 {strides = array<i32>} : memref<160xi32, #tpu.memory_space<vmem>>, vector<16xi32>,
    }
    %scan3A_68 = arith.constant 10 : i32
    %dma_start3A_69 = arith.constant 0 : i32
    %dma_start3A_70 = arith.constant 0 : i32
    %dma_start3A_71 = tpu.memref_slice %arg2[%dma_start3A_69, %dma_start3A_70] : memref<10240x128xf32, #tpu.memory_space<hbm>> -> memref<10240x128xf32, #tpu.memory_space<hbm>>
    tpu.enqueue_indirect_dma source(%dma_start3A_71 : memref<10240x128xf32, #tpu.memory_space<hbm>>) target(%arg13 : memref<160x128xf32, #tpu.memory_space<vmem>>) offsets(%arg9 : memref<160xi32, #tpu.memory_space<vmem>>) semaphore(%arg19 : memref<!tpu.dma_semaphore, #tpu.memory_space<semaphore_mem>>)
    %dma_wait3A = arith.constant 0 : i32
    %dma_wait3A_72 = arith.constant 0 : i32
    %dma_wait3A_73 = tpu.memref_slice %arg2[%dma_wait3A, %dma_wait3A_72] : memref<10240x128xf32, #tpu.memory_space<hbm>> -> memref<10240x128xf32, #tpu.memory_space<hbm>>
    tpu.wait_indirect_dma semaphore(%arg18 : memref<!tpu.dma_semaphore, #tpu.memory_space<semaphore_mem>>) src(%dma_wait3A_73 : memref<10240x128xf32, #tpu.memory_space<hbm>>) dst(%arg12 : memref<160x128xf32, #tpu.memory_space<vmem>>)
    %dma_start3A_74 = arith.constant 0 : i32
    %dma_start3A_75 = arith.constant 0 : i32
    %dma_start3A_76 = tpu.memref_slice %arg16[%dma_start3A_74, %dma_start3A_75] : memref<10240x128xf32, #tpu.memory_space<vmem_shared>> -> memref<10240x128xf32, #tpu.memory_space<vmem_shared>>
    tpu.enqueue_indirect_dma source(%arg12 : memref<160x128xf32, #tpu.memory_space<vmem>>) target(%dma_start3A_76 : memref<10240x128xf32, #tpu.memory_space<vmem_shared>>) offsets(%arg10 : memref<160xi32, #tpu.memory_space<vmem>>) semaphore(%arg20 : memref<!tpu.dma_semaphore, #tpu.memory_space<semaphore_mem>>) {add = true}
    %dma_start3A_77 = arith.constant 0 : i32
    %dma_start3A_78 = tpu.memref_slice %arg17[%dma_start3A_77] : memref<10240xf32, #tpu.memory_space<vmem_shared>> -> memref<10240xf32, #tpu.memory_space<vmem_shared>>
    tpu.enqueue_indirect_dma source(%arg14 : memref<160xf32, #tpu.memory_space<vmem>>) target(%dma_start3A_78 : memref<10240xf32, #tpu.memory_space<vmem_shared>>) offsets(%arg10 : memref<160xi32, #tpu.memory_space<vmem>>) semaphore(%arg20 : memref<!tpu.dma_semaphore, #tpu.memory_space<semaphore_mem>>) {add = true}
    %dma_wait3A_79 = arith.constant 0 : i32
    %dma_wait3A_80 = arith.constant 0 : i32
    %dma_wait3A_81 = tpu.memref_slice %arg16[%dma_wait3A_79, %dma_wait3A_80] : memref<10240x128xf32, #tpu.memory_space<vmem_shared>> -> memref<10240x128xf32, #tpu.memory_space<vmem_shared>>
    tpu.wait_indirect_dma semaphore(%arg20 : memref<!tpu.dma_semaphore, #tpu.memory_space<semaphore_mem>>) src(%arg12 : memref<160x128xf32, #tpu.memory_space<vmem>>) dst(%dma_wait3A_81 : memref<10240x128xf32, #tpu.memory_space<vmem_shared>>)
    %dma_wait3A_82 = arith.constant 0 : i32
    %dma_wait3A_83 = tpu.memref_slice %arg17[%dma_wait3A_82] : memref<10240xf32, #tpu.memory_space<vmem_shared>> -> memref<10240xf32, #tpu.memory_space<vmem_shared>>
    tpu.wait_indirect_dma semaphore(%arg20 : memref<!tpu.dma_semaphore, #tpu.memory_space<semaphore_mem>>) src(%arg14 : memref<160xf32, #tpu.memory_space<vmem>>) dst(%dma_wait3A_83 : memref<10240xf32, #tpu.memory_space<vmem_shared>>)
    %add3A_84 = arith.constant 640 : i32
    %add3A_85 = arith.addi %mul3A_50, %add3A_84 : i32
    "tpu.region"() ({
      %run_scoped3A = tpu.sem_alloc : memref<!tpu.dma_semaphore, #tpu.memory_space<semaphore_mem>>
      %dma_start3A_137 = tpu.memref_slice %arg3[%add3A_85] : memref<1280000xi32, #tpu.memory_space<hbm>> -> memref<320xi32, #tpu.memory_space<hbm>>
      %dma_start3A_138 = tpu.memref_slice %arg3[%add3A_85] : memref<1280000xi32, #tpu.memory_space<hbm>> -> memref<320xi32, #tpu.memory_space<hbm>>
      tpu.enqueue_dma source(%dma_start3A_138 : memref<320xi32, #tpu.memory_space<hbm>>) target(%arg6 : memref<320xi32, #tpu.memory_space<vmem>>) target_semaphore(%run_scoped3A : memref<!tpu.dma_semaphore, #tpu.memory_space<semaphore_mem>>)
      %dma_wait3A_139 = tpu.memref_slice %arg3[%add3A_85] : memref<1280000xi32, #tpu.memory_space<hbm>> -> memref<320xi32, #tpu.memory_space<hbm>>
      %dma_wait3A_140 = tpu.memref_slice %arg3[%add3A_85] : memref<1280000xi32, #tpu.memory_space<hbm>> -> memref<320xi32, #tpu.memory_space<hbm>>
      tpu.wait_dma2 semaphore(%run_scoped3A : memref<!tpu.dma_semaphore, #tpu.memory_space<semaphore_mem>>) src(%dma_wait3A_140 : memref<320xi32, #tpu.memory_space<hbm>>) dst(%arg6 : memref<320xi32, #tpu.memory_space<vmem>>)
      tpu.yield
    }) : () -> ()
    %scan3A_86 = arith.constant 0 : i32
    %scan3A_87 = arith.constant 10 : i32
    %scan3A_88 = arith.addi %scan3A_86, %scan3A_87 : i32
    %scan3A_89 = arith.constant 1 : i32
    scf.for %scan3A_137 = %scan3A_86 to %scan3A_88 step %scan3A_89  : i32 {
      %mul3A_138 = arith.constant 16 : i32
      %mul3A_139 = arith.muli %scan3A_137, %mul3A_138 : i32
      %add3A_140 = arith.constant 0 : i32
      %add3A_141 = arith.addi %add3A_140, %mul3A_139 : i32
      %get3A = arith.index_cast %add3A_141 : i32 to index
      %get3A_142 = tpu.vector_load %arg6[%get3A] {strides = array<i32>} : memref<320xi32, #tpu.memory_space<vmem>>, vector<16xi32>,
      %get3A_143 = vector.shape_cast %get3A_142 : vector<16xi32> to vector<16xi32>
      %swap3A = arith.index_cast %add3A_141 : i32 to index
      %swap3A_144 = tpu.vector_load %arg8[%swap3A] {strides = array<i32>} : memref<160xi32, #tpu.memory_space<vmem>>, vector<16xi32>,
      %swap3A_145 = vector.shape_cast %swap3A_144 : vector<16xi32> to vector<16xi32>
      %swap3A_146 = vector.shape_cast %get3A_143 : vector<16xi32> to vector<16xi32>
      tpu.vector_store %arg8[%swap3A], %swap3A_146 {strides = array<i32>} : memref<160xi32, #tpu.memory_space<vmem>>, vector<16xi32>,
      %add3A_147 = arith.constant 160 : i32
      %add3A_148 = arith.addi %add3A_147, %add3A_141 : i32
      %get3A_149 = arith.index_cast %add3A_148 : i32 to index
      %get3A_150 = tpu.vector_load %arg6[%get3A_149] {strides = array<i32>} : memref<320xi32, #tpu.memory_space<vmem>>, vector<16xi32>,
      %get3A_151 = vector.shape_cast %get3A_150 : vector<16xi32> to vector<16xi32>
      %swap3A_152 = arith.index_cast %add3A_141 : i32 to index
      %swap3A_153 = tpu.vector_load %arg10[%swap3A_152] {strides = array<i32>} : memref<160xi32, #tpu.memory_space<vmem>>, vector<16xi32>,
      %swap3A_154 = vector.shape_cast %swap3A_153 : vector<16xi32> to vector<16xi32>
      %swap3A_155 = vector.shape_cast %get3A_151 : vector<16xi32> to vector<16xi32>
      tpu.vector_store %arg10[%swap3A_152], %swap3A_155 {strides = array<i32>} : memref<160xi32, #tpu.memory_space<vmem>>, vector<16xi32>,
    }
    %scan3A_90 = arith.constant 10 : i32
    %dma_start3A_91 = arith.constant 0 : i32
    %dma_start3A_92 = arith.constant 0 : i32
    %dma_start3A_93 = tpu.memref_slice %arg2[%dma_start3A_91, %dma_start3A_92] : memref<10240x128xf32, #tpu.memory_space<hbm>> -> memref<10240x128xf32, #tpu.memory_space<hbm>>
    tpu.enqueue_indirect_dma source(%dma_start3A_93 : memref<10240x128xf32, #tpu.memory_space<hbm>>) target(%arg12 : memref<160x128xf32, #tpu.memory_space<vmem>>) offsets(%arg8 : memref<160xi32, #tpu.memory_space<vmem>>) semaphore(%arg18 : memref<!tpu.dma_semaphore, #tpu.memory_space<semaphore_mem>>)
    %dma_wait3A_94 = arith.constant 0 : i32
    %dma_wait3A_95 = arith.constant 0 : i32
    %dma_wait3A_96 = tpu.memref_slice %arg2[%dma_wait3A_94, %dma_wait3A_95] : memref<10240x128xf32, #tpu.memory_space<hbm>> -> memref<10240x128xf32, #tpu.memory_space<hbm>>
    tpu.wait_indirect_dma semaphore(%arg19 : memref<!tpu.dma_semaphore, #tpu.memory_space<semaphore_mem>>) src(%dma_wait3A_96 : memref<10240x128xf32, #tpu.memory_space<hbm>>) dst(%arg13 : memref<160x128xf32, #tpu.memory_space<vmem>>)
    %dma_start3A_97 = arith.constant 0 : i32
    %dma_start3A_98 = arith.constant 0 : i32
    %dma_start3A_99 = tpu.memref_slice %arg16[%dma_start3A_97, %dma_start3A_98] : memref<10240x128xf32, #tpu.memory_space<vmem_shared>> -> memref<10240x128xf32, #tpu.memory_space<vmem_shared>>
    tpu.enqueue_indirect_dma source(%arg13 : memref<160x128xf32, #tpu.memory_space<vmem>>) target(%dma_start3A_99 : memref<10240x128xf32, #tpu.memory_space<vmem_shared>>) offsets(%arg11 : memref<160xi32, #tpu.memory_space<vmem>>) semaphore(%arg21 : memref<!tpu.dma_semaphore, #tpu.memory_space<semaphore_mem>>) {add = true}
    %dma_start3A_100 = arith.constant 0 : i32
    %dma_start3A_101 = tpu.memref_slice %arg17[%dma_start3A_100] : memref<10240xf32, #tpu.memory_space<vmem_shared>> -> memref<10240xf32, #tpu.memory_space<vmem_shared>>
    tpu.enqueue_indirect_dma source(%arg14 : memref<160xf32, #tpu.memory_space<vmem>>) target(%dma_start3A_101 : memref<10240xf32, #tpu.memory_space<vmem_shared>>) offsets(%arg11 : memref<160xi32, #tpu.memory_space<vmem>>) semaphore(%arg21 : memref<!tpu.dma_semaphore, #tpu.memory_space<semaphore_mem>>) {add = true}
    %scan3A_102 = arith.constant 0 : i32
    %scan3A_103 = arith.constant 61 : i32
    %scan3A_104 = arith.addi %scan3A_102, %scan3A_103 : i32
    %scan3A_105 = arith.constant 1 : i32
    scf.for %scan3A_137 = %scan3A_102 to %scan3A_104 step %scan3A_105  : i32 {
      %mul3A_138 = arith.constant 2 : i32
      %mul3A_139 = arith.muli %scan3A_137, %mul3A_138 : i32
      %add3A_140 = arith.constant 0 : i32
      %add3A_141 = arith.addi %add3A_140, %mul3A_139 : i32
      %add3A_142 = arith.constant 3 : i32
      %add3A_143 = arith.addi %add3A_142, %add3A_141 : i32
      %add3A_144 = arith.constant 0 : i32
      %add3A_145 = arith.addi %add3A_143, %add3A_144 : i32
      %dma_wait3A_146 = arith.constant 0 : i32
      %dma_wait3A_147 = arith.constant 0 : i32
      %dma_wait3A_148 = tpu.memref_slice %arg16[%dma_wait3A_146, %dma_wait3A_147] : memref<10240x128xf32, #tpu.memory_space<vmem_shared>> -> memref<10240x128xf32, #tpu.memory_space<vmem_shared>>
      tpu.wait_indirect_dma semaphore(%arg21 : memref<!tpu.dma_semaphore, #tpu.memory_space<semaphore_mem>>) src(%arg13 : memref<160x128xf32, #tpu.memory_space<vmem>>) dst(%dma_wait3A_148 : memref<10240x128xf32, #tpu.memory_space<vmem_shared>>)
      %dma_wait3A_149 = arith.constant 0 : i32
      %dma_wait3A_150 = tpu.memref_slice %arg17[%dma_wait3A_149] : memref<10240xf32, #tpu.memory_space<vmem_shared>> -> memref<10240xf32, #tpu.memory_space<vmem_shared>>
      tpu.wait_indirect_dma semaphore(%arg21 : memref<!tpu.dma_semaphore, #tpu.memory_space<semaphore_mem>>) src(%arg14 : memref<160xf32, #tpu.memory_space<vmem>>) dst(%dma_wait3A_150 : memref<10240xf32, #tpu.memory_space<vmem_shared>>)
      %mul3A_151 = arith.constant 320 : i32
      %mul3A_152 = arith.muli %add3A_145, %mul3A_151 : i32
      %add3A_153 = arith.addi %mul3A_50, %mul3A_152 : i32
      "tpu.region"() ({
        %run_scoped3A = tpu.sem_alloc : memref<!tpu.dma_semaphore, #tpu.memory_space<semaphore_mem>>
        %dma_start3A_198 = tpu.memref_slice %arg3[%add3A_153] : memref<1280000xi32, #tpu.memory_space<hbm>> -> memref<320xi32, #tpu.memory_space<hbm>>
        %dma_start3A_199 = tpu.memref_slice %arg3[%add3A_153] : memref<1280000xi32, #tpu.memory_space<hbm>> -> memref<320xi32, #tpu.memory_space<hbm>>
        tpu.enqueue_dma source(%dma_start3A_199 : memref<320xi32, #tpu.memory_space<hbm>>) target(%arg7 : memref<320xi32, #tpu.memory_space<vmem>>) target_semaphore(%run_scoped3A : memref<!tpu.dma_semaphore, #tpu.memory_space<semaphore_mem>>)
        %dma_wait3A_200 = tpu.memref_slice %arg3[%add3A_153] : memref<1280000xi32, #tpu.memory_space<hbm>> -> memref<320xi32, #tpu.memory_space<hbm>>
        %dma_wait3A_201 = tpu.memref_slice %arg3[%add3A_153] : memref<1280000xi32, #tpu.memory_space<hbm>> -> memref<320xi32, #tpu.memory_space<hbm>>
        tpu.wait_dma2 semaphore(%run_scoped3A : memref<!tpu.dma_semaphore, #tpu.memory_space<semaphore_mem>>) src(%dma_wait3A_201 : memref<320xi32, #tpu.memory_space<hbm>>) dst(%arg7 : memref<320xi32, #tpu.memory_space<vmem>>)
        tpu.yield
      }) : () -> ()
      %scan3A_154 = arith.constant 0 : i32
      %scan3A_155 = arith.constant 10 : i32
      %scan3A_156 = arith.addi %scan3A_154, %scan3A_155 : i32
      %scan3A_157 = arith.constant 1 : i32
      scf.for %scan3A_198 = %scan3A_154 to %scan3A_156 step %scan3A_157  : i32 {
        %mul3A_199 = arith.constant 16 : i32
        %mul3A_200 = arith.muli %scan3A_198, %mul3A_199 : i32
        %add3A_201 = arith.constant 0 : i32
        %add3A_202 = arith.addi %add3A_201, %mul3A_200 : i32
        %get3A = arith.index_cast %add3A_202 : i32 to index
        %get3A_203 = tpu.vector_load %arg7[%get3A] {strides = array<i32>} : memref<320xi32, #tpu.memory_space<vmem>>, vector<16xi32>,
        %get3A_204 = vector.shape_cast %get3A_203 : vector<16xi32> to vector<16xi32>
        %swap3A = arith.index_cast %add3A_202 : i32 to index
        %swap3A_205 = tpu.vector_load %arg9[%swap3A] {strides = array<i32>} : memref<160xi32, #tpu.memory_space<vmem>>, vector<16xi32>,
        %swap3A_206 = vector.shape_cast %swap3A_205 : vector<16xi32> to vector<16xi32>
        %swap3A_207 = vector.shape_cast %get3A_204 : vector<16xi32> to vector<16xi32>
        tpu.vector_store %arg9[%swap3A], %swap3A_207 {strides = array<i32>} : memref<160xi32, #tpu.memory_space<vmem>>, vector<16xi32>,
        %add3A_208 = arith.constant 160 : i32
        %add3A_209 = arith.addi %add3A_208, %add3A_202 : i32
        %get3A_210 = arith.index_cast %add3A_209 : i32 to index
        %get3A_211 = tpu.vector_load %arg7[%get3A_210] {strides = array<i32>} : memref<320xi32, #tpu.memory_space<vmem>>, vector<16xi32>,
        %get3A_212 = vector.shape_cast %get3A_211 : vector<16xi32> to vector<16xi32>
        %swap3A_213 = arith.index_cast %add3A_202 : i32 to index
        %swap3A_214 = tpu.vector_load %arg11[%swap3A_213] {strides = array<i32>} : memref<160xi32, #tpu.memory_space<vmem>>, vector<16xi32>,
        %swap3A_215 = vector.shape_cast %swap3A_214 : vector<16xi32> to vector<16xi32>
        %swap3A_216 = vector.shape_cast %get3A_212 : vector<16xi32> to vector<16xi32>
        tpu.vector_store %arg11[%swap3A_213], %swap3A_216 {strides = array<i32>} : memref<160xi32, #tpu.memory_space<vmem>>, vector<16xi32>,
      }
      %scan3A_158 = arith.constant 10 : i32
      %dma_start3A_159 = arith.constant 0 : i32
      %dma_start3A_160 = arith.constant 0 : i32
      %dma_start3A_161 = tpu.memref_slice %arg2[%dma_start3A_159, %dma_start3A_160] : memref<10240x128xf32, #tpu.memory_space<hbm>> -> memref<10240x128xf32, #tpu.memory_space<hbm>>
      tpu.enqueue_indirect_dma source(%dma_start3A_161 : memref<10240x128xf32, #tpu.memory_space<hbm>>) target(%arg13 : memref<160x128xf32, #tpu.memory_space<vmem>>) offsets(%arg9 : memref<160xi32, #tpu.memory_space<vmem>>) semaphore(%arg19 : memref<!tpu.dma_semaphore, #tpu.memory_space<semaphore_mem>>)
      %dma_wait3A_162 = arith.constant 0 : i32
      %dma_wait3A_163 = arith.constant 0 : i32
      %dma_wait3A_164 = tpu.memref_slice %arg2[%dma_wait3A_162, %dma_wait3A_163] : memref<10240x128xf32, #tpu.memory_space<hbm>> -> memref<10240x128xf32, #tpu.memory_space<hbm>>
      tpu.wait_indirect_dma semaphore(%arg18 : memref<!tpu.dma_semaphore, #tpu.memory_space<semaphore_mem>>) src(%dma_wait3A_164 : memref<10240x128xf32, #tpu.memory_space<hbm>>) dst(%arg12 : memref<160x128xf32, #tpu.memory_space<vmem>>)
      %dma_start3A_165 = arith.constant 0 : i32
      %dma_start3A_166 = arith.constant 0 : i32
      %dma_start3A_167 = tpu.memref_slice %arg16[%dma_start3A_165, %dma_start3A_166] : memref<10240x128xf32, #tpu.memory_space<vmem_shared>> -> memref<10240x128xf32, #tpu.memory_space<vmem_shared>>
      tpu.enqueue_indirect_dma source(%arg12 : memref<160x128xf32, #tpu.memory_space<vmem>>) target(%dma_start3A_167 : memref<10240x128xf32, #tpu.memory_space<vmem_shared>>) offsets(%arg10 : memref<160xi32, #tpu.memory_space<vmem>>) semaphore(%arg20 : memref<!tpu.dma_semaphore, #tpu.memory_space<semaphore_mem>>) {add = true}
      %dma_start3A_168 = arith.constant 0 : i32
      %dma_start3A_169 = tpu.memref_slice %arg17[%dma_start3A_168] : memref<10240xf32, #tpu.memory_space<vmem_shared>> -> memref<10240xf32, #tpu.memory_space<vmem_shared>>
      tpu.enqueue_indirect_dma source(%arg14 : memref<160xf32, #tpu.memory_space<vmem>>) target(%dma_start3A_169 : memref<10240xf32, #tpu.memory_space<vmem_shared>>) offsets(%arg10 : memref<160xi32, #tpu.memory_space<vmem>>) semaphore(%arg20 : memref<!tpu.dma_semaphore, #tpu.memory_space<semaphore_mem>>) {add = true}
      %add3A_170 = arith.constant 3 : i32
      %add3A_171 = arith.addi %add3A_170, %add3A_141 : i32
      %add3A_172 = arith.constant 1 : i32
      %add3A_173 = arith.addi %add3A_171, %add3A_172 : i32
      %dma_wait3A_174 = arith.constant 0 : i32
      %dma_wait3A_175 = arith.constant 0 : i32
      %dma_wait3A_176 = tpu.memref_slice %arg16[%dma_wait3A_174, %dma_wait3A_175] : memref<10240x128xf32, #tpu.memory_space<vmem_shared>> -> memref<10240x128xf32, #tpu.memory_space<vmem_shared>>
      tpu.wait_indirect_dma semaphore(%arg20 : memref<!tpu.dma_semaphore, #tpu.memory_space<semaphore_mem>>) src(%arg12 : memref<160x128xf32, #tpu.memory_space<vmem>>) dst(%dma_wait3A_176 : memref<10240x128xf32, #tpu.memory_space<vmem_shared>>)
      %dma_wait3A_177 = arith.constant 0 : i32
      %dma_wait3A_178 = tpu.memref_slice %arg17[%dma_wait3A_177] : memref<10240xf32, #tpu.memory_space<vmem_shared>> -> memref<10240xf32, #tpu.memory_space<vmem_shared>>
      tpu.wait_indirect_dma semaphore(%arg20 : memref<!tpu.dma_semaphore, #tpu.memory_space<semaphore_mem>>) src(%arg14 : memref<160xf32, #tpu.memory_space<vmem>>) dst(%dma_wait3A_178 : memref<10240xf32, #tpu.memory_space<vmem_shared>>)
      %mul3A_179 = arith.constant 320 : i32
      %mul3A_180 = arith.muli %add3A_173, %mul3A_179 : i32
      %add3A_181 = arith.addi %mul3A_50, %mul3A_180 : i32
      "tpu.region"() ({
        %run_scoped3A = tpu.sem_alloc : memref<!tpu.dma_semaphore, #tpu.memory_space<semaphore_mem>>
        %dma_start3A_198 = tpu.memref_slice %arg3[%add3A_181] : memref<1280000xi32, #tpu.memory_space<hbm>> -> memref<320xi32, #tpu.memory_space<hbm>>
        %dma_start3A_199 = tpu.memref_slice %arg3[%add3A_181] : memref<1280000xi32, #tpu.memory_space<hbm>> -> memref<320xi32, #tpu.memory_space<hbm>>
        tpu.enqueue_dma source(%dma_start3A_199 : memref<320xi32, #tpu.memory_space<hbm>>) target(%arg6 : memref<320xi32, #tpu.memory_space<vmem>>) target_semaphore(%run_scoped3A : memref<!tpu.dma_semaphore, #tpu.memory_space<semaphore_mem>>)
        %dma_wait3A_200 = tpu.memref_slice %arg3[%add3A_181] : memref<1280000xi32, #tpu.memory_space<hbm>> -> memref<320xi32, #tpu.memory_space<hbm>>
        %dma_wait3A_201 = tpu.memref_slice %arg3[%add3A_181] : memref<1280000xi32, #tpu.memory_space<hbm>> -> memref<320xi32, #tpu.memory_space<hbm>>
        tpu.wait_dma2 semaphore(%run_scoped3A : memref<!tpu.dma_semaphore, #tpu.memory_space<semaphore_mem>>) src(%dma_wait3A_201 : memref<320xi32, #tpu.memory_space<hbm>>) dst(%arg6 : memref<320xi32, #tpu.memory_space<vmem>>)
        tpu.yield
      }) : () -> ()
      %scan3A_182 = arith.constant 0 : i32
      %scan3A_183 = arith.constant 10 : i32
      %scan3A_184 = arith.addi %scan3A_182, %scan3A_183 : i32
      %scan3A_185 = arith.constant 1 : i32
      scf.for %scan3A_198 = %scan3A_182 to %scan3A_184 step %scan3A_185  : i32 {
        %mul3A_199 = arith.constant 16 : i32
        %mul3A_200 = arith.muli %scan3A_198, %mul3A_199 : i32
        %add3A_201 = arith.constant 0 : i32
        %add3A_202 = arith.addi %add3A_201, %mul3A_200 : i32
        %get3A = arith.index_cast %add3A_202 : i32 to index
        %get3A_203 = tpu.vector_load %arg6[%get3A] {strides = array<i32>} : memref<320xi32, #tpu.memory_space<vmem>>, vector<16xi32>,
        %get3A_204 = vector.shape_cast %get3A_203 : vector<16xi32> to vector<16xi32>
        %swap3A = arith.index_cast %add3A_202 : i32 to index
        %swap3A_205 = tpu.vector_load %arg8[%swap3A] {strides = array<i32>} : memref<160xi32, #tpu.memory_space<vmem>>, vector<16xi32>,
        %swap3A_206 = vector.shape_cast %swap3A_205 : vector<16xi32> to vector<16xi32>
        %swap3A_207 = vector.shape_cast %get3A_204 : vector<16xi32> to vector<16xi32>
        tpu.vector_store %arg8[%swap3A], %swap3A_207 {strides = array<i32>} : memref<160xi32, #tpu.memory_space<vmem>>, vector<16xi32>,
        %add3A_208 = arith.constant 160 : i32
        %add3A_209 = arith.addi %add3A_208, %add3A_202 : i32
        %get3A_210 = arith.index_cast %add3A_209 : i32 to index
        %get3A_211 = tpu.vector_load %arg6[%get3A_210] {strides = array<i32>} : memref<320xi32, #tpu.memory_space<vmem>>, vector<16xi32>,
        %get3A_212 = vector.shape_cast %get3A_211 : vector<16xi32> to vector<16xi32>
        %swap3A_213 = arith.index_cast %add3A_202 : i32 to index
        %swap3A_214 = tpu.vector_load %arg10[%swap3A_213] {strides = array<i32>} : memref<160xi32, #tpu.memory_space<vmem>>, vector<16xi32>,
        %swap3A_215 = vector.shape_cast %swap3A_214 : vector<16xi32> to vector<16xi32>
        %swap3A_216 = vector.shape_cast %get3A_212 : vector<16xi32> to vector<16xi32>
        tpu.vector_store %arg10[%swap3A_213], %swap3A_216 {strides = array<i32>} : memref<160xi32, #tpu.memory_space<vmem>>, vector<16xi32>,
      }
      %scan3A_186 = arith.constant 10 : i32
      %dma_start3A_187 = arith.constant 0 : i32
      %dma_start3A_188 = arith.constant 0 : i32
      %dma_start3A_189 = tpu.memref_slice %arg2[%dma_start3A_187, %dma_start3A_188] : memref<10240x128xf32, #tpu.memory_space<hbm>> -> memref<10240x128xf32, #tpu.memory_space<hbm>>
      tpu.enqueue_indirect_dma source(%dma_start3A_189 : memref<10240x128xf32, #tpu.memory_space<hbm>>) target(%arg12 : memref<160x128xf32, #tpu.memory_space<vmem>>) offsets(%arg8 : memref<160xi32, #tpu.memory_space<vmem>>) semaphore(%arg18 : memref<!tpu.dma_semaphore, #tpu.memory_space<semaphore_mem>>)
      %dma_wait3A_190 = arith.constant 0 : i32
      %dma_wait3A_191 = arith.constant 0 : i32
      %dma_wait3A_192 = tpu.memref_slice %arg2[%dma_wait3A_190, %dma_wait3A_191] : memref<10240x128xf32, #tpu.memory_space<hbm>> -> memref<10240x128xf32, #tpu.memory_space<hbm>>
      tpu.wait_indirect_dma semaphore(%arg19 : memref<!tpu.dma_semaphore, #tpu.memory_space<semaphore_mem>>) src(%dma_wait3A_192 : memref<10240x128xf32, #tpu.memory_space<hbm>>) dst(%arg13 : memref<160x128xf32, #tpu.memory_space<vmem>>)
      %dma_start3A_193 = arith.constant 0 : i32
      %dma_start3A_194 = arith.constant 0 : i32
      %dma_start3A_195 = tpu.memref_slice %arg16[%dma_start3A_193, %dma_start3A_194] : memref<10240x128xf32, #tpu.memory_space<vmem_shared>> -> memref<10240x128xf32, #tpu.memory_space<vmem_shared>>
      tpu.enqueue_indirect_dma source(%arg13 : memref<160x128xf32, #tpu.memory_space<vmem>>) target(%dma_start3A_195 : memref<10240x128xf32, #tpu.memory_space<vmem_shared>>) offsets(%arg11 : memref<160xi32, #tpu.memory_space<vmem>>) semaphore(%arg21 : memref<!tpu.dma_semaphore, #tpu.memory_space<semaphore_mem>>) {add = true}
      %dma_start3A_196 = arith.constant 0 : i32
      %dma_start3A_197 = tpu.memref_slice %arg17[%dma_start3A_196] : memref<10240xf32, #tpu.memory_space<vmem_shared>> -> memref<10240xf32, #tpu.memory_space<vmem_shared>>
      tpu.enqueue_indirect_dma source(%arg14 : memref<160xf32, #tpu.memory_space<vmem>>) target(%dma_start3A_197 : memref<10240xf32, #tpu.memory_space<vmem_shared>>) offsets(%arg11 : memref<160xi32, #tpu.memory_space<vmem>>) semaphore(%arg21 : memref<!tpu.dma_semaphore, #tpu.memory_space<semaphore_mem>>) {add = true}
    }
    %scan3A_106 = arith.constant 61 : i32
    %dma_wait3A_107 = arith.constant 0 : i32
    %dma_wait3A_108 = arith.constant 0 : i32
    %dma_wait3A_109 = tpu.memref_slice %arg2[%dma_wait3A_107, %dma_wait3A_108] : memref<10240x128xf32, #tpu.memory_space<hbm>> -> memref<10240x128xf32, #tpu.memory_space<hbm>>
    tpu.wait_indirect_dma semaphore(%arg18 : memref<!tpu.dma_semaphore, #tpu.memory_space<semaphore_mem>>) src(%dma_wait3A_109 : memref<10240x128xf32, #tpu.memory_space<hbm>>) dst(%arg12 : memref<160x128xf32, #tpu.memory_space<vmem>>)
    %dma_start3A_110 = arith.constant 0 : i32
    %dma_start3A_111 = arith.constant 0 : i32
    %dma_start3A_112 = tpu.memref_slice %arg16[%dma_start3A_110, %dma_start3A_111] : memref<10240x128xf32, #tpu.memory_space<vmem_shared>> -> memref<10240x128xf32, #tpu.memory_space<vmem_shared>>
    tpu.enqueue_indirect_dma source(%arg12 : memref<160x128xf32, #tpu.memory_space<vmem>>) target(%dma_start3A_112 : memref<10240x128xf32, #tpu.memory_space<vmem_shared>>) offsets(%arg10 : memref<160xi32, #tpu.memory_space<vmem>>) semaphore(%arg20 : memref<!tpu.dma_semaphore, #tpu.memory_space<semaphore_mem>>) {add = true}
    %dma_start3A_113 = arith.constant 0 : i32
    %dma_start3A_114 = tpu.memref_slice %arg17[%dma_start3A_113] : memref<10240xf32, #tpu.memory_space<vmem_shared>> -> memref<10240xf32, #tpu.memory_space<vmem_shared>>
    tpu.enqueue_indirect_dma source(%arg14 : memref<160xf32, #tpu.memory_space<vmem>>) target(%dma_start3A_114 : memref<10240xf32, #tpu.memory_space<vmem_shared>>) offsets(%arg10 : memref<160xi32, #tpu.memory_space<vmem>>) semaphore(%arg20 : memref<!tpu.dma_semaphore, #tpu.memory_space<semaphore_mem>>) {add = true}
    %dma_wait3A_115 = arith.constant 0 : i32
    %dma_wait3A_116 = arith.constant 0 : i32
    %dma_wait3A_117 = tpu.memref_slice %arg16[%dma_wait3A_115, %dma_wait3A_116] : memref<10240x128xf32, #tpu.memory_space<vmem_shared>> -> memref<10240x128xf32, #tpu.memory_space<vmem_shared>>
    tpu.wait_indirect_dma semaphore(%arg21 : memref<!tpu.dma_semaphore, #tpu.memory_space<semaphore_mem>>) src(%arg13 : memref<160x128xf32, #tpu.memory_space<vmem>>) dst(%dma_wait3A_117 : memref<10240x128xf32, #tpu.memory_space<vmem_shared>>)
    %dma_wait3A_118 = arith.constant 0 : i32
    %dma_wait3A_119 = tpu.memref_slice %arg17[%dma_wait3A_118] : memref<10240xf32, #tpu.memory_space<vmem_shared>> -> memref<10240xf32, #tpu.memory_space<vmem_shared>>
    tpu.wait_indirect_dma semaphore(%arg21 : memref<!tpu.dma_semaphore, #tpu.memory_space<semaphore_mem>>) src(%arg14 : memref<160xf32, #tpu.memory_space<vmem>>) dst(%dma_wait3A_119 : memref<10240xf32, #tpu.memory_space<vmem_shared>>)
    %dma_wait3A_120 = arith.constant 0 : i32
    %dma_wait3A_121 = arith.constant 0 : i32
    %dma_wait3A_122 = tpu.memref_slice %arg16[%dma_wait3A_120, %dma_wait3A_121] : memref<10240x128xf32, #tpu.memory_space<vmem_shared>> -> memref<10240x128xf32, #tpu.memory_space<vmem_shared>>
    tpu.wait_indirect_dma semaphore(%arg20 : memref<!tpu.dma_semaphore, #tpu.memory_space<semaphore_mem>>) src(%arg12 : memref<160x128xf32, #tpu.memory_space<vmem>>) dst(%dma_wait3A_122 : memref<10240x128xf32, #tpu.memory_space<vmem_shared>>)
    %dma_wait3A_123 = arith.constant 0 : i32
    %dma_wait3A_124 = tpu.memref_slice %arg17[%dma_wait3A_123] : memref<10240xf32, #tpu.memory_space<vmem_shared>> -> memref<10240xf32, #tpu.memory_space<vmem_shared>>
    tpu.wait_indirect_dma semaphore(%arg20 : memref<!tpu.dma_semaphore, #tpu.memory_space<semaphore_mem>>) src(%arg14 : memref<160xf32, #tpu.memory_space<vmem>>) dst(%dma_wait3A_124 : memref<10240xf32, #tpu.memory_space<vmem_shared>>)
    %barrier3A_125 = arith.constant 0 : index
    tpu.barrier barrier_id(%barrier3A_125)
    %mul3A_126 = arith.constant 640 : i32
    %mul3A_127 = arith.muli %arg1, %mul3A_126 : i32
    %mul3A_128 = arith.constant 640 : i32
    %mul3A_129 = arith.muli %arg1, %mul3A_128 : i32
    "tpu.region"() ({
      %run_scoped3A = tpu.sem_alloc : memref<!tpu.dma_semaphore, #tpu.memory_space<semaphore_mem>>
      %dma_start3A_137 = arith.constant 0 : i32
      %dma_start3A_138 = tpu.memref_slice %arg4[%arg0, %mul3A_129, %dma_start3A_137] : memref<2x10240x128xf32, #tpu.memory_space<hbm>> -> memref<1x640x128xf32, #tpu.memory_space<hbm>>
      %dma_start3A_139 = tpu.memref_squeeze %dma_start3A_138 : memref<1x640x128xf32, #tpu.memory_space<hbm>> -> memref<640x128xf32, #tpu.memory_space<hbm>>
      %dma_start3A_140 = arith.constant 0 : i32
      %dma_start3A_141 = tpu.memref_slice %arg16[%mul3A_127, %dma_start3A_140] : memref<10240x128xf32, #tpu.memory_space<vmem_shared>> -> memref<640x128xf32, #tpu.memory_space<vmem_shared>>
      tpu.enqueue_dma source(%dma_start3A_141 : memref<640x128xf32, #tpu.memory_space<vmem_shared>>) target(%dma_start3A_139 : memref<640x128xf32, #tpu.memory_space<hbm>>) target_semaphore(%run_scoped3A : memref<!tpu.dma_semaphore, #tpu.memory_space<semaphore_mem>>)
      %dma_wait3A_142 = arith.constant 0 : i32
      %dma_wait3A_143 = tpu.memref_slice %arg4[%arg0, %mul3A_129, %dma_wait3A_142] : memref<2x10240x128xf32, #tpu.memory_space<hbm>> -> memref<1x640x128xf32, #tpu.memory_space<hbm>>
      %dma_wait3A_144 = tpu.memref_squeeze %dma_wait3A_143 : memref<1x640x128xf32, #tpu.memory_space<hbm>> -> memref<640x128xf32, #tpu.memory_space<hbm>>
      %dma_wait3A_145 = arith.constant 0 : i32
      %dma_wait3A_146 = tpu.memref_slice %arg16[%mul3A_127, %dma_wait3A_145] : memref<10240x128xf32, #tpu.memory_space<vmem_shared>> -> memref<640x128xf32, #tpu.memory_space<vmem_shared>>
      tpu.wait_dma2 semaphore(%run_scoped3A : memref<!tpu.dma_semaphore, #tpu.memory_space<semaphore_mem>>) src(%dma_wait3A_146 : memref<640x128xf32, #tpu.memory_space<vmem_shared>>) dst(%dma_wait3A_144 : memref<640x128xf32, #tpu.memory_space<hbm>>)
      tpu.yield
    }) : () -> ()
    %mul3A_130 = arith.constant 640 : i32
    %mul3A_131 = arith.muli %arg1, %mul3A_130 : i32
    %mul3A_132 = arith.constant 10240 : i32
    %mul3A_133 = arith.muli %arg0, %mul3A_132 : i32
    %mul3A_134 = arith.constant 640 : i32
    %mul3A_135 = arith.muli %arg1, %mul3A_134 : i32
    %add3A_136 = arith.addi %mul3A_133, %mul3A_135 : i32
    "tpu.region"() ({
      %run_scoped3A = tpu.sem_alloc : memref<!tpu.dma_semaphore, #tpu.memory_space<semaphore_mem>>
      %dma_start3A_137 = tpu.memref_slice %arg5[%add3A_136] : memref<20480xf32, #tpu.memory_space<hbm>> -> memref<640xf32, #tpu.memory_space<hbm>>
      %dma_start3A_138 = tpu.memref_slice %arg17[%mul3A_131] : memref<10240xf32, #tpu.memory_space<vmem_shared>> -> memref<640xf32, #tpu.memory_space<vmem_shared>>
      tpu.enqueue_dma source(%dma_start3A_138 : memref<640xf32, #tpu.memory_space<vmem_shared>>) target(%dma_start3A_137 : memref<640xf32, #tpu.memory_space<hbm>>) target_semaphore(%run_scoped3A : memref<!tpu.dma_semaphore, #tpu.memory_space<semaphore_mem>>)
      %dma_wait3A_139 = tpu.memref_slice %arg5[%add3A_136] : memref<20480xf32, #tpu.memory_space<hbm>> -> memref<640xf32, #tpu.memory_space<hbm>>
      %dma_wait3A_140 = tpu.memref_slice %arg17[%mul3A_131] : memref<10240xf32, #tpu.memory_space<vmem_shared>> -> memref<640xf32, #tpu.memory_space<vmem_shared>>
      tpu.wait_dma2 semaphore(%run_scoped3A : memref<!tpu.dma_semaphore, #tpu.memory_space<semaphore_mem>>) src(%dma_wait3A_140 : memref<640xf32, #tpu.memory_space<vmem_shared>>) dst(%dma_wait3A_139 : memref<640xf32, #tpu.memory_space<hbm>>)
      tpu.yield
    }) : () -> ()
    return
  }
}

module attributes {stable_mosaic.version = 14 : i64} {
  func.func @_lin_body(%arg0: i32, %arg1: i32, %arg2: memref<1x1024x128xf32, #tpu.memory_space<vmem>>, %arg3: memref<1x1024x1xf32, #tpu.memory_space<vmem>>, %arg4: memref<1x1024x128xf32, #tpu.memory_space<vmem>>, %arg5: memref<128x128xf32, #tpu.memory_space<vmem>>, %arg6: memref<128xf32, #tpu.memory_space<vmem>>, %arg7: memref<128x128xf32, #tpu.memory_space<vmem>>, %arg8: memref<128xf32, #tpu.memory_space<vmem>>, %arg9: memref<128xf32, #tpu.memory_space<vmem>>, %arg10: memref<1x1024x128xf32, #tpu.memory_space<vmem>>, %arg11: memref<1x2x128xf32, #tpu.memory_space<vmem>>) attributes {dimension_semantics = [#tpu.dimension_semantics<arbitrary>, #tpu.dimension_semantics<arbitrary>], iteration_bounds = array<i64: 2, 10>, scalar_prefetch = 0 : i64, scratch_operands = 0 : i64, tpu.core_type = #tpu.core_type<tc>, window_params = [{transform_indices = @transform_0, window_bounds = array<i64: 1, 1024, 128>}, {transform_indices = @transform_1, window_bounds = array<i64: 1, 1024, 1>}, {transform_indices = @transform_2, window_bounds = array<i64: 1, 1024, 128>}, {pipeline_mode = #tpu.pipeline_mode<synchronous>, transform_indices = @transform_3, window_bounds = array<i64: 128, 128>}, {pipeline_mode = #tpu.pipeline_mode<synchronous>, transform_indices = @transform_4, window_bounds = array<i64: 128>}, {pipeline_mode = #tpu.pipeline_mode<synchronous>, transform_indices = @transform_5, window_bounds = array<i64: 128, 128>}, {pipeline_mode = #tpu.pipeline_mode<synchronous>, transform_indices = @transform_6, window_bounds = array<i64: 128>}, {pipeline_mode = #tpu.pipeline_mode<synchronous>, transform_indices = @transform_7, window_bounds = array<i64: 128>}, {transform_indices = @transform_8, window_bounds = array<i64: 1, 1024, 128>}, {transform_indices = @transform_9, window_bounds = array<i64: 1, 2, 128>}]} {
    %get3A = arith.constant 0 : index
    %get3A_0 = arith.constant 0 : index
    %get3A_1 = arith.constant 0 : index
    %get3A_2 = vector.load %arg3[%get3A, %get3A_0, %get3A_1] : memref<1x1024x1xf32, #tpu.memory_space<vmem>>, vector<1x1024x1xf32>
    %get3A_3 = vector.shape_cast %get3A_2 : vector<1x1024x1xf32> to vector<1024x1xf32>
    %max3A = arith.constant 1.000000e+00 : f32
    %max3A_4 = vector.broadcast %max3A : f32 to vector<1024x1xf32>
    %max3A_5 = arith.maximumf %get3A_3, %max3A_4 : vector<1024x1xf32>
    %div3A = arith.constant 1.000000e+00 : f32
    %div3A_6 = vector.broadcast %div3A : f32 to vector<1024x1xf32>
    %div3A_7 = arith.divf %div3A_6, %max3A_5 : vector<1024x1xf32>
    %get3A_8 = arith.constant 0 : index
    %get3A_9 = arith.constant 0 : index
    %get3A_10 = arith.constant 0 : index
    %get3A_11 = vector.load %arg2[%get3A_8, %get3A_9, %get3A_10] : memref<1x1024x128xf32, #tpu.memory_space<vmem>>, vector<1x1024x128xf32>
    %get3A_12 = vector.shape_cast %get3A_11 : vector<1x1024x128xf32> to vector<1024x128xf32>
    %get3A_13 = arith.constant 0 : index
    %get3A_14 = arith.constant 0 : index
    %get3A_15 = vector.load %arg5[%get3A_13, %get3A_14] : memref<128x128xf32, #tpu.memory_space<vmem>>, vector<128x128xf32>
    %dot_general3A = arith.constant dense<0.000000e+00> : vector<1024x128xf32>
    %dot_general3A_16 = tpu.matmul %get3A_12, %get3A_15, %dot_general3A {dimension_numbers = #tpu.dot_dimension_numbers<[1], [1], [0], [0], [0, 0, 1, 0], [], []>, precision = #tpu.contract_precision<fp32>, transpose_lhs_hint = false} : vector<1024x128xf32>, vector<128x128xf32>, vector<1024x128xf32> -> vector<1024x128xf32>
    %mul3A = vector.broadcast %div3A_7 : vector<1024x1xf32> to vector<1024x128xf32>
    %mul3A_17 = arith.mulf %dot_general3A_16, %mul3A : vector<1024x128xf32>
    %get3A_18 = arith.constant 0 : index
    %get3A_19 = vector.load %arg6[%get3A_18] : memref<128xf32, #tpu.memory_space<vmem>>, vector<128xf32>
    %broadcast_in_dim3A = vector.shape_cast %get3A_19 : vector<128xf32> to vector<1x128xf32>
    %add3A = vector.broadcast %broadcast_in_dim3A : vector<1x128xf32> to vector<1024x128xf32>
    %add3A_20 = arith.addf %mul3A_17, %add3A : vector<1024x128xf32>
    %get3A_21 = arith.constant 0 : index
    %get3A_22 = arith.constant 0 : index
    %get3A_23 = arith.constant 0 : index
    %get3A_24 = vector.load %arg4[%get3A_21, %get3A_22, %get3A_23] : memref<1x1024x128xf32, #tpu.memory_space<vmem>>, vector<1x1024x128xf32>
    %get3A_25 = vector.shape_cast %get3A_24 : vector<1x1024x128xf32> to vector<1024x128xf32>
    %get3A_26 = arith.constant 0 : index
    %get3A_27 = arith.constant 0 : index
    %get3A_28 = vector.load %arg7[%get3A_26, %get3A_27] : memref<128x128xf32, #tpu.memory_space<vmem>>, vector<128x128xf32>
    %dot_general3A_29 = arith.constant dense<0.000000e+00> : vector<1024x128xf32>
    %dot_general3A_30 = tpu.matmul %get3A_25, %get3A_28, %dot_general3A_29 {dimension_numbers = #tpu.dot_dimension_numbers<[1], [1], [0], [0], [0, 0, 1, 0], [], []>, precision = #tpu.contract_precision<fp32>, transpose_lhs_hint = false} : vector<1024x128xf32>, vector<128x128xf32>, vector<1024x128xf32> -> vector<1024x128xf32>
    %add3A_31 = arith.addf %add3A_20, %dot_general3A_30 : vector<1024x128xf32>
    %swap3A = arith.constant 0 : index
    %swap3A_32 = arith.constant 0 : index
    %swap3A_33 = arith.constant 0 : index
    %swap3A_34 = vector.load %arg10[%swap3A, %swap3A_32, %swap3A_33] : memref<1x1024x128xf32, #tpu.memory_space<vmem>>, vector<1x1024x128xf32>
    %swap3A_35 = vector.shape_cast %swap3A_34 : vector<1x1024x128xf32> to vector<1024x128xf32>
    %swap3A_36 = vector.shape_cast %add3A_31 : vector<1024x128xf32> to vector<1x1024x128xf32>
    tpu.vector_store %arg10[%swap3A, %swap3A_32, %swap3A_33], %swap3A_36 {strides = array<i32>} : memref<1x1024x128xf32, #tpu.memory_space<vmem>>, vector<1x1024x128xf32>,
    %mul3A_37 = arith.constant 1024 : i32
    %mul3A_38 = arith.muli %arg1, %mul3A_37 : i32
    %iota3A = tpu.iota {dimensions = array<i32: 0>} : vector<1024x1xi32>
    %add3A_39 = vector.broadcast %mul3A_38 : i32 to vector<1024x1xi32>
    %add3A_40 = arith.addi %iota3A, %add3A_39 : vector<1024x1xi32>
    %lt3A = arith.constant 10000 : i32
    %lt3A_41 = vector.broadcast %lt3A : i32 to vector<1024x1xi32>
    %lt3A_42 = arith.cmpi slt, %add3A_40, %lt3A_41 : vector<1024x1xi32>
    %jit3A = arith.constant 1.000000e+00 : f32
    %jit3A_43 = arith.constant 0.000000e+00 : f32
    %broadcast_in_dim3A_44 = vector.broadcast %jit3A : f32 to vector<1024x1xf32>
    %broadcast_in_dim3A_45 = vector.broadcast %jit3A_43 : f32 to vector<1024x1xf32>
    %select_n3A = arith.select %lt3A_42, %broadcast_in_dim3A_44, %broadcast_in_dim3A_45 : vector<1024x1xi1>, vector<1024x1xf32>
    %mul3A_46 = vector.broadcast %select_n3A : vector<1024x1xf32> to vector<1024x128xf32>
    %mul3A_47 = arith.mulf %add3A_31, %mul3A_46 : vector<1024x128xf32>
    %eq3A = arith.constant 0 : i32
    %eq3A_48 = arith.cmpi eq, %arg1, %eq3A : i32
    %convert_element_type3A = arith.extui %eq3A_48 : i1 to i32
    %cond3A = arith.constant 0 : i32
    %cond3A_49 = arith.cmpi ne, %convert_element_type3A, %cond3A : i32
    scf.if %cond3A_49 {
      %broadcast_in_dim3A_78 = arith.constant 0.000000e+00 : f32
      %broadcast_in_dim3A_79 = vector.broadcast %broadcast_in_dim3A_78 : f32 to vector<1x2x128xf32>
      %swap3A_80 = arith.constant 0 : index
      %swap3A_81 = arith.constant 0 : index
      %swap3A_82 = arith.constant 0 : index
      %swap3A_83 = vector.load %arg11[%swap3A_80, %swap3A_81, %swap3A_82] : memref<1x2x128xf32, #tpu.memory_space<vmem>>, vector<1x2x128xf32>
      tpu.vector_store %arg11[%swap3A_80, %swap3A_81, %swap3A_82], %broadcast_in_dim3A_79 {strides = array<i32>} : memref<1x2x128xf32, #tpu.memory_space<vmem>>, vector<1x2x128xf32>,
    } else {
    }
    %get3A_50 = arith.constant 0 : index
    %get3A_51 = arith.constant 0 : index
    %get3A_52 = arith.constant 0 : index
    %get3A_53 = vector.load %arg11[%get3A_50, %get3A_51, %get3A_52] : memref<1x2x128xf32, #tpu.memory_space<vmem>>, vector<1x1x128xf32>
    %get3A_54 = vector.shape_cast %get3A_53 : vector<1x1x128xf32> to vector<128xf32>
    %reduce_sum3A = arith.constant dense<0.000000e+00> : vector<128xf32>
    %reduce_sum3A_55 = vector.multi_reduction <add>, %mul3A_47, %reduce_sum3A [0] : vector<1024x128xf32> to vector<128xf32>
    %add3A_56 = arith.addf %get3A_54, %reduce_sum3A_55 : vector<128xf32>
    %swap3A_57 = arith.constant 0 : index
    %swap3A_58 = arith.constant 0 : index
    %swap3A_59 = arith.constant 0 : index
    %swap3A_60 = vector.load %arg11[%swap3A_57, %swap3A_58, %swap3A_59] : memref<1x2x128xf32, #tpu.memory_space<vmem>>, vector<1x1x128xf32>
    %swap3A_61 = vector.shape_cast %swap3A_60 : vector<1x1x128xf32> to vector<128xf32>
    %swap3A_62 = vector.shape_cast %add3A_56 : vector<128xf32> to vector<1x1x128xf32>
    tpu.vector_store %arg11[%swap3A_57, %swap3A_58, %swap3A_59], %swap3A_62 {strides = array<i32>} : memref<1x2x128xf32, #tpu.memory_space<vmem>>, vector<1x1x128xf32>,
    %get3A_63 = arith.constant 0 : index
    %get3A_64 = arith.constant 1 : index
    %get3A_65 = arith.constant 0 : index
    %get3A_66 = vector.load %arg11[%get3A_63, %get3A_64, %get3A_65] : memref<1x2x128xf32, #tpu.memory_space<vmem>>, vector<1x1x128xf32>
    %get3A_67 = vector.shape_cast %get3A_66 : vector<1x1x128xf32> to vector<128xf32>
    %mul3A_68 = arith.mulf %mul3A_47, %mul3A_47 : vector<1024x128xf32>
    %reduce_sum3A_69 = arith.constant dense<0.000000e+00> : vector<128xf32>
    %reduce_sum3A_70 = vector.multi_reduction <add>, %mul3A_68, %reduce_sum3A_69 [0] : vector<1024x128xf32> to vector<128xf32>
    %add3A_71 = arith.addf %get3A_67, %reduce_sum3A_70 : vector<128xf32>
    %swap3A_72 = arith.constant 0 : index
    %swap3A_73 = arith.constant 1 : index
    %swap3A_74 = arith.constant 0 : index
    %swap3A_75 = vector.load %arg11[%swap3A_72, %swap3A_73, %swap3A_74] : memref<1x2x128xf32, #tpu.memory_space<vmem>>, vector<1x1x128xf32>
    %swap3A_76 = vector.shape_cast %swap3A_75 : vector<1x1x128xf32> to vector<128xf32>
    %swap3A_77 = vector.shape_cast %add3A_71 : vector<128xf32> to vector<1x1x128xf32>
    tpu.vector_store %arg11[%swap3A_72, %swap3A_73, %swap3A_74], %swap3A_77 {strides = array<i32>} : memref<1x2x128xf32, #tpu.memory_space<vmem>>, vector<1x1x128xf32>,
    return
  }
  func.func @transform_0(%arg0: i32, %arg1: i32) -> (i32, i32, i32) {
    %c0_i32 = arith.constant 0 : i32
    %c0_i32_0 = arith.constant 0 : i32
    return %arg0, %arg1, %c0_i32 : i32, i32, i32
  }
  func.func @transform_1(%arg0: i32, %arg1: i32) -> (i32, i32, i32) {
    %c0_i32 = arith.constant 0 : i32
    %c0_i32_0 = arith.constant 0 : i32
    return %arg0, %arg1, %c0_i32 : i32, i32, i32
  }
  func.func @transform_2(%arg0: i32, %arg1: i32) -> (i32, i32, i32) {
    %c0_i32 = arith.constant 0 : i32
    %c0_i32_0 = arith.constant 0 : i32
    %c0_i32_1 = arith.constant 0 : i32
    return %c0_i32, %arg1, %c0_i32_0 : i32, i32, i32
  }
  func.func @transform_3(%arg0: i32, %arg1: i32) -> (i32, i32) {
    %c0_i32 = arith.constant 0 : i32
    %c0_i32_0 = arith.constant 0 : i32
    %c0_i32_1 = arith.constant 0 : i32
    return %c0_i32, %c0_i32_0 : i32, i32
  }
  func.func @transform_4(%arg0: i32, %arg1: i32) -> i32 {
    %c0_i32 = arith.constant 0 : i32
    %c0_i32_0 = arith.constant 0 : i32
    return %c0_i32 : i32
  }
  func.func @transform_5(%arg0: i32, %arg1: i32) -> (i32, i32) {
    %c0_i32 = arith.constant 0 : i32
    %c0_i32_0 = arith.constant 0 : i32
    %c0_i32_1 = arith.constant 0 : i32
    return %c0_i32, %c0_i32_0 : i32, i32
  }
  func.func @transform_6(%arg0: i32, %arg1: i32) -> i32 {
    %c0_i32 = arith.constant 0 : i32
    %c0_i32_0 = arith.constant 0 : i32
    return %c0_i32 : i32
  }
  func.func @transform_7(%arg0: i32, %arg1: i32) -> i32 {
    %c0_i32 = arith.constant 0 : i32
    %c0_i32_0 = arith.constant 0 : i32
    return %c0_i32 : i32
  }
  func.func @transform_8(%arg0: i32, %arg1: i32) -> (i32, i32, i32) {
    %c0_i32 = arith.constant 0 : i32
    %c0_i32_0 = arith.constant 0 : i32
    return %arg0, %arg1, %c0_i32 : i32, i32, i32
  }
  func.func @transform_9(%arg0: i32, %arg1: i32) -> (i32, i32, i32) {
    %c0_i32 = arith.constant 0 : i32
    %c0_i32_0 = arith.constant 0 : i32
    %c0_i32_1 = arith.constant 0 : i32
    return %arg0, %c0_i32, %c0_i32_0 : i32, i32, i32
  }
}

module attributes {stable_mosaic.version = 14 : i64} {
  func.func @_bn_body(%arg0: i32, %arg1: i32, %arg2: memref<1x1024x128xf32, #tpu.memory_space<vmem>>, %arg3: memref<1x2x128xf32, #tpu.memory_space<vmem>>, %arg4: memref<128xf32, #tpu.memory_space<vmem>>, %arg5: memref<128xf32, #tpu.memory_space<vmem>>, %arg6: memref<1x1024x128xf32, #tpu.memory_space<vmem>>) attributes {dimension_semantics = [#tpu.dimension_semantics<arbitrary>, #tpu.dimension_semantics<arbitrary>], iteration_bounds = array<i64: 2, 10>, scalar_prefetch = 0 : i64, scratch_operands = 0 : i64, tpu.core_type = #tpu.core_type<tc>, window_params = [{transform_indices = @transform_0, window_bounds = array<i64: 1, 1024, 128>}, {transform_indices = @transform_1, window_bounds = array<i64: 1, 2, 128>}, {pipeline_mode = #tpu.pipeline_mode<synchronous>, transform_indices = @transform_2, window_bounds = array<i64: 128>}, {pipeline_mode = #tpu.pipeline_mode<synchronous>, transform_indices = @transform_3, window_bounds = array<i64: 128>}, {transform_indices = @transform_4, window_bounds = array<i64: 1, 1024, 128>}]} {
    %get3A = arith.constant 0 : index
    %get3A_0 = arith.constant 0 : index
    %get3A_1 = arith.constant 0 : index
    %get3A_2 = vector.load %arg3[%get3A, %get3A_0, %get3A_1] : memref<1x2x128xf32, #tpu.memory_space<vmem>>, vector<1x1x128xf32>
    %get3A_3 = vector.shape_cast %get3A_2 : vector<1x1x128xf32> to vector<128xf32>
    %mul3A = arith.constant 9.99999974E-5 : f32
    %mul3A_4 = vector.broadcast %mul3A : f32 to vector<128xf32>
    %mul3A_5 = arith.mulf %get3A_3, %mul3A_4 : vector<128xf32>
    %get3A_6 = arith.constant 0 : index
    %get3A_7 = arith.constant 1 : index
    %get3A_8 = arith.constant 0 : index
    %get3A_9 = vector.load %arg3[%get3A_6, %get3A_7, %get3A_8] : memref<1x2x128xf32, #tpu.memory_space<vmem>>, vector<1x1x128xf32>
    %get3A_10 = vector.shape_cast %get3A_9 : vector<1x1x128xf32> to vector<128xf32>
    %mul3A_11 = arith.constant 9.99999974E-5 : f32
    %mul3A_12 = vector.broadcast %mul3A_11 : f32 to vector<128xf32>
    %mul3A_13 = arith.mulf %get3A_10, %mul3A_12 : vector<128xf32>
    %mul3A_14 = arith.mulf %mul3A_5, %mul3A_5 : vector<128xf32>
    %sub3A = arith.subf %mul3A_13, %mul3A_14 : vector<128xf32>
    %get3A_15 = arith.constant 0 : index
    %get3A_16 = arith.constant 0 : index
    %get3A_17 = arith.constant 0 : index
    %get3A_18 = vector.load %arg2[%get3A_15, %get3A_16, %get3A_17] : memref<1x1024x128xf32, #tpu.memory_space<vmem>>, vector<1x1024x128xf32>
    %get3A_19 = vector.shape_cast %get3A_18 : vector<1x1024x128xf32> to vector<1024x128xf32>
    %broadcast_in_dim3A = vector.shape_cast %mul3A_5 : vector<128xf32> to vector<1x128xf32>
    %sub3A_20 = vector.broadcast %broadcast_in_dim3A : vector<1x128xf32> to vector<1024x128xf32>
    %sub3A_21 = arith.subf %get3A_19, %sub3A_20 : vector<1024x128xf32>
    %add3A = arith.constant 9.99999974E-6 : f32
    %add3A_22 = vector.broadcast %add3A : f32 to vector<128xf32>
    %add3A_23 = arith.addf %sub3A, %add3A_22 : vector<128xf32>
    %rsqrt3A = math.rsqrt %add3A_23 : vector<128xf32>
    %broadcast_in_dim3A_24 = vector.shape_cast %rsqrt3A : vector<128xf32> to vector<1x128xf32>
    %mul3A_25 = vector.broadcast %broadcast_in_dim3A_24 : vector<1x128xf32> to vector<1024x128xf32>
    %mul3A_26 = arith.mulf %sub3A_21, %mul3A_25 : vector<1024x128xf32>
    %get3A_27 = arith.constant 0 : index
    %get3A_28 = vector.load %arg4[%get3A_27] : memref<128xf32, #tpu.memory_space<vmem>>, vector<128xf32>
    %broadcast_in_dim3A_29 = vector.shape_cast %get3A_28 : vector<128xf32> to vector<1x128xf32>
    %mul3A_30 = vector.broadcast %broadcast_in_dim3A_29 : vector<1x128xf32> to vector<1024x128xf32>
    %mul3A_31 = arith.mulf %mul3A_26, %mul3A_30 : vector<1024x128xf32>
    %get3A_32 = arith.constant 0 : index
    %get3A_33 = vector.load %arg5[%get3A_32] : memref<128xf32, #tpu.memory_space<vmem>>, vector<128xf32>
    %broadcast_in_dim3A_34 = vector.shape_cast %get3A_33 : vector<128xf32> to vector<1x128xf32>
    %add3A_35 = vector.broadcast %broadcast_in_dim3A_34 : vector<1x128xf32> to vector<1024x128xf32>
    %add3A_36 = arith.addf %mul3A_31, %add3A_35 : vector<1024x128xf32>
    %max3A = arith.constant 0.000000e+00 : f32
    %max3A_37 = vector.broadcast %max3A : f32 to vector<1024x128xf32>
    %max3A_38 = arith.maximumf %add3A_36, %max3A_37 : vector<1024x128xf32>
    %mul3A_39 = arith.constant 1024 : i32
    %mul3A_40 = arith.muli %arg1, %mul3A_39 : i32
    %iota3A = tpu.iota {dimensions = array<i32: 0>} : vector<1024x1xi32>
    %add3A_41 = vector.broadcast %mul3A_40 : i32 to vector<1024x1xi32>
    %add3A_42 = arith.addi %iota3A, %add3A_41 : vector<1024x1xi32>
    %lt3A = arith.constant 10000 : i32
    %lt3A_43 = vector.broadcast %lt3A : i32 to vector<1024x1xi32>
    %lt3A_44 = arith.cmpi slt, %add3A_42, %lt3A_43 : vector<1024x1xi32>
    %jit3A = arith.constant 1.000000e+00 : f32
    %jit3A_45 = arith.constant 0.000000e+00 : f32
    %broadcast_in_dim3A_46 = vector.broadcast %jit3A : f32 to vector<1024x1xf32>
    %broadcast_in_dim3A_47 = vector.broadcast %jit3A_45 : f32 to vector<1024x1xf32>
    %select_n3A = arith.select %lt3A_44, %broadcast_in_dim3A_46, %broadcast_in_dim3A_47 : vector<1024x1xi1>, vector<1024x1xf32>
    %mul3A_48 = vector.broadcast %select_n3A : vector<1024x1xf32> to vector<1024x128xf32>
    %mul3A_49 = arith.mulf %max3A_38, %mul3A_48 : vector<1024x128xf32>
    %swap3A = arith.constant 0 : index
    %swap3A_50 = arith.constant 0 : index
    %swap3A_51 = arith.constant 0 : index
    %swap3A_52 = vector.load %arg6[%swap3A, %swap3A_50, %swap3A_51] : memref<1x1024x128xf32, #tpu.memory_space<vmem>>, vector<1x1024x128xf32>
    %swap3A_53 = vector.shape_cast %swap3A_52 : vector<1x1024x128xf32> to vector<1024x128xf32>
    %swap3A_54 = vector.shape_cast %mul3A_49 : vector<1024x128xf32> to vector<1x1024x128xf32>
    tpu.vector_store %arg6[%swap3A, %swap3A_50, %swap3A_51], %swap3A_54 {strides = array<i32>} : memref<1x1024x128xf32, #tpu.memory_space<vmem>>, vector<1x1024x128xf32>,
    return
  }
  func.func @transform_0(%arg0: i32, %arg1: i32) -> (i32, i32, i32) {
    %c0_i32 = arith.constant 0 : i32
    %c0_i32_0 = arith.constant 0 : i32
    return %arg0, %arg1, %c0_i32 : i32, i32, i32
  }
  func.func @transform_1(%arg0: i32, %arg1: i32) -> (i32, i32, i32) {
    %c0_i32 = arith.constant 0 : i32
    %c0_i32_0 = arith.constant 0 : i32
    %c0_i32_1 = arith.constant 0 : i32
    return %arg0, %c0_i32, %c0_i32_0 : i32, i32, i32
  }
  func.func @transform_2(%arg0: i32, %arg1: i32) -> i32 {
    %c0_i32 = arith.constant 0 : i32
    %c0_i32_0 = arith.constant 0 : i32
    return %c0_i32 : i32
  }
  func.func @transform_3(%arg0: i32, %arg1: i32) -> i32 {
    %c0_i32 = arith.constant 0 : i32
    %c0_i32_0 = arith.constant 0 : i32
    return %c0_i32 : i32
  }
  func.func @transform_4(%arg0: i32, %arg1: i32) -> (i32, i32, i32) {
    %c0_i32 = arith.constant 0 : i32
    %c0_i32_0 = arith.constant 0 : i32
    return %arg0, %arg1, %c0_i32 : i32, i32, i32
  }
}

module attributes {stable_mosaic.version = 14 : i64} {
  func.func @_lin_body(%arg0: i32, %arg1: i32, %arg2: memref<1x1024x128xf32, #tpu.memory_space<vmem>>, %arg3: memref<1x1024x1xf32, #tpu.memory_space<vmem>>, %arg4: memref<1x1024x128xf32, #tpu.memory_space<vmem>>, %arg5: memref<128x128xf32, #tpu.memory_space<vmem>>, %arg6: memref<128xf32, #tpu.memory_space<vmem>>, %arg7: memref<128x128xf32, #tpu.memory_space<vmem>>, %arg8: memref<128xf32, #tpu.memory_space<vmem>>, %arg9: memref<128xf32, #tpu.memory_space<vmem>>, %arg10: memref<1x1024x128xf32, #tpu.memory_space<vmem>>, %arg11: memref<1x2x128xf32, #tpu.memory_space<vmem>>) attributes {dimension_semantics = [#tpu.dimension_semantics<arbitrary>, #tpu.dimension_semantics<arbitrary>], iteration_bounds = array<i64: 2, 10>, scalar_prefetch = 0 : i64, scratch_operands = 0 : i64, tpu.core_type = #tpu.core_type<tc>, window_params = [{transform_indices = @transform_0, window_bounds = array<i64: 1, 1024, 128>}, {transform_indices = @transform_1, window_bounds = array<i64: 1, 1024, 1>}, {transform_indices = @transform_2, window_bounds = array<i64: 1, 1024, 128>}, {pipeline_mode = #tpu.pipeline_mode<synchronous>, transform_indices = @transform_3, window_bounds = array<i64: 128, 128>}, {pipeline_mode = #tpu.pipeline_mode<synchronous>, transform_indices = @transform_4, window_bounds = array<i64: 128>}, {pipeline_mode = #tpu.pipeline_mode<synchronous>, transform_indices = @transform_5, window_bounds = array<i64: 128, 128>}, {pipeline_mode = #tpu.pipeline_mode<synchronous>, transform_indices = @transform_6, window_bounds = array<i64: 128>}, {pipeline_mode = #tpu.pipeline_mode<synchronous>, transform_indices = @transform_7, window_bounds = array<i64: 128>}, {transform_indices = @transform_8, window_bounds = array<i64: 1, 1024, 128>}, {transform_indices = @transform_9, window_bounds = array<i64: 1, 2, 128>}]} {
    %get3A = arith.constant 0 : index
    %get3A_0 = arith.constant 0 : index
    %get3A_1 = arith.constant 0 : index
    %get3A_2 = vector.load %arg3[%get3A, %get3A_0, %get3A_1] : memref<1x1024x1xf32, #tpu.memory_space<vmem>>, vector<1x1024x1xf32>
    %get3A_3 = vector.shape_cast %get3A_2 : vector<1x1024x1xf32> to vector<1024x1xf32>
    %max3A = arith.constant 1.000000e+00 : f32
    %max3A_4 = vector.broadcast %max3A : f32 to vector<1024x1xf32>
    %max3A_5 = arith.maximumf %get3A_3, %max3A_4 : vector<1024x1xf32>
    %div3A = arith.constant 1.000000e+00 : f32
    %div3A_6 = vector.broadcast %div3A : f32 to vector<1024x1xf32>
    %div3A_7 = arith.divf %div3A_6, %max3A_5 : vector<1024x1xf32>
    %get3A_8 = arith.constant 0 : index
    %get3A_9 = arith.constant 0 : index
    %get3A_10 = arith.constant 0 : index
    %get3A_11 = vector.load %arg2[%get3A_8, %get3A_9, %get3A_10] : memref<1x1024x128xf32, #tpu.memory_space<vmem>>, vector<1x1024x128xf32>
    %get3A_12 = vector.shape_cast %get3A_11 : vector<1x1024x128xf32> to vector<1024x128xf32>
    %get3A_13 = arith.constant 0 : index
    %get3A_14 = arith.constant 0 : index
    %get3A_15 = vector.load %arg5[%get3A_13, %get3A_14] : memref<128x128xf32, #tpu.memory_space<vmem>>, vector<128x128xf32>
    %dot_general3A = arith.constant dense<0.000000e+00> : vector<1024x128xf32>
    %dot_general3A_16 = tpu.matmul %get3A_12, %get3A_15, %dot_general3A {dimension_numbers = #tpu.dot_dimension_numbers<[1], [1], [0], [0], [0, 0, 1, 0], [], []>, precision = #tpu.contract_precision<fp32>, transpose_lhs_hint = false} : vector<1024x128xf32>, vector<128x128xf32>, vector<1024x128xf32> -> vector<1024x128xf32>
    %mul3A = vector.broadcast %div3A_7 : vector<1024x1xf32> to vector<1024x128xf32>
    %mul3A_17 = arith.mulf %dot_general3A_16, %mul3A : vector<1024x128xf32>
    %get3A_18 = arith.constant 0 : index
    %get3A_19 = vector.load %arg6[%get3A_18] : memref<128xf32, #tpu.memory_space<vmem>>, vector<128xf32>
    %broadcast_in_dim3A = vector.shape_cast %get3A_19 : vector<128xf32> to vector<1x128xf32>
    %add3A = vector.broadcast %broadcast_in_dim3A : vector<1x128xf32> to vector<1024x128xf32>
    %add3A_20 = arith.addf %mul3A_17, %add3A : vector<1024x128xf32>
    %get3A_21 = arith.constant 0 : index
    %get3A_22 = arith.constant 0 : index
    %get3A_23 = arith.constant 0 : index
    %get3A_24 = vector.load %arg4[%get3A_21, %get3A_22, %get3A_23] : memref<1x1024x128xf32, #tpu.memory_space<vmem>>, vector<1x1024x128xf32>
    %get3A_25 = vector.shape_cast %get3A_24 : vector<1x1024x128xf32> to vector<1024x128xf32>
    %get3A_26 = arith.constant 0 : index
    %get3A_27 = arith.constant 0 : index
    %get3A_28 = vector.load %arg7[%get3A_26, %get3A_27] : memref<128x128xf32, #tpu.memory_space<vmem>>, vector<128x128xf32>
    %dot_general3A_29 = arith.constant dense<0.000000e+00> : vector<1024x128xf32>
    %dot_general3A_30 = tpu.matmul %get3A_25, %get3A_28, %dot_general3A_29 {dimension_numbers = #tpu.dot_dimension_numbers<[1], [1], [0], [0], [0, 0, 1, 0], [], []>, precision = #tpu.contract_precision<fp32>, transpose_lhs_hint = false} : vector<1024x128xf32>, vector<128x128xf32>, vector<1024x128xf32> -> vector<1024x128xf32>
    %add3A_31 = arith.addf %add3A_20, %dot_general3A_30 : vector<1024x128xf32>
    %swap3A = arith.constant 0 : index
    %swap3A_32 = arith.constant 0 : index
    %swap3A_33 = arith.constant 0 : index
    %swap3A_34 = vector.load %arg10[%swap3A, %swap3A_32, %swap3A_33] : memref<1x1024x128xf32, #tpu.memory_space<vmem>>, vector<1x1024x128xf32>
    %swap3A_35 = vector.shape_cast %swap3A_34 : vector<1x1024x128xf32> to vector<1024x128xf32>
    %swap3A_36 = vector.shape_cast %add3A_31 : vector<1024x128xf32> to vector<1x1024x128xf32>
    tpu.vector_store %arg10[%swap3A, %swap3A_32, %swap3A_33], %swap3A_36 {strides = array<i32>} : memref<1x1024x128xf32, #tpu.memory_space<vmem>>, vector<1x1024x128xf32>,
    %mul3A_37 = arith.constant 1024 : i32
    %mul3A_38 = arith.muli %arg1, %mul3A_37 : i32
    %iota3A = tpu.iota {dimensions = array<i32: 0>} : vector<1024x1xi32>
    %add3A_39 = vector.broadcast %mul3A_38 : i32 to vector<1024x1xi32>
    %add3A_40 = arith.addi %iota3A, %add3A_39 : vector<1024x1xi32>
    %lt3A = arith.constant 10000 : i32
    %lt3A_41 = vector.broadcast %lt3A : i32 to vector<1024x1xi32>
    %lt3A_42 = arith.cmpi slt, %add3A_40, %lt3A_41 : vector<1024x1xi32>
    %jit3A = arith.constant 1.000000e+00 : f32
    %jit3A_43 = arith.constant 0.000000e+00 : f32
    %broadcast_in_dim3A_44 = vector.broadcast %jit3A : f32 to vector<1024x1xf32>
    %broadcast_in_dim3A_45 = vector.broadcast %jit3A_43 : f32 to vector<1024x1xf32>
    %select_n3A = arith.select %lt3A_42, %broadcast_in_dim3A_44, %broadcast_in_dim3A_45 : vector<1024x1xi1>, vector<1024x1xf32>
    %mul3A_46 = vector.broadcast %select_n3A : vector<1024x1xf32> to vector<1024x128xf32>
    %mul3A_47 = arith.mulf %add3A_31, %mul3A_46 : vector<1024x128xf32>
    %eq3A = arith.constant 0 : i32
    %eq3A_48 = arith.cmpi eq, %arg1, %eq3A : i32
    %convert_element_type3A = arith.extui %eq3A_48 : i1 to i32
    %cond3A = arith.constant 0 : i32
    %cond3A_49 = arith.cmpi ne, %convert_element_type3A, %cond3A : i32
    scf.if %cond3A_49 {
      %broadcast_in_dim3A_78 = arith.constant 0.000000e+00 : f32
      %broadcast_in_dim3A_79 = vector.broadcast %broadcast_in_dim3A_78 : f32 to vector<1x2x128xf32>
      %swap3A_80 = arith.constant 0 : index
      %swap3A_81 = arith.constant 0 : index
      %swap3A_82 = arith.constant 0 : index
      %swap3A_83 = vector.load %arg11[%swap3A_80, %swap3A_81, %swap3A_82] : memref<1x2x128xf32, #tpu.memory_space<vmem>>, vector<1x2x128xf32>
      tpu.vector_store %arg11[%swap3A_80, %swap3A_81, %swap3A_82], %broadcast_in_dim3A_79 {strides = array<i32>} : memref<1x2x128xf32, #tpu.memory_space<vmem>>, vector<1x2x128xf32>,
    } else {
    }
    %get3A_50 = arith.constant 0 : index
    %get3A_51 = arith.constant 0 : index
    %get3A_52 = arith.constant 0 : index
    %get3A_53 = vector.load %arg11[%get3A_50, %get3A_51, %get3A_52] : memref<1x2x128xf32, #tpu.memory_space<vmem>>, vector<1x1x128xf32>
    %get3A_54 = vector.shape_cast %get3A_53 : vector<1x1x128xf32> to vector<128xf32>
    %reduce_sum3A = arith.constant dense<0.000000e+00> : vector<128xf32>
    %reduce_sum3A_55 = vector.multi_reduction <add>, %mul3A_47, %reduce_sum3A [0] : vector<1024x128xf32> to vector<128xf32>
    %add3A_56 = arith.addf %get3A_54, %reduce_sum3A_55 : vector<128xf32>
    %swap3A_57 = arith.constant 0 : index
    %swap3A_58 = arith.constant 0 : index
    %swap3A_59 = arith.constant 0 : index
    %swap3A_60 = vector.load %arg11[%swap3A_57, %swap3A_58, %swap3A_59] : memref<1x2x128xf32, #tpu.memory_space<vmem>>, vector<1x1x128xf32>
    %swap3A_61 = vector.shape_cast %swap3A_60 : vector<1x1x128xf32> to vector<128xf32>
    %swap3A_62 = vector.shape_cast %add3A_56 : vector<128xf32> to vector<1x1x128xf32>
    tpu.vector_store %arg11[%swap3A_57, %swap3A_58, %swap3A_59], %swap3A_62 {strides = array<i32>} : memref<1x2x128xf32, #tpu.memory_space<vmem>>, vector<1x1x128xf32>,
    %get3A_63 = arith.constant 0 : index
    %get3A_64 = arith.constant 1 : index
    %get3A_65 = arith.constant 0 : index
    %get3A_66 = vector.load %arg11[%get3A_63, %get3A_64, %get3A_65] : memref<1x2x128xf32, #tpu.memory_space<vmem>>, vector<1x1x128xf32>
    %get3A_67 = vector.shape_cast %get3A_66 : vector<1x1x128xf32> to vector<128xf32>
    %mul3A_68 = arith.mulf %mul3A_47, %mul3A_47 : vector<1024x128xf32>
    %reduce_sum3A_69 = arith.constant dense<0.000000e+00> : vector<128xf32>
    %reduce_sum3A_70 = vector.multi_reduction <add>, %mul3A_68, %reduce_sum3A_69 [0] : vector<1024x128xf32> to vector<128xf32>
    %add3A_71 = arith.addf %get3A_67, %reduce_sum3A_70 : vector<128xf32>
    %swap3A_72 = arith.constant 0 : index
    %swap3A_73 = arith.constant 1 : index
    %swap3A_74 = arith.constant 0 : index
    %swap3A_75 = vector.load %arg11[%swap3A_72, %swap3A_73, %swap3A_74] : memref<1x2x128xf32, #tpu.memory_space<vmem>>, vector<1x1x128xf32>
    %swap3A_76 = vector.shape_cast %swap3A_75 : vector<1x1x128xf32> to vector<128xf32>
    %swap3A_77 = vector.shape_cast %add3A_71 : vector<128xf32> to vector<1x1x128xf32>
    tpu.vector_store %arg11[%swap3A_72, %swap3A_73, %swap3A_74], %swap3A_77 {strides = array<i32>} : memref<1x2x128xf32, #tpu.memory_space<vmem>>, vector<1x1x128xf32>,
    return
  }
  func.func @transform_0(%arg0: i32, %arg1: i32) -> (i32, i32, i32) {
    %c0_i32 = arith.constant 0 : i32
    %c0_i32_0 = arith.constant 0 : i32
    return %arg0, %arg1, %c0_i32 : i32, i32, i32
  }
  func.func @transform_1(%arg0: i32, %arg1: i32) -> (i32, i32, i32) {
    %c0_i32 = arith.constant 0 : i32
    %c0_i32_0 = arith.constant 0 : i32
    return %arg0, %arg1, %c0_i32 : i32, i32, i32
  }
  func.func @transform_2(%arg0: i32, %arg1: i32) -> (i32, i32, i32) {
    %c0_i32 = arith.constant 0 : i32
    %c0_i32_0 = arith.constant 0 : i32
    return %arg0, %arg1, %c0_i32 : i32, i32, i32
  }
  func.func @transform_3(%arg0: i32, %arg1: i32) -> (i32, i32) {
    %c0_i32 = arith.constant 0 : i32
    %c0_i32_0 = arith.constant 0 : i32
    %c0_i32_1 = arith.constant 0 : i32
    return %c0_i32, %c0_i32_0 : i32, i32
  }
  func.func @transform_4(%arg0: i32, %arg1: i32) -> i32 {
    %c0_i32 = arith.constant 0 : i32
    %c0_i32_0 = arith.constant 0 : i32
    return %c0_i32 : i32
  }
  func.func @transform_5(%arg0: i32, %arg1: i32) -> (i32, i32) {
    %c0_i32 = arith.constant 0 : i32
    %c0_i32_0 = arith.constant 0 : i32
    %c0_i32_1 = arith.constant 0 : i32
    return %c0_i32, %c0_i32_0 : i32, i32
  }
  func.func @transform_6(%arg0: i32, %arg1: i32) -> i32 {
    %c0_i32 = arith.constant 0 : i32
    %c0_i32_0 = arith.constant 0 : i32
    return %c0_i32 : i32
  }
  func.func @transform_7(%arg0: i32, %arg1: i32) -> i32 {
    %c0_i32 = arith.constant 0 : i32
    %c0_i32_0 = arith.constant 0 : i32
    return %c0_i32 : i32
  }
  func.func @transform_8(%arg0: i32, %arg1: i32) -> (i32, i32, i32) {
    %c0_i32 = arith.constant 0 : i32
    %c0_i32_0 = arith.constant 0 : i32
    return %arg0, %arg1, %c0_i32 : i32, i32, i32
  }
  func.func @transform_9(%arg0: i32, %arg1: i32) -> (i32, i32, i32) {
    %c0_i32 = arith.constant 0 : i32
    %c0_i32_0 = arith.constant 0 : i32
    %c0_i32_1 = arith.constant 0 : i32
    return %arg0, %c0_i32, %c0_i32_0 : i32, i32, i32
  }
}

module attributes {stable_mosaic.version = 14 : i64} {
  func.func @_bnproj_body(%arg0: i32, %arg1: i32, %arg2: memref<1x1024x128xf32, #tpu.memory_space<vmem>>, %arg3: memref<1x2x128xf32, #tpu.memory_space<vmem>>, %arg4: memref<128xf32, #tpu.memory_space<vmem>>, %arg5: memref<128xf32, #tpu.memory_space<vmem>>, %arg6: memref<128x128xf32, #tpu.memory_space<vmem>>, %arg7: memref<128x128xf32, #tpu.memory_space<vmem>>, %arg8: memref<1x128xf32, #tpu.memory_space<vmem>>, %arg9: memref<1x1024x1xf32, #tpu.memory_space<vmem>>, %arg10: memref<1x1024x1xf32, #tpu.memory_space<vmem>>) attributes {dimension_semantics = [#tpu.dimension_semantics<arbitrary>, #tpu.dimension_semantics<arbitrary>], iteration_bounds = array<i64: 2, 10>, scalar_prefetch = 0 : i64, scratch_operands = 0 : i64, tpu.core_type = #tpu.core_type<tc>, window_params = [{transform_indices = @transform_0, window_bounds = array<i64: 1, 1024, 128>}, {transform_indices = @transform_1, window_bounds = array<i64: 1, 2, 128>}, {pipeline_mode = #tpu.pipeline_mode<synchronous>, transform_indices = @transform_2, window_bounds = array<i64: 128>}, {pipeline_mode = #tpu.pipeline_mode<synchronous>, transform_indices = @transform_3, window_bounds = array<i64: 128>}, {pipeline_mode = #tpu.pipeline_mode<synchronous>, transform_indices = @transform_4, window_bounds = array<i64: 128, 128>}, {pipeline_mode = #tpu.pipeline_mode<synchronous>, transform_indices = @transform_5, window_bounds = array<i64: 128, 128>}, {pipeline_mode = #tpu.pipeline_mode<synchronous>, transform_indices = @transform_6, window_bounds = array<i64: 1, 128>}, {transform_indices = @transform_7, window_bounds = array<i64: 1, 1024, 1>}, {transform_indices = @transform_8, window_bounds = array<i64: 1, 1024, 1>}]} {
    %get3A = arith.constant 0 : index
    %get3A_0 = arith.constant 0 : index
    %get3A_1 = arith.constant 0 : index
    %get3A_2 = vector.load %arg3[%get3A, %get3A_0, %get3A_1] : memref<1x2x128xf32, #tpu.memory_space<vmem>>, vector<1x1x128xf32>
    %get3A_3 = vector.shape_cast %get3A_2 : vector<1x1x128xf32> to vector<128xf32>
    %mul3A = arith.constant 9.99999974E-5 : f32
    %mul3A_4 = vector.broadcast %mul3A : f32 to vector<128xf32>
    %mul3A_5 = arith.mulf %get3A_3, %mul3A_4 : vector<128xf32>
    %get3A_6 = arith.constant 0 : index
    %get3A_7 = arith.constant 1 : index
    %get3A_8 = arith.constant 0 : index
    %get3A_9 = vector.load %arg3[%get3A_6, %get3A_7, %get3A_8] : memref<1x2x128xf32, #tpu.memory_space<vmem>>, vector<1x1x128xf32>
    %get3A_10 = vector.shape_cast %get3A_9 : vector<1x1x128xf32> to vector<128xf32>
    %mul3A_11 = arith.constant 9.99999974E-5 : f32
    %mul3A_12 = vector.broadcast %mul3A_11 : f32 to vector<128xf32>
    %mul3A_13 = arith.mulf %get3A_10, %mul3A_12 : vector<128xf32>
    %mul3A_14 = arith.mulf %mul3A_5, %mul3A_5 : vector<128xf32>
    %sub3A = arith.subf %mul3A_13, %mul3A_14 : vector<128xf32>
    %get3A_15 = arith.constant 0 : index
    %get3A_16 = arith.constant 0 : index
    %get3A_17 = arith.constant 0 : index
    %get3A_18 = vector.load %arg2[%get3A_15, %get3A_16, %get3A_17] : memref<1x1024x128xf32, #tpu.memory_space<vmem>>, vector<1x1024x128xf32>
    %get3A_19 = vector.shape_cast %get3A_18 : vector<1x1024x128xf32> to vector<1024x128xf32>
    %broadcast_in_dim3A = vector.shape_cast %mul3A_5 : vector<128xf32> to vector<1x128xf32>
    %sub3A_20 = vector.broadcast %broadcast_in_dim3A : vector<1x128xf32> to vector<1024x128xf32>
    %sub3A_21 = arith.subf %get3A_19, %sub3A_20 : vector<1024x128xf32>
    %add3A = arith.constant 9.99999974E-6 : f32
    %add3A_22 = vector.broadcast %add3A : f32 to vector<128xf32>
    %add3A_23 = arith.addf %sub3A, %add3A_22 : vector<128xf32>
    %rsqrt3A = math.rsqrt %add3A_23 : vector<128xf32>
    %broadcast_in_dim3A_24 = vector.shape_cast %rsqrt3A : vector<128xf32> to vector<1x128xf32>
    %mul3A_25 = vector.broadcast %broadcast_in_dim3A_24 : vector<1x128xf32> to vector<1024x128xf32>
    %mul3A_26 = arith.mulf %sub3A_21, %mul3A_25 : vector<1024x128xf32>
    %get3A_27 = arith.constant 0 : index
    %get3A_28 = vector.load %arg4[%get3A_27] : memref<128xf32, #tpu.memory_space<vmem>>, vector<128xf32>
    %broadcast_in_dim3A_29 = vector.shape_cast %get3A_28 : vector<128xf32> to vector<1x128xf32>
    %mul3A_30 = vector.broadcast %broadcast_in_dim3A_29 : vector<1x128xf32> to vector<1024x128xf32>
    %mul3A_31 = arith.mulf %mul3A_26, %mul3A_30 : vector<1024x128xf32>
    %get3A_32 = arith.constant 0 : index
    %get3A_33 = vector.load %arg5[%get3A_32] : memref<128xf32, #tpu.memory_space<vmem>>, vector<128xf32>
    %broadcast_in_dim3A_34 = vector.shape_cast %get3A_33 : vector<128xf32> to vector<1x128xf32>
    %add3A_35 = vector.broadcast %broadcast_in_dim3A_34 : vector<1x128xf32> to vector<1024x128xf32>
    %add3A_36 = arith.addf %mul3A_31, %add3A_35 : vector<1024x128xf32>
    %max3A = arith.constant 0.000000e+00 : f32
    %max3A_37 = vector.broadcast %max3A : f32 to vector<1024x128xf32>
    %max3A_38 = arith.maximumf %add3A_36, %max3A_37 : vector<1024x128xf32>
    %mul3A_39 = arith.constant 1024 : i32
    %mul3A_40 = arith.muli %arg1, %mul3A_39 : i32
    %iota3A = tpu.iota {dimensions = array<i32: 0>} : vector<1024x1xi32>
    %add3A_41 = vector.broadcast %mul3A_40 : i32 to vector<1024x1xi32>
    %add3A_42 = arith.addi %iota3A, %add3A_41 : vector<1024x1xi32>
    %lt3A = arith.constant 10000 : i32
    %lt3A_43 = vector.broadcast %lt3A : i32 to vector<1024x1xi32>
    %lt3A_44 = arith.cmpi slt, %add3A_42, %lt3A_43 : vector<1024x1xi32>
    %jit3A = arith.constant 1.000000e+00 : f32
    %jit3A_45 = arith.constant 0.000000e+00 : f32
    %broadcast_in_dim3A_46 = vector.broadcast %jit3A : f32 to vector<1024x1xf32>
    %broadcast_in_dim3A_47 = vector.broadcast %jit3A_45 : f32 to vector<1024x1xf32>
    %select_n3A = arith.select %lt3A_44, %broadcast_in_dim3A_46, %broadcast_in_dim3A_47 : vector<1024x1xi1>, vector<1024x1xf32>
    %mul3A_48 = vector.broadcast %select_n3A : vector<1024x1xf32> to vector<1024x128xf32>
    %mul3A_49 = arith.mulf %max3A_38, %mul3A_48 : vector<1024x128xf32>
    %get3A_50 = arith.constant 0 : index
    %get3A_51 = arith.constant 0 : index
    %get3A_52 = vector.load %arg6[%get3A_50, %get3A_51] : memref<128x128xf32, #tpu.memory_space<vmem>>, vector<128x128xf32>
    %get3A_53 = arith.constant 0 : index
    %get3A_54 = arith.constant 0 : index
    %get3A_55 = vector.load %arg8[%get3A_53, %get3A_54] : memref<1x128xf32, #tpu.memory_space<vmem>>, vector<1x128xf32>
    %dot_general3A = arith.constant dense<0.000000e+00> : vector<128x1xf32>
    %dot_general3A_56 = tpu.matmul %get3A_52, %get3A_55, %dot_general3A {dimension_numbers = #tpu.dot_dimension_numbers<[0], [1], [1], [0], [0, 1, 1, 0], [], []>, precision = #tpu.contract_precision<fp32>, transpose_lhs_hint = false} : vector<128x128xf32>, vector<1x128xf32>, vector<128x1xf32> -> vector<128x1xf32>
    %get3A_57 = arith.constant 0 : index
    %get3A_58 = arith.constant 0 : index
    %get3A_59 = vector.load %arg7[%get3A_57, %get3A_58] : memref<128x128xf32, #tpu.memory_space<vmem>>, vector<128x128xf32>
    %get3A_60 = arith.constant 0 : index
    %get3A_61 = arith.constant 0 : index
    %get3A_62 = vector.load %arg8[%get3A_60, %get3A_61] : memref<1x128xf32, #tpu.memory_space<vmem>>, vector<1x128xf32>
    %dot_general3A_63 = arith.constant dense<0.000000e+00> : vector<128x1xf32>
    %dot_general3A_64 = tpu.matmul %get3A_59, %get3A_62, %dot_general3A_63 {dimension_numbers = #tpu.dot_dimension_numbers<[0], [1], [1], [0], [0, 1, 1, 0], [], []>, precision = #tpu.contract_precision<fp32>, transpose_lhs_hint = false} : vector<128x128xf32>, vector<1x128xf32>, vector<128x1xf32> -> vector<128x1xf32>
    %dot_general3A_65 = arith.constant dense<0.000000e+00> : vector<1024x1xf32>
    %dot_general3A_66 = tpu.matmul %mul3A_49, %dot_general3A_56, %dot_general3A_65 {dimension_numbers = #tpu.dot_dimension_numbers<[1], [0], [0], [1], [0, 0, 1, 1], [], []>, precision = #tpu.contract_precision<fp32>, transpose_lhs_hint = false} : vector<1024x128xf32>, vector<128x1xf32>, vector<1024x1xf32> -> vector<1024x1xf32>
    %swap3A = arith.constant 0 : index
    %swap3A_67 = arith.constant 0 : index
    %swap3A_68 = arith.constant 0 : index
    %swap3A_69 = vector.load %arg9[%swap3A, %swap3A_67, %swap3A_68] : memref<1x1024x1xf32, #tpu.memory_space<vmem>>, vector<1x1024x1xf32>
    %swap3A_70 = vector.shape_cast %swap3A_69 : vector<1x1024x1xf32> to vector<1024x1xf32>
    %swap3A_71 = vector.shape_cast %dot_general3A_66 : vector<1024x1xf32> to vector<1x1024x1xf32>
    tpu.vector_store %arg9[%swap3A, %swap3A_67, %swap3A_68], %swap3A_71 {strides = array<i32>} : memref<1x1024x1xf32, #tpu.memory_space<vmem>>, vector<1x1024x1xf32>,
    %dot_general3A_72 = arith.constant dense<0.000000e+00> : vector<1024x1xf32>
    %dot_general3A_73 = tpu.matmul %mul3A_49, %dot_general3A_64, %dot_general3A_72 {dimension_numbers = #tpu.dot_dimension_numbers<[1], [0], [0], [1], [0, 0, 1, 1], [], []>, precision = #tpu.contract_precision<fp32>, transpose_lhs_hint = false} : vector<1024x128xf32>, vector<128x1xf32>, vector<1024x1xf32> -> vector<1024x1xf32>
    %swap3A_74 = arith.constant 0 : index
    %swap3A_75 = arith.constant 0 : index
    %swap3A_76 = arith.constant 0 : index
    %swap3A_77 = vector.load %arg10[%swap3A_74, %swap3A_75, %swap3A_76] : memref<1x1024x1xf32, #tpu.memory_space<vmem>>, vector<1x1024x1xf32>
    %swap3A_78 = vector.shape_cast %swap3A_77 : vector<1x1024x1xf32> to vector<1024x1xf32>
    %swap3A_79 = vector.shape_cast %dot_general3A_73 : vector<1024x1xf32> to vector<1x1024x1xf32>
    tpu.vector_store %arg10[%swap3A_74, %swap3A_75, %swap3A_76], %swap3A_79 {strides = array<i32>} : memref<1x1024x1xf32, #tpu.memory_space<vmem>>, vector<1x1024x1xf32>,
    return
  }
  func.func @transform_0(%arg0: i32, %arg1: i32) -> (i32, i32, i32) {
    %c0_i32 = arith.constant 0 : i32
    %c0_i32_0 = arith.constant 0 : i32
    return %arg0, %arg1, %c0_i32 : i32, i32, i32
  }
  func.func @transform_1(%arg0: i32, %arg1: i32) -> (i32, i32, i32) {
    %c0_i32 = arith.constant 0 : i32
    %c0_i32_0 = arith.constant 0 : i32
    %c0_i32_1 = arith.constant 0 : i32
    return %arg0, %c0_i32, %c0_i32_0 : i32, i32, i32
  }
  func.func @transform_2(%arg0: i32, %arg1: i32) -> i32 {
    %c0_i32 = arith.constant 0 : i32
    %c0_i32_0 = arith.constant 0 : i32
    return %c0_i32 : i32
  }
  func.func @transform_3(%arg0: i32, %arg1: i32) -> i32 {
    %c0_i32 = arith.constant 0 : i32
    %c0_i32_0 = arith.constant 0 : i32
    return %c0_i32 : i32
  }
  func.func @transform_4(%arg0: i32, %arg1: i32) -> (i32, i32) {
    %c0_i32 = arith.constant 0 : i32
    %c0_i32_0 = arith.constant 0 : i32
    %c0_i32_1 = arith.constant 0 : i32
    return %c0_i32, %c0_i32_0 : i32, i32
  }
  func.func @transform_5(%arg0: i32, %arg1: i32) -> (i32, i32) {
    %c0_i32 = arith.constant 0 : i32
    %c0_i32_0 = arith.constant 0 : i32
    %c0_i32_1 = arith.constant 0 : i32
    return %c0_i32, %c0_i32_0 : i32, i32
  }
  func.func @transform_6(%arg0: i32, %arg1: i32) -> (i32, i32) {
    %c0_i32 = arith.constant 0 : i32
    %c0_i32_0 = arith.constant 0 : i32
    %c0_i32_1 = arith.constant 0 : i32
    return %c0_i32, %c0_i32_0 : i32, i32
  }
  func.func @transform_7(%arg0: i32, %arg1: i32) -> (i32, i32, i32) {
    %c0_i32 = arith.constant 0 : i32
    %c0_i32_0 = arith.constant 0 : i32
    return %arg0, %arg1, %c0_i32 : i32, i32, i32
  }
  func.func @transform_8(%arg0: i32, %arg1: i32) -> (i32, i32, i32) {
    %c0_i32 = arith.constant 0 : i32
    %c0_i32_0 = arith.constant 0 : i32
    return %arg0, %arg1, %c0_i32 : i32, i32, i32
  }
}

module attributes {stable_mosaic.version = 14 : i64} {
  func.func @_final_body(%arg0: memref<2x80x128xf32, #tpu.memory_space<vmem>>, %arg1: memref<2x80x128xf32, #tpu.memory_space<vmem>>, %arg2: memref<2x80x128xf32, #tpu.memory_space<vmem>>, %arg3: memref<80x128xi32, #tpu.memory_space<vmem>>, %arg4: memref<128xf32, #tpu.memory_space<vmem>>, %arg5: memref<1x128xf32, #tpu.memory_space<vmem>>, %arg6: memref<1x1xf32, #tpu.memory_space<vmem>>, %arg7: memref<8x1xf32, #tpu.memory_space<vmem>>) attributes {dimension_semantics = [], scalar_prefetch = 0 : i64, scratch_operands = 0 : i64, tpu.core_type = #tpu.core_type<tc>} {
    %get3A = arith.constant 0 : index
    %get3A_0 = vector.load %arg4[%get3A] : memref<128xf32, #tpu.memory_space<vmem>>, vector<128xf32>
    %get3A_1 = arith.constant 0 : index
    %get3A_2 = arith.constant 0 : index
    %get3A_3 = vector.load %arg5[%get3A_1, %get3A_2] : memref<1x128xf32, #tpu.memory_space<vmem>>, vector<1x128xf32>
    %get3A_4 = vector.shape_cast %get3A_3 : vector<1x128xf32> to vector<128xf32>
    %mul3A = arith.mulf %get3A_0, %get3A_4 : vector<128xf32>
    %reduce_sum3A = vector.shape_cast %mul3A : vector<128xf32> to vector<1x128xf32>
    %reduce_sum3A_5 = arith.constant dense<0.000000e+00> : vector<1xf32>
    %reduce_sum3A_6 = vector.multi_reduction <add>, %reduce_sum3A, %reduce_sum3A_5 [1] : vector<1x128xf32> to vector<1xf32>
    %reduce_sum3A_7 = vector.shape_cast %reduce_sum3A_6 : vector<1xf32> to vector<1x1xf32>
    %reduce_sum3A_8 = vector.extract %reduce_sum3A_7[0, 0] : f32 from vector<1x1xf32>
    %get3A_9 = arith.constant 0 : index
    %get3A_10 = arith.constant 0 : index
    %get3A_11 = arith.constant 0 : index
    %get3A_12 = vector.load %arg0[%get3A_9, %get3A_10, %get3A_11] : memref<2x80x128xf32, #tpu.memory_space<vmem>>, vector<1x80x128xf32>
    %get3A_13 = vector.shape_cast %get3A_12 : vector<1x80x128xf32> to vector<80x128xf32>
    %get3A_14 = arith.constant 0 : index
    %get3A_15 = arith.constant 0 : index
    %get3A_16 = arith.constant 0 : index
    %get3A_17 = vector.load %arg1[%get3A_14, %get3A_15, %get3A_16] : memref<2x80x128xf32, #tpu.memory_space<vmem>>, vector<1x80x128xf32>
    %get3A_18 = vector.shape_cast %get3A_17 : vector<1x80x128xf32> to vector<80x128xf32>
    %max3A = arith.constant 1.000000e+00 : f32
    %max3A_19 = vector.broadcast %max3A : f32 to vector<80x128xf32>
    %max3A_20 = arith.maximumf %get3A_18, %max3A_19 : vector<80x128xf32>
    %div3A = arith.divf %get3A_13, %max3A_20 : vector<80x128xf32>
    %get3A_21 = arith.constant 1 : index
    %get3A_22 = arith.constant 0 : index
    %get3A_23 = arith.constant 0 : index
    %get3A_24 = vector.load %arg0[%get3A_21, %get3A_22, %get3A_23] : memref<2x80x128xf32, #tpu.memory_space<vmem>>, vector<1x80x128xf32>
    %get3A_25 = vector.shape_cast %get3A_24 : vector<1x80x128xf32> to vector<80x128xf32>
    %get3A_26 = arith.constant 1 : index
    %get3A_27 = arith.constant 0 : index
    %get3A_28 = arith.constant 0 : index
    %get3A_29 = vector.load %arg1[%get3A_26, %get3A_27, %get3A_28] : memref<2x80x128xf32, #tpu.memory_space<vmem>>, vector<1x80x128xf32>
    %get3A_30 = vector.shape_cast %get3A_29 : vector<1x80x128xf32> to vector<80x128xf32>
    %max3A_31 = arith.constant 1.000000e+00 : f32
    %max3A_32 = vector.broadcast %max3A_31 : f32 to vector<80x128xf32>
    %max3A_33 = arith.maximumf %get3A_30, %max3A_32 : vector<80x128xf32>
    %div3A_34 = arith.divf %get3A_25, %max3A_33 : vector<80x128xf32>
    %add3A = arith.addf %div3A, %div3A_34 : vector<80x128xf32>
    %get3A_35 = arith.constant 0 : index
    %get3A_36 = arith.constant 0 : index
    %get3A_37 = arith.constant 0 : index
    %get3A_38 = vector.load %arg2[%get3A_35, %get3A_36, %get3A_37] : memref<2x80x128xf32, #tpu.memory_space<vmem>>, vector<1x80x128xf32>
    %get3A_39 = vector.shape_cast %get3A_38 : vector<1x80x128xf32> to vector<80x128xf32>
    %add3A_40 = arith.addf %add3A, %get3A_39 : vector<80x128xf32>
    %get3A_41 = arith.constant 1 : index
    %get3A_42 = arith.constant 0 : index
    %get3A_43 = arith.constant 0 : index
    %get3A_44 = vector.load %arg2[%get3A_41, %get3A_42, %get3A_43] : memref<2x80x128xf32, #tpu.memory_space<vmem>>, vector<1x80x128xf32>
    %get3A_45 = vector.shape_cast %get3A_44 : vector<1x80x128xf32> to vector<80x128xf32>
    %add3A_46 = arith.addf %add3A_40, %get3A_45 : vector<80x128xf32>
    %mul3A_47 = arith.constant 5.000000e-01 : f32
    %mul3A_48 = vector.broadcast %mul3A_47 : f32 to vector<80x128xf32>
    %mul3A_49 = arith.mulf %mul3A_48, %add3A_46 : vector<80x128xf32>
    %add3A_50 = vector.broadcast %reduce_sum3A_8 : f32 to vector<80x128xf32>
    %add3A_51 = arith.addf %mul3A_49, %add3A_50 : vector<80x128xf32>
    %get3A_52 = arith.constant 0 : index
    %get3A_53 = arith.constant 0 : index
    %get3A_54 = vector.load %arg3[%get3A_52, %get3A_53] : memref<80x128xi32, #tpu.memory_space<vmem>>, vector<80x128xi32>
    %iota3A = tpu.iota {dimensions = array<i32: 0>} : vector<8x1xi32>
    %broadcast_in_dim3A = arith.constant 0.000000e+00 : f32
    %broadcast_in_dim3A_55 = vector.broadcast %broadcast_in_dim3A : f32 to vector<8x1xf32>
    %eq3A = arith.constant 0 : i32
    %eq3A_56 = vector.broadcast %eq3A : i32 to vector<80x128xi32>
    %eq3A_57 = arith.cmpi eq, %get3A_54, %eq3A_56 : vector<80x128xi32>
    %jit3A = arith.constant 0.000000e+00 : f32
    %broadcast_in_dim3A_58 = vector.broadcast %jit3A : f32 to vector<80x128xf32>
    %select_n3A = arith.select %eq3A_57, %add3A_51, %broadcast_in_dim3A_58 : vector<80x128xi1>, vector<80x128xf32>
    %reduce_sum3A_59 = vector.shape_cast %select_n3A : vector<80x128xf32> to vector<1x80x128xf32>
    %reduce_sum3A_60 = arith.constant dense<0.000000e+00> : vector<1xf32>
    %reduce_sum3A_61 = vector.multi_reduction <add>, %reduce_sum3A_59, %reduce_sum3A_60 [1, 2] : vector<1x80x128xf32> to vector<1xf32>
    %reduce_sum3A_62 = vector.shape_cast %reduce_sum3A_61 : vector<1xf32> to vector<1x1x1xf32>
    %reduce_sum3A_63 = vector.extract %reduce_sum3A_62[0, 0, 0] : f32 from vector<1x1x1xf32>
    %jit3A_64 = arith.constant 1.000000e+00 : f32
    %jit3A_65 = arith.constant 0.000000e+00 : f32
    %broadcast_in_dim3A_66 = vector.broadcast %jit3A_64 : f32 to vector<80x128xf32>
    %broadcast_in_dim3A_67 = vector.broadcast %jit3A_65 : f32 to vector<80x128xf32>
    %select_n3A_68 = arith.select %eq3A_57, %broadcast_in_dim3A_66, %broadcast_in_dim3A_67 : vector<80x128xi1>, vector<80x128xf32>
    %reduce_sum3A_69 = vector.shape_cast %select_n3A_68 : vector<80x128xf32> to vector<1x80x128xf32>
    %reduce_sum3A_70 = arith.constant dense<0.000000e+00> : vector<1xf32>
    %reduce_sum3A_71 = vector.multi_reduction <add>, %reduce_sum3A_69, %reduce_sum3A_70 [1, 2] : vector<1x80x128xf32> to vector<1xf32>
    %reduce_sum3A_72 = vector.shape_cast %reduce_sum3A_71 : vector<1xf32> to vector<1x1x1xf32>
    %reduce_sum3A_73 = vector.extract %reduce_sum3A_72[0, 0, 0] : f32 from vector<1x1x1xf32>
    %eq3A_74 = arith.constant 0 : i32
    %eq3A_75 = vector.broadcast %eq3A_74 : i32 to vector<8x1xi32>
    %eq3A_76 = arith.cmpi eq, %iota3A, %eq3A_75 : vector<8x1xi32>
    %max3A_77 = arith.constant 1.000000e+00 : f32
    %max3A_78 = arith.maximumf %reduce_sum3A_73, %max3A_77 : f32
    %div3A_79 = arith.divf %reduce_sum3A_63, %max3A_78 : f32
    %jit3A_80 = arith.constant 0.000000e+00 : f32
    %broadcast_in_dim3A_81 = vector.broadcast %div3A_79 : f32 to vector<8x1xf32>
    %broadcast_in_dim3A_82 = vector.broadcast %jit3A_80 : f32 to vector<8x1xf32>
    %select_n3A_83 = arith.select %eq3A_76, %broadcast_in_dim3A_81, %broadcast_in_dim3A_82 : vector<8x1xi1>, vector<8x1xf32>
    %add3A_84 = arith.addf %broadcast_in_dim3A_55, %select_n3A_83 : vector<8x1xf32>
    %eq3A_85 = arith.constant 1 : i32
    %eq3A_86 = vector.broadcast %eq3A_85 : i32 to vector<80x128xi32>
    %eq3A_87 = arith.cmpi eq, %get3A_54, %eq3A_86 : vector<80x128xi32>
    %jit3A_88 = arith.constant 0.000000e+00 : f32
    %broadcast_in_dim3A_89 = vector.broadcast %jit3A_88 : f32 to vector<80x128xf32>
    %select_n3A_90 = arith.select %eq3A_87, %add3A_51, %broadcast_in_dim3A_89 : vector<80x128xi1>, vector<80x128xf32>
    %reduce_sum3A_91 = vector.shape_cast %select_n3A_90 : vector<80x128xf32> to vector<1x80x128xf32>
    %reduce_sum3A_92 = arith.constant dense<0.000000e+00> : vector<1xf32>
    %reduce_sum3A_93 = vector.multi_reduction <add>, %reduce_sum3A_91, %reduce_sum3A_92 [1, 2] : vector<1x80x128xf32> to vector<1xf32>
    %reduce_sum3A_94 = vector.shape_cast %reduce_sum3A_93 : vector<1xf32> to vector<1x1x1xf32>
    %reduce_sum3A_95 = vector.extract %reduce_sum3A_94[0, 0, 0] : f32 from vector<1x1x1xf32>
    %jit3A_96 = arith.constant 1.000000e+00 : f32
    %jit3A_97 = arith.constant 0.000000e+00 : f32
    %broadcast_in_dim3A_98 = vector.broadcast %jit3A_96 : f32 to vector<80x128xf32>
    %broadcast_in_dim3A_99 = vector.broadcast %jit3A_97 : f32 to vector<80x128xf32>
    %select_n3A_100 = arith.select %eq3A_87, %broadcast_in_dim3A_98, %broadcast_in_dim3A_99 : vector<80x128xi1>, vector<80x128xf32>
    %reduce_sum3A_101 = vector.shape_cast %select_n3A_100 : vector<80x128xf32> to vector<1x80x128xf32>
    %reduce_sum3A_102 = arith.constant dense<0.000000e+00> : vector<1xf32>
    %reduce_sum3A_103 = vector.multi_reduction <add>, %reduce_sum3A_101, %reduce_sum3A_102 [1, 2] : vector<1x80x128xf32> to vector<1xf32>
    %reduce_sum3A_104 = vector.shape_cast %reduce_sum3A_103 : vector<1xf32> to vector<1x1x1xf32>
    %reduce_sum3A_105 = vector.extract %reduce_sum3A_104[0, 0, 0] : f32 from vector<1x1x1xf32>
    %eq3A_106 = arith.constant 1 : i32
    %eq3A_107 = vector.broadcast %eq3A_106 : i32 to vector<8x1xi32>
    %eq3A_108 = arith.cmpi eq, %iota3A, %eq3A_107 : vector<8x1xi32>
    %max3A_109 = arith.constant 1.000000e+00 : f32
    %max3A_110 = arith.maximumf %reduce_sum3A_105, %max3A_109 : f32
    %div3A_111 = arith.divf %reduce_sum3A_95, %max3A_110 : f32
    %jit3A_112 = arith.constant 0.000000e+00 : f32
    %broadcast_in_dim3A_113 = vector.broadcast %div3A_111 : f32 to vector<8x1xf32>
    %broadcast_in_dim3A_114 = vector.broadcast %jit3A_112 : f32 to vector<8x1xf32>
    %select_n3A_115 = arith.select %eq3A_108, %broadcast_in_dim3A_113, %broadcast_in_dim3A_114 : vector<8x1xi1>, vector<8x1xf32>
    %add3A_116 = arith.addf %add3A_84, %select_n3A_115 : vector<8x1xf32>
    %eq3A_117 = arith.constant 2 : i32
    %eq3A_118 = vector.broadcast %eq3A_117 : i32 to vector<80x128xi32>
    %eq3A_119 = arith.cmpi eq, %get3A_54, %eq3A_118 : vector<80x128xi32>
    %jit3A_120 = arith.constant 0.000000e+00 : f32
    %broadcast_in_dim3A_121 = vector.broadcast %jit3A_120 : f32 to vector<80x128xf32>
    %select_n3A_122 = arith.select %eq3A_119, %add3A_51, %broadcast_in_dim3A_121 : vector<80x128xi1>, vector<80x128xf32>
    %reduce_sum3A_123 = vector.shape_cast %select_n3A_122 : vector<80x128xf32> to vector<1x80x128xf32>
    %reduce_sum3A_124 = arith.constant dense<0.000000e+00> : vector<1xf32>
    %reduce_sum3A_125 = vector.multi_reduction <add>, %reduce_sum3A_123, %reduce_sum3A_124 [1, 2] : vector<1x80x128xf32> to vector<1xf32>
    %reduce_sum3A_126 = vector.shape_cast %reduce_sum3A_125 : vector<1xf32> to vector<1x1x1xf32>
    %reduce_sum3A_127 = vector.extract %reduce_sum3A_126[0, 0, 0] : f32 from vector<1x1x1xf32>
    %jit3A_128 = arith.constant 1.000000e+00 : f32
    %jit3A_129 = arith.constant 0.000000e+00 : f32
    %broadcast_in_dim3A_130 = vector.broadcast %jit3A_128 : f32 to vector<80x128xf32>
    %broadcast_in_dim3A_131 = vector.broadcast %jit3A_129 : f32 to vector<80x128xf32>
    %select_n3A_132 = arith.select %eq3A_119, %broadcast_in_dim3A_130, %broadcast_in_dim3A_131 : vector<80x128xi1>, vector<80x128xf32>
    %reduce_sum3A_133 = vector.shape_cast %select_n3A_132 : vector<80x128xf32> to vector<1x80x128xf32>
    %reduce_sum3A_134 = arith.constant dense<0.000000e+00> : vector<1xf32>
    %reduce_sum3A_135 = vector.multi_reduction <add>, %reduce_sum3A_133, %reduce_sum3A_134 [1, 2] : vector<1x80x128xf32> to vector<1xf32>
    %reduce_sum3A_136 = vector.shape_cast %reduce_sum3A_135 : vector<1xf32> to vector<1x1x1xf32>
    %reduce_sum3A_137 = vector.extract %reduce_sum3A_136[0, 0, 0] : f32 from vector<1x1x1xf32>
    %eq3A_138 = arith.constant 2 : i32
    %eq3A_139 = vector.broadcast %eq3A_138 : i32 to vector<8x1xi32>
    %eq3A_140 = arith.cmpi eq, %iota3A, %eq3A_139 : vector<8x1xi32>
    %max3A_141 = arith.constant 1.000000e+00 : f32
    %max3A_142 = arith.maximumf %reduce_sum3A_137, %max3A_141 : f32
    %div3A_143 = arith.divf %reduce_sum3A_127, %max3A_142 : f32
    %jit3A_144 = arith.constant 0.000000e+00 : f32
    %broadcast_in_dim3A_145 = vector.broadcast %div3A_143 : f32 to vector<8x1xf32>
    %broadcast_in_dim3A_146 = vector.broadcast %jit3A_144 : f32 to vector<8x1xf32>
    %select_n3A_147 = arith.select %eq3A_140, %broadcast_in_dim3A_145, %broadcast_in_dim3A_146 : vector<8x1xi1>, vector<8x1xf32>
    %add3A_148 = arith.addf %add3A_116, %select_n3A_147 : vector<8x1xf32>
    %eq3A_149 = arith.constant 3 : i32
    %eq3A_150 = vector.broadcast %eq3A_149 : i32 to vector<80x128xi32>
    %eq3A_151 = arith.cmpi eq, %get3A_54, %eq3A_150 : vector<80x128xi32>
    %jit3A_152 = arith.constant 0.000000e+00 : f32
    %broadcast_in_dim3A_153 = vector.broadcast %jit3A_152 : f32 to vector<80x128xf32>
    %select_n3A_154 = arith.select %eq3A_151, %add3A_51, %broadcast_in_dim3A_153 : vector<80x128xi1>, vector<80x128xf32>
    %reduce_sum3A_155 = vector.shape_cast %select_n3A_154 : vector<80x128xf32> to vector<1x80x128xf32>
    %reduce_sum3A_156 = arith.constant dense<0.000000e+00> : vector<1xf32>
    %reduce_sum3A_157 = vector.multi_reduction <add>, %reduce_sum3A_155, %reduce_sum3A_156 [1, 2] : vector<1x80x128xf32> to vector<1xf32>
    %reduce_sum3A_158 = vector.shape_cast %reduce_sum3A_157 : vector<1xf32> to vector<1x1x1xf32>
    %reduce_sum3A_159 = vector.extract %reduce_sum3A_158[0, 0, 0] : f32 from vector<1x1x1xf32>
    %jit3A_160 = arith.constant 1.000000e+00 : f32
    %jit3A_161 = arith.constant 0.000000e+00 : f32
    %broadcast_in_dim3A_162 = vector.broadcast %jit3A_160 : f32 to vector<80x128xf32>
    %broadcast_in_dim3A_163 = vector.broadcast %jit3A_161 : f32 to vector<80x128xf32>
    %select_n3A_164 = arith.select %eq3A_151, %broadcast_in_dim3A_162, %broadcast_in_dim3A_163 : vector<80x128xi1>, vector<80x128xf32>
    %reduce_sum3A_165 = vector.shape_cast %select_n3A_164 : vector<80x128xf32> to vector<1x80x128xf32>
    %reduce_sum3A_166 = arith.constant dense<0.000000e+00> : vector<1xf32>
    %reduce_sum3A_167 = vector.multi_reduction <add>, %reduce_sum3A_165, %reduce_sum3A_166 [1, 2] : vector<1x80x128xf32> to vector<1xf32>
    %reduce_sum3A_168 = vector.shape_cast %reduce_sum3A_167 : vector<1xf32> to vector<1x1x1xf32>
    %reduce_sum3A_169 = vector.extract %reduce_sum3A_168[0, 0, 0] : f32 from vector<1x1x1xf32>
    %eq3A_170 = arith.constant 3 : i32
    %eq3A_171 = vector.broadcast %eq3A_170 : i32 to vector<8x1xi32>
    %eq3A_172 = arith.cmpi eq, %iota3A, %eq3A_171 : vector<8x1xi32>
    %max3A_173 = arith.constant 1.000000e+00 : f32
    %max3A_174 = arith.maximumf %reduce_sum3A_169, %max3A_173 : f32
    %div3A_175 = arith.divf %reduce_sum3A_159, %max3A_174 : f32
    %jit3A_176 = arith.constant 0.000000e+00 : f32
    %broadcast_in_dim3A_177 = vector.broadcast %div3A_175 : f32 to vector<8x1xf32>
    %broadcast_in_dim3A_178 = vector.broadcast %jit3A_176 : f32 to vector<8x1xf32>
    %select_n3A_179 = arith.select %eq3A_172, %broadcast_in_dim3A_177, %broadcast_in_dim3A_178 : vector<8x1xi1>, vector<8x1xf32>
    %add3A_180 = arith.addf %add3A_148, %select_n3A_179 : vector<8x1xf32>
    %eq3A_181 = arith.constant 4 : i32
    %eq3A_182 = vector.broadcast %eq3A_181 : i32 to vector<80x128xi32>
    %eq3A_183 = arith.cmpi eq, %get3A_54, %eq3A_182 : vector<80x128xi32>
    %jit3A_184 = arith.constant 0.000000e+00 : f32
    %broadcast_in_dim3A_185 = vector.broadcast %jit3A_184 : f32 to vector<80x128xf32>
    %select_n3A_186 = arith.select %eq3A_183, %add3A_51, %broadcast_in_dim3A_185 : vector<80x128xi1>, vector<80x128xf32>
    %reduce_sum3A_187 = vector.shape_cast %select_n3A_186 : vector<80x128xf32> to vector<1x80x128xf32>
    %reduce_sum3A_188 = arith.constant dense<0.000000e+00> : vector<1xf32>
    %reduce_sum3A_189 = vector.multi_reduction <add>, %reduce_sum3A_187, %reduce_sum3A_188 [1, 2] : vector<1x80x128xf32> to vector<1xf32>
    %reduce_sum3A_190 = vector.shape_cast %reduce_sum3A_189 : vector<1xf32> to vector<1x1x1xf32>
    %reduce_sum3A_191 = vector.extract %reduce_sum3A_190[0, 0, 0] : f32 from vector<1x1x1xf32>
    %jit3A_192 = arith.constant 1.000000e+00 : f32
    %jit3A_193 = arith.constant 0.000000e+00 : f32
    %broadcast_in_dim3A_194 = vector.broadcast %jit3A_192 : f32 to vector<80x128xf32>
    %broadcast_in_dim3A_195 = vector.broadcast %jit3A_193 : f32 to vector<80x128xf32>
    %select_n3A_196 = arith.select %eq3A_183, %broadcast_in_dim3A_194, %broadcast_in_dim3A_195 : vector<80x128xi1>, vector<80x128xf32>
    %reduce_sum3A_197 = vector.shape_cast %select_n3A_196 : vector<80x128xf32> to vector<1x80x128xf32>
    %reduce_sum3A_198 = arith.constant dense<0.000000e+00> : vector<1xf32>
    %reduce_sum3A_199 = vector.multi_reduction <add>, %reduce_sum3A_197, %reduce_sum3A_198 [1, 2] : vector<1x80x128xf32> to vector<1xf32>
    %reduce_sum3A_200 = vector.shape_cast %reduce_sum3A_199 : vector<1xf32> to vector<1x1x1xf32>
    %reduce_sum3A_201 = vector.extract %reduce_sum3A_200[0, 0, 0] : f32 from vector<1x1x1xf32>
    %eq3A_202 = arith.constant 4 : i32
    %eq3A_203 = vector.broadcast %eq3A_202 : i32 to vector<8x1xi32>
    %eq3A_204 = arith.cmpi eq, %iota3A, %eq3A_203 : vector<8x1xi32>
    %max3A_205 = arith.constant 1.000000e+00 : f32
    %max3A_206 = arith.maximumf %reduce_sum3A_201, %max3A_205 : f32
    %div3A_207 = arith.divf %reduce_sum3A_191, %max3A_206 : f32
    %jit3A_208 = arith.constant 0.000000e+00 : f32
    %broadcast_in_dim3A_209 = vector.broadcast %div3A_207 : f32 to vector<8x1xf32>
    %broadcast_in_dim3A_210 = vector.broadcast %jit3A_208 : f32 to vector<8x1xf32>
    %select_n3A_211 = arith.select %eq3A_204, %broadcast_in_dim3A_209, %broadcast_in_dim3A_210 : vector<8x1xi1>, vector<8x1xf32>
    %add3A_212 = arith.addf %add3A_180, %select_n3A_211 : vector<8x1xf32>
    %eq3A_213 = arith.constant 5 : i32
    %eq3A_214 = vector.broadcast %eq3A_213 : i32 to vector<80x128xi32>
    %eq3A_215 = arith.cmpi eq, %get3A_54, %eq3A_214 : vector<80x128xi32>
    %jit3A_216 = arith.constant 0.000000e+00 : f32
    %broadcast_in_dim3A_217 = vector.broadcast %jit3A_216 : f32 to vector<80x128xf32>
    %select_n3A_218 = arith.select %eq3A_215, %add3A_51, %broadcast_in_dim3A_217 : vector<80x128xi1>, vector<80x128xf32>
    %reduce_sum3A_219 = vector.shape_cast %select_n3A_218 : vector<80x128xf32> to vector<1x80x128xf32>
    %reduce_sum3A_220 = arith.constant dense<0.000000e+00> : vector<1xf32>
    %reduce_sum3A_221 = vector.multi_reduction <add>, %reduce_sum3A_219, %reduce_sum3A_220 [1, 2] : vector<1x80x128xf32> to vector<1xf32>
    %reduce_sum3A_222 = vector.shape_cast %reduce_sum3A_221 : vector<1xf32> to vector<1x1x1xf32>
    %reduce_sum3A_223 = vector.extract %reduce_sum3A_222[0, 0, 0] : f32 from vector<1x1x1xf32>
    %jit3A_224 = arith.constant 1.000000e+00 : f32
    %jit3A_225 = arith.constant 0.000000e+00 : f32
    %broadcast_in_dim3A_226 = vector.broadcast %jit3A_224 : f32 to vector<80x128xf32>
    %broadcast_in_dim3A_227 = vector.broadcast %jit3A_225 : f32 to vector<80x128xf32>
    %select_n3A_228 = arith.select %eq3A_215, %broadcast_in_dim3A_226, %broadcast_in_dim3A_227 : vector<80x128xi1>, vector<80x128xf32>
    %reduce_sum3A_229 = vector.shape_cast %select_n3A_228 : vector<80x128xf32> to vector<1x80x128xf32>
    %reduce_sum3A_230 = arith.constant dense<0.000000e+00> : vector<1xf32>
    %reduce_sum3A_231 = vector.multi_reduction <add>, %reduce_sum3A_229, %reduce_sum3A_230 [1, 2] : vector<1x80x128xf32> to vector<1xf32>
    %reduce_sum3A_232 = vector.shape_cast %reduce_sum3A_231 : vector<1xf32> to vector<1x1x1xf32>
    %reduce_sum3A_233 = vector.extract %reduce_sum3A_232[0, 0, 0] : f32 from vector<1x1x1xf32>
    %eq3A_234 = arith.constant 5 : i32
    %eq3A_235 = vector.broadcast %eq3A_234 : i32 to vector<8x1xi32>
    %eq3A_236 = arith.cmpi eq, %iota3A, %eq3A_235 : vector<8x1xi32>
    %max3A_237 = arith.constant 1.000000e+00 : f32
    %max3A_238 = arith.maximumf %reduce_sum3A_233, %max3A_237 : f32
    %div3A_239 = arith.divf %reduce_sum3A_223, %max3A_238 : f32
    %jit3A_240 = arith.constant 0.000000e+00 : f32
    %broadcast_in_dim3A_241 = vector.broadcast %div3A_239 : f32 to vector<8x1xf32>
    %broadcast_in_dim3A_242 = vector.broadcast %jit3A_240 : f32 to vector<8x1xf32>
    %select_n3A_243 = arith.select %eq3A_236, %broadcast_in_dim3A_241, %broadcast_in_dim3A_242 : vector<8x1xi1>, vector<8x1xf32>
    %add3A_244 = arith.addf %add3A_212, %select_n3A_243 : vector<8x1xf32>
    %eq3A_245 = arith.constant 6 : i32
    %eq3A_246 = vector.broadcast %eq3A_245 : i32 to vector<80x128xi32>
    %eq3A_247 = arith.cmpi eq, %get3A_54, %eq3A_246 : vector<80x128xi32>
    %jit3A_248 = arith.constant 0.000000e+00 : f32
    %broadcast_in_dim3A_249 = vector.broadcast %jit3A_248 : f32 to vector<80x128xf32>
    %select_n3A_250 = arith.select %eq3A_247, %add3A_51, %broadcast_in_dim3A_249 : vector<80x128xi1>, vector<80x128xf32>
    %reduce_sum3A_251 = vector.shape_cast %select_n3A_250 : vector<80x128xf32> to vector<1x80x128xf32>
    %reduce_sum3A_252 = arith.constant dense<0.000000e+00> : vector<1xf32>
    %reduce_sum3A_253 = vector.multi_reduction <add>, %reduce_sum3A_251, %reduce_sum3A_252 [1, 2] : vector<1x80x128xf32> to vector<1xf32>
    %reduce_sum3A_254 = vector.shape_cast %reduce_sum3A_253 : vector<1xf32> to vector<1x1x1xf32>
    %reduce_sum3A_255 = vector.extract %reduce_sum3A_254[0, 0, 0] : f32 from vector<1x1x1xf32>
    %jit3A_256 = arith.constant 1.000000e+00 : f32
    %jit3A_257 = arith.constant 0.000000e+00 : f32
    %broadcast_in_dim3A_258 = vector.broadcast %jit3A_256 : f32 to vector<80x128xf32>
    %broadcast_in_dim3A_259 = vector.broadcast %jit3A_257 : f32 to vector<80x128xf32>
    %select_n3A_260 = arith.select %eq3A_247, %broadcast_in_dim3A_258, %broadcast_in_dim3A_259 : vector<80x128xi1>, vector<80x128xf32>
    %reduce_sum3A_261 = vector.shape_cast %select_n3A_260 : vector<80x128xf32> to vector<1x80x128xf32>
    %reduce_sum3A_262 = arith.constant dense<0.000000e+00> : vector<1xf32>
    %reduce_sum3A_263 = vector.multi_reduction <add>, %reduce_sum3A_261, %reduce_sum3A_262 [1, 2] : vector<1x80x128xf32> to vector<1xf32>
    %reduce_sum3A_264 = vector.shape_cast %reduce_sum3A_263 : vector<1xf32> to vector<1x1x1xf32>
    %reduce_sum3A_265 = vector.extract %reduce_sum3A_264[0, 0, 0] : f32 from vector<1x1x1xf32>
    %eq3A_266 = arith.constant 6 : i32
    %eq3A_267 = vector.broadcast %eq3A_266 : i32 to vector<8x1xi32>
    %eq3A_268 = arith.cmpi eq, %iota3A, %eq3A_267 : vector<8x1xi32>
    %max3A_269 = arith.constant 1.000000e+00 : f32
    %max3A_270 = arith.maximumf %reduce_sum3A_265, %max3A_269 : f32
    %div3A_271 = arith.divf %reduce_sum3A_255, %max3A_270 : f32
    %jit3A_272 = arith.constant 0.000000e+00 : f32
    %broadcast_in_dim3A_273 = vector.broadcast %div3A_271 : f32 to vector<8x1xf32>
    %broadcast_in_dim3A_274 = vector.broadcast %jit3A_272 : f32 to vector<8x1xf32>
    %select_n3A_275 = arith.select %eq3A_268, %broadcast_in_dim3A_273, %broadcast_in_dim3A_274 : vector<8x1xi1>, vector<8x1xf32>
    %add3A_276 = arith.addf %add3A_244, %select_n3A_275 : vector<8x1xf32>
    %eq3A_277 = arith.constant 7 : i32
    %eq3A_278 = vector.broadcast %eq3A_277 : i32 to vector<80x128xi32>
    %eq3A_279 = arith.cmpi eq, %get3A_54, %eq3A_278 : vector<80x128xi32>
    %jit3A_280 = arith.constant 0.000000e+00 : f32
    %broadcast_in_dim3A_281 = vector.broadcast %jit3A_280 : f32 to vector<80x128xf32>
    %select_n3A_282 = arith.select %eq3A_279, %add3A_51, %broadcast_in_dim3A_281 : vector<80x128xi1>, vector<80x128xf32>
    %reduce_sum3A_283 = vector.shape_cast %select_n3A_282 : vector<80x128xf32> to vector<1x80x128xf32>
    %reduce_sum3A_284 = arith.constant dense<0.000000e+00> : vector<1xf32>
    %reduce_sum3A_285 = vector.multi_reduction <add>, %reduce_sum3A_283, %reduce_sum3A_284 [1, 2] : vector<1x80x128xf32> to vector<1xf32>
    %reduce_sum3A_286 = vector.shape_cast %reduce_sum3A_285 : vector<1xf32> to vector<1x1x1xf32>
    %reduce_sum3A_287 = vector.extract %reduce_sum3A_286[0, 0, 0] : f32 from vector<1x1x1xf32>
    %jit3A_288 = arith.constant 1.000000e+00 : f32
    %jit3A_289 = arith.constant 0.000000e+00 : f32
    %broadcast_in_dim3A_290 = vector.broadcast %jit3A_288 : f32 to vector<80x128xf32>
    %broadcast_in_dim3A_291 = vector.broadcast %jit3A_289 : f32 to vector<80x128xf32>
    %select_n3A_292 = arith.select %eq3A_279, %broadcast_in_dim3A_290, %broadcast_in_dim3A_291 : vector<80x128xi1>, vector<80x128xf32>
    %reduce_sum3A_293 = vector.shape_cast %select_n3A_292 : vector<80x128xf32> to vector<1x80x128xf32>
    %reduce_sum3A_294 = arith.constant dense<0.000000e+00> : vector<1xf32>
    %reduce_sum3A_295 = vector.multi_reduction <add>, %reduce_sum3A_293, %reduce_sum3A_294 [1, 2] : vector<1x80x128xf32> to vector<1xf32>
    %reduce_sum3A_296 = vector.shape_cast %reduce_sum3A_295 : vector<1xf32> to vector<1x1x1xf32>
    %reduce_sum3A_297 = vector.extract %reduce_sum3A_296[0, 0, 0] : f32 from vector<1x1x1xf32>
    %eq3A_298 = arith.constant 7 : i32
    %eq3A_299 = vector.broadcast %eq3A_298 : i32 to vector<8x1xi32>
    %eq3A_300 = arith.cmpi eq, %iota3A, %eq3A_299 : vector<8x1xi32>
    %max3A_301 = arith.constant 1.000000e+00 : f32
    %max3A_302 = arith.maximumf %reduce_sum3A_297, %max3A_301 : f32
    %div3A_303 = arith.divf %reduce_sum3A_287, %max3A_302 : f32
    %jit3A_304 = arith.constant 0.000000e+00 : f32
    %broadcast_in_dim3A_305 = vector.broadcast %div3A_303 : f32 to vector<8x1xf32>
    %broadcast_in_dim3A_306 = vector.broadcast %jit3A_304 : f32 to vector<8x1xf32>
    %select_n3A_307 = arith.select %eq3A_300, %broadcast_in_dim3A_305, %broadcast_in_dim3A_306 : vector<8x1xi1>, vector<8x1xf32>
    %add3A_308 = arith.addf %add3A_276, %select_n3A_307 : vector<8x1xf32>
    %get3A_309 = arith.constant 0 : index
    %get3A_310 = arith.constant 0 : index
    %get3A_311 = vector.load %arg6[%get3A_309, %get3A_310] : memref<1x1xf32, #tpu.memory_space<vmem>>, vector<1x1xf32>
    %add3A_312 = vector.broadcast %get3A_311 : vector<1x1xf32> to vector<8x1xf32>
    %add3A_313 = arith.addf %add3A_308, %add3A_312 : vector<8x1xf32>
    %swap3A = arith.constant 0 : index
    %swap3A_314 = arith.constant 0 : index
    %swap3A_315 = vector.load %arg7[%swap3A, %swap3A_314] : memref<8x1xf32, #tpu.memory_space<vmem>>, vector<8x1xf32>
    tpu.vector_store %arg7[%swap3A, %swap3A_314], %add3A_313 {strides = array<i32>} : memref<8x1xf32, #tpu.memory_space<vmem>>, vector<8x1xf32>,
    return
  }
}

</mosaic_0001>

<sc_bundles>
// kernel: kernel.10.cloned.1.call-start
scs
__scs_entry_jumppad:
0x0: {  	(pc) =	sbr.rel $0x88, $3  }
0x1: {  	(tag) =	ssettag $0x0;
	lr =	simm.s32 $0x1  }
0x2: {  	[smem:$0x3F8E] =	sst lr;
	_ =	strace $0xD0000000  }
0x3: {  	_ = 	snop  }
0x4: {  	_ = 	snop  }
0x5: {  	_ = 	snop  }
0x6: {  	_ = 	snop  }
0x7: {  	_ = 	snop  }
__scs_overlays_trampoline_lowered:
0x8: {  	[smem:$0x3F9D] =	sst s0  }
0x9: {  	[smem:$0x3F9E] =	sst s1  }
0xa: {  	[smem:$0x3F9F] =	sst s2  }
0xb: {  	[smem:$0x3FA0] =	sst s3  }
0xc: {  	[smem:$0x3FA1] =	sst s4  }
0xd: {  	[smem:$0x3FA2] =	sst s5  }
0xe: {  	[smem:$0x3FA3] =	sst s6  }
0xf: {  	[smem:$0x3FA4] =	sst s7  }
0x10: {  	[smem:$0x3FA5] =	sst s8  }
0x11: {  	[smem:$0x3FA6] =	sst s9;
	s0 =	simm.s32 @!p0 $0x0  }
0x12: {  	s1 =	sld [smem:$0x3F8C];
	s0 =	simm.s32 @p0 $0x1  }
0x13: {  	[smem:$0x3FA7] =	sst s0;
	s0 =	simm.s32 @!p1 $0x0  }
0x14: {  	s2 =	sld [smem:$0x3F8B];
	s0 =	simm.s32 @p1 $0x1  }
0x15: {  	[smem:$0x3FA8] =	sst s0;
	s0 =	simm.s32 @!p2 $0x0  }
0x16: {  	s3 =	sld [smem:$0x3FDB];
	s0 =	simm.s32 @p2 $0x1  }
0x17: {  	s4 =	simm.s32 $0x1BF5;
	[smem:$0x3FAA] =	sst s0  }
0x18: {  	s0 =	sld [smem:$0x3F8D];
	_ =	swait.ge [sflag:s4], $0x0  }
0x19: {  	s7 =	sld [smem:$0x3F8E]  }
0x1a: {  	s8 =	sadd.s32 $0xFFFFE003, lr  }
0x1b: {  	s9 =	sadd.s32 $0xFFFFFEF7, lr;
	s5 =	simm.s32 $0xFFFFFFFF;
	p2 =	slt.u32 s8, $0xFFFFF086  }
0x1c: {  	p1 =	slt.u32 s9, $0xF7A;
	s5 =	simm.s32 @!p2 $0x0  }
0x1d: {  	s5 =	simm.s32 @p1 $0x1;
	p0 =	seq.s32 s7, s2  }
0x1e: {  	s7 =	smul.u32 @!p0 $0xF7A, s2;
	p2 =	seq.s32 @!p0 s5, $0x0  }
0x1f: {  	s9 =	smul.u32 $0xF7A, s1;
	s8 =	simm.s32 @!p0 $0x1BF5;
	p2 =	por !p2, p0  }
0x20: {  	[sflag:s8] =	ssyncset.s32 @!p0 $0xFFFFF086;
	s6 =	sadd.s32 @!p0 s3, s7;
	s7 =	simm.s32 @!p0 $0x108  }
0x21: {  	s3 =	sadd.s32 s3, s9;
	s6 =	sadd.s32 @!p0 $0x88, s6;
	s7 =	simm.s32 @p2 $0x1082  }
0x22: {  	[simem:s7], [sflag:s8] =	dma.local @!p0 [hbm:s6], $0xF7A  }
0x23: {  	s9 =	sor.u32 $0xD0000000, s2;
	s6 =	simm.s32 $0x108;
	_ =	swait.ge @!p0 [sflag:s8], $0x0  }
0x24: {  	s3 =	sadd.s32 $0x88, s3;
	s6 =	simm.s32 @!p1 $0x1082;
	[sflag:s4] =	ssyncset.s32 $0xFFFFF086  }
0x25: {  	[simem:s6], [sflag:s4] =	dma.local [hbm:s3], $0xF7A  }
0x26: {  	[smem:$0x3F8E] =	sst s1;
	(tag) =	ssettag s2;
	_ =	strace s9  }
0x27: {  	s1 =	sld [smem:$0x3F9E]  }
0x28: {  	s2 =	sld [smem:$0x3F9F]  }
0x29: {  	s4 =	sld [smem:$0x3FA1]  }
0x2a: {  	p0 =	seq.s32 s5, $0x0;
	s5 =	sld [smem:$0x3FA2]  }
0x2b: {  	s6 =	sld [smem:$0x3FA3]  }
0x2c: {  	s7 =	sld [smem:$0x3FA4]  }
0x2d: {  	s3 =	simm.s32 $0x108;
	s8 =	sld [smem:$0x3FA5]  }
0x2e: {  	s3 =	simm.s32 @!p0 $0x1082;
	s9 =	sld [smem:$0x3FA6]  }
0x2f: {  	lr =	sadd.s32 s0, s3;
	s0 =	sld [smem:$0x3F9D]  }
0x30: {  	s3 =	sld [smem:$0x3FA0]  }
0x31: {  	[smem:$0x3FA9] =	sst s10  }
0x32: {  	s10 =	sld [smem:$0x3FA7];
	_ =	sdelay $0x3  }
0x33: {  	p0 =	seq.s32 s10, $0x1;
	s10 =	sld [smem:$0x3FA9];
	_ =	sdelay $0x3  }
0x34: {  	[smem:$0x3FA9] =	sst s10  }
0x35: {  	s10 =	sld [smem:$0x3FA8];
	_ =	sdelay $0x3  }
0x36: {  	p1 =	seq.s32 s10, $0x1;
	s10 =	sld [smem:$0x3FA9];
	_ =	sdelay $0x3  }
0x37: {  	[smem:$0x3FA9] =	sst s10  }
0x38: {  	s10 =	sld [smem:$0x3FAA]  }
0x39: {  	_ = 	snop;
	(pc) =	sbr.ind lr, $3  }
0x3a: {  	_ = 	snop  }
0x3b: {  	_ = 	snop  }
0x3c: {  	p2 =	seq.s32 s10, $0x1;
	s10 =	sld [smem:$0x3FA9]  }
0x3d: {  	_ =	shalt  }
0x3e: {  	_ =	shalt  }
0x3f: {  	_ =	shalt  }
0x40: {  	_ =	shalt  }
0x41: {  	_ =	shalt  }
0x42: {  	_ =	shalt  }
0x43: {  	_ =	shalt  }
0x44: {  	_ =	shalt  }
0x45: {  	_ =	shalt  }
0x46: {  	_ =	shalt  }
0x47: {  	_ =	shalt  }
0x48: {  	_ =	shalt  }
0x49: {  	_ =	shalt  }
0x4a: {  	_ =	shalt  }
0x4b: {  	_ =	shalt  }
0x4c: {  	_ =	shalt  }
0x4d: {  	_ =	shalt  }
0x4e: {  	_ =	shalt  }
0x4f: {  	_ =	shalt  }
0x50: {  	_ =	shalt  }
0x51: {  	_ =	shalt  }
0x52: {  	_ =	shalt  }
0x53: {  	_ =	shalt  }
0x54: {  	_ =	shalt  }
0x55: {  	_ =	shalt  }
0x56: {  	_ =	shalt  }
0x57: {  	_ =	shalt  }
0x58: {  	_ =	shalt  }
0x59: {  	_ =	shalt  }
0x5a: {  	_ =	shalt  }
0x5b: {  	_ =	shalt  }
0x5c: {  	_ =	shalt  }
0x5d: {  	_ =	shalt  }
0x5e: {  	_ =	shalt  }
0x5f: {  	_ =	shalt  }
0x60: {  	_ =	shalt  }
0x61: {  	_ =	shalt  }
0x62: {  	_ =	shalt  }
0x63: {  	_ =	shalt  }
0x64: {  	_ =	shalt  }
0x65: {  	_ =	shalt  }
0x66: {  	_ =	shalt  }
0x67: {  	_ =	shalt  }
0x68: {  	_ =	shalt  }
0x69: {  	_ =	shalt  }
0x6a: {  	_ =	shalt  }
0x6b: {  	_ =	shalt  }
0x6c: {  	_ =	shalt  }
0x6d: {  	_ =	shalt  }
0x6e: {  	_ =	shalt  }
0x6f: {  	_ =	shalt  }
0x70: {  	_ =	shalt  }
0x71: {  	_ =	shalt  }
0x72: {  	_ =	shalt  }
0x73: {  	_ =	shalt  }
0x74: {  	_ =	shalt  }
0x75: {  	_ =	shalt  }
0x76: {  	_ =	shalt  }
0x77: {  	_ =	shalt  }
0x78: {  	_ =	shalt  }
0x79: {  	_ =	shalt  }
0x7a: {  	_ =	shalt  }
0x7b: {  	_ =	shalt  }
0x7c: {  	_ =	shalt  }
0x7d: {  	_ =	shalt  }
0x7e: {  	_ =	shalt  }
0x7f: {  	_ =	shalt  }
0x80: {  	_ =	shalt  }
0x81: {  	_ =	shalt  }
0x82: {  	_ =	shalt  }
0x83: {  	_ =	shalt  }
0x84: {  	_ =	shalt  }
0x85: {  	_ =	shalt  }
0x86: {  	_ =	shalt  }
0x87: {  	_ =	shalt  }
.Lfunc_end0:
.L_simem_size_0:
called_computation_lowered:
.L_overlay_start_0:
0x88: {  	s2 =	sld [smem:$0x3FD9]  }
0x89: {  	s3 =	sld [smem:$0x3FFE];
	_ =	sdelay $0x1  }
0x8a: {  	s1 =	srdreg.scid  }
0x8b: {  	s0 =	sand.u32 $0x1, s1  }
0x8c: {  	s16 =	sshll.u32 s0, $0xA;
	s2 =	sadd.s32 s3, s2  }
0x8d: {  	s2 =	sadd.s32 s2, s16  }
0x8e: {  	[smem:$0x3FB5] =	sst s2  }
0x8f: {  	_ = 	snop  }
0x90: {  	(tm) =	ssettm $0x1  }
0x91: {  	s17 =	sld [smem:$0x3FFB];
	_ =	sdelay $0x3  }
0x92: {  	_ =	strace s17  }
0x93: {  	s2 =	sld [smem:$0x3FFC];
	_ =	sdelay $0x3  }
0x94: {  	_ =	strace s2  }
0x95: {  	s2 =	sld [smem:$0x3FFD];
	_ =	sdelay $0x3  }
0x96: {  	_ =	strace s2  }
0x97: {  	_ =	strace $0x8FFFFFFF  }
0x98: {  	s18 =	sld [smem:$0x3FDB];
	_ =	sdelay $0x1  }
0x99: {  	s19 =	simm.s32 $_scs_section_size  }
0x9a: {  	s4 =	simm.s32 $_size__tile_overlayer_lowered;
	s5 =	simm.s32 $_tile_overlayer_lowered  }
0x9b: {  	s22 =	simm.s32 $0x1BFF;
	s21 =	sshll.u32 s5, $0x1;
	s2 =	sadd.s32 s19, s18  }
0x9c: {  	s6 =	simm.s32 $0x0;
	s20 =	sshll.u32 s4, $0x1;
	s4 =	sadd.s32 s21, s2  }
0x9d: {  	[timem:s6], [sflag:s22] =	dma.local [hbm:s4], s20  }
0x9e: {  	_ =	swait.ge [sflag:s22], s20  }
0x9f: {  	s3 =	ssub.s32 $0x0, s20;
	[sflag:s22] =	ssyncset.done $0x0  }
0xa0: {  	[sflag:s22] =	ssyncadd.s32 s3;
	_ =	sdelay $0x1  }
0xa1: {  	s23 =	simm.s32 $0x1B8B  }
0xa2: {  	_ =	swait.ge [sflag:s23], $0x1  }
0xa3: {  	[sflag:s23] =	ssyncset.done $0x0  }
0xa4: {  	s25 =	simm.s32 $0x1B8E;
	s24 =	sld [smem:$0x3FFE];
	[sflag:s23] =	ssyncadd.s32 $0xFFFFFFFF  }
0xa5: {  	s26 =	simm.s32 $execute0_lowered;
	[smem:$0x3FD2] =	sst s25  }
0xa6: {  	s4 =	sshll.u32 s26, $0x1;
	_ =	strace $0x80000046;
	[dreg:$0x1] =	wrdreg $0xFFFFFFFF  }
0xa7: {  	s28 =	simm.s32 $_size_execute0_lowered;
	s2 =	sadd.s32 s2, s4;
	[dreg:$0x0] =	wrdreg $0x0  }
0xa8: {  	s4 =	sshll.u32 s28, $0x1;
	[dreg:$0x2] =	wrdreg s2  }
0xa9: {  	[dreg:$0x3] =	wrdreg s4  }
0xaa: {  	[dreg:$0x4] =	wrdreg $0xC0  }
0xab: {  	_ =	task [dreg:s6], $0x5FFFF  }
0xac: {  	[dreg:$0x1] =	wrdreg $0xFFFFFFFF  }
0xad: {  	[dreg:$0x0] =	wrdreg $0x60  }
0xae: {  	[dreg:$0x2] =	wrdreg s24  }
0xaf: {  	[dreg:$0x3] =	wrdreg $0xAA800  }
0xb0: {  	[dreg:$0x4] =	wrdreg $0x1EA800  }
0xb1: {  	[dreg:$0x5] =	wrdreg $0x9  }
0xb2: {  	_ =	task.clear_ibuf [dreg:s6], $0x6FFFF;
	_ =	strace $0x90000046  }
0xb3: {  	s29 =	simm.s32 $0x9;
	_ =	strace $0x80000048  }
0xb4: {  	_ =	swait.ge [sflag:s29], $0x1  }
0xb5: {  	[sflag:s29] =	ssyncadd.s32 $0xFFFFFFFF  }
0xb6: {  	_ =	strace $0x90000048  }
0xb7: {  	_ =	sfence  }
0xb8: {  	s30 =	sld [smem:$0x0];
	_ =	sdelay $0x2  }
0xb9: {  	s31 =	sshll.u32 s1, $0xD;
	s1 =	sshrl.u32 s1, $0x2  }
0xba: {  	s3 =	sand.u32 $0x4000, s31;
	s1 =	sadd.s32 s1, s30  }
0xbb: {  	s0 =	sor.u32 s3, s0;
	s1 =	sshll.u32 s1, $0x11  }
0xbc: {  	s0 =	sor.u32 s1, s0  }
0xbd: {  	s0 =	sadd.s32 $0x8F2B, s0  }
0xbe: {  	[sflag:s0] =	ssyncadd.remote.s32 $0x1  }
0xbf: {  	_ =	sfence.sel $0xFFFF  }
0xc0: {  	[dreg:$0x0] =	wrdreg $0xFFFFFFFF;
	(pc) =	sbr.abs _section_cstart, $3  }
0xc1: {  	[dreg:$0x1] =	wrdreg $0xFFFFFFFF  }
0xc2: {  	_ =	task.clear_ibuf [dreg:s6], $0x2FFFF;
	_ =	strace $0x9FFFFFFF  }
0xc3: {  	(tm) =	ssettm $0x7FFFFFFF  }
tec
execute0_lowered:
.L_overlay_start_1:
0x0: {  	(tag) =	ssettag $0x1  }
0x1: {  	s0 =	rddreg [dreg:$0x0];
	s1 =	srdreg.scid  }
0x2: {  	s2 =	rddreg [dreg:$0x1];
	s14 =	stileid.u32  }
0x3: {  	s3 =	rddreg [dreg:$0x2];
	s4 =	simm.s32 $0x0;
	s7 =	smul.u32 $0x14000, s14  }
0x4: {  	s28 =	simm.s32 $0x300;
	s29 =	simm.s32 $0x180;
	s8 =	smul.u32 $0x280, s14  }
0x5: {  	s30 =	simm.s32 $0x400;
	s31 =	simm.s32 $0x5700;
	s13 =	smul.u32 $0x50000, s14  }
0x6: {  	s1 =	sand.u32 $0x1, s1;
	[smem:$0x7FF] =	sst s4;
	s24 =	smul.u32 $0x9C40, s14  }
0x7: {  	s5 =	sadd.s32 $0x2B400, s0;
	s10 =	sadd.s32 $0x4200, s0;
	s6 =	smul.u32 $0x140000, s1  }
0x8: {  	s9 =	smul.u32 $0x2800, s1;
	_ =	strace $0x80000047;
	s15 =	ssub.s32 $0x2, s1  }
0x9: {  	s17 =	sshll.u32 s1, $0x4;
	s1 =	smul.u32 $0x9C400, s1;
	s16 =	sshrl.u32 s13, $0x2  }
0xa: {  	s6 =	sadd.s32 s7, s6;
	s12 =	sadd.s32 s8, s9;
	s9 =	sor.u32 s14, s17  }
0xb: {  	s1 =	sadd.s32 s24, s1;
	s24 =	simm.s32 $0x5;
	s6 =	sshrl.u32 s6, $0x3  }
0xc: {  	s7 =	sshrl.u32 s12, $0x3;
	s12 =	sshrl.u32 s15, $0x1;
	s9 =	smul.u32 $0x9C40, s9  }
0xd: {  	s26 =	sadd.s32 $0x500, s1;
	s11 =	sadd.s32 s6, s0;
	s6 =	sadd.s32 s16, s2  }
0xe: {  	s1 =	sadd.s32 $0x3C0, s1;
	s0 =	sadd.s32 s7, s0;
	s18 =	sadd.s32 $0x2800, s6  }
0xf: {  	s7 =	ssub.s32 s15, s12;
	s19 =	sadd.s32 $0x5000, s6;
	[dreg:$0x4] =	wrdreg s18  }
0x10: {  	s15 =	sadd.s32 s8, s3;
	s20 =	sadd.s32 $0x7800, s6;
	[dreg:$0x5] =	wrdreg s19  }
0x11: {  	s1 =	sshrl.u32 s1, $0x3;
	s21 =	sadd.s32 $0xA000, s6;
	[dreg:$0x6] =	wrdreg s20  }
0x12: {  	s8 =	simm.s32 $0x2;
	s22 =	sadd.s32 $0xC800, s6;
	[dreg:$0x7] =	wrdreg s21  }
0x13: {  	s9 =	sshrl.u32 s9, $0x3;
	s23 =	sadd.s32 $0xF000, s6;
	[dreg:$0x8] =	wrdreg s22  }
0x14: {  	s25 =	sadd.s32 $0x11800, s6;
	[dreg:$0x9] =	wrdreg s23;
	s13 =	sadd.s32 s10, s9  }
0x15: {  	[dreg:$0xa] =	wrdreg s25;
	s18 =	sadd.s32 $0x53400, s11;
	s19 =	sadd.s32 $0xA3400, s0  }
0x16: {  	s20 =	smax.u32 s7, $0x1;
	s0 =	sshrl.u32 s26, $0x3;
	s22 =	sadd.s32 s1, s10  }
0x17: {  	s23 =	simm.s32 $0x700;
	s26 =	simm.s32 $0xA0;
	s1 =	simm.s32 $0x1  }
0x18: {  	s25 =	simm.s32 $0x500;
	s7 =	simm.s32 $0x3;
	s9 =	simm.s32 $0x600  }
0x19: {  	s11 =	simm.s32 $0x0;
	s16 =	sadd.s32 $0x28, s13;
	s17 =	sadd.s32 $0x50, s13  }
0x1a: {  	v0 =	vimm.f32 $0.0e+00;
	v1 =	vimm.f32 $1.000000000e+00;
	s21 =	sadd.s32 s0, s10;
	s0 =	simm.s32 $0xA700;
	s10 =	simm.s32 $0x4  }
.LBB2_1:
0x1b: {  	s12 =	simm.s32 $0x0;
	s14 =	simm.s32 $0x200  }
.LBB2_2:
0x1c: {  	p0 =	sne.s32 s14, $0x9E00;
	[tilespmem:s12+$0x770] =	vst v0  }
0x1d: {  	[tilespmem:s12+$0x700] =	vst v0  }
0x1e: {  	[tilespmem:s12+$0x710] =	vst v0  }
.Ltmp0:
0x1f: {  	[tilespmem:s12+$0x720] =	vst v0;
	(pc) =	sbr.rel @p0 .LBB2_2-.Ltmp0, $4  }
0x20: {  	[tilespmem:s12+$0x730] =	vst v0  }
0x21: {  	[tilespmem:s12+$0x740] =	vst v0  }
0x22: {  	[tilespmem:s12+$0x750] =	vst v0  }
0x23: {  	[tilespmem:s12+$0x760] =	vst v0;
	s12 =	sshra.s32 s14, $0x2;
	s14 =	sadd.s32 $0x200, s14  }
0x24: {  	[tilespmem:s12+$0x770] =	vst v0  }
0x25: {  	[tilespmem:s12+$0x700] =	vst v0  }
0x26: {  	[tilespmem:s12+$0x710] =	vst v0  }
0x27: {  	[tilespmem:s12+$0x720] =	vst v0  }
0x28: {  	[tilespmem:s12+$0x730] =	vst v0  }
0x29: {  	[tilespmem:s12+$0x740] =	vst v0  }
0x2a: {  	[tilespmem:s12+$0x750] =	vst v0  }
0x2b: {  	[tilespmem:s12+$0x760] =	vst v0  }
0x2c: {  	[spmem:s6] =	stream.linear.scatter [tilespmem:s23], [sflag:$0x5], $0x2800, $0x38;
	[tilespmem:$0x1ED00] =	vst v63  }
0x2d: {  	_ =	swait.ge [sflag:s24], $0x2800  }
0x2e: {  	[sflag:s24] =	ssyncset.done $0x0  }
0x2f: {  	s14 =	rddreg [dreg:$0x4];
	[sflag:s24] =	ssyncadd.s32 $0xFFFFD800  }
0x30: {  	[spmem:s14] =	stream.linear.scatter [tilespmem:s23], [sflag:$0x5], $0x2800, $0x38;
	[tilespmem:$0x1ED00] =	vst v63  }
0x31: {  	_ =	swait.ge [sflag:s24], $0x2800  }
0x32: {  	[sflag:s24] =	ssyncset.done $0x0  }
0x33: {  	s14 =	rddreg [dreg:$0x5];
	[sflag:s24] =	ssyncadd.s32 $0xFFFFD800  }
0x34: {  	[spmem:s14] =	stream.linear.scatter [tilespmem:s23], [sflag:$0x5], $0x2800, $0x38;
	[tilespmem:$0x1ED00] =	vst v63  }
0x35: {  	_ =	swait.ge [sflag:s24], $0x2800  }
0x36: {  	[sflag:s24] =	ssyncset.done $0x0  }
0x37: {  	s14 =	rddreg [dreg:$0x6];
	[sflag:s24] =	ssyncadd.s32 $0xFFFFD800  }
0x38: {  	[spmem:s14] =	stream.linear.scatter [tilespmem:s23], [sflag:$0x5], $0x2800, $0x38;
	[tilespmem:$0x1ED00] =	vst v63  }
0x39: {  	_ =	swait.ge [sflag:s24], $0x2800  }
0x3a: {  	[sflag:s24] =	ssyncset.done $0x0  }
0x3b: {  	s14 =	rddreg [dreg:$0x7];
	[sflag:s24] =	ssyncadd.s32 $0xFFFFD800  }
0x3c: {  	[spmem:s14] =	stream.linear.scatter [tilespmem:s23], [sflag:$0x5], $0x2800, $0x38;
	[tilespmem:$0x1ED00] =	vst v63  }
0x3d: {  	_ =	swait.ge [sflag:s24], $0x2800  }
0x3e: {  	[sflag:s24] =	ssyncset.done $0x0  }
0x3f: {  	s14 =	rddreg [dreg:$0x8];
	[sflag:s24] =	ssyncadd.s32 $0xFFFFD800  }
0x40: {  	[spmem:s14] =	stream.linear.scatter [tilespmem:s23], [sflag:$0x5], $0x2800, $0x38;
	[tilespmem:$0x1ED00] =	vst v63  }
0x41: {  	_ =	swait.ge [sflag:s24], $0x2800  }
0x42: {  	[sflag:s24] =	ssyncset.done $0x0  }
0x43: {  	s14 =	rddreg [dreg:$0x9];
	[sflag:s24] =	ssyncadd.s32 $0xFFFFD800  }
0x44: {  	[spmem:s14] =	stream.linear.scatter [tilespmem:s23], [sflag:$0x5], $0x2800, $0x38;
	[tilespmem:$0x1ED00] =	vst v63  }
0x45: {  	_ =	swait.ge [sflag:s24], $0x2800  }
0x46: {  	[sflag:s24] =	ssyncset.done $0x0  }
0x47: {  	s14 =	rddreg [dreg:$0xa];
	[sflag:s24] =	ssyncadd.s32 $0xFFFFD800  }
0x48: {  	[spmem:s14] =	stream.linear.scatter [tilespmem:s23], [sflag:$0x5], $0x2800, $0x38;
	[tilespmem:$0x1ED00] =	vst v63  }
0x49: {  	_ =	swait.ge [sflag:s24], $0x2800  }
0x4a: {  	[sflag:s24] =	ssyncset.done $0x0  }
0x4b: {  	[sflag:s24] =	ssyncadd.s32 $0xFFFFD800  }
0x4c: {  	[tilespmem:$0xA800] =	vst v0  }
0x4d: {  	[tilespmem:$0xA810] =	vst v0  }
0x4e: {  	[tilespmem:$0xA820] =	vst v0  }
0x4f: {  	[tilespmem:$0xA830] =	vst v0  }
0x50: {  	[tilespmem:$0xA840] =	vst v0  }
0x51: {  	[tilespmem:$0xA850] =	vst v0  }
0x52: {  	[tilespmem:$0xA860] =	vst v0  }
0x53: {  	[tilespmem:$0xA870] =	vst v0  }
0x54: {  	[tilespmem:$0xA880] =	vst v0  }
0x55: {  	[tilespmem:$0xA890] =	vst v0  }
0x56: {  	[tilespmem:$0xA8A0] =	vst v0  }
0x57: {  	[tilespmem:$0xA8B0] =	vst v0  }
0x58: {  	[tilespmem:$0xA8C0] =	vst v0  }
0x59: {  	[tilespmem:$0xA8D0] =	vst v0  }
0x5a: {  	[tilespmem:$0xA8E0] =	vst v0  }
0x5b: {  	[tilespmem:$0xA8F0] =	vst v0  }
0x5c: {  	[tilespmem:$0xA900] =	vst v0  }
0x5d: {  	[tilespmem:$0xA910] =	vst v0  }
0x5e: {  	[tilespmem:$0xA920] =	vst v0  }
0x5f: {  	[tilespmem:$0xA930] =	vst v0  }
0x60: {  	[tilespmem:$0xA940] =	vst v0  }
0x61: {  	[tilespmem:$0xA950] =	vst v0  }
0x62: {  	[tilespmem:$0xA960] =	vst v0  }
0x63: {  	[tilespmem:$0xA970] =	vst v0  }
0x64: {  	[tilespmem:$0xA980] =	vst v0  }
0x65: {  	[tilespmem:$0xA990] =	vst v0  }
0x66: {  	[tilespmem:$0xA9A0] =	vst v0  }
0x67: {  	[tilespmem:$0xA9B0] =	vst v0  }
0x68: {  	[tilespmem:$0xA9C0] =	vst v0  }
0x69: {  	[tilespmem:$0xA9D0] =	vst v0  }
0x6a: {  	[tilespmem:$0xA9E0] =	vst v0  }
0x6b: {  	[tilespmem:$0xA9F0] =	vst v0  }
0x6c: {  	[tilespmem:$0xAA00] =	vst v0  }
0x6d: {  	[tilespmem:$0xAA10] =	vst v0  }
0x6e: {  	[tilespmem:$0xAA20] =	vst v0  }
0x6f: {  	[tilespmem:$0xAA30] =	vst v0  }
0x70: {  	[tilespmem:$0xAA40] =	vst v0  }
0x71: {  	[tilespmem:$0xAA50] =	vst v0  }
0x72: {  	[tilespmem:$0xAA60] =	vst v0  }
0x73: {  	s14 =	simm.s32 $0xA800;
	[tilespmem:$0xAA70] =	vst v0  }
0x74: {  	[spmem:s15] =	stream.linear.scatter [tilespmem:s14], [sflag:$0x5], $0x280, $0x38;
	[tilespmem:$0x1ED00] =	vst v63  }
0x75: {  	_ =	swait.ge [sflag:s24], $0x280  }
0x76: {  	[sflag:s24] =	ssyncset.done $0x0  }
0x77: {  	[sflag:s24] =	ssyncadd.s32 $0xFFFFFD80  }
0x78: {  	[tilespmem:$0xA700] =	vst v1  }
0x79: {  	[tilespmem:$0xA710] =	vst v1  }
0x7a: {  	[tilespmem:$0xA720] =	vst v1  }
0x7b: {  	[tilespmem:$0xA730] =	vst v1  }
0x7c: {  	[tilespmem:$0xA740] =	vst v1  }
0x7d: {  	[tilespmem:$0xA750] =	vst v1  }
0x7e: {  	[tilespmem:$0xA760] =	vst v1  }
0x7f: {  	[tilespmem:$0xA770] =	vst v1  }
0x80: {  	[tilespmem:$0xA780] =	vst v1  }
0x81: {  	[tilespmem:$0xA790] =	vst v1  }
0x82: {  	s12 =	simm.s32 $0x0;
	[bflag:$0x0] =	sbarrier.arrive $0xFFFF  }
0x83: {  	[tilespmem:s12], [sflag:$0x5] =	stream.linear.gather [hbm4b:s13+s12], $0x140, $0x38;
	[tilespmem:$0x1ED00] =	vst v63  }
0x84: {  	_ =	swait.ge [sflag:s24], $0x140  }
0x85: {  	[sflag:s24] =	ssyncset.done $0x0  }
0x86: {  	[sflag:s24] =	ssyncadd.s32 $0xFFFFFEC0  }
0x87: {  	v2 =	vld [tilespmem:$0x0]  }
0x88: {  	v3 =	vld [tilespmem:$0xA0]  }
0x89: {  	v4 =	vld [tilespmem:$0x10]  }
0x8a: {  	v5 =	vld [tilespmem:$0xB0]  }
0x8b: {  	v6 =	vld [tilespmem:$0x20]  }
0x8c: {  	v31 =	vld [tilespmem:$0xD0];
	[tilespmem:$0x300] =	vst v2  }
0x8d: {  	v32 =	vld [tilespmem:$0x40];
	[tilespmem:$0x500] =	vst v3  }
0x8e: {  	v33 =	vld [tilespmem:$0xE0];
	[tilespmem:$0x310] =	vst v4  }
0x8f: {  	v2 =	vld [tilespmem:$0xC0];
	[tilespmem:$0x510] =	vst v5  }
0x90: {  	v3 =	vld [tilespmem:$0x30];
	[tilespmem:$0x320] =	vst v6  }
0x91: {  	v34 =	vld [tilespmem:$0x60];
	[tilespmem:$0x530] =	vst v31  }
0x92: {  	v35 =	vld [tilespmem:$0x100];
	[tilespmem:$0x340] =	vst v32  }
0x93: {  	v36 =	vld [tilespmem:$0x70];
	[tilespmem:$0x540] =	vst v33  }
0x94: {  	[tilespmem:$0x520] =	vst v2;
	v2 =	vld [tilespmem:$0x50]  }
0x95: {  	[tilespmem:$0x330] =	vst v3;
	v3 =	vld [tilespmem:$0xF0]  }
0x96: {  	v37 =	vld [tilespmem:$0x120];
	[tilespmem:$0x360] =	vst v34  }
0x97: {  	v38 =	vld [tilespmem:$0x90];
	[tilespmem:$0x560] =	vst v35  }
0x98: {  	v39 =	vld [tilespmem:$0x130];
	[tilespmem:$0x370] =	vst v36  }
0x99: {  	[tilespmem:$0x350] =	vst v2;
	v2 =	vld [tilespmem:$0x110]  }
0x9a: {  	[tilespmem:$0x550] =	vst v3;
	v3 =	vld [tilespmem:$0x80]  }
0x9b: {  	[tilespmem:$0x580] =	vst v37  }
0x9c: {  	[tilespmem:$0x390] =	vst v38  }
0x9d: {  	[tilespmem:$0x590] =	vst v39  }
0x9e: {  	[tilespmem:$0x570] =	vst v2  }
0x9f: {  	[tilespmem:$0x380] =	vst v3  }
0xa0: {  	[tilespmem:s23], [sflag:$0x1] =	stream.indirect.gather [hbm4b:s5+s26], $0x80, s28, s26, $0xb8;
	[tilespmem:$0x1ED00] =	vst v63  }
0xa1: {  	_ = 	snop  }
0xa2: {  	[tilespmem:s29], [sflag:$0x5] =	stream.linear.gather [hbm4b:s16+s12], $0x140, $0x38;
	[tilespmem:$0x1ED00] =	vst v63  }
0xa3: {  	_ =	swait.ge [sflag:s24], $0x140  }
0xa4: {  	[sflag:s24] =	ssyncset.done $0x0  }
0xa5: {  	[sflag:s24] =	ssyncadd.s32 $0xFFFFFEC0  }
0xa6: {  	v2 =	vld [tilespmem:$0x180]  }
0xa7: {  	v3 =	vld [tilespmem:$0x220]  }
0xa8: {  	v40 =	vld [tilespmem:$0x190]  }
0xa9: {  	v41 =	vld [tilespmem:$0x230]  }
0xaa: {  	v42 =	vld [tilespmem:$0x1A0]  }
0xab: {  	v43 =	vld [tilespmem:$0x250];
	[tilespmem:$0x400] =	vst v2  }
0xac: {  	v44 =	vld [tilespmem:$0x1C0];
	[tilespmem:$0x600] =	vst v3  }
0xad: {  	v45 =	vld [tilespmem:$0x260];
	[tilespmem:$0x410] =	vst v40  }
0xae: {  	v2 =	vld [tilespmem:$0x240];
	[tilespmem:$0x610] =	vst v41  }
0xaf: {  	v3 =	vld [tilespmem:$0x1B0];
	[tilespmem:$0x420] =	vst v42  }
0xb0: {  	v46 =	vld [tilespmem:$0x1E0];
	[tilespmem:$0x630] =	vst v43  }
0xb1: {  	v47 =	vld [tilespmem:$0x280];
	[tilespmem:$0x440] =	vst v44  }
0xb2: {  	v48 =	vld [tilespmem:$0x1F0];
	[tilespmem:$0x640] =	vst v45  }
0xb3: {  	[tilespmem:$0x620] =	vst v2;
	v2 =	vld [tilespmem:$0x1D0]  }
0xb4: {  	[tilespmem:$0x430] =	vst v3;
	v3 =	vld [tilespmem:$0x270]  }
0xb5: {  	v49 =	vld [tilespmem:$0x2A0];
	[tilespmem:$0x460] =	vst v46  }
0xb6: {  	v50 =	vld [tilespmem:$0x210];
	[tilespmem:$0x660] =	vst v47  }
0xb7: {  	v51 =	vld [tilespmem:$0x2B0];
	[tilespmem:$0x470] =	vst v48  }
0xb8: {  	[tilespmem:$0x450] =	vst v2;
	v2 =	vld [tilespmem:$0x290]  }
0xb9: {  	[tilespmem:$0x650] =	vst v3;
	v3 =	vld [tilespmem:$0x200]  }
0xba: {  	[tilespmem:$0x680] =	vst v49  }
0xbb: {  	[tilespmem:$0x490] =	vst v50  }
0xbc: {  	[tilespmem:$0x690] =	vst v51  }
0xbd: {  	[tilespmem:$0x670] =	vst v2  }
0xbe: {  	[tilespmem:$0x480] =	vst v3  }
0xbf: {  	[tilespmem:s31], [sflag:$0x2] =	stream.indirect.gather [hbm4b:s5+s26], $0x80, s30, s26, $0xb8;
	[tilespmem:$0x1ED00] =	vst v63  }
0xc0: {  	_ =	swait.ge [sflag:s1], $0x5000  }
0xc1: {  	[sflag:s1] =	ssyncset.done $0x0  }
0xc2: {  	[sflag:s1] =	ssyncadd.s32 $0xFFFFB000  }
0xc3: {  	[spmem:s2] =	stream.indirect.scatter.add.f32 [tilespmem:s23], [sflag:$0x3], $0x80, s25, s26, $0xb8;
	[tilespmem:$0x1ED00] =	vst v63  }
0xc4: {  	_ = 	snop  }
0xc5: {  	[spmem:s3] =	stream.indirect.scatter.add.f32 [tilespmem:s0], [sflag:$0x3], $0x1, s25, s26, $0xb8;
	[tilespmem:$0x1ED00] =	vst v63  }
0xc6: {  	_ =	swait.ge [sflag:s7], $0x5000  }
0xc7: {  	[sflag:s7] =	ssyncset.done $0x0  }
0xc8: {  	[sflag:s7] =	ssyncadd.s32 $0xFFFFB000  }
0xc9: {  	_ =	swait.ge [sflag:s7], $0xA0  }
0xca: {  	[sflag:s7] =	ssyncset.done $0x0  }
0xcb: {  	[sflag:s7] =	ssyncadd.s32 $0xFFFFFF60  }
0xcc: {  	[tilespmem:s12], [sflag:$0x5] =	stream.linear.gather [hbm4b:s17+s12], $0x140, $0x38;
	[tilespmem:$0x1ED00] =	vst v63  }
0xcd: {  	_ =	swait.ge [sflag:s24], $0x140  }
0xce: {  	[sflag:s24] =	ssyncset.done $0x0  }
0xcf: {  	[sflag:s24] =	ssyncadd.s32 $0xFFFFFEC0  }
0xd0: {  	v2 =	vld [tilespmem:$0x0]  }
0xd1: {  	v3 =	vld [tilespmem:$0xA0]  }
0xd2: {  	v52 =	vld [tilespmem:$0x10]  }
0xd3: {  	v53 =	vld [tilespmem:$0xB0]  }
0xd4: {  	v54 =	vld [tilespmem:$0x20]  }
0xd5: {  	v55 =	vld [tilespmem:$0xD0];
	[tilespmem:$0x300] =	vst v2  }
0xd6: {  	v56 =	vld [tilespmem:$0x40];
	[tilespmem:$0x500] =	vst v3  }
0xd7: {  	v57 =	vld [tilespmem:$0xE0];
	[tilespmem:$0x310] =	vst v52  }
0xd8: {  	v2 =	vld [tilespmem:$0xC0];
	[tilespmem:$0x510] =	vst v53  }
0xd9: {  	v3 =	vld [tilespmem:$0x30];
	[tilespmem:$0x320] =	vst v54  }
0xda: {  	v58 =	vld [tilespmem:$0x60];
	[tilespmem:$0x530] =	vst v55  }
0xdb: {  	v59 =	vld [tilespmem:$0x100];
	[tilespmem:$0x340] =	vst v56  }
0xdc: {  	v60 =	vld [tilespmem:$0x70];
	[tilespmem:$0x540] =	vst v57  }
0xdd: {  	[tilespmem:$0x520] =	vst v2;
	v2 =	vld [tilespmem:$0x50]  }
0xde: {  	[tilespmem:$0x330] =	vst v3;
	v3 =	vld [tilespmem:$0xF0]  }
0xdf: {  	v61 =	vld [tilespmem:$0x120];
	[tilespmem:$0x360] =	vst v58  }
0xe0: {  	v62 =	vld [tilespmem:$0x90];
	[tilespmem:$0x560] =	vst v59  }
0xe1: {  	v63 =	vld [tilespmem:$0x130];
	[tilespmem:$0x370] =	vst v60  }
0xe2: {  	[tilespmem:$0x350] =	vst v2;
	v2 =	vld [tilespmem:$0x110]  }
0xe3: {  	[tilespmem:$0x550] =	vst v3;
	v3 =	vld [tilespmem:$0x80]  }
0xe4: {  	[tilespmem:$0x580] =	vst v61  }
0xe5: {  	[tilespmem:$0x390] =	vst v62  }
0xe6: {  	[tilespmem:$0x590] =	vst v63  }
0xe7: {  	[tilespmem:$0x570] =	vst v2  }
0xe8: {  	[tilespmem:$0x380] =	vst v3  }
0xe9: {  	[tilespmem:s23], [sflag:$0x1] =	stream.indirect.gather [hbm4b:s5+s26], $0x80, s28, s26, $0xb8;
	[tilespmem:$0x1ED00] =	vst v63  }
0xea: {  	_ =	swait.ge [sflag:s8], $0x5000  }
0xeb: {  	[sflag:s8] =	ssyncset.done $0x0  }
0xec: {  	[sflag:s8] =	ssyncadd.s32 $0xFFFFB000  }
0xed: {  	[spmem:s2] =	stream.indirect.scatter.add.f32 [tilespmem:s31], [sflag:$0x4], $0x80, s9, s26, $0xb8;
	[tilespmem:$0x1ED00] =	vst v63  }
0xee: {  	_ = 	snop  }
0xef: {  	[spmem:s3] =	stream.indirect.scatter.add.f32 [tilespmem:s0], [sflag:$0x4], $0x1, s9, s26, $0xb8;
	[tilespmem:$0x1ED00] =	vst v63  }
.LBB2_4:
0xf0: {  	_ =	swait.ge [sflag:s10], $0x5000  }
0xf1: {  	[sflag:s10] =	ssyncset.done $0x0  }
0xf2: {  	[sflag:s10] =	ssyncadd.s32 $0xFFFFB000  }
0xf3: {  	_ =	swait.ge [sflag:s10], $0xA0  }
0xf4: {  	[sflag:s10] =	ssyncset.done $0x0  }
0xf5: {  	s14 =	sadd.s32 s12, s22;
	[sflag:s10] =	ssyncadd.s32 $0xFFFFFF60  }
0xf6: {  	[tilespmem:s29], [sflag:$0x5] =	stream.linear.gather [hbm4b:s14+s4], $0x140, $0x38;
	[tilespmem:$0x1ED00] =	vst v63  }
0xf7: {  	_ =	swait.ge [sflag:s24], $0x140  }
0xf8: {  	[sflag:s24] =	ssyncset.done $0x0  }
0xf9: {  	[sflag:s24] =	ssyncadd.s32 $0xFFFFFEC0  }
0xfa: {  	v2 =	vld [tilespmem:$0x180]  }
0xfb: {  	v3 =	vld [tilespmem:$0x220]  }
0xfc: {  	v4 =	vld [tilespmem:$0x190]  }
0xfd: {  	v5 =	vld [tilespmem:$0x230]  }
0xfe: {  	v6 =	vld [tilespmem:$0x1A0]  }
0xff: {  	v43 =	vld [tilespmem:$0x250];
	[tilespmem:$0x400] =	vst v2  }
0x100: {  	v44 =	vld [tilespmem:$0x1C0];
	[tilespmem:$0x600] =	vst v3  }
0x101: {  	v45 =	vld [tilespmem:$0x260];
	[tilespmem:$0x410] =	vst v4  }
0x102: {  	v2 =	vld [tilespmem:$0x240];
	[tilespmem:$0x610] =	vst v5  }
0x103: {  	v3 =	vld [tilespmem:$0x1B0];
	[tilespmem:$0x420] =	vst v6  }
0x104: {  	v46 =	vld [tilespmem:$0x1E0];
	[tilespmem:$0x630] =	vst v43  }
0x105: {  	v47 =	vld [tilespmem:$0x280];
	[tilespmem:$0x440] =	vst v44  }
0x106: {  	v48 =	vld [tilespmem:$0x1F0];
	[tilespmem:$0x640] =	vst v45  }
0x107: {  	[tilespmem:$0x620] =	vst v2;
	v2 =	vld [tilespmem:$0x1D0]  }
0x108: {  	[tilespmem:$0x430] =	vst v3;
	v3 =	vld [tilespmem:$0x270]  }
0x109: {  	v49 =	vld [tilespmem:$0x2A0];
	[tilespmem:$0x460] =	vst v46  }
0x10a: {  	v50 =	vld [tilespmem:$0x210];
	[tilespmem:$0x660] =	vst v47  }
0x10b: {  	v51 =	vld [tilespmem:$0x2B0];
	[tilespmem:$0x470] =	vst v48  }
0x10c: {  	[tilespmem:$0x450] =	vst v2;
	v2 =	vld [tilespmem:$0x290]  }
0x10d: {  	[tilespmem:$0x650] =	vst v3;
	v3 =	vld [tilespmem:$0x200]  }
0x10e: {  	[tilespmem:$0x680] =	vst v49  }
0x10f: {  	[tilespmem:$0x490] =	vst v50  }
0x110: {  	[tilespmem:$0x690] =	vst v51  }
0x111: {  	[tilespmem:$0x670] =	vst v2  }
0x112: {  	[tilespmem:$0x480] =	vst v3  }
0x113: {  	[tilespmem:s31], [sflag:$0x2] =	stream.indirect.gather [hbm4b:s5+s26], $0x80, s30, s26, $0xb8;
	[tilespmem:$0x1ED00] =	vst v63  }
0x114: {  	_ =	swait.ge [sflag:s1], $0x5000  }
0x115: {  	[sflag:s1] =	ssyncset.done $0x0  }
0x116: {  	[sflag:s1] =	ssyncadd.s32 $0xFFFFB000  }
0x117: {  	[spmem:s2] =	stream.indirect.scatter.add.f32 [tilespmem:s23], [sflag:$0x3], $0x80, s25, s26, $0xb8;
	[tilespmem:$0x1ED00] =	vst v63  }
0x118: {  	_ = 	snop  }
0x119: {  	[spmem:s3] =	stream.indirect.scatter.add.f32 [tilespmem:s0], [sflag:$0x3], $0x1, s25, s26, $0xb8;
	[tilespmem:$0x1ED00] =	vst v63  }
0x11a: {  	_ =	swait.ge [sflag:s7], $0x5000  }
0x11b: {  	[sflag:s7] =	ssyncset.done $0x0  }
0x11c: {  	[sflag:s7] =	ssyncadd.s32 $0xFFFFB000  }
0x11d: {  	_ =	swait.ge [sflag:s7], $0xA0  }
0x11e: {  	[sflag:s7] =	ssyncset.done $0x0  }
0x11f: {  	s14 =	sadd.s32 s12, s21;
	[sflag:s7] =	ssyncadd.s32 $0xFFFFFF60  }
0x120: {  	[tilespmem:s4], [sflag:$0x5] =	stream.linear.gather [hbm4b:s14+s4], $0x140, $0x38;
	[tilespmem:$0x1ED00] =	vst v63  }
0x121: {  	_ =	swait.ge [sflag:s24], $0x140  }
0x122: {  	[sflag:s24] =	ssyncset.done $0x0  }
0x123: {  	[sflag:s24] =	ssyncadd.s32 $0xFFFFFEC0  }
0x124: {  	v2 =	vld [tilespmem:$0x0]  }
0x125: {  	v3 =	vld [tilespmem:$0xA0]  }
0x126: {  	v52 =	vld [tilespmem:$0x10]  }
0x127: {  	v53 =	vld [tilespmem:$0xB0]  }
0x128: {  	v54 =	vld [tilespmem:$0x20]  }
0x129: {  	v55 =	vld [tilespmem:$0xD0];
	[tilespmem:$0x300] =	vst v2  }
0x12a: {  	v56 =	vld [tilespmem:$0x40];
	[tilespmem:$0x500] =	vst v3  }
0x12b: {  	v57 =	vld [tilespmem:$0xE0];
	[tilespmem:$0x310] =	vst v52  }
0x12c: {  	v2 =	vld [tilespmem:$0xC0];
	[tilespmem:$0x510] =	vst v53  }
0x12d: {  	v3 =	vld [tilespmem:$0x30];
	[tilespmem:$0x320] =	vst v54  }
0x12e: {  	v58 =	vld [tilespmem:$0x60];
	[tilespmem:$0x530] =	vst v55  }
0x12f: {  	v59 =	vld [tilespmem:$0x100];
	[tilespmem:$0x340] =	vst v56  }
0x130: {  	v60 =	vld [tilespmem:$0x70];
	[tilespmem:$0x540] =	vst v57  }
0x131: {  	[tilespmem:$0x520] =	vst v2;
	v2 =	vld [tilespmem:$0x50]  }
0x132: {  	[tilespmem:$0x330] =	vst v3;
	v3 =	vld [tilespmem:$0xF0]  }
0x133: {  	v61 =	vld [tilespmem:$0x120];
	[tilespmem:$0x360] =	vst v58  }
0x134: {  	v62 =	vld [tilespmem:$0x90];
	[tilespmem:$0x560] =	vst v59  }
0x135: {  	v63 =	vld [tilespmem:$0x130];
	[tilespmem:$0x370] =	vst v60  }
0x136: {  	[tilespmem:$0x350] =	vst v2;
	v2 =	vld [tilespmem:$0x110]  }
0x137: {  	[tilespmem:$0x550] =	vst v3;
	v3 =	vld [tilespmem:$0x80]  }
0x138: {  	[tilespmem:$0x580] =	vst v61  }
0x139: {  	[tilespmem:$0x390] =	vst v62  }
0x13a: {  	[tilespmem:$0x590] =	vst v63  }
0x13b: {  	[tilespmem:$0x570] =	vst v2  }
0x13c: {  	[tilespmem:$0x380] =	vst v3  }
0x13d: {  	[tilespmem:s23], [sflag:$0x1] =	stream.indirect.gather [hbm4b:s5+s26], $0x80, s28, s26, $0xb8;
	[tilespmem:$0x1ED00] =	vst v63  }
0x13e: {  	p0 =	sne.s32 s12, $0x12C0;
	_ =	swait.ge [sflag:s8], $0x5000  }
.Ltmp1:
0x13f: {  	[sflag:s8] =	ssyncset.done $0x0;
	(pc) =	sbr.rel @p0 .LBB2_4-.Ltmp1, $4  }
0x140: {  	[sflag:s8] =	ssyncadd.s32 $0xFFFFB000  }
0x141: {  	[spmem:s2] =	stream.indirect.scatter.add.f32 [tilespmem:s31], [sflag:$0x4], $0x80, s9, s26, $0xb8;
	[tilespmem:$0x1ED00] =	vst v63  }
0x142: {  	s12 =	sadd.s32 $0x50, s12  }
0x143: {  	[spmem:s3] =	stream.indirect.scatter.add.f32 [tilespmem:s0], [sflag:$0x4], $0x1, s9, s26, $0xb8;
	[tilespmem:$0x1ED00] =	vst v63  }
0x144: {  	_ =	swait.ge [sflag:s1], $0x5000  }
0x145: {  	[sflag:s1] =	ssyncset.done $0x0  }
0x146: {  	[sflag:s1] =	ssyncadd.s32 $0xFFFFB000  }
0x147: {  	[spmem:s2] =	stream.indirect.scatter.add.f32 [tilespmem:s23], [sflag:$0x3], $0x80, s25, s26, $0xb8;
	[tilespmem:$0x1ED00] =	vst v63  }
0x148: {  	_ = 	snop  }
0x149: {  	[spmem:s3] =	stream.indirect.scatter.add.f32 [tilespmem:s0], [sflag:$0x3], $0x1, s25, s26, $0xb8;
	[tilespmem:$0x1ED00] =	vst v63  }
0x14a: {  	_ =	swait.ge [sflag:s10], $0x5000  }
0x14b: {  	[sflag:s10] =	ssyncset.done $0x0  }
0x14c: {  	[sflag:s10] =	ssyncadd.s32 $0xFFFFB000  }
0x14d: {  	_ =	swait.ge [sflag:s10], $0xA0  }
0x14e: {  	[sflag:s10] =	ssyncset.done $0x0  }
0x14f: {  	[sflag:s10] =	ssyncadd.s32 $0xFFFFFF60  }
0x150: {  	_ =	swait.ge [sflag:s7], $0x5000  }
0x151: {  	[sflag:s7] =	ssyncset.done $0x0  }
0x152: {  	[sflag:s7] =	ssyncadd.s32 $0xFFFFB000  }
0x153: {  	_ =	swait.ge [sflag:s7], $0xA0  }
0x154: {  	s12 =	stileid.u32;
	[sflag:s7] =	ssyncset.done $0x0  }
0x155: {  	s12 =	sshll.u32 s12, $0x6;
	[sflag:s7] =	ssyncadd.s32 $0xFFFFFF60  }
0x156: {  	s14 =	sshrl.u32 s6, $0x3;
	s12 =	sor.u32 $0x1C05, s12;
	[bflag:$0x0] =	sbarrier.arrive $0xFFFF  }
0x157: {  	[hbm:s18], [sflag:s12] =	dma.local [spmem:s14], $0x2800  }
0x158: {  	s11 =	sadd.s32 $0x1, s11;
	_ =	swait.ge [sflag:s24], $0x2800  }
0x159: {  	p0 =	sne.s32 s11, s20;
	[sflag:s24] =	ssyncset.done $0x0  }
.Ltmp2:
0x15a: {  	s14 =	sshrl.u32 s15, $0x3;
	[sflag:s24] =	ssyncadd.s32 $0xFFFFD800;
	(pc) =	sbr.rel @p0 .LBB2_1-.Ltmp2, $4  }
0x15b: {  	[hbm:s19], [sflag:s12] =	dma.local [spmem:s14], $0x50  }
0x15c: {  	_ =	swait.ge [sflag:s24], $0x50  }
0x15d: {  	[sflag:s24] =	ssyncset.done $0x0  }
0x15e: {  	[sflag:s24] =	ssyncadd.s32 $0xFFFFFFB0  }
0x15f: {  	_ =	sfence.sel $0x180000  }
0x160: {  	[bflag:$0x0] =	sbarrier.arrive $0xFFFF  }
0x161: {  	_ =	strace $0x90000047  }
0x162: {  	s0 =	stileid.u32;
	[bflag:$0x2] =	sbarrier.arrive $0xFFFF  }
0x163: {  	p0 =	sne.s32 s0, $0x0;
	s0 =	rddreg [dreg:$0x3]  }
0x164: {  	s0 =	sadd.s32 @!p0 $0x100000, s0  }
0x165: {  	[sflag:s0] =	ssyncadd.tile.s32 @!p0 $0x1;
	_ =	shalt  }
.Lfunc_end2:
_tile_overlayer_lowered:
.L_overlay_start_2:
0x166: {  	(tag) =	ssettag $0x2  }
0x167: {  	s0 =	rddreg [dreg:$0x0];
	s2 =	stileid.u32  }
0x168: {  	s1 =	rddreg [dreg:$0x1];
	p0 =	sne.s32 s2, $0x0  }
0x169: {  	s3 =	rddreg [dreg:$0x2];
	[bflag:$0x3] =	sbarrier.arrive $0xFFFF;
	s2 =	simm.s32 @!p0 $0x1C05  }
0x16a: {  	[timem:s3], [sflag:s2] =	dma.local @!p0 [hbm:s0], s1  }
0x16b: {  	s0 =	simm.s32 @!p0 $0x5  }
0x16c: {  	_ =	swait.ge @!p0 [sflag:s0], s1  }
0x16d: {  	s1 =	ssub.s32 @!p0 $0x0, s1;
	[sflag:s0] =	ssyncset.done @!p0 $0x0  }
0x16e: {  	[sflag:s0] =	ssyncadd.s32 @!p0 s1  }
0x16f: {  	[bflag:$0x3] =	sbarrier.arrive $0xFFFF  }
0x170: {  	_ =	shalt  }

// kernel: kernel.13.cloned.1.call-start
scs
__scs_entry_jumppad:
0x0: {  	(pc) =	sbr.rel $0x88, $3  }
0x1: {  	(tag) =	ssettag $0x0;
	lr =	simm.s32 $0x1  }
0x2: {  	[smem:$0x3F8E] =	sst lr;
	_ =	strace $0xD0000000  }
0x3: {  	_ = 	snop  }
0x4: {  	_ = 	snop  }
0x5: {  	_ = 	snop  }
0x6: {  	_ = 	snop  }
0x7: {  	_ = 	snop  }
__scs_overlays_trampoline_lowered:
0x8: {  	[smem:$0x3F9D] =	sst s0  }
0x9: {  	[smem:$0x3F9E] =	sst s1  }
0xa: {  	[smem:$0x3F9F] =	sst s2  }
0xb: {  	[smem:$0x3FA0] =	sst s3  }
0xc: {  	[smem:$0x3FA1] =	sst s4  }
0xd: {  	[smem:$0x3FA2] =	sst s5  }
0xe: {  	[smem:$0x3FA3] =	sst s6  }
0xf: {  	[smem:$0x3FA4] =	sst s7  }
0x10: {  	[smem:$0x3FA5] =	sst s8  }
0x11: {  	[smem:$0x3FA6] =	sst s9;
	s0 =	simm.s32 @!p0 $0x0  }
0x12: {  	s1 =	sld [smem:$0x3F8C];
	s0 =	simm.s32 @p0 $0x1  }
0x13: {  	[smem:$0x3FA7] =	sst s0;
	s0 =	simm.s32 @!p1 $0x0  }
0x14: {  	s2 =	sld [smem:$0x3F8B];
	s0 =	simm.s32 @p1 $0x1  }
0x15: {  	[smem:$0x3FA8] =	sst s0;
	s0 =	simm.s32 @!p2 $0x0  }
0x16: {  	s3 =	sld [smem:$0x3FDB];
	s0 =	simm.s32 @p2 $0x1  }
0x17: {  	s4 =	simm.s32 $0x1BF5;
	[smem:$0x3FAA] =	sst s0  }
0x18: {  	s0 =	sld [smem:$0x3F8D];
	_ =	swait.ge [sflag:s4], $0x0  }
0x19: {  	s7 =	sld [smem:$0x3F8E]  }
0x1a: {  	s8 =	sadd.s32 $0xFFFFE003, lr  }
0x1b: {  	s9 =	sadd.s32 $0xFFFFFEF7, lr;
	s5 =	simm.s32 $0xFFFFFFFF;
	p2 =	slt.u32 s8, $0xFFFFF086  }
0x1c: {  	p1 =	slt.u32 s9, $0xF7A;
	s5 =	simm.s32 @!p2 $0x0  }
0x1d: {  	s5 =	simm.s32 @p1 $0x1;
	p0 =	seq.s32 s7, s2  }
0x1e: {  	s7 =	smul.u32 @!p0 $0xF7A, s2;
	p2 =	seq.s32 @!p0 s5, $0x0  }
0x1f: {  	s9 =	smul.u32 $0xF7A, s1;
	s8 =	simm.s32 @!p0 $0x1BF5;
	p2 =	por !p2, p0  }
0x20: {  	[sflag:s8] =	ssyncset.s32 @!p0 $0xFFFFF086;
	s6 =	sadd.s32 @!p0 s3, s7;
	s7 =	simm.s32 @!p0 $0x108  }
0x21: {  	s3 =	sadd.s32 s3, s9;
	s6 =	sadd.s32 @!p0 $0x88, s6;
	s7 =	simm.s32 @p2 $0x1082  }
0x22: {  	[simem:s7], [sflag:s8] =	dma.local @!p0 [hbm:s6], $0xF7A  }
0x23: {  	s9 =	sor.u32 $0xD0000000, s2;
	s6 =	simm.s32 $0x108;
	_ =	swait.ge @!p0 [sflag:s8], $0x0  }
0x24: {  	s3 =	sadd.s32 $0x88, s3;
	s6 =	simm.s32 @!p1 $0x1082;
	[sflag:s4] =	ssyncset.s32 $0xFFFFF086  }
0x25: {  	[simem:s6], [sflag:s4] =	dma.local [hbm:s3], $0xF7A  }
0x26: {  	[smem:$0x3F8E] =	sst s1;
	(tag) =	ssettag s2;
	_ =	strace s9  }
0x27: {  	s1 =	sld [smem:$0x3F9E]  }
0x28: {  	s2 =	sld [smem:$0x3F9F]  }
0x29: {  	s4 =	sld [smem:$0x3FA1]  }
0x2a: {  	p0 =	seq.s32 s5, $0x0;
	s5 =	sld [smem:$0x3FA2]  }
0x2b: {  	s6 =	sld [smem:$0x3FA3]  }
0x2c: {  	s7 =	sld [smem:$0x3FA4]  }
0x2d: {  	s3 =	simm.s32 $0x108;
	s8 =	sld [smem:$0x3FA5]  }
0x2e: {  	s3 =	simm.s32 @!p0 $0x1082;
	s9 =	sld [smem:$0x3FA6]  }
0x2f: {  	lr =	sadd.s32 s0, s3;
	s0 =	sld [smem:$0x3F9D]  }
0x30: {  	s3 =	sld [smem:$0x3FA0]  }
0x31: {  	[smem:$0x3FA9] =	sst s10  }
0x32: {  	s10 =	sld [smem:$0x3FA7];
	_ =	sdelay $0x3  }
0x33: {  	p0 =	seq.s32 s10, $0x1;
	s10 =	sld [smem:$0x3FA9];
	_ =	sdelay $0x3  }
0x34: {  	[smem:$0x3FA9] =	sst s10  }
0x35: {  	s10 =	sld [smem:$0x3FA8];
	_ =	sdelay $0x3  }
0x36: {  	p1 =	seq.s32 s10, $0x1;
	s10 =	sld [smem:$0x3FA9];
	_ =	sdelay $0x3  }
0x37: {  	[smem:$0x3FA9] =	sst s10  }
0x38: {  	s10 =	sld [smem:$0x3FAA]  }
0x39: {  	_ = 	snop;
	(pc) =	sbr.ind lr, $3  }
0x3a: {  	_ = 	snop  }
0x3b: {  	_ = 	snop  }
0x3c: {  	p2 =	seq.s32 s10, $0x1;
	s10 =	sld [smem:$0x3FA9]  }
0x3d: {  	_ =	shalt  }
0x3e: {  	_ =	shalt  }
0x3f: {  	_ =	shalt  }
0x40: {  	_ =	shalt  }
0x41: {  	_ =	shalt  }
0x42: {  	_ =	shalt  }
0x43: {  	_ =	shalt  }
0x44: {  	_ =	shalt  }
0x45: {  	_ =	shalt  }
0x46: {  	_ =	shalt  }
0x47: {  	_ =	shalt  }
0x48: {  	_ =	shalt  }
0x49: {  	_ =	shalt  }
0x4a: {  	_ =	shalt  }
0x4b: {  	_ =	shalt  }
0x4c: {  	_ =	shalt  }
0x4d: {  	_ =	shalt  }
0x4e: {  	_ =	shalt  }
0x4f: {  	_ =	shalt  }
0x50: {  	_ =	shalt  }
0x51: {  	_ =	shalt  }
0x52: {  	_ =	shalt  }
0x53: {  	_ =	shalt  }
0x54: {  	_ =	shalt  }
0x55: {  	_ =	shalt  }
0x56: {  	_ =	shalt  }
0x57: {  	_ =	shalt  }
0x58: {  	_ =	shalt  }
0x59: {  	_ =	shalt  }
0x5a: {  	_ =	shalt  }
0x5b: {  	_ =	shalt  }
0x5c: {  	_ =	shalt  }
0x5d: {  	_ =	shalt  }
0x5e: {  	_ =	shalt  }
0x5f: {  	_ =	shalt  }
0x60: {  	_ =	shalt  }
0x61: {  	_ =	shalt  }
0x62: {  	_ =	shalt  }
0x63: {  	_ =	shalt  }
0x64: {  	_ =	shalt  }
0x65: {  	_ =	shalt  }
0x66: {  	_ =	shalt  }
0x67: {  	_ =	shalt  }
0x68: {  	_ =	shalt  }
0x69: {  	_ =	shalt  }
0x6a: {  	_ =	shalt  }
0x6b: {  	_ =	shalt  }
0x6c: {  	_ =	shalt  }
0x6d: {  	_ =	shalt  }
0x6e: {  	_ =	shalt  }
0x6f: {  	_ =	shalt  }
0x70: {  	_ =	shalt  }
0x71: {  	_ =	shalt  }
0x72: {  	_ =	shalt  }
0x73: {  	_ =	shalt  }
0x74: {  	_ =	shalt  }
0x75: {  	_ =	shalt  }
0x76: {  	_ =	shalt  }
0x77: {  	_ =	shalt  }
0x78: {  	_ =	shalt  }
0x79: {  	_ =	shalt  }
0x7a: {  	_ =	shalt  }
0x7b: {  	_ =	shalt  }
0x7c: {  	_ =	shalt  }
0x7d: {  	_ =	shalt  }
0x7e: {  	_ =	shalt  }
0x7f: {  	_ =	shalt  }
0x80: {  	_ =	shalt  }
0x81: {  	_ =	shalt  }
0x82: {  	_ =	shalt  }
0x83: {  	_ =	shalt  }
0x84: {  	_ =	shalt  }
0x85: {  	_ =	shalt  }
0x86: {  	_ =	shalt  }
0x87: {  	_ =	shalt  }
.Lfunc_end0:
.L_simem_size_0:
called_computation.1_lowered:
.L_overlay_start_0:
0x88: {  	s2 =	sld [smem:$0x3FD9]  }
0x89: {  	s3 =	sld [smem:$0x3FFE];
	_ =	sdelay $0x1  }
0x8a: {  	s1 =	srdreg.scid  }
0x8b: {  	s0 =	sand.u32 $0x1, s1  }
0x8c: {  	s16 =	sshll.u32 s0, $0xA;
	s2 =	sadd.s32 s3, s2  }
0x8d: {  	s2 =	sadd.s32 s2, s16  }
0x8e: {  	[smem:$0x3FB5] =	sst s2  }
0x8f: {  	_ = 	snop  }
0x90: {  	(tm) =	ssettm $0x1  }
0x91: {  	s17 =	sld [smem:$0x3FFB];
	_ =	sdelay $0x3  }
0x92: {  	_ =	strace s17  }
0x93: {  	s2 =	sld [smem:$0x3FFC];
	_ =	sdelay $0x3  }
0x94: {  	_ =	strace s2  }
0x95: {  	s2 =	sld [smem:$0x3FFD];
	_ =	sdelay $0x3  }
0x96: {  	_ =	strace s2  }
0x97: {  	_ =	strace $0x8FFFFFFF  }
0x98: {  	s18 =	sld [smem:$0x3FDB];
	_ =	sdelay $0x1  }
0x99: {  	s19 =	simm.s32 $_scs_section_size  }
0x9a: {  	s4 =	simm.s32 $_size__tile_overlayer_lowered;
	s5 =	simm.s32 $_tile_overlayer_lowered  }
0x9b: {  	s22 =	simm.s32 $0x1BFF;
	s21 =	sshll.u32 s5, $0x1;
	s2 =	sadd.s32 s19, s18  }
0x9c: {  	s6 =	simm.s32 $0x0;
	s20 =	sshll.u32 s4, $0x1;
	s4 =	sadd.s32 s21, s2  }
0x9d: {  	[timem:s6], [sflag:s22] =	dma.local [hbm:s4], s20  }
0x9e: {  	_ =	swait.ge [sflag:s22], s20  }
0x9f: {  	s3 =	ssub.s32 $0x0, s20;
	[sflag:s22] =	ssyncset.done $0x0  }
0xa0: {  	[sflag:s22] =	ssyncadd.s32 s3;
	_ =	sdelay $0x1  }
0xa1: {  	s23 =	simm.s32 $0x1B8B  }
0xa2: {  	_ =	swait.ge [sflag:s23], $0x1  }
0xa3: {  	[sflag:s23] =	ssyncset.done $0x0  }
0xa4: {  	s25 =	simm.s32 $0x1B8E;
	s24 =	sld [smem:$0x3FFE];
	[sflag:s23] =	ssyncadd.s32 $0xFFFFFFFF  }
0xa5: {  	s26 =	simm.s32 $execute0_lowered;
	[smem:$0x3FD2] =	sst s25  }
0xa6: {  	s4 =	sshll.u32 s26, $0x1;
	_ =	strace $0x80000049;
	[dreg:$0x1] =	wrdreg $0xFFFFFFFF  }
0xa7: {  	s28 =	simm.s32 $_size_execute0_lowered;
	s2 =	sadd.s32 s2, s4;
	[dreg:$0x0] =	wrdreg $0x0  }
0xa8: {  	s4 =	sshll.u32 s28, $0x1;
	[dreg:$0x2] =	wrdreg s2  }
0xa9: {  	[dreg:$0x3] =	wrdreg s4  }
0xaa: {  	[dreg:$0x4] =	wrdreg $0xC0  }
0xab: {  	_ =	task [dreg:s6], $0x5FFFF  }
0xac: {  	[dreg:$0x1] =	wrdreg $0xFFFFFFFF  }
0xad: {  	[dreg:$0x0] =	wrdreg $0x60  }
0xae: {  	[dreg:$0x2] =	wrdreg s24  }
0xaf: {  	[dreg:$0x3] =	wrdreg $0xA7000  }
0xb0: {  	[dreg:$0x4] =	wrdreg $0x9  }
0xb1: {  	_ =	task.clear_ibuf [dreg:s6], $0x5FFFF;
	_ =	strace $0x90000049  }
0xb2: {  	s29 =	simm.s32 $0x9;
	_ =	strace $0x8000004B  }
0xb3: {  	_ =	swait.ge [sflag:s29], $0x1  }
0xb4: {  	[sflag:s29] =	ssyncadd.s32 $0xFFFFFFFF  }
0xb5: {  	_ =	strace $0x9000004B  }
0xb6: {  	_ =	sfence  }
0xb7: {  	s30 =	sld [smem:$0x0];
	_ =	sdelay $0x2  }
0xb8: {  	s31 =	sshll.u32 s1, $0xD;
	s1 =	sshrl.u32 s1, $0x2  }
0xb9: {  	s3 =	sand.u32 $0x4000, s31;
	s1 =	sadd.s32 s1, s30  }
0xba: {  	s0 =	sor.u32 s3, s0;
	s1 =	sshll.u32 s1, $0x11  }
0xbb: {  	s0 =	sor.u32 s1, s0  }
0xbc: {  	s0 =	sadd.s32 $0x8F2B, s0  }
0xbd: {  	[sflag:s0] =	ssyncadd.remote.s32 $0x1  }
0xbe: {  	_ =	sfence.sel $0xFFFF  }
0xbf: {  	[dreg:$0x0] =	wrdreg $0xFFFFFFFF;
	(pc) =	sbr.abs _section_cstart, $3  }
0xc0: {  	[dreg:$0x1] =	wrdreg $0xFFFFFFFF  }
0xc1: {  	_ =	task.clear_ibuf [dreg:s6], $0x2FFFF;
	_ =	strace $0x9FFFFFFF  }
0xc2: {  	(tm) =	ssettm $0x7FFFFFFF  }
0xc3: {  	_ =	shalt  }
tec
execute0_lowered:
.L_overlay_start_1:
0x0: {  	(tag) =	ssettag $0x1  }
0x1: {  	s0 =	srdreg.scid;
	s1 =	rddreg [dreg:$0x0]  }
0x2: {  	s11 =	stileid.u32;
	s2 =	rddreg [dreg:$0x1]  }
0x3: {  	s3 =	simm.s32 $0x0;
	s28 =	simm.s32 $0x1;
	s5 =	smul.u32 $0x14000, s11  }
0x4: {  	s29 =	simm.s32 $0x500;
	s30 =	simm.s32 $0x3;
	s6 =	smul.u32 $0x50000, s11  }
0x5: {  	s31 =	simm.s32 $0x2;
	s0 =	sand.u32 $0x1, s0;
	s15 =	smul.u32 $0x9C40, s11  }
0x6: {  	[smem:$0x7FF] =	sst s3;
	s7 =	sadd.s32 $0x4200, s1;
	s4 =	smul.u32 $0x140000, s0  }
0x7: {  	_ =	strace $0x8000004A;
	s8 =	ssub.s32 $0x2, s0;
	s14 =	smul.u32 $0x9C400, s0  }
0x8: {  	s20 =	sshll.u32 s0, $0x4;
	s0 =	smul.u32 $0x2800, s0;
	s19 =	sshrl.u32 s6, $0x2  }
0x9: {  	s9 =	sshrl.u32 s8, $0x1;
	s6 =	sor.u32 s11, s20;
	s20 =	simm.s32 $0x700  }
0xa: {  	s4 =	sadd.s32 s5, s4;
	s8 =	ssub.s32 s8, s9;
	s6 =	smul.u32 $0x9C40, s6  }
0xb: {  	s24 =	sadd.s32 s15, s14;
	v0 =	vmov s0;
	s0 =	simm.s32 $0x4;
	s5 =	sshrl.u32 s4, $0x3  }
0xc: {  	s4 =	sadd.s32 $0x2B400, s1;
	s17 =	sadd.s32 $0x500, s24;
	s1 =	sadd.s32 s5, s1  }
0xd: {  	s5 =	sadd.s32 s19, s2;
	s6 =	sshrl.u32 s6, $0x3;
	s25 =	sshrl.u32 s17, $0x3  }
0xe: {  	s17 =	smax.u32 s8, $0x1;
	s21 =	sadd.s32 $0x2800, s5;
	s22 =	sadd.s32 $0x5000, s5  }
0xf: {  	s23 =	sadd.s32 $0x7800, s5;
	s9 =	sadd.s32 $0xA000, s5;
	s10 =	sadd.s32 $0xC800, s5  }
0x10: {  	s11 =	sadd.s32 $0xF000, s5;
	s12 =	sadd.s32 $0x11800, s5;
	s13 =	sadd.s32 s7, s6  }
0x11: {  	s16 =	sadd.s32 $0xF3E00, s1;
	s6 =	sadd.s32 $0x3C0, s24;
	[dreg:$0x3] =	wrdreg s21  }
0x12: {  	s18 =	sadd.s32 s25, s7;
	s24 =	simm.s32 $0x180;
	[dreg:$0x4] =	wrdreg s22  }
0x13: {  	s25 =	simm.s32 $0x400;
	s1 =	simm.s32 $0x600;
	[dreg:$0x5] =	wrdreg s23  }
0x14: {  	s14 =	sadd.s32 $0x28, s13;
	s15 =	sadd.s32 $0x50, s13;
	s26 =	sshrl.u32 s6, $0x3  }
0x15: {  	s21 =	simm.s32 $0x5;
	s22 =	simm.s32 $0xA0;
	s23 =	simm.s32 $0x300  }
0x16: {  	v1 =	vimm.f32 $0.0e+00;
	s6 =	simm.s32 $0x0;
	s19 =	sadd.s32 s26, s7;
	s26 =	simm.s32 $0x5700  }
.LBB2_1:
0x17: {  	s7 =	simm.s32 $0x0;
	s8 =	simm.s32 $0x200  }
.LBB2_2:
0x18: {  	p0 =	sne.s32 s8, $0x9E00;
	[tilespmem:s7+$0x770] =	vst v1  }
0x19: {  	[tilespmem:s7+$0x700] =	vst v1  }
0x1a: {  	[tilespmem:s7+$0x710] =	vst v1  }
.Ltmp0:
0x1b: {  	[tilespmem:s7+$0x720] =	vst v1;
	(pc) =	sbr.rel @p0 .LBB2_2-.Ltmp0, $4  }
0x1c: {  	[tilespmem:s7+$0x730] =	vst v1  }
0x1d: {  	[tilespmem:s7+$0x740] =	vst v1  }
0x1e: {  	[tilespmem:s7+$0x750] =	vst v1  }
0x1f: {  	[tilespmem:s7+$0x760] =	vst v1;
	s7 =	sshra.s32 s8, $0x2;
	s8 =	sadd.s32 $0x200, s8  }
0x20: {  	[tilespmem:s7+$0x770] =	vst v1  }
0x21: {  	[tilespmem:s7+$0x700] =	vst v1  }
0x22: {  	[tilespmem:s7+$0x710] =	vst v1  }
0x23: {  	[tilespmem:s7+$0x720] =	vst v1  }
0x24: {  	[tilespmem:s7+$0x730] =	vst v1  }
0x25: {  	[tilespmem:s7+$0x740] =	vst v1  }
0x26: {  	[tilespmem:s7+$0x750] =	vst v1  }
0x27: {  	[tilespmem:s7+$0x760] =	vst v1  }
0x28: {  	[spmem:s5] =	stream.linear.scatter [tilespmem:s20], [sflag:$0x5], $0x2800, $0x38;
	[tilespmem:$0x1E700] =	vst v63  }
0x29: {  	_ =	swait.ge [sflag:s21], $0x2800  }
0x2a: {  	[sflag:s21] =	ssyncset.done $0x0  }
0x2b: {  	s8 =	rddreg [dreg:$0x3];
	[sflag:s21] =	ssyncadd.s32 $0xFFFFD800  }
0x2c: {  	[spmem:s8] =	stream.linear.scatter [tilespmem:s20], [sflag:$0x5], $0x2800, $0x38;
	[tilespmem:$0x1E700] =	vst v63  }
0x2d: {  	_ =	swait.ge [sflag:s21], $0x2800  }
0x2e: {  	[sflag:s21] =	ssyncset.done $0x0  }
0x2f: {  	s8 =	rddreg [dreg:$0x4];
	[sflag:s21] =	ssyncadd.s32 $0xFFFFD800  }
0x30: {  	[spmem:s8] =	stream.linear.scatter [tilespmem:s20], [sflag:$0x5], $0x2800, $0x38;
	[tilespmem:$0x1E700] =	vst v63  }
0x31: {  	_ =	swait.ge [sflag:s21], $0x2800  }
0x32: {  	[sflag:s21] =	ssyncset.done $0x0  }
0x33: {  	s8 =	rddreg [dreg:$0x5];
	[sflag:s21] =	ssyncadd.s32 $0xFFFFD800  }
0x34: {  	[spmem:s8] =	stream.linear.scatter [tilespmem:s20], [sflag:$0x5], $0x2800, $0x38;
	[tilespmem:$0x1E700] =	vst v63  }
0x35: {  	_ =	swait.ge [sflag:s21], $0x2800  }
0x36: {  	[sflag:s21] =	ssyncset.done $0x0  }
0x37: {  	[sflag:s21] =	ssyncadd.s32 $0xFFFFD800  }
0x38: {  	[spmem:s9] =	stream.linear.scatter [tilespmem:s20], [sflag:$0x5], $0x2800, $0x38;
	[tilespmem:$0x1E700] =	vst v63  }
0x39: {  	_ =	swait.ge [sflag:s21], $0x2800  }
0x3a: {  	[sflag:s21] =	ssyncset.done $0x0  }
0x3b: {  	[sflag:s21] =	ssyncadd.s32 $0xFFFFD800  }
0x3c: {  	[spmem:s10] =	stream.linear.scatter [tilespmem:s20], [sflag:$0x5], $0x2800, $0x38;
	[tilespmem:$0x1E700] =	vst v63  }
0x3d: {  	_ =	swait.ge [sflag:s21], $0x2800  }
0x3e: {  	[sflag:s21] =	ssyncset.done $0x0  }
0x3f: {  	[sflag:s21] =	ssyncadd.s32 $0xFFFFD800  }
0x40: {  	[spmem:s11] =	stream.linear.scatter [tilespmem:s20], [sflag:$0x5], $0x2800, $0x38;
	[tilespmem:$0x1E700] =	vst v63  }
0x41: {  	_ =	swait.ge [sflag:s21], $0x2800  }
0x42: {  	[sflag:s21] =	ssyncset.done $0x0  }
0x43: {  	[sflag:s21] =	ssyncadd.s32 $0xFFFFD800  }
0x44: {  	[spmem:s12] =	stream.linear.scatter [tilespmem:s20], [sflag:$0x5], $0x2800, $0x38;
	[tilespmem:$0x1E700] =	vst v63  }
0x45: {  	_ =	swait.ge [sflag:s21], $0x2800  }
0x46: {  	[sflag:s21] =	ssyncset.done $0x0  }
0x47: {  	[sflag:s21] =	ssyncadd.s32 $0xFFFFD800  }
0x48: {  	s7 =	simm.s32 $0x0;
	[bflag:$0x0] =	sbarrier.arrive $0xFFFF  }
0x49: {  	[tilespmem:s7], [sflag:$0x5] =	stream.linear.gather [hbm4b:s13+s7], $0x140, $0x38;
	[tilespmem:$0x1E700] =	vst v63  }
0x4a: {  	_ =	swait.ge [sflag:s21], $0x140  }
0x4b: {  	[sflag:s21] =	ssyncset.done $0x0  }
0x4c: {  	[sflag:s21] =	ssyncadd.s32 $0xFFFFFEC0  }
0x4d: {  	v2 =	vld [tilespmem:$0x0]  }
0x4e: {  	v3 =	vld [tilespmem:$0xA0]  }
0x4f: {  	v4 =	vld [tilespmem:$0x10];
	_ =	sdelay $0x1  }
0x50: {  	v5 =	vld [tilespmem:$0xB0]  }
0x51: {  	v7 =	vld [tilespmem:$0xC0]  }
0x52: {  	v26 =	vld [tilespmem:$0xD0];
	v2 =	vadd.s32 v0, v2;
	[tilespmem:$0x500] =	vst v3  }
0x53: {  	v3 =	vadd.s32 v0, v4;
	[tilespmem:$0x300] =	vst v2;
	v2 =	vld [tilespmem:$0x30]  }
0x54: {  	[tilespmem:$0x310] =	vst v3;
	v3 =	vld [tilespmem:$0x40]  }
0x55: {  	v28 =	vld [tilespmem:$0xE0]  }
0x56: {  	v30 =	vld [tilespmem:$0xF0];
	[tilespmem:$0x510] =	vst v5  }
0x57: {  	v31 =	vld [tilespmem:$0x100];
	[tilespmem:$0x520] =	vst v7  }
0x58: {  	v32 =	vld [tilespmem:$0x110];
	[tilespmem:$0x530] =	vst v26;
	v2 =	vadd.s32 v0, v2  }
0x59: {  	v3 =	vadd.s32 v0, v3;
	[tilespmem:$0x330] =	vst v2;
	v2 =	vld [tilespmem:$0x60]  }
0x5a: {  	[tilespmem:$0x340] =	vst v3;
	v3 =	vld [tilespmem:$0x70]  }
0x5b: {  	v6 =	vld [tilespmem:$0x20];
	[tilespmem:$0x540] =	vst v28  }
0x5c: {  	v34 =	vld [tilespmem:$0x120];
	[tilespmem:$0x550] =	vst v30  }
0x5d: {  	v29 =	vld [tilespmem:$0x50];
	[tilespmem:$0x560] =	vst v31  }
0x5e: {  	v33 =	vld [tilespmem:$0x80];
	[tilespmem:$0x570] =	vst v32;
	v2 =	vadd.s32 v0, v2  }
0x5f: {  	v3 =	vadd.s32 v0, v3;
	[tilespmem:$0x360] =	vst v2;
	v2 =	vld [tilespmem:$0x90]  }
0x60: {  	[tilespmem:$0x370] =	vst v3;
	v3 =	vld [tilespmem:$0x130]  }
0x61: {  	v27 =	vadd.s32 v0, v6;
	[tilespmem:$0x580] =	vst v34  }
0x62: {  	v5 =	vadd.s32 v0, v29;
	[tilespmem:$0x320] =	vst v27  }
0x63: {  	v35 =	vadd.s32 v0, v33;
	[tilespmem:$0x350] =	vst v5  }
0x64: {  	[tilespmem:$0x380] =	vst v35  }
0x65: {  	v2 =	vadd.s32 v0, v2;
	[tilespmem:$0x590] =	vst v3  }
0x66: {  	[tilespmem:$0x390] =	vst v2  }
0x67: {  	[tilespmem:s20], [sflag:$0x1] =	stream.indirect.gather [hbm4b:s4+s22], $0x80, s23, s22, $0xb8;
	[tilespmem:$0x1E700] =	vst v63  }
0x68: {  	_ = 	snop  }
0x69: {  	[tilespmem:s24], [sflag:$0x5] =	stream.linear.gather [hbm4b:s14+s7], $0x140, $0x38;
	[tilespmem:$0x1E700] =	vst v63  }
0x6a: {  	_ =	swait.ge [sflag:s21], $0x140  }
0x6b: {  	[sflag:s21] =	ssyncset.done $0x0  }
0x6c: {  	[sflag:s21] =	ssyncadd.s32 $0xFFFFFEC0  }
0x6d: {  	v2 =	vld [tilespmem:$0x180]  }
0x6e: {  	v3 =	vld [tilespmem:$0x220]  }
0x6f: {  	v36 =	vld [tilespmem:$0x190];
	_ =	sdelay $0x1  }
0x70: {  	v37 =	vld [tilespmem:$0x230]  }
0x71: {  	v39 =	vld [tilespmem:$0x240]  }
0x72: {  	v40 =	vld [tilespmem:$0x250];
	v2 =	vadd.s32 v0, v2;
	[tilespmem:$0x600] =	vst v3  }
0x73: {  	v3 =	vadd.s32 v0, v36;
	[tilespmem:$0x400] =	vst v2;
	v2 =	vld [tilespmem:$0x1B0]  }
0x74: {  	[tilespmem:$0x410] =	vst v3;
	v3 =	vld [tilespmem:$0x1C0]  }
0x75: {  	v42 =	vld [tilespmem:$0x260]  }
0x76: {  	v44 =	vld [tilespmem:$0x270];
	[tilespmem:$0x610] =	vst v37  }
0x77: {  	v45 =	vld [tilespmem:$0x280];
	[tilespmem:$0x620] =	vst v39  }
0x78: {  	v46 =	vld [tilespmem:$0x290];
	[tilespmem:$0x630] =	vst v40;
	v2 =	vadd.s32 v0, v2  }
0x79: {  	v3 =	vadd.s32 v0, v3;
	[tilespmem:$0x430] =	vst v2;
	v2 =	vld [tilespmem:$0x1E0]  }
0x7a: {  	[tilespmem:$0x440] =	vst v3;
	v3 =	vld [tilespmem:$0x1F0]  }
0x7b: {  	v38 =	vld [tilespmem:$0x1A0];
	[tilespmem:$0x640] =	vst v42  }
0x7c: {  	v48 =	vld [tilespmem:$0x2A0];
	[tilespmem:$0x650] =	vst v44  }
0x7d: {  	v43 =	vld [tilespmem:$0x1D0];
	[tilespmem:$0x660] =	vst v45  }
0x7e: {  	v47 =	vld [tilespmem:$0x200];
	[tilespmem:$0x670] =	vst v46;
	v2 =	vadd.s32 v0, v2  }
0x7f: {  	v3 =	vadd.s32 v0, v3;
	[tilespmem:$0x460] =	vst v2;
	v2 =	vld [tilespmem:$0x210]  }
0x80: {  	[tilespmem:$0x470] =	vst v3;
	v3 =	vld [tilespmem:$0x2B0]  }
0x81: {  	v41 =	vadd.s32 v0, v38;
	[tilespmem:$0x680] =	vst v48  }
0x82: {  	v5 =	vadd.s32 v0, v43;
	[tilespmem:$0x420] =	vst v41  }
0x83: {  	v49 =	vadd.s32 v0, v47;
	[tilespmem:$0x450] =	vst v5  }
0x84: {  	[tilespmem:$0x480] =	vst v49  }
0x85: {  	v2 =	vadd.s32 v0, v2;
	[tilespmem:$0x690] =	vst v3  }
0x86: {  	[tilespmem:$0x490] =	vst v2  }
0x87: {  	[tilespmem:s26], [sflag:$0x2] =	stream.indirect.gather [hbm4b:s4+s22], $0x80, s25, s22, $0xb8;
	[tilespmem:$0x1E700] =	vst v63  }
0x88: {  	_ =	swait.ge [sflag:s28], $0x5000  }
0x89: {  	[sflag:s28] =	ssyncset.done $0x0  }
0x8a: {  	[sflag:s28] =	ssyncadd.s32 $0xFFFFB000  }
0x8b: {  	[spmem:s2] =	stream.indirect.scatter.add.f32 [tilespmem:s20], [sflag:$0x3], $0x80, s29, s22, $0xb8;
	[tilespmem:$0x1E700] =	vst v63  }
0x8c: {  	_ =	swait.ge [sflag:s30], $0x5000  }
0x8d: {  	[sflag:s30] =	ssyncset.done $0x0  }
0x8e: {  	[sflag:s30] =	ssyncadd.s32 $0xFFFFB000  }
0x8f: {  	[tilespmem:s7], [sflag:$0x5] =	stream.linear.gather [hbm4b:s15+s7], $0x140, $0x38;
	[tilespmem:$0x1E700] =	vst v63  }
0x90: {  	_ =	swait.ge [sflag:s21], $0x140  }
0x91: {  	[sflag:s21] =	ssyncset.done $0x0  }
0x92: {  	[sflag:s21] =	ssyncadd.s32 $0xFFFFFEC0  }
0x93: {  	v2 =	vld [tilespmem:$0x0]  }
0x94: {  	v3 =	vld [tilespmem:$0xA0]  }
0x95: {  	v50 =	vld [tilespmem:$0x10];
	_ =	sdelay $0x1  }
0x96: {  	v51 =	vld [tilespmem:$0xB0]  }
0x97: {  	v53 =	vld [tilespmem:$0xC0]  }
0x98: {  	v54 =	vld [tilespmem:$0xD0];
	v2 =	vadd.s32 v0, v2;
	[tilespmem:$0x500] =	vst v3  }
0x99: {  	v3 =	vadd.s32 v0, v50;
	[tilespmem:$0x300] =	vst v2;
	v2 =	vld [tilespmem:$0x30]  }
0x9a: {  	[tilespmem:$0x310] =	vst v3;
	v3 =	vld [tilespmem:$0x40]  }
0x9b: {  	v56 =	vld [tilespmem:$0xE0]  }
0x9c: {  	v58 =	vld [tilespmem:$0xF0];
	[tilespmem:$0x510] =	vst v51  }
0x9d: {  	v59 =	vld [tilespmem:$0x100];
	[tilespmem:$0x520] =	vst v53  }
0x9e: {  	v60 =	vld [tilespmem:$0x110];
	[tilespmem:$0x530] =	vst v54;
	v2 =	vadd.s32 v0, v2  }
0x9f: {  	v3 =	vadd.s32 v0, v3;
	[tilespmem:$0x330] =	vst v2;
	v2 =	vld [tilespmem:$0x60]  }
0xa0: {  	[tilespmem:$0x340] =	vst v3;
	v3 =	vld [tilespmem:$0x70]  }
0xa1: {  	v52 =	vld [tilespmem:$0x20];
	[tilespmem:$0x540] =	vst v56  }
0xa2: {  	v62 =	vld [tilespmem:$0x120];
	[tilespmem:$0x550] =	vst v58  }
0xa3: {  	v57 =	vld [tilespmem:$0x50];
	[tilespmem:$0x560] =	vst v59  }
0xa4: {  	v61 =	vld [tilespmem:$0x80];
	[tilespmem:$0x570] =	vst v60;
	v2 =	vadd.s32 v0, v2  }
0xa5: {  	v3 =	vadd.s32 v0, v3;
	[tilespmem:$0x360] =	vst v2;
	v2 =	vld [tilespmem:$0x90]  }
0xa6: {  	[tilespmem:$0x370] =	vst v3;
	v3 =	vld [tilespmem:$0x130]  }
0xa7: {  	v55 =	vadd.s32 v0, v52;
	[tilespmem:$0x580] =	vst v62  }
0xa8: {  	v5 =	vadd.s32 v0, v57;
	[tilespmem:$0x320] =	vst v55  }
0xa9: {  	v63 =	vadd.s32 v0, v61;
	[tilespmem:$0x350] =	vst v5  }
0xaa: {  	[tilespmem:$0x380] =	vst v63  }
0xab: {  	v2 =	vadd.s32 v0, v2;
	[tilespmem:$0x590] =	vst v3  }
0xac: {  	[tilespmem:$0x390] =	vst v2  }
0xad: {  	[tilespmem:s20], [sflag:$0x1] =	stream.indirect.gather [hbm4b:s4+s22], $0x80, s23, s22, $0xb8;
	[tilespmem:$0x1E700] =	vst v63  }
0xae: {  	_ =	swait.ge [sflag:s31], $0x5000  }
0xaf: {  	[sflag:s31] =	ssyncset.done $0x0  }
0xb0: {  	[sflag:s31] =	ssyncadd.s32 $0xFFFFB000  }
0xb1: {  	[spmem:s2] =	stream.indirect.scatter.add.f32 [tilespmem:s26], [sflag:$0x4], $0x80, s1, s22, $0xb8;
	[tilespmem:$0x1E700] =	vst v63  }
.LBB2_4:
0xb2: {  	_ =	swait.ge [sflag:s0], $0x5000  }
0xb3: {  	[sflag:s0] =	ssyncset.done $0x0  }
0xb4: {  	s8 =	sadd.s32 s7, s19;
	[sflag:s0] =	ssyncadd.s32 $0xFFFFB000  }
0xb5: {  	[tilespmem:s24], [sflag:$0x5] =	stream.linear.gather [hbm4b:s8+s3], $0x140, $0x38;
	[tilespmem:$0x1E700] =	vst v63  }
0xb6: {  	_ =	swait.ge [sflag:s21], $0x140  }
0xb7: {  	[sflag:s21] =	ssyncset.done $0x0  }
0xb8: {  	[sflag:s21] =	ssyncadd.s32 $0xFFFFFEC0  }
0xb9: {  	v2 =	vld [tilespmem:$0x180]  }
0xba: {  	v3 =	vld [tilespmem:$0x220]  }
0xbb: {  	v4 =	vld [tilespmem:$0x190];
	_ =	sdelay $0x1  }
0xbc: {  	v5 =	vld [tilespmem:$0x230]  }
0xbd: {  	v7 =	vld [tilespmem:$0x240]  }
0xbe: {  	v40 =	vld [tilespmem:$0x250];
	v2 =	vadd.s32 v0, v2;
	[tilespmem:$0x600] =	vst v3  }
0xbf: {  	v3 =	vadd.s32 v0, v4;
	[tilespmem:$0x400] =	vst v2;
	v2 =	vld [tilespmem:$0x1B0]  }
0xc0: {  	[tilespmem:$0x410] =	vst v3;
	v3 =	vld [tilespmem:$0x1C0]  }
0xc1: {  	v42 =	vld [tilespmem:$0x260]  }
0xc2: {  	v44 =	vld [tilespmem:$0x270];
	[tilespmem:$0x610] =	vst v5  }
0xc3: {  	v45 =	vld [tilespmem:$0x280];
	[tilespmem:$0x620] =	vst v7  }
0xc4: {  	v46 =	vld [tilespmem:$0x290];
	[tilespmem:$0x630] =	vst v40;
	v2 =	vadd.s32 v0, v2  }
0xc5: {  	v3 =	vadd.s32 v0, v3;
	[tilespmem:$0x430] =	vst v2;
	v2 =	vld [tilespmem:$0x1E0]  }
0xc6: {  	[tilespmem:$0x440] =	vst v3;
	v3 =	vld [tilespmem:$0x1F0]  }
0xc7: {  	v6 =	vld [tilespmem:$0x1A0];
	[tilespmem:$0x640] =	vst v42  }
0xc8: {  	v48 =	vld [tilespmem:$0x2A0];
	[tilespmem:$0x650] =	vst v44  }
0xc9: {  	v43 =	vld [tilespmem:$0x1D0];
	[tilespmem:$0x660] =	vst v45  }
0xca: {  	v47 =	vld [tilespmem:$0x200];
	[tilespmem:$0x670] =	vst v46;
	v2 =	vadd.s32 v0, v2  }
0xcb: {  	v3 =	vadd.s32 v0, v3;
	[tilespmem:$0x460] =	vst v2;
	v2 =	vld [tilespmem:$0x210]  }
0xcc: {  	[tilespmem:$0x470] =	vst v3;
	v3 =	vld [tilespmem:$0x2B0]  }
0xcd: {  	v41 =	vadd.s32 v0, v6;
	[tilespmem:$0x680] =	vst v48  }
0xce: {  	v5 =	vadd.s32 v0, v43;
	[tilespmem:$0x420] =	vst v41  }
0xcf: {  	v49 =	vadd.s32 v0, v47;
	[tilespmem:$0x450] =	vst v5  }
0xd0: {  	[tilespmem:$0x480] =	vst v49  }
0xd1: {  	v2 =	vadd.s32 v0, v2;
	[tilespmem:$0x690] =	vst v3  }
0xd2: {  	[tilespmem:$0x490] =	vst v2  }
0xd3: {  	[tilespmem:s26], [sflag:$0x2] =	stream.indirect.gather [hbm4b:s4+s22], $0x80, s25, s22, $0xb8;
	[tilespmem:$0x1E700] =	vst v63  }
0xd4: {  	_ =	swait.ge [sflag:s28], $0x5000  }
0xd5: {  	[sflag:s28] =	ssyncset.done $0x0  }
0xd6: {  	[sflag:s28] =	ssyncadd.s32 $0xFFFFB000  }
0xd7: {  	[spmem:s2] =	stream.indirect.scatter.add.f32 [tilespmem:s20], [sflag:$0x3], $0x80, s29, s22, $0xb8;
	[tilespmem:$0x1E700] =	vst v63  }
0xd8: {  	_ =	swait.ge [sflag:s30], $0x5000  }
0xd9: {  	[sflag:s30] =	ssyncset.done $0x0  }
0xda: {  	s8 =	sadd.s32 s7, s18;
	[sflag:s30] =	ssyncadd.s32 $0xFFFFB000  }
0xdb: {  	[tilespmem:s3], [sflag:$0x5] =	stream.linear.gather [hbm4b:s8+s3], $0x140, $0x38;
	[tilespmem:$0x1E700] =	vst v63  }
0xdc: {  	_ =	swait.ge [sflag:s21], $0x140  }
0xdd: {  	[sflag:s21] =	ssyncset.done $0x0  }
0xde: {  	[sflag:s21] =	ssyncadd.s32 $0xFFFFFEC0  }
0xdf: {  	v2 =	vld [tilespmem:$0x0]  }
0xe0: {  	v3 =	vld [tilespmem:$0xA0]  }
0xe1: {  	v50 =	vld [tilespmem:$0x10];
	_ =	sdelay $0x1  }
0xe2: {  	v51 =	vld [tilespmem:$0xB0]  }
0xe3: {  	v53 =	vld [tilespmem:$0xC0]  }
0xe4: {  	v54 =	vld [tilespmem:$0xD0];
	v2 =	vadd.s32 v0, v2;
	[tilespmem:$0x500] =	vst v3  }
0xe5: {  	v3 =	vadd.s32 v0, v50;
	[tilespmem:$0x300] =	vst v2;
	v2 =	vld [tilespmem:$0x30]  }
0xe6: {  	[tilespmem:$0x310] =	vst v3;
	v3 =	vld [tilespmem:$0x40]  }
0xe7: {  	v56 =	vld [tilespmem:$0xE0]  }
0xe8: {  	v58 =	vld [tilespmem:$0xF0];
	[tilespmem:$0x510] =	vst v51  }
0xe9: {  	v59 =	vld [tilespmem:$0x100];
	[tilespmem:$0x520] =	vst v53  }
0xea: {  	v60 =	vld [tilespmem:$0x110];
	[tilespmem:$0x530] =	vst v54;
	v2 =	vadd.s32 v0, v2  }
0xeb: {  	v3 =	vadd.s32 v0, v3;
	[tilespmem:$0x330] =	vst v2;
	v2 =	vld [tilespmem:$0x60]  }
0xec: {  	[tilespmem:$0x340] =	vst v3;
	v3 =	vld [tilespmem:$0x70]  }
0xed: {  	v52 =	vld [tilespmem:$0x20];
	[tilespmem:$0x540] =	vst v56  }
0xee: {  	v62 =	vld [tilespmem:$0x120];
	[tilespmem:$0x550] =	vst v58  }
0xef: {  	v57 =	vld [tilespmem:$0x50];
	[tilespmem:$0x560] =	vst v59  }
0xf0: {  	v61 =	vld [tilespmem:$0x80];
	[tilespmem:$0x570] =	vst v60;
	v2 =	vadd.s32 v0, v2  }
0xf1: {  	v3 =	vadd.s32 v0, v3;
	[tilespmem:$0x360] =	vst v2;
	v2 =	vld [tilespmem:$0x90]  }
0xf2: {  	[tilespmem:$0x370] =	vst v3;
	v3 =	vld [tilespmem:$0x130]  }
0xf3: {  	v55 =	vadd.s32 v0, v52;
	[tilespmem:$0x580] =	vst v62  }
0xf4: {  	v5 =	vadd.s32 v0, v57;
	[tilespmem:$0x320] =	vst v55  }
0xf5: {  	v63 =	vadd.s32 v0, v61;
	[tilespmem:$0x350] =	vst v5  }
0xf6: {  	[tilespmem:$0x380] =	vst v63  }
0xf7: {  	v2 =	vadd.s32 v0, v2;
	[tilespmem:$0x590] =	vst v3  }
0xf8: {  	p0 =	sne.s32 s7, $0x12C0;
	[tilespmem:$0x390] =	vst v2  }
0xf9: {  	[tilespmem:s20], [sflag:$0x1] =	stream.indirect.gather [hbm4b:s4+s22], $0x80, s23, s22, $0xb8;
	[tilespmem:$0x1E700] =	vst v63  }
.Ltmp1:
0xfa: {  	_ = 	snop;
	(pc) =	sbr.rel @p0 .LBB2_4-.Ltmp1, $4  }
0xfb: {  	_ =	swait.ge [sflag:s31], $0x5000  }
0xfc: {  	[sflag:s31] =	ssyncset.done $0x0  }
0xfd: {  	s7 =	sadd.s32 $0x50, s7;
	[sflag:s31] =	ssyncadd.s32 $0xFFFFB000  }
0xfe: {  	[spmem:s2] =	stream.indirect.scatter.add.f32 [tilespmem:s26], [sflag:$0x4], $0x80, s1, s22, $0xb8;
	[tilespmem:$0x1E700] =	vst v63  }
0xff: {  	_ =	swait.ge [sflag:s28], $0x5000  }
0x100: {  	[sflag:s28] =	ssyncset.done $0x0  }
0x101: {  	[sflag:s28] =	ssyncadd.s32 $0xFFFFB000  }
0x102: {  	[spmem:s2] =	stream.indirect.scatter.add.f32 [tilespmem:s20], [sflag:$0x3], $0x80, s29, s22, $0xb8;
	[tilespmem:$0x1E700] =	vst v63  }
0x103: {  	_ =	swait.ge [sflag:s0], $0x5000  }
0x104: {  	[sflag:s0] =	ssyncset.done $0x0  }
0x105: {  	[sflag:s0] =	ssyncadd.s32 $0xFFFFB000  }
0x106: {  	s7 =	stileid.u32;
	_ =	swait.ge [sflag:s30], $0x5000  }
0x107: {  	s8 =	sshrl.u32 s5, $0x3;
	s6 =	sadd.s32 $0x1, s6;
	[sflag:s30] =	ssyncset.done $0x0  }
0x108: {  	s7 =	sshll.u32 s7, $0x6;
	p0 =	sne.s32 s6, s17;
	[sflag:s30] =	ssyncadd.s32 $0xFFFFB000  }
.Ltmp2:
0x109: {  	s7 =	sor.u32 $0x1C05, s7;
	[bflag:$0x0] =	sbarrier.arrive $0xFFFF;
	(pc) =	sbr.rel @p0 .LBB2_1-.Ltmp2, $4  }
0x10a: {  	[hbm:s16], [sflag:s7] =	dma.local [spmem:s8], $0x2800  }
0x10b: {  	_ =	swait.ge [sflag:s21], $0x2800  }
0x10c: {  	[sflag:s21] =	ssyncset.done $0x0  }
0x10d: {  	[sflag:s21] =	ssyncadd.s32 $0xFFFFD800  }
0x10e: {  	_ =	sfence.sel $0x180000  }
0x10f: {  	[bflag:$0x0] =	sbarrier.arrive $0xFFFF  }
0x110: {  	_ =	strace $0x9000004A  }
0x111: {  	s0 =	stileid.u32;
	[bflag:$0x2] =	sbarrier.arrive $0xFFFF  }
0x112: {  	p0 =	sne.s32 s0, $0x0;
	s0 =	rddreg [dreg:$0x2]  }
0x113: {  	s0 =	sadd.s32 @!p0 $0x100000, s0  }
0x114: {  	[sflag:s0] =	ssyncadd.tile.s32 @!p0 $0x1;
	_ =	shalt  }
.Lfunc_end2:
_tile_overlayer_lowered:
.L_overlay_start_2:
0x115: {  	(tag) =	ssettag $0x2  }
0x116: {  	s0 =	rddreg [dreg:$0x0];
	s2 =	stileid.u32  }
0x117: {  	s1 =	rddreg [dreg:$0x1];
	p0 =	sne.s32 s2, $0x0  }
0x118: {  	s3 =	rddreg [dreg:$0x2];
	[bflag:$0x3] =	sbarrier.arrive $0xFFFF;
	s2 =	simm.s32 @!p0 $0x1C05  }
0x119: {  	[timem:s3], [sflag:s2] =	dma.local @!p0 [hbm:s0], s1  }
0x11a: {  	s0 =	simm.s32 @!p0 $0x5  }
0x11b: {  	_ =	swait.ge @!p0 [sflag:s0], s1  }
0x11c: {  	s1 =	ssub.s32 @!p0 $0x0, s1;
	[sflag:s0] =	ssyncset.done @!p0 $0x0  }
0x11d: {  	[sflag:s0] =	ssyncadd.s32 @!p0 s1  }
0x11e: {  	[bflag:$0x3] =	sbarrier.arrive $0xFFFF  }
0x11f: {  	_ =	shalt  }

// kernel: kernel.16.cloned.1.call-start
scs
__scs_entry_jumppad:
0x0: {  	(pc) =	sbr.rel $0x88, $3  }
0x1: {  	(tag) =	ssettag $0x0;
	lr =	simm.s32 $0x1  }
0x2: {  	[smem:$0x3F8E] =	sst lr;
	_ =	strace $0xD0000000  }
0x3: {  	_ = 	snop  }
0x4: {  	_ = 	snop  }
0x5: {  	_ = 	snop  }
0x6: {  	_ = 	snop  }
0x7: {  	_ = 	snop  }
__scs_overlays_trampoline_lowered:
0x8: {  	[smem:$0x3F9D] =	sst s0  }
0x9: {  	[smem:$0x3F9E] =	sst s1  }
0xa: {  	[smem:$0x3F9F] =	sst s2  }
0xb: {  	[smem:$0x3FA0] =	sst s3  }
0xc: {  	[smem:$0x3FA1] =	sst s4  }
0xd: {  	[smem:$0x3FA2] =	sst s5  }
0xe: {  	[smem:$0x3FA3] =	sst s6  }
0xf: {  	[smem:$0x3FA4] =	sst s7  }
0x10: {  	[smem:$0x3FA5] =	sst s8  }
0x11: {  	[smem:$0x3FA6] =	sst s9;
	s0 =	simm.s32 @!p0 $0x0  }
0x12: {  	s1 =	sld [smem:$0x3F8C];
	s0 =	simm.s32 @p0 $0x1  }
0x13: {  	[smem:$0x3FA7] =	sst s0;
	s0 =	simm.s32 @!p1 $0x0  }
0x14: {  	s2 =	sld [smem:$0x3F8B];
	s0 =	simm.s32 @p1 $0x1  }
0x15: {  	[smem:$0x3FA8] =	sst s0;
	s0 =	simm.s32 @!p2 $0x0  }
0x16: {  	s3 =	sld [smem:$0x3FDB];
	s0 =	simm.s32 @p2 $0x1  }
0x17: {  	s4 =	simm.s32 $0x1BF5;
	[smem:$0x3FAA] =	sst s0  }
0x18: {  	s0 =	sld [smem:$0x3F8D];
	_ =	swait.ge [sflag:s4], $0x0  }
0x19: {  	s7 =	sld [smem:$0x3F8E]  }
0x1a: {  	s8 =	sadd.s32 $0xFFFFE003, lr  }
0x1b: {  	s9 =	sadd.s32 $0xFFFFFEF7, lr;
	s5 =	simm.s32 $0xFFFFFFFF;
	p2 =	slt.u32 s8, $0xFFFFF086  }
0x1c: {  	p1 =	slt.u32 s9, $0xF7A;
	s5 =	simm.s32 @!p2 $0x0  }
0x1d: {  	s5 =	simm.s32 @p1 $0x1;
	p0 =	seq.s32 s7, s2  }
0x1e: {  	s7 =	smul.u32 @!p0 $0xF7A, s2;
	p2 =	seq.s32 @!p0 s5, $0x0  }
0x1f: {  	s9 =	smul.u32 $0xF7A, s1;
	s8 =	simm.s32 @!p0 $0x1BF5;
	p2 =	por !p2, p0  }
0x20: {  	[sflag:s8] =	ssyncset.s32 @!p0 $0xFFFFF086;
	s6 =	sadd.s32 @!p0 s3, s7;
	s7 =	simm.s32 @!p0 $0x108  }
0x21: {  	s3 =	sadd.s32 s3, s9;
	s6 =	sadd.s32 @!p0 $0x88, s6;
	s7 =	simm.s32 @p2 $0x1082  }
0x22: {  	[simem:s7], [sflag:s8] =	dma.local @!p0 [hbm:s6], $0xF7A  }
0x23: {  	s9 =	sor.u32 $0xD0000000, s2;
	s6 =	simm.s32 $0x108;
	_ =	swait.ge @!p0 [sflag:s8], $0x0  }
0x24: {  	s3 =	sadd.s32 $0x88, s3;
	s6 =	simm.s32 @!p1 $0x1082;
	[sflag:s4] =	ssyncset.s32 $0xFFFFF086  }
0x25: {  	[simem:s6], [sflag:s4] =	dma.local [hbm:s3], $0xF7A  }
0x26: {  	[smem:$0x3F8E] =	sst s1;
	(tag) =	ssettag s2;
	_ =	strace s9  }
0x27: {  	s1 =	sld [smem:$0x3F9E]  }
0x28: {  	s2 =	sld [smem:$0x3F9F]  }
0x29: {  	s4 =	sld [smem:$0x3FA1]  }
0x2a: {  	p0 =	seq.s32 s5, $0x0;
	s5 =	sld [smem:$0x3FA2]  }
0x2b: {  	s6 =	sld [smem:$0x3FA3]  }
0x2c: {  	s7 =	sld [smem:$0x3FA4]  }
0x2d: {  	s3 =	simm.s32 $0x108;
	s8 =	sld [smem:$0x3FA5]  }
0x2e: {  	s3 =	simm.s32 @!p0 $0x1082;
	s9 =	sld [smem:$0x3FA6]  }
0x2f: {  	lr =	sadd.s32 s0, s3;
	s0 =	sld [smem:$0x3F9D]  }
0x30: {  	s3 =	sld [smem:$0x3FA0]  }
0x31: {  	[smem:$0x3FA9] =	sst s10  }
0x32: {  	s10 =	sld [smem:$0x3FA7];
	_ =	sdelay $0x3  }
0x33: {  	p0 =	seq.s32 s10, $0x1;
	s10 =	sld [smem:$0x3FA9];
	_ =	sdelay $0x3  }
0x34: {  	[smem:$0x3FA9] =	sst s10  }
0x35: {  	s10 =	sld [smem:$0x3FA8];
	_ =	sdelay $0x3  }
0x36: {  	p1 =	seq.s32 s10, $0x1;
	s10 =	sld [smem:$0x3FA9];
	_ =	sdelay $0x3  }
0x37: {  	[smem:$0x3FA9] =	sst s10  }
0x38: {  	s10 =	sld [smem:$0x3FAA]  }
0x39: {  	_ = 	snop;
	(pc) =	sbr.ind lr, $3  }
0x3a: {  	_ = 	snop  }
0x3b: {  	_ = 	snop  }
0x3c: {  	p2 =	seq.s32 s10, $0x1;
	s10 =	sld [smem:$0x3FA9]  }
0x3d: {  	_ =	shalt  }
0x3e: {  	_ =	shalt  }
0x3f: {  	_ =	shalt  }
0x40: {  	_ =	shalt  }
0x41: {  	_ =	shalt  }
0x42: {  	_ =	shalt  }
0x43: {  	_ =	shalt  }
0x44: {  	_ =	shalt  }
0x45: {  	_ =	shalt  }
0x46: {  	_ =	shalt  }
0x47: {  	_ =	shalt  }
0x48: {  	_ =	shalt  }
0x49: {  	_ =	shalt  }
0x4a: {  	_ =	shalt  }
0x4b: {  	_ =	shalt  }
0x4c: {  	_ =	shalt  }
0x4d: {  	_ =	shalt  }
0x4e: {  	_ =	shalt  }
0x4f: {  	_ =	shalt  }
0x50: {  	_ =	shalt  }
0x51: {  	_ =	shalt  }
0x52: {  	_ =	shalt  }
0x53: {  	_ =	shalt  }
0x54: {  	_ =	shalt  }
0x55: {  	_ =	shalt  }
0x56: {  	_ =	shalt  }
0x57: {  	_ =	shalt  }
0x58: {  	_ =	shalt  }
0x59: {  	_ =	shalt  }
0x5a: {  	_ =	shalt  }
0x5b: {  	_ =	shalt  }
0x5c: {  	_ =	shalt  }
0x5d: {  	_ =	shalt  }
0x5e: {  	_ =	shalt  }
0x5f: {  	_ =	shalt  }
0x60: {  	_ =	shalt  }
0x61: {  	_ =	shalt  }
0x62: {  	_ =	shalt  }
0x63: {  	_ =	shalt  }
0x64: {  	_ =	shalt  }
0x65: {  	_ =	shalt  }
0x66: {  	_ =	shalt  }
0x67: {  	_ =	shalt  }
0x68: {  	_ =	shalt  }
0x69: {  	_ =	shalt  }
0x6a: {  	_ =	shalt  }
0x6b: {  	_ =	shalt  }
0x6c: {  	_ =	shalt  }
0x6d: {  	_ =	shalt  }
0x6e: {  	_ =	shalt  }
0x6f: {  	_ =	shalt  }
0x70: {  	_ =	shalt  }
0x71: {  	_ =	shalt  }
0x72: {  	_ =	shalt  }
0x73: {  	_ =	shalt  }
0x74: {  	_ =	shalt  }
0x75: {  	_ =	shalt  }
0x76: {  	_ =	shalt  }
0x77: {  	_ =	shalt  }
0x78: {  	_ =	shalt  }
0x79: {  	_ =	shalt  }
0x7a: {  	_ =	shalt  }
0x7b: {  	_ =	shalt  }
0x7c: {  	_ =	shalt  }
0x7d: {  	_ =	shalt  }
0x7e: {  	_ =	shalt  }
0x7f: {  	_ =	shalt  }
0x80: {  	_ =	shalt  }
0x81: {  	_ =	shalt  }
0x82: {  	_ =	shalt  }
0x83: {  	_ =	shalt  }
0x84: {  	_ =	shalt  }
0x85: {  	_ =	shalt  }
0x86: {  	_ =	shalt  }
0x87: {  	_ =	shalt  }
.Lfunc_end0:
.L_simem_size_0:
called_computation.2_lowered:
.L_overlay_start_0:
0x88: {  	s2 =	sld [smem:$0x3FD9]  }
0x89: {  	s3 =	sld [smem:$0x3FFE];
	_ =	sdelay $0x1  }
0x8a: {  	s1 =	srdreg.scid  }
0x8b: {  	s0 =	sand.u32 $0x1, s1  }
0x8c: {  	s16 =	sshll.u32 s0, $0xA;
	s2 =	sadd.s32 s3, s2  }
0x8d: {  	s2 =	sadd.s32 s2, s16  }
0x8e: {  	[smem:$0x3FB5] =	sst s2  }
0x8f: {  	_ = 	snop  }
0x90: {  	(tm) =	ssettm $0x1  }
0x91: {  	s17 =	sld [smem:$0x3FFB];
	_ =	sdelay $0x3  }
0x92: {  	_ =	strace s17  }
0x93: {  	s2 =	sld [smem:$0x3FFC];
	_ =	sdelay $0x3  }
0x94: {  	_ =	strace s2  }
0x95: {  	s2 =	sld [smem:$0x3FFD];
	_ =	sdelay $0x3  }
0x96: {  	_ =	strace s2  }
0x97: {  	_ =	strace $0x8FFFFFFF  }
0x98: {  	s18 =	sld [smem:$0x3FDB];
	_ =	sdelay $0x1  }
0x99: {  	s19 =	simm.s32 $_scs_section_size  }
0x9a: {  	s4 =	simm.s32 $_size__tile_overlayer_lowered;
	s5 =	simm.s32 $_tile_overlayer_lowered  }
0x9b: {  	s22 =	simm.s32 $0x1BFF;
	s21 =	sshll.u32 s5, $0x1;
	s2 =	sadd.s32 s19, s18  }
0x9c: {  	s6 =	simm.s32 $0x0;
	s20 =	sshll.u32 s4, $0x1;
	s4 =	sadd.s32 s21, s2  }
0x9d: {  	[timem:s6], [sflag:s22] =	dma.local [hbm:s4], s20  }
0x9e: {  	_ =	swait.ge [sflag:s22], s20  }
0x9f: {  	s3 =	ssub.s32 $0x0, s20;
	[sflag:s22] =	ssyncset.done $0x0  }
0xa0: {  	[sflag:s22] =	ssyncadd.s32 s3;
	_ =	sdelay $0x1  }
0xa1: {  	s23 =	simm.s32 $0x1B8B  }
0xa2: {  	_ =	swait.ge [sflag:s23], $0x1  }
0xa3: {  	[sflag:s23] =	ssyncset.done $0x0  }
0xa4: {  	s25 =	simm.s32 $0x1B8E;
	s24 =	sld [smem:$0x3FFE];
	[sflag:s23] =	ssyncadd.s32 $0xFFFFFFFF  }
0xa5: {  	s26 =	simm.s32 $execute0_lowered;
	[smem:$0x3FD2] =	sst s25  }
0xa6: {  	s4 =	sshll.u32 s26, $0x1;
	_ =	strace $0x8000004C;
	[dreg:$0x1] =	wrdreg $0xFFFFFFFF  }
0xa7: {  	s28 =	simm.s32 $_size_execute0_lowered;
	s2 =	sadd.s32 s2, s4;
	[dreg:$0x0] =	wrdreg $0x0  }
0xa8: {  	s4 =	sshll.u32 s28, $0x1;
	[dreg:$0x2] =	wrdreg s2  }
0xa9: {  	[dreg:$0x3] =	wrdreg s4  }
0xaa: {  	[dreg:$0x4] =	wrdreg $0xC0  }
0xab: {  	_ =	task [dreg:s6], $0x5FFFF  }
0xac: {  	[dreg:$0x1] =	wrdreg $0xFFFFFFFF  }
0xad: {  	[dreg:$0x0] =	wrdreg $0x60  }
0xae: {  	[dreg:$0x2] =	wrdreg s24  }
0xaf: {  	[dreg:$0x3] =	wrdreg $0x32800  }
0xb0: {  	[dreg:$0x4] =	wrdreg $0x9  }
0xb1: {  	_ =	task.clear_ibuf [dreg:s6], $0x5FFFF;
	_ =	strace $0x9000004C  }
0xb2: {  	s29 =	simm.s32 $0x9;
	_ =	strace $0x8000004E  }
0xb3: {  	_ =	swait.ge [sflag:s29], $0x1  }
0xb4: {  	[sflag:s29] =	ssyncadd.s32 $0xFFFFFFFF  }
0xb5: {  	_ =	strace $0x9000004E  }
0xb6: {  	_ =	sfence  }
0xb7: {  	s30 =	sld [smem:$0x0];
	_ =	sdelay $0x2  }
0xb8: {  	s31 =	sshll.u32 s1, $0xD;
	s1 =	sshrl.u32 s1, $0x2  }
0xb9: {  	s3 =	sand.u32 $0x4000, s31;
	s1 =	sadd.s32 s1, s30  }
0xba: {  	s0 =	sor.u32 s3, s0;
	s1 =	sshll.u32 s1, $0x11  }
0xbb: {  	s0 =	sor.u32 s1, s0  }
0xbc: {  	s0 =	sadd.s32 $0x8F2B, s0  }
0xbd: {  	[sflag:s0] =	ssyncadd.remote.s32 $0x1  }
0xbe: {  	_ =	sfence.sel $0xFFFF  }
0xbf: {  	[dreg:$0x0] =	wrdreg $0xFFFFFFFF;
	(pc) =	sbr.abs _section_cstart, $3  }
0xc0: {  	[dreg:$0x1] =	wrdreg $0xFFFFFFFF  }
0xc1: {  	_ =	task.clear_ibuf [dreg:s6], $0x2FFFF;
	_ =	strace $0x9FFFFFFF  }
0xc2: {  	(tm) =	ssettm $0x7FFFFFFF  }
0xc3: {  	_ =	shalt  }
tec
execute0_lowered:
.L_overlay_start_1:
0x0: {  	(tag) =	ssettag $0x1  }
0x1: {  	s0 =	rddreg [dreg:$0x0]  }
0x2: {  	s2 =	rddreg [dreg:$0x1]  }
0x3: {  	s1 =	srdreg.scid;
	s5 =	stileid.u32;
	s3 =	simm.s32 $0x0  }
0x4: {  	s15 =	simm.s32 $0x3000;
	s16 =	simm.s32 $0x5;
	s17 =	simm.s32 $0x1000  }
0x5: {  	s18 =	simm.s32 $0x7D0;
	s19 =	simm.s32 $0x2000;
	s20 =	simm.s32 $0x800  }
0x6: {  	s21 =	simm.s32 $0x1800;
	s22 =	simm.s32 $0x2800;
	s23 =	simm.s32 $0x1  }
0x7: {  	s24 =	simm.s32 $0x3;
	s26 =	simm.s32 $0x4;
	s8 =	smul.u32 $0x280, s5  }
0x8: {  	s28 =	simm.s32 $0x0;
	s1 =	sand.u32 $0x1, s1;
	s9 =	smul.u32 $0x4E20, s5  }
0x9: {  	[smem:$0x7FF] =	sst s3;
	s4 =	sadd.s32 $0xA2600, s0;
	s25 =	smul.u32 $0x2800, s1  }
0xa: {  	s5 =	sadd.s32 $0x7B400, s0;
	s6 =	smul.u32 $0x9C400, s1;
	s1 =	ssub.s32 $0x2, s1  }
0xb: {  	_ =	strace $0x8000004D;
	s31 =	sshrl.u32 s1, $0x1;
	s7 =	sadd.s32 s8, s25  }
0xc: {  	s6 =	sadd.s32 s9, s6;
	s1 =	ssub.s32 s1, s31;
	s8 =	sadd.s32 s8, s2  }
0xd: {  	v0 =	vmov s25;
	s25 =	simm.s32 $0x2;
	s7 =	sshrl.u32 s7, $0x3;
	s9 =	sshrl.u32 s6, $0x3  }
0xe: {  	s0 =	sadd.s32 s7, s0;
	s7 =	sadd.s32 $0x4E200, s6;
	s9 =	sadd.s32 s5, s9  }
0xf: {  	s14 =	smax.u32 s1, $0x1;
	s10 =	sshrl.u32 s7, $0x3;
	s11 =	sadd.s32 $0xFA, s9  }
0x10: {  	v1 =	vimm.f32 $0.0e+00;
	s12 =	sadd.s32 $0x9D3A, s9;
	s13 =	sadd.s32 $0x4200, s0;
	s10 =	sadd.s32 s5, s10  }
.LBB2_1:
0x11: {  	[tilespmem:$0x3000] =	vst v1  }
0x12: {  	[tilespmem:$0x3010] =	vst v1  }
0x13: {  	[tilespmem:$0x3020] =	vst v1  }
0x14: {  	[tilespmem:$0x3030] =	vst v1  }
0x15: {  	[tilespmem:$0x3040] =	vst v1  }
0x16: {  	[tilespmem:$0x3050] =	vst v1  }
0x17: {  	[tilespmem:$0x3060] =	vst v1  }
0x18: {  	[tilespmem:$0x3070] =	vst v1  }
0x19: {  	[tilespmem:$0x3080] =	vst v1  }
0x1a: {  	[tilespmem:$0x3090] =	vst v1  }
0x1b: {  	[tilespmem:$0x30A0] =	vst v1  }
0x1c: {  	[tilespmem:$0x30B0] =	vst v1  }
0x1d: {  	[tilespmem:$0x30C0] =	vst v1  }
0x1e: {  	[tilespmem:$0x30D0] =	vst v1  }
0x1f: {  	[tilespmem:$0x30E0] =	vst v1  }
0x20: {  	[tilespmem:$0x30F0] =	vst v1  }
0x21: {  	[tilespmem:$0x3100] =	vst v1  }
0x22: {  	[tilespmem:$0x3110] =	vst v1  }
0x23: {  	[tilespmem:$0x3120] =	vst v1  }
0x24: {  	[tilespmem:$0x3130] =	vst v1  }
0x25: {  	[tilespmem:$0x3140] =	vst v1  }
0x26: {  	[tilespmem:$0x3150] =	vst v1  }
0x27: {  	[tilespmem:$0x3160] =	vst v1  }
0x28: {  	[tilespmem:$0x3170] =	vst v1  }
0x29: {  	[tilespmem:$0x3180] =	vst v1  }
0x2a: {  	[tilespmem:$0x3190] =	vst v1  }
0x2b: {  	[tilespmem:$0x31A0] =	vst v1  }
0x2c: {  	[tilespmem:$0x31B0] =	vst v1  }
0x2d: {  	[tilespmem:$0x31C0] =	vst v1  }
0x2e: {  	[tilespmem:$0x31D0] =	vst v1  }
0x2f: {  	[tilespmem:$0x31E0] =	vst v1  }
0x30: {  	[tilespmem:$0x31F0] =	vst v1  }
0x31: {  	[tilespmem:$0x3200] =	vst v1  }
0x32: {  	[tilespmem:$0x3210] =	vst v1  }
0x33: {  	[tilespmem:$0x3220] =	vst v1  }
0x34: {  	[tilespmem:$0x3230] =	vst v1  }
0x35: {  	[tilespmem:$0x3240] =	vst v1  }
0x36: {  	[tilespmem:$0x3250] =	vst v1  }
0x37: {  	[tilespmem:$0x3260] =	vst v1  }
0x38: {  	[tilespmem:$0x3270] =	vst v1  }
0x39: {  	[spmem:s8] =	stream.linear.scatter [tilespmem:s15], [sflag:$0x5], $0x280, $0x38;
	[tilespmem:$0x3500] =	vst v63  }
0x3a: {  	_ =	swait.ge [sflag:s16], $0x280  }
0x3b: {  	[sflag:s16] =	ssyncset.done $0x0  }
0x3c: {  	[sflag:s16] =	ssyncadd.s32 $0xFFFFFD80  }
0x3d: {  	[bflag:$0x0] =	sbarrier.arrive $0xFFFF  }
0x3e: {  	[tilespmem:s3], [sflag:$0x5] =	stream.linear.gather [hbm4b:s9+s3], $0x7D0, $0x38;
	[tilespmem:$0x3500] =	vst v63  }
0x3f: {  	_ =	swait.ge [sflag:s16], $0x7D0  }
0x40: {  	[sflag:s16] =	ssyncset.done $0x0  }
0x41: {  	[sflag:s16] =	ssyncadd.s32 $0xFFFFF830  }
0x42: {  	[tilespmem:s17], [sflag:$0x5] =	stream.linear.gather [hbm4b:s10+s3], $0x7D0, $0x38;
	[tilespmem:$0x3500] =	vst v63  }
0x43: {  	_ =	swait.ge [sflag:s16], $0x7D0  }
0x44: {  	[sflag:s16] =	ssyncset.done $0x0  }
0x45: {  	s29 =	simm.s32 $0x0;
	s0 =	simm.s32 $0x40;
	[sflag:s16] =	ssyncadd.s32 $0xFFFFF830  }
.LBB2_2:
0x46: {  	p0 =	sne.s32 s0, $0x1F00;
	v2 =	vld [tilespmem:s29+$0x0];
	_ =	sdelay $0x1  }
.Ltmp0:
0x47: {  	(pc) =	sbr.rel @p0 .LBB2_2-.Ltmp0, $3  }
0x48: {  	_ =	sdelay $0x1  }
0x49: {  	v2 =	vadd.s32 v0, v2  }
0x4a: {  	[tilespmem:s29+$0x0] =	vst v2;
	s29 =	sshra.s32 s0, $0x2;
	s0 =	sadd.s32 $0x40, s0  }
0x4b: {  	v2 =	vld [tilespmem:s29+$0x0];
	_ =	sdelay $0x4  }
0x4c: {  	v2 =	vadd.s32 v0, v2  }
0x4d: {  	s0 =	simm.s32 $0x0;
	[tilespmem:s29+$0x0] =	vst v2  }
0x4e: {  	[tilespmem:s19], [sflag:$0x1] =	stream.indirect.gather [hbm4b:s4+s18], $0x1, s0, s18, $0xb8;
	[tilespmem:$0x3500] =	vst v63  }
0x4f: {  	_ = 	snop  }
0x50: {  	[tilespmem:s20], [sflag:$0x5] =	stream.linear.gather [hbm4b:s11+s0], $0x7D0, $0x38;
	[tilespmem:$0x3500] =	vst v63  }
0x51: {  	_ =	swait.ge [sflag:s16], $0x7D0  }
0x52: {  	[sflag:s16] =	ssyncset.done $0x0  }
0x53: {  	[sflag:s16] =	ssyncadd.s32 $0xFFFFF830  }
0x54: {  	[tilespmem:s21], [sflag:$0x5] =	stream.linear.gather [hbm4b:s12+s0], $0x7D0, $0x38;
	[tilespmem:$0x3500] =	vst v63  }
0x55: {  	_ =	swait.ge [sflag:s16], $0x7D0  }
0x56: {  	[sflag:s16] =	ssyncset.done $0x0  }
0x57: {  	s29 =	simm.s32 $0x0;
	s0 =	simm.s32 $0x40;
	[sflag:s16] =	ssyncadd.s32 $0xFFFFF830  }
.LBB2_4:
0x58: {  	p0 =	sne.s32 s0, $0x1F00;
	v2 =	vld [tilespmem:s29+$0x800];
	_ =	sdelay $0x1  }
.Ltmp1:
0x59: {  	(pc) =	sbr.rel @p0 .LBB2_4-.Ltmp1, $3  }
0x5a: {  	_ =	sdelay $0x1  }
0x5b: {  	v2 =	vadd.s32 v0, v2  }
0x5c: {  	[tilespmem:s29+$0x800] =	vst v2;
	s29 =	sshra.s32 s0, $0x2;
	s0 =	sadd.s32 $0x40, s0  }
0x5d: {  	v2 =	vld [tilespmem:s29+$0x800];
	_ =	sdelay $0x4  }
0x5e: {  	v2 =	vadd.s32 v0, v2  }
0x5f: {  	[tilespmem:s29+$0x800] =	vst v2  }
0x60: {  	[tilespmem:s22], [sflag:$0x2] =	stream.indirect.gather [hbm4b:s4+s18], $0x1, s20, s18, $0xb8;
	[tilespmem:$0x3500] =	vst v63  }
0x61: {  	_ =	swait.ge [sflag:s23], $0x7D0  }
0x62: {  	[sflag:s23] =	ssyncset.done $0x0  }
0x63: {  	s30 =	simm.s32 $0x0;
	s29 =	simm.s32 $0x0;
	[sflag:s23] =	ssyncadd.s32 $0xFFFFF830  }
0x64: {  	[spmem:s2] =	stream.indirect.scatter.add.f32 [tilespmem:s19], [sflag:$0x3], $0x1, s17, s18, $0xb8;
	[tilespmem:$0x3500] =	vst v63  }
.LBB2_6:
0x65: {  	s31 =	smul.u32 $0xFA0, s30;
	_ =	sdelay $0x1  }
0x66: {  	s0 =	sadd.s32 $0xFA0, s31  }
0x67: {  	_ =	swait.ge [sflag:s24], $0x7D0;
	s1 =	sadd.s32 s6, s0  }
0x68: {  	[sflag:s24] =	ssyncset.done $0x0;
	s1 =	sshrl.u32 s1, $0x3  }
0x69: {  	[sflag:s24] =	ssyncadd.s32 $0xFFFFF830;
	s1 =	sadd.s32 s5, s1  }
0x6a: {  	[tilespmem:s29], [sflag:$0x5] =	stream.linear.gather [hbm4b:s1+s29], $0x7D0, $0x38;
	[tilespmem:$0x3500] =	vst v63  }
0x6b: {  	s0 =	sadd.s32 s7, s0;
	_ =	swait.ge [sflag:s16], $0x7D0  }
0x6c: {  	s0 =	sshrl.u32 s0, $0x3;
	[sflag:s16] =	ssyncset.done $0x0  }
0x6d: {  	s0 =	sadd.s32 s5, s0;
	[sflag:s16] =	ssyncadd.s32 $0xFFFFF830  }
0x6e: {  	[tilespmem:s17], [sflag:$0x5] =	stream.linear.gather [hbm4b:s0+s29], $0x7D0, $0x38;
	[tilespmem:$0x3500] =	vst v63  }
0x6f: {  	_ =	swait.ge [sflag:s16], $0x7D0  }
0x70: {  	[sflag:s16] =	ssyncset.done $0x0  }
0x71: {  	s1 =	simm.s32 $0x40;
	s0 =	simm.s32 $0x0;
	[sflag:s16] =	ssyncadd.s32 $0xFFFFF830  }
.LBB2_7:
0x72: {  	p0 =	sne.s32 s1, $0x1F00;
	v2 =	vld [tilespmem:s0+$0x0];
	_ =	sdelay $0x1  }
.Ltmp2:
0x73: {  	(pc) =	sbr.rel @p0 .LBB2_7-.Ltmp2, $3  }
0x74: {  	_ =	sdelay $0x1  }
0x75: {  	v2 =	vadd.s32 v0, v2  }
0x76: {  	[tilespmem:s0+$0x0] =	vst v2;
	s0 =	sshra.s32 s1, $0x2;
	s1 =	sadd.s32 $0x40, s1  }
0x77: {  	v2 =	vld [tilespmem:s0+$0x0];
	_ =	sdelay $0x4  }
0x78: {  	v2 =	vadd.s32 v0, v2  }
0x79: {  	[tilespmem:s0+$0x0] =	vst v2;
	s0 =	simm.s32 $0x0  }
0x7a: {  	[tilespmem:s19], [sflag:$0x1] =	stream.indirect.gather [hbm4b:s4+s18], $0x1, s0, s18, $0xb8;
	[tilespmem:$0x3500] =	vst v63  }
0x7b: {  	_ =	swait.ge [sflag:s25], $0x7D0  }
0x7c: {  	[sflag:s25] =	ssyncset.done $0x0  }
0x7d: {  	s1 =	sadd.s32 $0x1770, s31;
	[sflag:s25] =	ssyncadd.s32 $0xFFFFF830  }
0x7e: {  	[spmem:s2] =	stream.indirect.scatter.add.f32 [tilespmem:s22], [sflag:$0x4], $0x1, s21, s18, $0xb8;
	[tilespmem:$0x3500] =	vst v63  }
0x7f: {  	s31 =	sadd.s32 s6, s1;
	_ =	swait.ge [sflag:s26], $0x7D0  }
0x80: {  	s31 =	sshrl.u32 s31, $0x3;
	[sflag:s26] =	ssyncset.done $0x0  }
0x81: {  	s31 =	sadd.s32 s5, s31;
	[sflag:s26] =	ssyncadd.s32 $0xFFFFF830  }
0x82: {  	[tilespmem:s20], [sflag:$0x5] =	stream.linear.gather [hbm4b:s31+s0], $0x7D0, $0x38;
	[tilespmem:$0x3500] =	vst v63  }
0x83: {  	s1 =	sadd.s32 s7, s1;
	_ =	swait.ge [sflag:s16], $0x7D0  }
0x84: {  	s1 =	sshrl.u32 s1, $0x3;
	[sflag:s16] =	ssyncset.done $0x0  }
0x85: {  	s1 =	sadd.s32 s5, s1;
	[sflag:s16] =	ssyncadd.s32 $0xFFFFF830  }
0x86: {  	[tilespmem:s21], [sflag:$0x5] =	stream.linear.gather [hbm4b:s1+s0], $0x7D0, $0x38;
	[tilespmem:$0x3500] =	vst v63  }
0x87: {  	_ =	swait.ge [sflag:s16], $0x7D0  }
0x88: {  	[sflag:s16] =	ssyncset.done $0x0  }
0x89: {  	s0 =	simm.s32 $0x0;
	s1 =	simm.s32 $0x40;
	[sflag:s16] =	ssyncadd.s32 $0xFFFFF830  }
.LBB2_9:
0x8a: {  	p0 =	sne.s32 s1, $0x1F00;
	v2 =	vld [tilespmem:s0+$0x800];
	_ =	sdelay $0x1  }
.Ltmp3:
0x8b: {  	(pc) =	sbr.rel @p0 .LBB2_9-.Ltmp3, $3  }
0x8c: {  	_ =	sdelay $0x1  }
0x8d: {  	v2 =	vadd.s32 v0, v2  }
0x8e: {  	[tilespmem:s0+$0x800] =	vst v2;
	s0 =	sshra.s32 s1, $0x2;
	s1 =	sadd.s32 $0x40, s1  }
0x8f: {  	v2 =	vld [tilespmem:s0+$0x800];
	_ =	sdelay $0x4  }
0x90: {  	s30 =	sadd.s32 $0x1, s30;
	v2 =	vadd.s32 v0, v2  }
0x91: {  	p0 =	sne.s32 s30, $0x4;
	[tilespmem:s0+$0x800] =	vst v2  }
0x92: {  	[tilespmem:s22], [sflag:$0x2] =	stream.indirect.gather [hbm4b:s4+s18], $0x1, s20, s18, $0xb8;
	[tilespmem:$0x3500] =	vst v63  }
.Ltmp4:
0x93: {  	_ = 	snop;
	(pc) =	sbr.rel @p0 .LBB2_6-.Ltmp4, $4  }
0x94: {  	_ =	swait.ge [sflag:s23], $0x7D0  }
0x95: {  	[sflag:s23] =	ssyncset.done $0x0  }
0x96: {  	[sflag:s23] =	ssyncadd.s32 $0xFFFFF830  }
0x97: {  	[spmem:s2] =	stream.indirect.scatter.add.f32 [tilespmem:s19], [sflag:$0x3], $0x1, s17, s18, $0xb8;
	[tilespmem:$0x3500] =	vst v63  }
0x98: {  	_ =	swait.ge [sflag:s25], $0x7D0  }
0x99: {  	[sflag:s25] =	ssyncset.done $0x0  }
0x9a: {  	[sflag:s25] =	ssyncadd.s32 $0xFFFFF830  }
0x9b: {  	[spmem:s2] =	stream.indirect.scatter.add.f32 [tilespmem:s22], [sflag:$0x4], $0x1, s21, s18, $0xb8;
	[tilespmem:$0x3500] =	vst v63  }
0x9c: {  	_ =	swait.ge [sflag:s24], $0x7D0  }
0x9d: {  	[sflag:s24] =	ssyncset.done $0x0  }
0x9e: {  	[sflag:s24] =	ssyncadd.s32 $0xFFFFF830  }
0x9f: {  	s0 =	stileid.u32;
	_ =	swait.ge [sflag:s26], $0x7D0  }
0xa0: {  	s1 =	sshrl.u32 s8, $0x3;
	s28 =	sadd.s32 $0x1, s28;
	[sflag:s26] =	ssyncset.done $0x0  }
0xa1: {  	s0 =	sshll.u32 s0, $0x6;
	p0 =	sne.s32 s28, s14;
	[sflag:s26] =	ssyncadd.s32 $0xFFFFF830  }
.Ltmp5:
0xa2: {  	s0 =	sor.u32 $0x1C05, s0;
	[bflag:$0x0] =	sbarrier.arrive $0xFFFF;
	(pc) =	sbr.rel @p0 .LBB2_1-.Ltmp5, $4  }
0xa3: {  	[hbm:s13], [sflag:s0] =	dma.local [spmem:s1], $0x50  }
0xa4: {  	_ =	swait.ge [sflag:s16], $0x50  }
0xa5: {  	[sflag:s16] =	ssyncset.done $0x0  }
0xa6: {  	[sflag:s16] =	ssyncadd.s32 $0xFFFFFFB0  }
0xa7: {  	_ =	sfence.sel $0x180000  }
0xa8: {  	[bflag:$0x0] =	sbarrier.arrive $0xFFFF  }
0xa9: {  	_ =	strace $0x9000004D  }
0xaa: {  	s0 =	stileid.u32;
	[bflag:$0x2] =	sbarrier.arrive $0xFFFF  }
0xab: {  	p0 =	sne.s32 s0, $0x0;
	s0 =	rddreg [dreg:$0x2]  }
0xac: {  	s0 =	sadd.s32 @!p0 $0x100000, s0  }
0xad: {  	[sflag:s0] =	ssyncadd.tile.s32 @!p0 $0x1;
	_ =	shalt  }
.Lfunc_end2:
_tile_overlayer_lowered:
.L_overlay_start_2:
0xae: {  	(tag) =	ssettag $0x2  }
0xaf: {  	s0 =	rddreg [dreg:$0x0];
	s2 =	stileid.u32  }
0xb0: {  	s1 =	rddreg [dreg:$0x1];
	p0 =	sne.s32 s2, $0x0  }
0xb1: {  	s3 =	rddreg [dreg:$0x2];
	[bflag:$0x3] =	sbarrier.arrive $0xFFFF;
	s2 =	simm.s32 @!p0 $0x1C05  }
0xb2: {  	[timem:s3], [sflag:s2] =	dma.local @!p0 [hbm:s0], s1  }
0xb3: {  	s0 =	simm.s32 @!p0 $0x5  }
0xb4: {  	_ =	swait.ge @!p0 [sflag:s0], s1  }
0xb5: {  	s1 =	ssub.s32 @!p0 $0x0, s1;
	[sflag:s0] =	ssyncset.done @!p0 $0x0  }
0xb6: {  	[sflag:s0] =	ssyncadd.s32 @!p0 s1  }
0xb7: {  	[bflag:$0x3] =	sbarrier.arrive $0xFFFF  }
0xb8: {  	_ =	shalt  }

</sc_bundles>
